<compile_context>
chip_gen: v7x
topology: tpu7x:2x2x1
jax: 0.10.2.dev20260603
libtpu: 0.0.44.dev20260713+nightly
codegen_flags: <defaults>
</compile_context>

<pallas_src>
import functools
from math import factorial, pi, sqrt

import jax
import jax.numpy as jnp
import numpy as np
from jax import lax
from jax.experimental import pallas as pl
from jax.experimental.pallas import tpu as pltpu
from jax.experimental.pallas import tpu_sc as plsc

N_NODES = 10000
NP = 10240
E = 160000
CUTOFF = 5.5
N_RBF = 6
MAX_L = 2
N_ANG = 10
P_CUT = 6
NC, NS = 2, 16
EP = 163840
ROWS_PT = NP // NS


def _make_l_list(max_l):
    ls = []
    for l in range(max_l + 1):
        for lx in range(l, -1, -1):
            for ly in range(l - lx, -1, -1):
                ls.append((lx, ly, l - lx - ly))
    return ls


L_LIST = _make_l_list(MAX_L)
L_OF_K = [sum(t) for t in L_LIST]
SYM_COEF = [factorial(sum(t)) / (factorial(t[0]) * factorial(t[1]) * factorial(t[2]))
            for t in L_LIST]


def _tc0_body(pos_ref, an_ref, wemb_ref, out_ref):
    B = pos_ref.shape[0]
    out_ref[:, 0:3] = pos_ref[...]
    z = an_ref[...]
    for j in range(2):
        acc = jnp.zeros((B, 1), jnp.float32)
        for zv in range(4):
            acc = acc + jnp.where(z == zv, 1.0, 0.0) * wemb_ref[zv, j]
        out_ref[:, 3 + j:4 + j] = acc
    out_ref[:, 5:128] = jnp.zeros((B, 123), jnp.float32)


def _tc0(pos_pad, an_pad, W_embed):
    return pl.pallas_call(
        _tc0_body,
        out_shape=jax.ShapeDtypeStruct((NP, 128), jnp.float32),
        grid=(NP // 1280,),
        in_specs=[pl.BlockSpec((1280, 3), lambda i: (i, 0)),
                  pl.BlockSpec((1280, 1), lambda i: (i, 0)),
                  pl.BlockSpec((4, 2), lambda i: (0, 0))],
        out_specs=pl.BlockSpec((1280, 128), lambda i: (i, 0)),
    )(pos_pad, an_pad, W_embed)


def _sc0_body(table_hbm, snd_hbm, rcv_hbm, gs_hbm, gr_hbm,
              idx_v, rows_v, idx_t, rows_t, sem):
    wid = lax.axis_index("s") * NC + lax.axis_index("c")
    base0 = wid * (E // (NC * NS))

    for idx_hbm, out_hbm in ((snd_hbm, gs_hbm), (rcv_hbm, gr_hbm)):
        def blk(j, _):
            b = base0 + j * 128
            pltpu.sync_copy(idx_hbm.at[pl.ds(b, 128)], idx_v)
            pltpu.async_copy(table_hbm.at[idx_v], rows_v, sem).wait()
            pltpu.sync_copy(rows_v, out_hbm.at[pl.ds(b, 128)])
            return 0
        lax.fori_loop(0, 39, blk, 0)
        b = base0 + 39 * 128
        pltpu.sync_copy(idx_hbm.at[pl.ds(b, 8)], idx_t)
        pltpu.async_copy(table_hbm.at[idx_t], rows_t, sem).wait()
        pltpu.sync_copy(rows_t, out_hbm.at[pl.ds(b, 8)])


def _sc0(table, sender, receiver):
    mesh = plsc.VectorSubcoreMesh(core_axis_name="c", subcore_axis_name="s")
    f = pl.kernel(
        _sc0_body,
        out_type=[jax.ShapeDtypeStruct((E, 128), jnp.float32),
                  jax.ShapeDtypeStruct((E, 128), jnp.float32)],
        mesh=mesh,
        scratch_types=[pltpu.VMEM((128,), jnp.int32),
                       pltpu.VMEM((128, 128), jnp.float32),
                       pltpu.VMEM((8,), jnp.int32),
                       pltpu.VMEM((8, 128), jnp.float32),
                       pltpu.SemaphoreType.DMA],
    )
    return f(table, sender, receiver)


def _tc1_body(gsT_ref, grT_ref, shT_ref, wr_ref, r0_ref, payT_ref, decT_ref):
    px, py, pz = gsT_ref[:, 0], gsT_ref[:, 1], gsT_ref[:, 2]
    ea = (gsT_ref[:, 3], gsT_ref[:, 4])
    qx = grT_ref[:, 0] - px + shT_ref[:, 0]
    qy = grT_ref[:, 1] - py + shT_ref[:, 1]
    qz = grT_ref[:, 2] - pz + shT_ref[:, 2]
    d2 = qx * qx + qy * qy + qz * qz + 1e-12
    ln = jnp.sqrt(d2)
    inv = 1.0 / ln
    ux, uy, uz = qx * inv, qy * inv, qz * inv
    u = ln * (1.0 / CUTOFF)
    p = float(P_CUT)
    u2 = u * u
    u6 = u2 * u2 * u2
    fcut = (1.0 - (p + 1.0) * (p + 2.0) / 2.0 * u6
            + p * (p + 2.0) * u6 * u
            - p * (p + 1.0) / 2.0 * u6 * u2)
    fcut = jnp.where(u < 1.0, fcut, 0.0)
    theta = jnp.minimum(u, 1.0) * pi
    s1 = jnp.sin(theta)
    c2 = 2.0 * jnp.cos(theta)
    scale = sqrt(2.0 / CUTOFF)
    w = inv * fcut * scale
    sins = [s1, c2 * s1]
    for n in range(2, 6):
        sins.append(c2 * sins[n - 1] - sins[n - 2])
    rbfw = [sins[r] * w for r in range(6)]
    Rl = [[sum(rbfw[r] * wr_ref[l, r, s] for r in range(6)) for s in range(6)]
          for l in range(3)]
    one = jnp.ones_like(ux)

    def pw(v, q):
        if q == 0:
            return one
        out = v
        for _ in range(q - 1):
            out = out * v
        return out
    ang = [pw(ux, lx) * pw(uy, ly) * pw(uz, lz) for (lx, ly, lz) in L_LIST]
    zero = jnp.zeros_like(ux)
    for k in range(N_ANG):
        half, k2 = divmod(k, 5)
        for s in range(6):
            P = ang[k] * Rl[L_OF_K[k]][s]
            for a in range(2):
                row = 64 * half + (k2 * 6 + s) * 2 + a
                payT_ref[:, row, :] = P * ea[a]
    for half in range(2):
        for pad in range(60, 64):
            payT_ref[:, 64 * half + pad, :] = zero
    decT_ref[:, 0, :] = jnp.exp(-ln * (1.0 / r0_ref[0, 0]))


def _tc1(gsT, grT, shT, W_radial, r0_2d):
    R = E // 128
    return pl.pallas_call(
        _tc1_body,
        out_shape=[jax.ShapeDtypeStruct((R, 128, 128), jnp.float32),
                   jax.ShapeDtypeStruct((R, 1, 128), jnp.float32)],
        grid=(R // 10,),
        in_specs=[pl.BlockSpec((10, 5, 128), lambda i: (i, 0, 0)),
                  pl.BlockSpec((10, 5, 128), lambda i: (i, 0, 0)),
                  pl.BlockSpec((10, 3, 128), lambda i: (i, 0, 0)),
                  pl.BlockSpec((3, 6, 6), lambda i: (0, 0, 0)),
                  pl.BlockSpec((1, 1), lambda i: (0, 0))],
        out_specs=[pl.BlockSpec((10, 128, 128), lambda i: (i, 0, 0)),
                   pl.BlockSpec((10, 1, 128), lambda i: (i, 0, 0))],
    )(gsT, grT, shT, W_radial, r0_2d)


def _zero_stage(stage, rows, cols):
    z16 = jnp.zeros((16,), jnp.float32)

    def row(i, _):
        for q in range(cols // 16):
            stage[i, pl.ds(16 * q, 16)] = z16
        return 0
    lax.fori_loop(0, rows, row, 0)


def _sc1_body(pay_hbm, rcv_hbm, t1_hbm,
              idx2, buf, sem, t1_sh):
    c = lax.axis_index("c")
    s = lax.axis_index("s")
    rbase = s * ROWS_PT
    _zero_stage(buf, 128, 128)
    for t in range(ROWS_PT // 128):
        pltpu.sync_copy(buf, t1_sh.at[pl.ds(rbase + 128 * t, 128)])
    plsc.subcore_barrier()

    sep = EP // (NC * NS)
    ebase = c * (EP // NC) + s * sep

    def blk(j, _):
        off = ebase + j * 128
        pltpu.sync_copy(rcv_hbm.at[pl.ds(off, 128)], idx2.at[0])
        pltpu.sync_copy(pay_hbm.at[pl.ds(off, 128)], buf)
        pltpu.sync_copy(buf, t1_sh.at[idx2.at[0]], add=True)
        return 0
    lax.fori_loop(0, sep // 128, blk, 0)

    plsc.subcore_barrier()
    pltpu.sync_copy(t1_sh.at[pl.ds(rbase, ROWS_PT)],
                    t1_hbm.at[pl.ds(c * NP + rbase, ROWS_PT)])


def _sc1(pay_flat, receiver):
    mesh = plsc.VectorSubcoreMesh(core_axis_name="c", subcore_axis_name="s")
    f = pl.kernel(
        _sc1_body,
        out_type=jax.ShapeDtypeStruct((2 * NP, 128), jnp.float32),
        mesh=mesh,
        scratch_types=[pltpu.VMEM((1, 128), jnp.int32),
                       pltpu.VMEM((128, 128), jnp.float32),
                       pltpu.SemaphoreType.DMA,
                       pltpu.VMEM_SHARED((NP, 128), jnp.float32)],
    )
    return f(pay_flat, receiver)


def _tc3_body(t1_ref, tab_ref, g_ref):
    t = t1_ref[0] + t1_ref[1]
    e0 = tab_ref[:, 3:4]
    e1 = tab_ref[:, 4:5]
    th0 = t[:, 0:64]
    th1 = t[:, 64:128]
    g_ref[0, :, 0:64] = th0 * e0
    g_ref[0, :, 64:128] = th0 * e1
    g_ref[1, :, 0:64] = th1 * e0
    g_ref[1, :, 64:128] = th1 * e1


def _tc3(T1cat, table):
    return pl.pallas_call(
        _tc3_body,
        out_shape=jax.ShapeDtypeStruct((2, NP, 128), jnp.float32),
        grid=(NP // 1280,),
        in_specs=[pl.BlockSpec((2, 1280, 128), lambda i: (0, i, 0)),
                  pl.BlockSpec((1280, 128), lambda i: (i, 0))],
        out_specs=pl.BlockSpec((2, 1280, 128), lambda i: (0, i, 0)),
    )(T1cat, table)


def _sc2_body(g_hbm, snd_hbm, rcv_hbm, dec_hbm, a2_hbm,
              idxs, idxr2, dbuf, buf, sem, a2_sh):
    c = lax.axis_index("c")
    s = lax.axis_index("s")
    rbase = s * ROWS_PT
    _zero_stage(buf, 128, 128)
    for t in range(ROWS_PT // 128):
        pltpu.sync_copy(buf, a2_sh.at[pl.ds(rbase + 128 * t, 128)])
    plsc.subcore_barrier()

    sep = EP // NS
    ebase = s * sep
    coff = c * NP

    def blk(j, _):
        off = ebase + j * 128
        pltpu.sync_copy(snd_hbm.at[pl.ds(off, 128)], idxs)
        pltpu.sync_copy(rcv_hbm.at[pl.ds(off, 128)], idxr2.at[0])
        pltpu.sync_copy(dec_hbm.at[pl.ds(off, 128)], dbuf)
        for q in range(8):
            idxs[pl.ds(16 * q, 16)] = idxs[pl.ds(16 * q, 16)] + coff
        pltpu.async_copy(g_hbm.at[idxs], buf, sem).wait()

        def emul(e, _):
            dv = dbuf[e, pl.ds(0, 16)]
            for q in range(8):
                buf[e, pl.ds(16 * q, 16)] = buf[e, pl.ds(16 * q, 16)] * dv
            return 0
        lax.fori_loop(0, 128, emul, 0)
        pltpu.sync_copy(buf, a2_sh.at[idxr2.at[0]], add=True)
        return 0
    lax.fori_loop(0, sep // 128, blk, 0)

    plsc.subcore_barrier()
    pltpu.sync_copy(a2_sh.at[pl.ds(rbase, ROWS_PT)],
                    a2_hbm.at[pl.ds(coff + rbase, ROWS_PT)])


def _sc2(G_flat, sender, receiver, decay):
    mesh = plsc.VectorSubcoreMesh(core_axis_name="c", subcore_axis_name="s")
    f = pl.kernel(
        _sc2_body,
        out_type=jax.ShapeDtypeStruct((2 * NP, 128), jnp.float32),
        mesh=mesh,
        scratch_types=[pltpu.VMEM((128,), jnp.int32),
                       pltpu.VMEM((1, 128), jnp.int32),
                       pltpu.VMEM((128, 16), jnp.float32),
                       pltpu.VMEM((128, 128), jnp.float32),
                       pltpu.SemaphoreType.DMA,
                       pltpu.VMEM_SHARED((NP, 128), jnp.float32)],
    )
    return f(G_flat, sender, receiver, decay)


def _tc4_body(t1_ref, a2_ref, tab_ref, out_ref):
    emb = (tab_ref[:, 3:4], tab_ref[:, 4:5])
    t1s = t1_ref[0] + t1_ref[1]
    for b in range(2):
        A1 = []
        A2 = []
        for k in range(N_ANG):
            c01, k2 = divmod(k, 5)
            t12 = t1s[:, 64 * c01 + 12 * k2:64 * c01 + 12 * (k2 + 1)]
            a1 = t12 * emb[b]
            a2 = a1 + a2_ref[c01, :, 64 * b + 12 * k2:64 * b + 12 * (k2 + 1)]
            A1.append(a1)
            A2.append(a2)
        for mp, A in ((0, A1), (1, A2)):
            nu1 = A[0]
            l0 = A[0] * A[0]
            l1 = A[1] * A[1] + A[2] * A[2] + A[3] * A[3]
            l2 = sum(float(SYM_COEF[k]) * A[k] * A[k] for k in range(4, N_ANG))
            for nb, piece in enumerate((nu1, l0, l1, l2)):
                pidx = b * 8 + nb * 2 + mp
                out_ref[:, 12 * pidx:12 * (pidx + 1)] = piece


def _tc4(T1cat, A2cat, table):
    return pl.pallas_call(
        _tc4_body,
        out_shape=jax.ShapeDtypeStruct((NP, 192), jnp.float32),
        grid=(NP // 1280,),
        in_specs=[pl.BlockSpec((2, 1280, 128), lambda i: (0, i, 0)),
                  pl.BlockSpec((2, 1280, 128), lambda i: (0, i, 0)),
                  pl.BlockSpec((1280, 128), lambda i: (i, 0))],
        out_specs=pl.BlockSpec((1280, 192), lambda i: (i, 0)),
    )(T1cat, A2cat, table)


def kernel(positions, shifts, W_embed, W_radial, r0, atomic_numbers, edge_index):
    W_embed = W_embed.astype(jnp.bfloat16).astype(jnp.float32)
    W_radial = W_radial.astype(jnp.bfloat16).astype(jnp.float32)
    sender = edge_index[0].astype(jnp.int32)
    receiver = edge_index[1].astype(jnp.int32)
    pos_pad = jnp.pad(positions, ((0, NP - N_NODES), (0, 0)))
    an_pad = jnp.pad(atomic_numbers.astype(jnp.int32), (0, NP - N_NODES))[:, None]

    table = _tc0(pos_pad, an_pad, W_embed)
    gs, gr = _sc0(table, sender, receiver)

    R = E // 128
    gsT = gs.reshape(R, 128, 128).transpose(0, 2, 1)[:, :5, :]
    grT = gr.reshape(R, 128, 128).transpose(0, 2, 1)[:, :5, :]
    shT = shifts.reshape(R, 128, 3).transpose(0, 2, 1)
    r0_2d = r0.reshape(1, 1)
    payT, decT = _tc1(gsT, grT, shT, W_radial, r0_2d)

    pay_pad = jnp.pad(payT.transpose(0, 2, 1).reshape(E, 128),
                      ((0, EP - E), (0, 0)))
    decay = decT.reshape(E)
    snd_pad = jnp.pad(sender, (0, EP - E))
    rcv_pad = jnp.pad(receiver, (0, EP - E))
    dec_rep = jnp.pad(jnp.broadcast_to(decay[:, None], (E, 16)),
                      ((0, EP - E), (0, 0)))

    T1cat = _sc1(pay_pad, rcv_pad).reshape(2, NP, 128)
    G = _tc3(T1cat, table)
    A2cat = _sc2(G.reshape(2 * NP, 128), snd_pad, rcv_pad,
                 dec_rep).reshape(2, NP, 128)

    out_p = _tc4(T1cat, A2cat, table)
    out = out_p[:N_NODES].reshape(N_NODES, 2, 4, 2, 6, 2)
    out = out.transpose(0, 4, 5, 1, 2, 3)
    return out.reshape(N_NODES, N_RBF, 4, 4, 2)

# --- scband reference (transcript-rebuilt; emitter-appended) ---
"""Pipeline reference for scband-cace-5927054868679 (READ-ONLY COPY).

The authoritative reference and input builder live on the scoring server;
editing this copy changes nothing except your own understanding.
"""

import jax, jax.numpy as jnp
import numpy as np
from math import factorial

ZS = (0, 1, 2, 3)
N_NODES = 10000
N_EDGES = 160000
N_ATOM_BASIS = 2
CUTOFF = 5.5
N_RBF = 6
MAX_L = 2
MAX_NU = 2
N_MP = 1
P_CUT = 6


def make_l_list(max_l):
    ls = []
    for l in range(max_l + 1):
        for lx in range(l, -1, -1):
            for ly in range(l - lx, -1, -1):
                ls.append((lx, ly, l - lx - ly))
    return ls

L_LIST = make_l_list(MAX_L)
N_ANG = len(L_LIST)
L_OF_K = np.array([sum(t) for t in L_LIST])


def _pw(v, p):
    if p == 0:
        return jnp.ones_like(v)
    return v ** p


def _angular(unit):
    x = unit[:, 0]
    y = unit[:, 1]
    z = unit[:, 2]
    comps = [_pw(x, lx) * _pw(y, ly) * _pw(z, lz) for (lx, ly, lz) in L_LIST]
    return jnp.stack(comps, axis=-1)


def _poly_cutoff(r):
    u = r / CUTOFF
    p = float(P_CUT)
    f = (1.0
         - (p + 1.0) * (p + 2.0) / 2.0 * u ** P_CUT
         + p * (p + 2.0) * u ** (P_CUT + 1)
         - p * (p + 1.0) / 2.0 * u ** (P_CUT + 2))
    return f * (u < 1.0)


def _bessel(r):
    n = jnp.arange(1, N_RBF + 1, dtype=jnp.float32)
    return jnp.sqrt(2.0 / CUTOFF) * jnp.sin(n * jnp.pi * r / CUTOFF) / r


def _symmetrize(A):
    # A: [N, n_rbf, n_ang, n_enc] -> invariant B features [N, n_rbf, n_enc, n_B]
    feats = [A[:, :, 0, :]]  # nu=1 (l=0 channel)
    for l in range(MAX_L + 1):  # nu=2 contractions per l-shell
        b = 0.0
        for k in range(N_ANG):
            if int(L_OF_K[k]) != l:
                continue
            lx, ly, lz = L_LIST[k]
            c = factorial(l) / (factorial(lx) * factorial(ly) * factorial(lz))
            b = b + c * A[:, :, k, :] ** 2
        feats.append(b)
    return jnp.stack(feats, axis=-1)


def _forward(positions, shifts, W_embed, W_radial, r0, atomic_numbers, edge_index):
    # NodeEncoder one-hot + NodeEmbedding linear
    onehot = (atomic_numbers[:, None] == jnp.asarray(ZS)[None, :]).astype(jnp.float32)
    node_embedded = onehot @ W_embed  # [N, d]
    sender = edge_index[0]
    receiver = edge_index[1]
    emb_s = node_embedded[sender]
    emb_r = node_embedded[receiver]
    E = emb_s.shape[0]
    # directed EdgeEncoder: outer product of sender/receiver embeddings
    encoded = (emb_s[:, :, None] * emb_r[:, None, :]).reshape(E, -1)  # [E, d*d]
    # edge vectors and lengths (normalized)
    vec = positions[receiver] - positions[sender] + shifts
    lengths = jnp.sqrt(jnp.sum(vec ** 2, axis=-1, keepdims=True) + 1e-12)  # [E,1]
    unit = vec / lengths
    rbf = _bessel(lengths)           # [E, n_rbf]
    fcut = _poly_cutoff(lengths)     # [E, 1]
    ang = _angular(unit)             # [E, n_ang]
    edge_attri = jnp.einsum('ei,ej,ek->eijk', rbf * fcut, ang, encoded)  # [E, n_rbf, n_ang, n_enc]
    # SharedRadialLinearTransform: per-l shared linear map on radial dim
    Wk = W_radial[jnp.asarray(L_OF_K)]  # [n_ang, n_rbf, n_rbf]
    edge_attri = jnp.einsum('erkc,krs->eskc', edge_attri, Wk)
    A = jax.ops.segment_sum(edge_attri, receiver, num_segments=N_NODES)
    feats = [_symmetrize(A)]
    for _ in range(N_MP):
        decay = jnp.exp(-lengths / r0)  # ExponentialDecayRBF, [E,1]
        msg = A[sender] * decay[:, :, None, None]
        A = A + jax.ops.segment_sum(msg, receiver, num_segments=N_NODES)
        feats.append(_symmetrize(A))
    return jnp.stack(feats, axis=-1)  # [N, n_rbf, n_enc, n_B, n_mp+1]


def setup_inputs(seed: int = 0):
    key = jax.random.key(seed)
    k = jax.random.split(key, 6)
    positions = jax.random.normal(k[0], (N_NODES, 3), dtype=jnp.float32)
    atomic_numbers = jax.random.randint(k[1], (N_NODES,), 0, len(ZS))
    edge_index = jax.random.randint(k[2], (2, N_EDGES), 0, N_NODES)
    shifts = jnp.zeros((N_EDGES, 3), dtype=jnp.float32)
    W_embed = jax.random.normal(k[3], (len(ZS), N_ATOM_BASIS), dtype=jnp.float32) * 0.5
    W_radial = jax.random.normal(k[4], (MAX_L + 1, N_RBF, N_RBF), dtype=jnp.float32) / np.sqrt(N_RBF)
    r0 = jnp.full((1,), CUTOFF / 2.0, dtype=jnp.float32)
    return {"positions": positions, "shifts": shifts, "W_embed": W_embed,
            "W_radial": W_radial, "r0": r0, "atomic_numbers": atomic_numbers,
            "edge_index": edge_index}


def reference(positions, shifts, W_embed, W_radial, r0, atomic_numbers, edge_index):
    return _forward(positions, shifts, W_embed, W_radial, r0, atomic_numbers, edge_index)

if __name__ == "__main__":
    import jax
    _d = setup_inputs()
    print(jax.jit(kernel)(*tuple(_d.values())))

</pallas_src>

<mosaic_0001>
#map = affine_map<(d0, d1) -> (0, 0)>
#map1 = affine_map<(d0, d1) -> (0)>
module attributes {stable_mosaic.version = 14 : i64} {
  func.func @_sc1_body(%arg0: i32, %arg1: i32, %arg2: memref<163840x128xf32, #tpu.memory_space<hbm>>, %arg3: memref<163840xi32, #tpu.memory_space<hbm>>, %arg4: memref<20480x128xf32, #tpu.memory_space<hbm>>, %arg5: memref<1x128xi32, #tpu.memory_space<vmem>>, %arg6: memref<128x128xf32, #tpu.memory_space<vmem>>, %arg7: memref<!tpu.dma_semaphore, #tpu.memory_space<semaphore_mem>>, %arg8: memref<10240x128xf32, #tpu.memory_space<vmem_shared>>) attributes {dimension_semantics = [#tpu.dimension_semantics<core_parallel>, #tpu.dimension_semantics<subcore_parallel>], iteration_bounds = array<i64: 2, 16>, scalar_prefetch = 0 : i64, scratch_operands = 4 : i64, tpu.core_type = #tpu.core_type<sc_vector_subcore>, window_params = [{transform_indices = #map}, {transform_indices = #map1}, {transform_indices = #map}]} {
    %mul3A = arith.constant 640 : i32
    %mul3A_0 = arith.muli %arg1, %mul3A : i32
    %broadcast_in_dim3A = arith.constant 0.000000e+00 : f32
    %broadcast_in_dim3A_1 = vector.broadcast %broadcast_in_dim3A : f32 to vector<16xf32>
    %scan3A = arith.constant 0 : i32
    %scan3A_2 = arith.constant 0 : i32
    %scan3A_3 = arith.constant 128 : i32
    %scan3A_4 = arith.addi %scan3A_2, %scan3A_3 : i32
    %scan3A_5 = arith.constant 1 : i32
    %scan3A_6 = scf.for %scan3A_33 = %scan3A_2 to %scan3A_4 step %scan3A_5 iter_args(%scan3A_34 = %scan3A) -> (i32)  : i32 {
      %swap3A = arith.index_cast %scan3A_33 : i32 to index
      %swap3A_35 = arith.constant 0 : index
      %swap3A_36 = tpu.vector_load %arg6[%swap3A, %swap3A_35] {strides = array<i32>} : memref<128x128xf32, #tpu.memory_space<vmem>>, vector<1x16xf32>,
      %swap3A_37 = vector.shape_cast %swap3A_36 : vector<1x16xf32> to vector<16xf32>
      %swap3A_38 = vector.shape_cast %broadcast_in_dim3A_1 : vector<16xf32> to vector<1x16xf32>
      tpu.vector_store %arg6[%swap3A, %swap3A_35], %swap3A_38 {strides = array<i32>} : memref<128x128xf32, #tpu.memory_space<vmem>>, vector<1x16xf32>,
      %swap3A_39 = arith.index_cast %scan3A_33 : i32 to index
      %swap3A_40 = arith.constant 16 : index
      %swap3A_41 = tpu.vector_load %arg6[%swap3A_39, %swap3A_40] {strides = array<i32>} : memref<128x128xf32, #tpu.memory_space<vmem>>, vector<1x16xf32>,
      %swap3A_42 = vector.shape_cast %swap3A_41 : vector<1x16xf32> to vector<16xf32>
      %swap3A_43 = vector.shape_cast %broadcast_in_dim3A_1 : vector<16xf32> to vector<1x16xf32>
      tpu.vector_store %arg6[%swap3A_39, %swap3A_40], %swap3A_43 {strides = array<i32>} : memref<128x128xf32, #tpu.memory_space<vmem>>, vector<1x16xf32>,
      %swap3A_44 = arith.index_cast %scan3A_33 : i32 to index
      %swap3A_45 = arith.constant 32 : index
      %swap3A_46 = tpu.vector_load %arg6[%swap3A_44, %swap3A_45] {strides = array<i32>} : memref<128x128xf32, #tpu.memory_space<vmem>>, vector<1x16xf32>,
      %swap3A_47 = vector.shape_cast %swap3A_46 : vector<1x16xf32> to vector<16xf32>
      %swap3A_48 = vector.shape_cast %broadcast_in_dim3A_1 : vector<16xf32> to vector<1x16xf32>
      tpu.vector_store %arg6[%swap3A_44, %swap3A_45], %swap3A_48 {strides = array<i32>} : memref<128x128xf32, #tpu.memory_space<vmem>>, vector<1x16xf32>,
      %swap3A_49 = arith.index_cast %scan3A_33 : i32 to index
      %swap3A_50 = arith.constant 48 : index
      %swap3A_51 = tpu.vector_load %arg6[%swap3A_49, %swap3A_50] {strides = array<i32>} : memref<128x128xf32, #tpu.memory_space<vmem>>, vector<1x16xf32>,
      %swap3A_52 = vector.shape_cast %swap3A_51 : vector<1x16xf32> to vector<16xf32>
      %swap3A_53 = vector.shape_cast %broadcast_in_dim3A_1 : vector<16xf32> to vector<1x16xf32>
      tpu.vector_store %arg6[%swap3A_49, %swap3A_50], %swap3A_53 {strides = array<i32>} : memref<128x128xf32, #tpu.memory_space<vmem>>, vector<1x16xf32>,
      %swap3A_54 = arith.index_cast %scan3A_33 : i32 to index
      %swap3A_55 = arith.constant 64 : index
      %swap3A_56 = tpu.vector_load %arg6[%swap3A_54, %swap3A_55] {strides = array<i32>} : memref<128x128xf32, #tpu.memory_space<vmem>>, vector<1x16xf32>,
      %swap3A_57 = vector.shape_cast %swap3A_56 : vector<1x16xf32> to vector<16xf32>
      %swap3A_58 = vector.shape_cast %broadcast_in_dim3A_1 : vector<16xf32> to vector<1x16xf32>
      tpu.vector_store %arg6[%swap3A_54, %swap3A_55], %swap3A_58 {strides = array<i32>} : memref<128x128xf32, #tpu.memory_space<vmem>>, vector<1x16xf32>,
      %swap3A_59 = arith.index_cast %scan3A_33 : i32 to index
      %swap3A_60 = arith.constant 80 : index
      %swap3A_61 = tpu.vector_load %arg6[%swap3A_59, %swap3A_60] {strides = array<i32>} : memref<128x128xf32, #tpu.memory_space<vmem>>, vector<1x16xf32>,
      %swap3A_62 = vector.shape_cast %swap3A_61 : vector<1x16xf32> to vector<16xf32>
      %swap3A_63 = vector.shape_cast %broadcast_in_dim3A_1 : vector<16xf32> to vector<1x16xf32>
      tpu.vector_store %arg6[%swap3A_59, %swap3A_60], %swap3A_63 {strides = array<i32>} : memref<128x128xf32, #tpu.memory_space<vmem>>, vector<1x16xf32>,
      %swap3A_64 = arith.index_cast %scan3A_33 : i32 to index
      %swap3A_65 = arith.constant 96 : index
      %swap3A_66 = tpu.vector_load %arg6[%swap3A_64, %swap3A_65] {strides = array<i32>} : memref<128x128xf32, #tpu.memory_space<vmem>>, vector<1x16xf32>,
      %swap3A_67 = vector.shape_cast %swap3A_66 : vector<1x16xf32> to vector<16xf32>
      %swap3A_68 = vector.shape_cast %broadcast_in_dim3A_1 : vector<16xf32> to vector<1x16xf32>
      tpu.vector_store %arg6[%swap3A_64, %swap3A_65], %swap3A_68 {strides = array<i32>} : memref<128x128xf32, #tpu.memory_space<vmem>>, vector<1x16xf32>,
      %swap3A_69 = arith.index_cast %scan3A_33 : i32 to index
      %swap3A_70 = arith.constant 112 : index
      %swap3A_71 = tpu.vector_load %arg6[%swap3A_69, %swap3A_70] {strides = array<i32>} : memref<128x128xf32, #tpu.memory_space<vmem>>, vector<1x16xf32>,
      %swap3A_72 = vector.shape_cast %swap3A_71 : vector<1x16xf32> to vector<16xf32>
      %swap3A_73 = vector.shape_cast %broadcast_in_dim3A_1 : vector<16xf32> to vector<1x16xf32>
      tpu.vector_store %arg6[%swap3A_69, %swap3A_70], %swap3A_73 {strides = array<i32>} : memref<128x128xf32, #tpu.memory_space<vmem>>, vector<1x16xf32>,
      %scan3A_74 = arith.constant 0 : i32
      scf.yield %scan3A_74 : i32
    }
    %scan3A_7 = arith.constant 128 : i32
    %add3A = arith.constant 0 : i32
    %add3A_8 = arith.addi %mul3A_0, %add3A : i32
    "tpu.region"() ({
      %run_scoped3A = tpu.sem_alloc : memref<!tpu.dma_semaphore, #tpu.memory_space<semaphore_mem>>
      %dma_start3A = arith.constant 0 : i32
      %dma_start3A_33 = tpu.memref_slice %arg8[%add3A_8, %dma_start3A] : memref<10240x128xf32, #tpu.memory_space<vmem_shared>> -> memref<128x128xf32, #tpu.memory_space<vmem_shared>>
      %dma_start3A_34 = arith.constant 0 : i32
      %dma_start3A_35 = tpu.memref_slice %arg8[%add3A_8, %dma_start3A_34] : memref<10240x128xf32, #tpu.memory_space<vmem_shared>> -> memref<128x128xf32, #tpu.memory_space<vmem_shared>>
      tpu.enqueue_dma source(%arg6 : memref<128x128xf32, #tpu.memory_space<vmem>>) target(%dma_start3A_35 : memref<128x128xf32, #tpu.memory_space<vmem_shared>>) target_semaphore(%run_scoped3A : memref<!tpu.dma_semaphore, #tpu.memory_space<semaphore_mem>>)
      %dma_wait3A = arith.constant 0 : i32
      %dma_wait3A_36 = tpu.memref_slice %arg8[%add3A_8, %dma_wait3A] : memref<10240x128xf32, #tpu.memory_space<vmem_shared>> -> memref<128x128xf32, #tpu.memory_space<vmem_shared>>
      %dma_wait3A_37 = arith.constant 0 : i32
      %dma_wait3A_38 = tpu.memref_slice %arg8[%add3A_8, %dma_wait3A_37] : memref<10240x128xf32, #tpu.memory_space<vmem_shared>> -> memref<128x128xf32, #tpu.memory_space<vmem_shared>>
      tpu.wait_dma2 semaphore(%run_scoped3A : memref<!tpu.dma_semaphore, #tpu.memory_space<semaphore_mem>>) src(%arg6 : memref<128x128xf32, #tpu.memory_space<vmem>>) dst(%dma_wait3A_38 : memref<128x128xf32, #tpu.memory_space<vmem_shared>>)
      tpu.yield
    }) : () -> ()
    %add3A_9 = arith.constant 128 : i32
    %add3A_10 = arith.addi %mul3A_0, %add3A_9 : i32
    "tpu.region"() ({
      %run_scoped3A = tpu.sem_alloc : memref<!tpu.dma_semaphore, #tpu.memory_space<semaphore_mem>>
      %dma_start3A = arith.constant 0 : i32
      %dma_start3A_33 = tpu.memref_slice %arg8[%add3A_10, %dma_start3A] : memref<10240x128xf32, #tpu.memory_space<vmem_shared>> -> memref<128x128xf32, #tpu.memory_space<vmem_shared>>
      %dma_start3A_34 = arith.constant 0 : i32
      %dma_start3A_35 = tpu.memref_slice %arg8[%add3A_10, %dma_start3A_34] : memref<10240x128xf32, #tpu.memory_space<vmem_shared>> -> memref<128x128xf32, #tpu.memory_space<vmem_shared>>
      tpu.enqueue_dma source(%arg6 : memref<128x128xf32, #tpu.memory_space<vmem>>) target(%dma_start3A_35 : memref<128x128xf32, #tpu.memory_space<vmem_shared>>) target_semaphore(%run_scoped3A : memref<!tpu.dma_semaphore, #tpu.memory_space<semaphore_mem>>)
      %dma_wait3A = arith.constant 0 : i32
      %dma_wait3A_36 = tpu.memref_slice %arg8[%add3A_10, %dma_wait3A] : memref<10240x128xf32, #tpu.memory_space<vmem_shared>> -> memref<128x128xf32, #tpu.memory_space<vmem_shared>>
      %dma_wait3A_37 = arith.constant 0 : i32
      %dma_wait3A_38 = tpu.memref_slice %arg8[%add3A_10, %dma_wait3A_37] : memref<10240x128xf32, #tpu.memory_space<vmem_shared>> -> memref<128x128xf32, #tpu.memory_space<vmem_shared>>
      tpu.wait_dma2 semaphore(%run_scoped3A : memref<!tpu.dma_semaphore, #tpu.memory_space<semaphore_mem>>) src(%arg6 : memref<128x128xf32, #tpu.memory_space<vmem>>) dst(%dma_wait3A_38 : memref<128x128xf32, #tpu.memory_space<vmem_shared>>)
      tpu.yield
    }) : () -> ()
    %add3A_11 = arith.constant 256 : i32
    %add3A_12 = arith.addi %mul3A_0, %add3A_11 : i32
    "tpu.region"() ({
      %run_scoped3A = tpu.sem_alloc : memref<!tpu.dma_semaphore, #tpu.memory_space<semaphore_mem>>
      %dma_start3A = arith.constant 0 : i32
      %dma_start3A_33 = tpu.memref_slice %arg8[%add3A_12, %dma_start3A] : memref<10240x128xf32, #tpu.memory_space<vmem_shared>> -> memref<128x128xf32, #tpu.memory_space<vmem_shared>>
      %dma_start3A_34 = arith.constant 0 : i32
      %dma_start3A_35 = tpu.memref_slice %arg8[%add3A_12, %dma_start3A_34] : memref<10240x128xf32, #tpu.memory_space<vmem_shared>> -> memref<128x128xf32, #tpu.memory_space<vmem_shared>>
      tpu.enqueue_dma source(%arg6 : memref<128x128xf32, #tpu.memory_space<vmem>>) target(%dma_start3A_35 : memref<128x128xf32, #tpu.memory_space<vmem_shared>>) target_semaphore(%run_scoped3A : memref<!tpu.dma_semaphore, #tpu.memory_space<semaphore_mem>>)
      %dma_wait3A = arith.constant 0 : i32
      %dma_wait3A_36 = tpu.memref_slice %arg8[%add3A_12, %dma_wait3A] : memref<10240x128xf32, #tpu.memory_space<vmem_shared>> -> memref<128x128xf32, #tpu.memory_space<vmem_shared>>
      %dma_wait3A_37 = arith.constant 0 : i32
      %dma_wait3A_38 = tpu.memref_slice %arg8[%add3A_12, %dma_wait3A_37] : memref<10240x128xf32, #tpu.memory_space<vmem_shared>> -> memref<128x128xf32, #tpu.memory_space<vmem_shared>>
      tpu.wait_dma2 semaphore(%run_scoped3A : memref<!tpu.dma_semaphore, #tpu.memory_space<semaphore_mem>>) src(%arg6 : memref<128x128xf32, #tpu.memory_space<vmem>>) dst(%dma_wait3A_38 : memref<128x128xf32, #tpu.memory_space<vmem_shared>>)
      tpu.yield
    }) : () -> ()
    %add3A_13 = arith.constant 384 : i32
    %add3A_14 = arith.addi %mul3A_0, %add3A_13 : i32
    "tpu.region"() ({
      %run_scoped3A = tpu.sem_alloc : memref<!tpu.dma_semaphore, #tpu.memory_space<semaphore_mem>>
      %dma_start3A = arith.constant 0 : i32
      %dma_start3A_33 = tpu.memref_slice %arg8[%add3A_14, %dma_start3A] : memref<10240x128xf32, #tpu.memory_space<vmem_shared>> -> memref<128x128xf32, #tpu.memory_space<vmem_shared>>
      %dma_start3A_34 = arith.constant 0 : i32
      %dma_start3A_35 = tpu.memref_slice %arg8[%add3A_14, %dma_start3A_34] : memref<10240x128xf32, #tpu.memory_space<vmem_shared>> -> memref<128x128xf32, #tpu.memory_space<vmem_shared>>
      tpu.enqueue_dma source(%arg6 : memref<128x128xf32, #tpu.memory_space<vmem>>) target(%dma_start3A_35 : memref<128x128xf32, #tpu.memory_space<vmem_shared>>) target_semaphore(%run_scoped3A : memref<!tpu.dma_semaphore, #tpu.memory_space<semaphore_mem>>)
      %dma_wait3A = arith.constant 0 : i32
      %dma_wait3A_36 = tpu.memref_slice %arg8[%add3A_14, %dma_wait3A] : memref<10240x128xf32, #tpu.memory_space<vmem_shared>> -> memref<128x128xf32, #tpu.memory_space<vmem_shared>>
      %dma_wait3A_37 = arith.constant 0 : i32
      %dma_wait3A_38 = tpu.memref_slice %arg8[%add3A_14, %dma_wait3A_37] : memref<10240x128xf32, #tpu.memory_space<vmem_shared>> -> memref<128x128xf32, #tpu.memory_space<vmem_shared>>
      tpu.wait_dma2 semaphore(%run_scoped3A : memref<!tpu.dma_semaphore, #tpu.memory_space<semaphore_mem>>) src(%arg6 : memref<128x128xf32, #tpu.memory_space<vmem>>) dst(%dma_wait3A_38 : memref<128x128xf32, #tpu.memory_space<vmem_shared>>)
      tpu.yield
    }) : () -> ()
    %add3A_15 = arith.constant 512 : i32
    %add3A_16 = arith.addi %mul3A_0, %add3A_15 : i32
    "tpu.region"() ({
      %run_scoped3A = tpu.sem_alloc : memref<!tpu.dma_semaphore, #tpu.memory_space<semaphore_mem>>
      %dma_start3A = arith.constant 0 : i32
      %dma_start3A_33 = tpu.memref_slice %arg8[%add3A_16, %dma_start3A] : memref<10240x128xf32, #tpu.memory_space<vmem_shared>> -> memref<128x128xf32, #tpu.memory_space<vmem_shared>>
      %dma_start3A_34 = arith.constant 0 : i32
      %dma_start3A_35 = tpu.memref_slice %arg8[%add3A_16, %dma_start3A_34] : memref<10240x128xf32, #tpu.memory_space<vmem_shared>> -> memref<128x128xf32, #tpu.memory_space<vmem_shared>>
      tpu.enqueue_dma source(%arg6 : memref<128x128xf32, #tpu.memory_space<vmem>>) target(%dma_start3A_35 : memref<128x128xf32, #tpu.memory_space<vmem_shared>>) target_semaphore(%run_scoped3A : memref<!tpu.dma_semaphore, #tpu.memory_space<semaphore_mem>>)
      %dma_wait3A = arith.constant 0 : i32
      %dma_wait3A_36 = tpu.memref_slice %arg8[%add3A_16, %dma_wait3A] : memref<10240x128xf32, #tpu.memory_space<vmem_shared>> -> memref<128x128xf32, #tpu.memory_space<vmem_shared>>
      %dma_wait3A_37 = arith.constant 0 : i32
      %dma_wait3A_38 = tpu.memref_slice %arg8[%add3A_16, %dma_wait3A_37] : memref<10240x128xf32, #tpu.memory_space<vmem_shared>> -> memref<128x128xf32, #tpu.memory_space<vmem_shared>>
      tpu.wait_dma2 semaphore(%run_scoped3A : memref<!tpu.dma_semaphore, #tpu.memory_space<semaphore_mem>>) src(%arg6 : memref<128x128xf32, #tpu.memory_space<vmem>>) dst(%dma_wait3A_38 : memref<128x128xf32, #tpu.memory_space<vmem_shared>>)
      tpu.yield
    }) : () -> ()
    %barrier3A = arith.constant 0 : index
    tpu.barrier barrier_id(%barrier3A)
    %mul3A_17 = arith.constant 81920 : i32
    %mul3A_18 = arith.muli %arg0, %mul3A_17 : i32
    %mul3A_19 = arith.constant 5120 : i32
    %mul3A_20 = arith.muli %arg1, %mul3A_19 : i32
    %add3A_21 = arith.addi %mul3A_18, %mul3A_20 : i32
    %scan3A_22 = arith.constant 0 : i32
    %scan3A_23 = arith.constant 0 : i32
    %scan3A_24 = arith.constant 40 : i32
    %scan3A_25 = arith.addi %scan3A_23, %scan3A_24 : i32
    %scan3A_26 = arith.constant 1 : i32
    %scan3A_27 = scf.for %scan3A_33 = %scan3A_23 to %scan3A_25 step %scan3A_26 iter_args(%scan3A_34 = %scan3A_22) -> (i32)  : i32 {
      %mul3A_35 = arith.constant 128 : i32
      %mul3A_36 = arith.muli %scan3A_33, %mul3A_35 : i32
      %add3A_37 = arith.addi %add3A_21, %mul3A_36 : i32
      %run_scoped3A = arith.constant 0 : i32
      "tpu.region"() ({
        %run_scoped3A_40 = tpu.sem_alloc : memref<!tpu.dma_semaphore, #tpu.memory_space<semaphore_mem>>
        %dma_start3A = arith.constant 0 : i32
        %dma_start3A_41 = tpu.memref_slice %arg5[%run_scoped3A, %dma_start3A] : memref<1x128xi32, #tpu.memory_space<vmem>> -> memref<1x128xi32, #tpu.memory_space<vmem>>
        %dma_start3A_42 = tpu.memref_squeeze %dma_start3A_41 : memref<1x128xi32, #tpu.memory_space<vmem>> -> memref<128xi32, #tpu.memory_space<vmem>>
        %dma_start3A_43 = tpu.memref_slice %arg3[%add3A_37] : memref<163840xi32, #tpu.memory_space<hbm>> -> memref<128xi32, #tpu.memory_space<hbm>>
        %dma_start3A_44 = arith.constant 0 : i32
        %dma_start3A_45 = tpu.memref_slice %arg5[%run_scoped3A, %dma_start3A_44] : memref<1x128xi32, #tpu.memory_space<vmem>> -> memref<1x128xi32, #tpu.memory_space<vmem>>
        %dma_start3A_46 = tpu.memref_squeeze %dma_start3A_45 : memref<1x128xi32, #tpu.memory_space<vmem>> -> memref<128xi32, #tpu.memory_space<vmem>>
        %dma_start3A_47 = tpu.memref_slice %arg3[%add3A_37] : memref<163840xi32, #tpu.memory_space<hbm>> -> memref<128xi32, #tpu.memory_space<hbm>>
        tpu.enqueue_dma source(%dma_start3A_47 : memref<128xi32, #tpu.memory_space<hbm>>) target(%dma_start3A_46 : memref<128xi32, #tpu.memory_space<vmem>>) target_semaphore(%run_scoped3A_40 : memref<!tpu.dma_semaphore, #tpu.memory_space<semaphore_mem>>)
        %dma_wait3A = arith.constant 0 : i32
        %dma_wait3A_48 = tpu.memref_slice %arg5[%run_scoped3A, %dma_wait3A] : memref<1x128xi32, #tpu.memory_space<vmem>> -> memref<1x128xi32, #tpu.memory_space<vmem>>
        %dma_wait3A_49 = tpu.memref_squeeze %dma_wait3A_48 : memref<1x128xi32, #tpu.memory_space<vmem>> -> memref<128xi32, #tpu.memory_space<vmem>>
        %dma_wait3A_50 = tpu.memref_slice %arg3[%add3A_37] : memref<163840xi32, #tpu.memory_space<hbm>> -> memref<128xi32, #tpu.memory_space<hbm>>
        %dma_wait3A_51 = arith.constant 0 : i32
        %dma_wait3A_52 = tpu.memref_slice %arg5[%run_scoped3A, %dma_wait3A_51] : memref<1x128xi32, #tpu.memory_space<vmem>> -> memref<1x128xi32, #tpu.memory_space<vmem>>
        %dma_wait3A_53 = tpu.memref_squeeze %dma_wait3A_52 : memref<1x128xi32, #tpu.memory_space<vmem>> -> memref<128xi32, #tpu.memory_space<vmem>>
        %dma_wait3A_54 = tpu.memref_slice %arg3[%add3A_37] : memref<163840xi32, #tpu.memory_space<hbm>> -> memref<128xi32, #tpu.memory_space<hbm>>
        tpu.wait_dma2 semaphore(%run_scoped3A_40 : memref<!tpu.dma_semaphore, #tpu.memory_space<semaphore_mem>>) src(%dma_wait3A_54 : memref<128xi32, #tpu.memory_space<hbm>>) dst(%dma_wait3A_53 : memref<128xi32, #tpu.memory_space<vmem>>)
        tpu.yield
      }) : () -> ()
      "tpu.region"() ({
        %run_scoped3A_40 = tpu.sem_alloc : memref<!tpu.dma_semaphore, #tpu.memory_space<semaphore_mem>>
        %dma_start3A = arith.constant 0 : i32
        %dma_start3A_41 = tpu.memref_slice %arg2[%add3A_37, %dma_start3A] : memref<163840x128xf32, #tpu.memory_space<hbm>> -> memref<128x128xf32, #tpu.memory_space<hbm>>
        %dma_start3A_42 = arith.constant 0 : i32
        %dma_start3A_43 = tpu.memref_slice %arg2[%add3A_37, %dma_start3A_42] : memref<163840x128xf32, #tpu.memory_space<hbm>> -> memref<128x128xf32, #tpu.memory_space<hbm>>
        tpu.enqueue_dma source(%dma_start3A_43 : memref<128x128xf32, #tpu.memory_space<hbm>>) target(%arg6 : memref<128x128xf32, #tpu.memory_space<vmem>>) target_semaphore(%run_scoped3A_40 : memref<!tpu.dma_semaphore, #tpu.memory_space<semaphore_mem>>)
        %dma_wait3A = arith.constant 0 : i32
        %dma_wait3A_44 = tpu.memref_slice %arg2[%add3A_37, %dma_wait3A] : memref<163840x128xf32, #tpu.memory_space<hbm>> -> memref<128x128xf32, #tpu.memory_space<hbm>>
        %dma_wait3A_45 = arith.constant 0 : i32
        %dma_wait3A_46 = tpu.memref_slice %arg2[%add3A_37, %dma_wait3A_45] : memref<163840x128xf32, #tpu.memory_space<hbm>> -> memref<128x128xf32, #tpu.memory_space<hbm>>
        tpu.wait_dma2 semaphore(%run_scoped3A_40 : memref<!tpu.dma_semaphore, #tpu.memory_space<semaphore_mem>>) src(%dma_wait3A_46 : memref<128x128xf32, #tpu.memory_space<hbm>>) dst(%arg6 : memref<128x128xf32, #tpu.memory_space<vmem>>)
        tpu.yield
      }) : () -> ()
      %run_scoped3A_38 = arith.constant 0 : i32
      "tpu.region"() ({
        %run_scoped3A_40 = tpu.sem_alloc : memref<!tpu.dma_semaphore, #tpu.memory_space<semaphore_mem>>
        %dma_start3A = arith.constant 0 : i32
        %dma_start3A_41 = tpu.memref_slice %arg5[%run_scoped3A_38, %dma_start3A] : memref<1x128xi32, #tpu.memory_space<vmem>> -> memref<1x128xi32, #tpu.memory_space<vmem>>
        %dma_start3A_42 = tpu.memref_squeeze %dma_start3A_41 : memref<1x128xi32, #tpu.memory_space<vmem>> -> memref<128xi32, #tpu.memory_space<vmem>>
        %dma_start3A_43 = arith.constant 0 : i32
        %dma_start3A_44 = arith.constant 0 : i32
        %dma_start3A_45 = tpu.memref_slice %arg8[%dma_start3A_43, %dma_start3A_44] : memref<10240x128xf32, #tpu.memory_space<vmem_shared>> -> memref<10240x128xf32, #tpu.memory_space<vmem_shared>>
        tpu.enqueue_indirect_dma source(%arg6 : memref<128x128xf32, #tpu.memory_space<vmem>>) target(%dma_start3A_45 : memref<10240x128xf32, #tpu.memory_space<vmem_shared>>) offsets(%dma_start3A_42 : memref<128xi32, #tpu.memory_space<vmem>>) semaphore(%run_scoped3A_40 : memref<!tpu.dma_semaphore, #tpu.memory_space<semaphore_mem>>) {add = true}
        %dma_wait3A = arith.constant 0 : i32
        %dma_wait3A_46 = tpu.memref_slice %arg5[%run_scoped3A_38, %dma_wait3A] : memref<1x128xi32, #tpu.memory_space<vmem>> -> memref<1x128xi32, #tpu.memory_space<vmem>>
        %dma_wait3A_47 = tpu.memref_squeeze %dma_wait3A_46 : memref<1x128xi32, #tpu.memory_space<vmem>> -> memref<128xi32, #tpu.memory_space<vmem>>
        %dma_wait3A_48 = arith.constant 0 : i32
        %dma_wait3A_49 = arith.constant 0 : i32
        %dma_wait3A_50 = tpu.memref_slice %arg8[%dma_wait3A_48, %dma_wait3A_49] : memref<10240x128xf32, #tpu.memory_space<vmem_shared>> -> memref<10240x128xf32, #tpu.memory_space<vmem_shared>>
        tpu.wait_indirect_dma semaphore(%run_scoped3A_40 : memref<!tpu.dma_semaphore, #tpu.memory_space<semaphore_mem>>) src(%arg6 : memref<128x128xf32, #tpu.memory_space<vmem>>) dst(%dma_wait3A_50 : memref<10240x128xf32, #tpu.memory_space<vmem_shared>>)
        tpu.yield
      }) : () -> ()
      %scan3A_39 = arith.constant 0 : i32
      scf.yield %scan3A_39 : i32
    }
    %scan3A_28 = arith.constant 40 : i32
    %barrier3A_29 = arith.constant 0 : index
    tpu.barrier barrier_id(%barrier3A_29)
    %mul3A_30 = arith.constant 10240 : i32
    %mul3A_31 = arith.muli %arg0, %mul3A_30 : i32
    %add3A_32 = arith.addi %mul3A_31, %mul3A_0 : i32
    "tpu.region"() ({
      %run_scoped3A = tpu.sem_alloc : memref<!tpu.dma_semaphore, #tpu.memory_space<semaphore_mem>>
      %dma_start3A = arith.constant 0 : i32
      %dma_start3A_33 = tpu.memref_slice %arg4[%add3A_32, %dma_start3A] : memref<20480x128xf32, #tpu.memory_space<hbm>> -> memref<640x128xf32, #tpu.memory_space<hbm>>
      %dma_start3A_34 = arith.constant 0 : i32
      %dma_start3A_35 = tpu.memref_slice %arg8[%mul3A_0, %dma_start3A_34] : memref<10240x128xf32, #tpu.memory_space<vmem_shared>> -> memref<640x128xf32, #tpu.memory_space<vmem_shared>>
      tpu.enqueue_dma source(%dma_start3A_35 : memref<640x128xf32, #tpu.memory_space<vmem_shared>>) target(%dma_start3A_33 : memref<640x128xf32, #tpu.memory_space<hbm>>) target_semaphore(%run_scoped3A : memref<!tpu.dma_semaphore, #tpu.memory_space<semaphore_mem>>)
      %dma_wait3A = arith.constant 0 : i32
      %dma_wait3A_36 = tpu.memref_slice %arg4[%add3A_32, %dma_wait3A] : memref<20480x128xf32, #tpu.memory_space<hbm>> -> memref<640x128xf32, #tpu.memory_space<hbm>>
      %dma_wait3A_37 = arith.constant 0 : i32
      %dma_wait3A_38 = tpu.memref_slice %arg8[%mul3A_0, %dma_wait3A_37] : memref<10240x128xf32, #tpu.memory_space<vmem_shared>> -> memref<640x128xf32, #tpu.memory_space<vmem_shared>>
      tpu.wait_dma2 semaphore(%run_scoped3A : memref<!tpu.dma_semaphore, #tpu.memory_space<semaphore_mem>>) src(%dma_wait3A_38 : memref<640x128xf32, #tpu.memory_space<vmem_shared>>) dst(%dma_wait3A_36 : memref<640x128xf32, #tpu.memory_space<hbm>>)
      tpu.yield
    }) : () -> ()
    return
  }
}

#map = affine_map<(d0, d1) -> (0, 0)>
#map1 = affine_map<(d0, d1) -> (0)>
module attributes {stable_mosaic.version = 14 : i64} {
  func.func @_sc0_body(%arg0: i32, %arg1: i32, %arg2: memref<10240x128xf32, #tpu.memory_space<hbm>>, %arg3: memref<160000xi32, #tpu.memory_space<hbm>>, %arg4: memref<160000xi32, #tpu.memory_space<hbm>>, %arg5: memref<160000x128xf32, #tpu.memory_space<hbm>>, %arg6: memref<160000x128xf32, #tpu.memory_space<hbm>>, %arg7: memref<128xi32, #tpu.memory_space<vmem>>, %arg8: memref<128x128xf32, #tpu.memory_space<vmem>>, %arg9: memref<8xi32, #tpu.memory_space<vmem>>, %arg10: memref<8x128xf32, #tpu.memory_space<vmem>>, %arg11: memref<!tpu.dma_semaphore, #tpu.memory_space<semaphore_mem>>) attributes {dimension_semantics = [#tpu.dimension_semantics<core_parallel>, #tpu.dimension_semantics<subcore_parallel>], iteration_bounds = array<i64: 2, 16>, scalar_prefetch = 0 : i64, scratch_operands = 5 : i64, tpu.core_type = #tpu.core_type<sc_vector_subcore>, window_params = [{transform_indices = #map}, {transform_indices = #map1}, {transform_indices = #map1}, {transform_indices = #map}, {transform_indices = #map}]} {
    %mul3A = arith.constant 2 : i32
    %mul3A_0 = arith.muli %arg1, %mul3A : i32
    %add3A = arith.addi %mul3A_0, %arg0 : i32
    %mul3A_1 = arith.constant 5000 : i32
    %mul3A_2 = arith.muli %add3A, %mul3A_1 : i32
    %scan3A = arith.constant 0 : i32
    %scan3A_3 = arith.constant 0 : i32
    %scan3A_4 = arith.constant 39 : i32
    %scan3A_5 = arith.addi %scan3A_3, %scan3A_4 : i32
    %scan3A_6 = arith.constant 1 : i32
    %scan3A_7 = scf.for %scan3A_30 = %scan3A_3 to %scan3A_5 step %scan3A_6 iter_args(%scan3A_31 = %scan3A) -> (i32)  : i32 {
      %mul3A_32 = arith.constant 128 : i32
      %mul3A_33 = arith.muli %scan3A_30, %mul3A_32 : i32
      %add3A_34 = arith.addi %mul3A_2, %mul3A_33 : i32
      "tpu.region"() ({
        %run_scoped3A = tpu.sem_alloc : memref<!tpu.dma_semaphore, #tpu.memory_space<semaphore_mem>>
        %dma_start3A_42 = tpu.memref_slice %arg3[%add3A_34] : memref<160000xi32, #tpu.memory_space<hbm>> -> memref<128xi32, #tpu.memory_space<hbm>>
        %dma_start3A_43 = tpu.memref_slice %arg3[%add3A_34] : memref<160000xi32, #tpu.memory_space<hbm>> -> memref<128xi32, #tpu.memory_space<hbm>>
        tpu.enqueue_dma source(%dma_start3A_43 : memref<128xi32, #tpu.memory_space<hbm>>) target(%arg7 : memref<128xi32, #tpu.memory_space<vmem>>) target_semaphore(%run_scoped3A : memref<!tpu.dma_semaphore, #tpu.memory_space<semaphore_mem>>)
        %dma_wait3A_44 = tpu.memref_slice %arg3[%add3A_34] : memref<160000xi32, #tpu.memory_space<hbm>> -> memref<128xi32, #tpu.memory_space<hbm>>
        %dma_wait3A_45 = tpu.memref_slice %arg3[%add3A_34] : memref<160000xi32, #tpu.memory_space<hbm>> -> memref<128xi32, #tpu.memory_space<hbm>>
        tpu.wait_dma2 semaphore(%run_scoped3A : memref<!tpu.dma_semaphore, #tpu.memory_space<semaphore_mem>>) src(%dma_wait3A_45 : memref<128xi32, #tpu.memory_space<hbm>>) dst(%arg7 : memref<128xi32, #tpu.memory_space<vmem>>)
        tpu.yield
      }) : () -> ()
      %dma_start3A_35 = arith.constant 0 : i32
      %dma_start3A_36 = arith.constant 0 : i32
      %dma_start3A_37 = tpu.memref_slice %arg2[%dma_start3A_35, %dma_start3A_36] : memref<10240x128xf32, #tpu.memory_space<hbm>> -> memref<10240x128xf32, #tpu.memory_space<hbm>>
      tpu.enqueue_indirect_dma source(%dma_start3A_37 : memref<10240x128xf32, #tpu.memory_space<hbm>>) target(%arg8 : memref<128x128xf32, #tpu.memory_space<vmem>>) offsets(%arg7 : memref<128xi32, #tpu.memory_space<vmem>>) semaphore(%arg11 : memref<!tpu.dma_semaphore, #tpu.memory_space<semaphore_mem>>)
      %dma_wait3A_38 = arith.constant 0 : i32
      %dma_wait3A_39 = arith.constant 0 : i32
      %dma_wait3A_40 = tpu.memref_slice %arg2[%dma_wait3A_38, %dma_wait3A_39] : memref<10240x128xf32, #tpu.memory_space<hbm>> -> memref<10240x128xf32, #tpu.memory_space<hbm>>
      tpu.wait_indirect_dma semaphore(%arg11 : memref<!tpu.dma_semaphore, #tpu.memory_space<semaphore_mem>>) src(%dma_wait3A_40 : memref<10240x128xf32, #tpu.memory_space<hbm>>) dst(%arg8 : memref<128x128xf32, #tpu.memory_space<vmem>>)
      "tpu.region"() ({
        %run_scoped3A = tpu.sem_alloc : memref<!tpu.dma_semaphore, #tpu.memory_space<semaphore_mem>>
        %dma_start3A_42 = arith.constant 0 : i32
        %dma_start3A_43 = tpu.memref_slice %arg5[%add3A_34, %dma_start3A_42] : memref<160000x128xf32, #tpu.memory_space<hbm>> -> memref<128x128xf32, #tpu.memory_space<hbm>>
        %dma_start3A_44 = arith.constant 0 : i32
        %dma_start3A_45 = tpu.memref_slice %arg5[%add3A_34, %dma_start3A_44] : memref<160000x128xf32, #tpu.memory_space<hbm>> -> memref<128x128xf32, #tpu.memory_space<hbm>>
        tpu.enqueue_dma source(%arg8 : memref<128x128xf32, #tpu.memory_space<vmem>>) target(%dma_start3A_45 : memref<128x128xf32, #tpu.memory_space<hbm>>) target_semaphore(%run_scoped3A : memref<!tpu.dma_semaphore, #tpu.memory_space<semaphore_mem>>)
        %dma_wait3A_46 = arith.constant 0 : i32
        %dma_wait3A_47 = tpu.memref_slice %arg5[%add3A_34, %dma_wait3A_46] : memref<160000x128xf32, #tpu.memory_space<hbm>> -> memref<128x128xf32, #tpu.memory_space<hbm>>
        %dma_wait3A_48 = arith.constant 0 : i32
        %dma_wait3A_49 = tpu.memref_slice %arg5[%add3A_34, %dma_wait3A_48] : memref<160000x128xf32, #tpu.memory_space<hbm>> -> memref<128x128xf32, #tpu.memory_space<hbm>>
        tpu.wait_dma2 semaphore(%run_scoped3A : memref<!tpu.dma_semaphore, #tpu.memory_space<semaphore_mem>>) src(%arg8 : memref<128x128xf32, #tpu.memory_space<vmem>>) dst(%dma_wait3A_49 : memref<128x128xf32, #tpu.memory_space<hbm>>)
        tpu.yield
      }) : () -> ()
      %scan3A_41 = arith.constant 0 : i32
      scf.yield %scan3A_41 : i32
    }
    %scan3A_8 = arith.constant 39 : i32
    %add3A_9 = arith.constant 4992 : i32
    %add3A_10 = arith.addi %mul3A_2, %add3A_9 : i32
    "tpu.region"() ({
      %run_scoped3A = tpu.sem_alloc : memref<!tpu.dma_semaphore, #tpu.memory_space<semaphore_mem>>
      %dma_start3A_30 = tpu.memref_slice %arg3[%add3A_10] : memref<160000xi32, #tpu.memory_space<hbm>> -> memref<8xi32, #tpu.memory_space<hbm>>
      %dma_start3A_31 = tpu.memref_slice %arg3[%add3A_10] : memref<160000xi32, #tpu.memory_space<hbm>> -> memref<8xi32, #tpu.memory_space<hbm>>
      tpu.enqueue_dma source(%dma_start3A_31 : memref<8xi32, #tpu.memory_space<hbm>>) target(%arg9 : memref<8xi32, #tpu.memory_space<vmem>>) target_semaphore(%run_scoped3A : memref<!tpu.dma_semaphore, #tpu.memory_space<semaphore_mem>>)
      %dma_wait3A_32 = tpu.memref_slice %arg3[%add3A_10] : memref<160000xi32, #tpu.memory_space<hbm>> -> memref<8xi32, #tpu.memory_space<hbm>>
      %dma_wait3A_33 = tpu.memref_slice %arg3[%add3A_10] : memref<160000xi32, #tpu.memory_space<hbm>> -> memref<8xi32, #tpu.memory_space<hbm>>
      tpu.wait_dma2 semaphore(%run_scoped3A : memref<!tpu.dma_semaphore, #tpu.memory_space<semaphore_mem>>) src(%dma_wait3A_33 : memref<8xi32, #tpu.memory_space<hbm>>) dst(%arg9 : memref<8xi32, #tpu.memory_space<vmem>>)
      tpu.yield
    }) : () -> ()
    %dma_start3A = arith.constant 0 : i32
    %dma_start3A_11 = arith.constant 0 : i32
    %dma_start3A_12 = tpu.memref_slice %arg2[%dma_start3A, %dma_start3A_11] : memref<10240x128xf32, #tpu.memory_space<hbm>> -> memref<10240x128xf32, #tpu.memory_space<hbm>>
    tpu.enqueue_indirect_dma source(%dma_start3A_12 : memref<10240x128xf32, #tpu.memory_space<hbm>>) target(%arg10 : memref<8x128xf32, #tpu.memory_space<vmem>>) offsets(%arg9 : memref<8xi32, #tpu.memory_space<vmem>>) semaphore(%arg11 : memref<!tpu.dma_semaphore, #tpu.memory_space<semaphore_mem>>)
    %dma_wait3A = arith.constant 0 : i32
    %dma_wait3A_13 = arith.constant 0 : i32
    %dma_wait3A_14 = tpu.memref_slice %arg2[%dma_wait3A, %dma_wait3A_13] : memref<10240x128xf32, #tpu.memory_space<hbm>> -> memref<10240x128xf32, #tpu.memory_space<hbm>>
    tpu.wait_indirect_dma semaphore(%arg11 : memref<!tpu.dma_semaphore, #tpu.memory_space<semaphore_mem>>) src(%dma_wait3A_14 : memref<10240x128xf32, #tpu.memory_space<hbm>>) dst(%arg10 : memref<8x128xf32, #tpu.memory_space<vmem>>)
    "tpu.region"() ({
      %run_scoped3A = tpu.sem_alloc : memref<!tpu.dma_semaphore, #tpu.memory_space<semaphore_mem>>
      %dma_start3A_30 = arith.constant 0 : i32
      %dma_start3A_31 = tpu.memref_slice %arg5[%add3A_10, %dma_start3A_30] : memref<160000x128xf32, #tpu.memory_space<hbm>> -> memref<8x128xf32, #tpu.memory_space<hbm>>
      %dma_start3A_32 = arith.constant 0 : i32
      %dma_start3A_33 = tpu.memref_slice %arg5[%add3A_10, %dma_start3A_32] : memref<160000x128xf32, #tpu.memory_space<hbm>> -> memref<8x128xf32, #tpu.memory_space<hbm>>
      tpu.enqueue_dma source(%arg10 : memref<8x128xf32, #tpu.memory_space<vmem>>) target(%dma_start3A_33 : memref<8x128xf32, #tpu.memory_space<hbm>>) target_semaphore(%run_scoped3A : memref<!tpu.dma_semaphore, #tpu.memory_space<semaphore_mem>>)
      %dma_wait3A_34 = arith.constant 0 : i32
      %dma_wait3A_35 = tpu.memref_slice %arg5[%add3A_10, %dma_wait3A_34] : memref<160000x128xf32, #tpu.memory_space<hbm>> -> memref<8x128xf32, #tpu.memory_space<hbm>>
      %dma_wait3A_36 = arith.constant 0 : i32
      %dma_wait3A_37 = tpu.memref_slice %arg5[%add3A_10, %dma_wait3A_36] : memref<160000x128xf32, #tpu.memory_space<hbm>> -> memref<8x128xf32, #tpu.memory_space<hbm>>
      tpu.wait_dma2 semaphore(%run_scoped3A : memref<!tpu.dma_semaphore, #tpu.memory_space<semaphore_mem>>) src(%arg10 : memref<8x128xf32, #tpu.memory_space<vmem>>) dst(%dma_wait3A_37 : memref<8x128xf32, #tpu.memory_space<hbm>>)
      tpu.yield
    }) : () -> ()
    %scan3A_15 = arith.constant 0 : i32
    %scan3A_16 = arith.constant 0 : i32
    %scan3A_17 = arith.constant 39 : i32
    %scan3A_18 = arith.addi %scan3A_16, %scan3A_17 : i32
    %scan3A_19 = arith.constant 1 : i32
    %scan3A_20 = scf.for %scan3A_30 = %scan3A_16 to %scan3A_18 step %scan3A_19 iter_args(%scan3A_31 = %scan3A_15) -> (i32)  : i32 {
      %mul3A_32 = arith.constant 128 : i32
      %mul3A_33 = arith.muli %scan3A_30, %mul3A_32 : i32
      %add3A_34 = arith.addi %mul3A_2, %mul3A_33 : i32
      "tpu.region"() ({
        %run_scoped3A = tpu.sem_alloc : memref<!tpu.dma_semaphore, #tpu.memory_space<semaphore_mem>>
        %dma_start3A_42 = tpu.memref_slice %arg4[%add3A_34] : memref<160000xi32, #tpu.memory_space<hbm>> -> memref<128xi32, #tpu.memory_space<hbm>>
        %dma_start3A_43 = tpu.memref_slice %arg4[%add3A_34] : memref<160000xi32, #tpu.memory_space<hbm>> -> memref<128xi32, #tpu.memory_space<hbm>>
        tpu.enqueue_dma source(%dma_start3A_43 : memref<128xi32, #tpu.memory_space<hbm>>) target(%arg7 : memref<128xi32, #tpu.memory_space<vmem>>) target_semaphore(%run_scoped3A : memref<!tpu.dma_semaphore, #tpu.memory_space<semaphore_mem>>)
        %dma_wait3A_44 = tpu.memref_slice %arg4[%add3A_34] : memref<160000xi32, #tpu.memory_space<hbm>> -> memref<128xi32, #tpu.memory_space<hbm>>
        %dma_wait3A_45 = tpu.memref_slice %arg4[%add3A_34] : memref<160000xi32, #tpu.memory_space<hbm>> -> memref<128xi32, #tpu.memory_space<hbm>>
        tpu.wait_dma2 semaphore(%run_scoped3A : memref<!tpu.dma_semaphore, #tpu.memory_space<semaphore_mem>>) src(%dma_wait3A_45 : memref<128xi32, #tpu.memory_space<hbm>>) dst(%arg7 : memref<128xi32, #tpu.memory_space<vmem>>)
        tpu.yield
      }) : () -> ()
      %dma_start3A_35 = arith.constant 0 : i32
      %dma_start3A_36 = arith.constant 0 : i32
      %dma_start3A_37 = tpu.memref_slice %arg2[%dma_start3A_35, %dma_start3A_36] : memref<10240x128xf32, #tpu.memory_space<hbm>> -> memref<10240x128xf32, #tpu.memory_space<hbm>>
      tpu.enqueue_indirect_dma source(%dma_start3A_37 : memref<10240x128xf32, #tpu.memory_space<hbm>>) target(%arg8 : memref<128x128xf32, #tpu.memory_space<vmem>>) offsets(%arg7 : memref<128xi32, #tpu.memory_space<vmem>>) semaphore(%arg11 : memref<!tpu.dma_semaphore, #tpu.memory_space<semaphore_mem>>)
      %dma_wait3A_38 = arith.constant 0 : i32
      %dma_wait3A_39 = arith.constant 0 : i32
      %dma_wait3A_40 = tpu.memref_slice %arg2[%dma_wait3A_38, %dma_wait3A_39] : memref<10240x128xf32, #tpu.memory_space<hbm>> -> memref<10240x128xf32, #tpu.memory_space<hbm>>
      tpu.wait_indirect_dma semaphore(%arg11 : memref<!tpu.dma_semaphore, #tpu.memory_space<semaphore_mem>>) src(%dma_wait3A_40 : memref<10240x128xf32, #tpu.memory_space<hbm>>) dst(%arg8 : memref<128x128xf32, #tpu.memory_space<vmem>>)
      "tpu.region"() ({
        %run_scoped3A = tpu.sem_alloc : memref<!tpu.dma_semaphore, #tpu.memory_space<semaphore_mem>>
        %dma_start3A_42 = arith.constant 0 : i32
        %dma_start3A_43 = tpu.memref_slice %arg6[%add3A_34, %dma_start3A_42] : memref<160000x128xf32, #tpu.memory_space<hbm>> -> memref<128x128xf32, #tpu.memory_space<hbm>>
        %dma_start3A_44 = arith.constant 0 : i32
        %dma_start3A_45 = tpu.memref_slice %arg6[%add3A_34, %dma_start3A_44] : memref<160000x128xf32, #tpu.memory_space<hbm>> -> memref<128x128xf32, #tpu.memory_space<hbm>>
        tpu.enqueue_dma source(%arg8 : memref<128x128xf32, #tpu.memory_space<vmem>>) target(%dma_start3A_45 : memref<128x128xf32, #tpu.memory_space<hbm>>) target_semaphore(%run_scoped3A : memref<!tpu.dma_semaphore, #tpu.memory_space<semaphore_mem>>)
        %dma_wait3A_46 = arith.constant 0 : i32
        %dma_wait3A_47 = tpu.memref_slice %arg6[%add3A_34, %dma_wait3A_46] : memref<160000x128xf32, #tpu.memory_space<hbm>> -> memref<128x128xf32, #tpu.memory_space<hbm>>
        %dma_wait3A_48 = arith.constant 0 : i32
        %dma_wait3A_49 = tpu.memref_slice %arg6[%add3A_34, %dma_wait3A_48] : memref<160000x128xf32, #tpu.memory_space<hbm>> -> memref<128x128xf32, #tpu.memory_space<hbm>>
        tpu.wait_dma2 semaphore(%run_scoped3A : memref<!tpu.dma_semaphore, #tpu.memory_space<semaphore_mem>>) src(%arg8 : memref<128x128xf32, #tpu.memory_space<vmem>>) dst(%dma_wait3A_49 : memref<128x128xf32, #tpu.memory_space<hbm>>)
        tpu.yield
      }) : () -> ()
      %scan3A_41 = arith.constant 0 : i32
      scf.yield %scan3A_41 : i32
    }
    %scan3A_21 = arith.constant 39 : i32
    %add3A_22 = arith.constant 4992 : i32
    %add3A_23 = arith.addi %mul3A_2, %add3A_22 : i32
    "tpu.region"() ({
      %run_scoped3A = tpu.sem_alloc : memref<!tpu.dma_semaphore, #tpu.memory_space<semaphore_mem>>
      %dma_start3A_30 = tpu.memref_slice %arg4[%add3A_23] : memref<160000xi32, #tpu.memory_space<hbm>> -> memref<8xi32, #tpu.memory_space<hbm>>
      %dma_start3A_31 = tpu.memref_slice %arg4[%add3A_23] : memref<160000xi32, #tpu.memory_space<hbm>> -> memref<8xi32, #tpu.memory_space<hbm>>
      tpu.enqueue_dma source(%dma_start3A_31 : memref<8xi32, #tpu.memory_space<hbm>>) target(%arg9 : memref<8xi32, #tpu.memory_space<vmem>>) target_semaphore(%run_scoped3A : memref<!tpu.dma_semaphore, #tpu.memory_space<semaphore_mem>>)
      %dma_wait3A_32 = tpu.memref_slice %arg4[%add3A_23] : memref<160000xi32, #tpu.memory_space<hbm>> -> memref<8xi32, #tpu.memory_space<hbm>>
      %dma_wait3A_33 = tpu.memref_slice %arg4[%add3A_23] : memref<160000xi32, #tpu.memory_space<hbm>> -> memref<8xi32, #tpu.memory_space<hbm>>
      tpu.wait_dma2 semaphore(%run_scoped3A : memref<!tpu.dma_semaphore, #tpu.memory_space<semaphore_mem>>) src(%dma_wait3A_33 : memref<8xi32, #tpu.memory_space<hbm>>) dst(%arg9 : memref<8xi32, #tpu.memory_space<vmem>>)
      tpu.yield
    }) : () -> ()
    %dma_start3A_24 = arith.constant 0 : i32
    %dma_start3A_25 = arith.constant 0 : i32
    %dma_start3A_26 = tpu.memref_slice %arg2[%dma_start3A_24, %dma_start3A_25] : memref<10240x128xf32, #tpu.memory_space<hbm>> -> memref<10240x128xf32, #tpu.memory_space<hbm>>
    tpu.enqueue_indirect_dma source(%dma_start3A_26 : memref<10240x128xf32, #tpu.memory_space<hbm>>) target(%arg10 : memref<8x128xf32, #tpu.memory_space<vmem>>) offsets(%arg9 : memref<8xi32, #tpu.memory_space<vmem>>) semaphore(%arg11 : memref<!tpu.dma_semaphore, #tpu.memory_space<semaphore_mem>>)
    %dma_wait3A_27 = arith.constant 0 : i32
    %dma_wait3A_28 = arith.constant 0 : i32
    %dma_wait3A_29 = tpu.memref_slice %arg2[%dma_wait3A_27, %dma_wait3A_28] : memref<10240x128xf32, #tpu.memory_space<hbm>> -> memref<10240x128xf32, #tpu.memory_space<hbm>>
    tpu.wait_indirect_dma semaphore(%arg11 : memref<!tpu.dma_semaphore, #tpu.memory_space<semaphore_mem>>) src(%dma_wait3A_29 : memref<10240x128xf32, #tpu.memory_space<hbm>>) dst(%arg10 : memref<8x128xf32, #tpu.memory_space<vmem>>)
    "tpu.region"() ({
      %run_scoped3A = tpu.sem_alloc : memref<!tpu.dma_semaphore, #tpu.memory_space<semaphore_mem>>
      %dma_start3A_30 = arith.constant 0 : i32
      %dma_start3A_31 = tpu.memref_slice %arg6[%add3A_23, %dma_start3A_30] : memref<160000x128xf32, #tpu.memory_space<hbm>> -> memref<8x128xf32, #tpu.memory_space<hbm>>
      %dma_start3A_32 = arith.constant 0 : i32
      %dma_start3A_33 = tpu.memref_slice %arg6[%add3A_23, %dma_start3A_32] : memref<160000x128xf32, #tpu.memory_space<hbm>> -> memref<8x128xf32, #tpu.memory_space<hbm>>
      tpu.enqueue_dma source(%arg10 : memref<8x128xf32, #tpu.memory_space<vmem>>) target(%dma_start3A_33 : memref<8x128xf32, #tpu.memory_space<hbm>>) target_semaphore(%run_scoped3A : memref<!tpu.dma_semaphore, #tpu.memory_space<semaphore_mem>>)
      %dma_wait3A_34 = arith.constant 0 : i32
      %dma_wait3A_35 = tpu.memref_slice %arg6[%add3A_23, %dma_wait3A_34] : memref<160000x128xf32, #tpu.memory_space<hbm>> -> memref<8x128xf32, #tpu.memory_space<hbm>>
      %dma_wait3A_36 = arith.constant 0 : i32
      %dma_wait3A_37 = tpu.memref_slice %arg6[%add3A_23, %dma_wait3A_36] : memref<160000x128xf32, #tpu.memory_space<hbm>> -> memref<8x128xf32, #tpu.memory_space<hbm>>
      tpu.wait_dma2 semaphore(%run_scoped3A : memref<!tpu.dma_semaphore, #tpu.memory_space<semaphore_mem>>) src(%arg10 : memref<8x128xf32, #tpu.memory_space<vmem>>) dst(%dma_wait3A_37 : memref<8x128xf32, #tpu.memory_space<hbm>>)
      tpu.yield
    }) : () -> ()
    return
  }
}

#map = affine_map<(d0, d1) -> (0, 0)>
#map1 = affine_map<(d0, d1) -> (0)>
module attributes {stable_mosaic.version = 14 : i64} {
  func.func @_sc2_body(%arg0: i32, %arg1: i32, %arg2: memref<20480x128xf32, #tpu.memory_space<hbm>>, %arg3: memref<163840xi32, #tpu.memory_space<hbm>>, %arg4: memref<163840xi32, #tpu.memory_space<hbm>>, %arg5: memref<163840x16xf32, #tpu.memory_space<hbm>>, %arg6: memref<20480x128xf32, #tpu.memory_space<hbm>>, %arg7: memref<128xi32, #tpu.memory_space<vmem>>, %arg8: memref<1x128xi32, #tpu.memory_space<vmem>>, %arg9: memref<128x16xf32, #tpu.memory_space<vmem>>, %arg10: memref<128x128xf32, #tpu.memory_space<vmem>>, %arg11: memref<!tpu.dma_semaphore, #tpu.memory_space<semaphore_mem>>, %arg12: memref<10240x128xf32, #tpu.memory_space<vmem_shared>>) attributes {dimension_semantics = [#tpu.dimension_semantics<core_parallel>, #tpu.dimension_semantics<subcore_parallel>], iteration_bounds = array<i64: 2, 16>, scalar_prefetch = 0 : i64, scratch_operands = 6 : i64, tpu.core_type = #tpu.core_type<sc_vector_subcore>, window_params = [{transform_indices = #map}, {transform_indices = #map1}, {transform_indices = #map1}, {transform_indices = #map}, {transform_indices = #map}]} {
    %mul3A = arith.constant 640 : i32
    %mul3A_0 = arith.muli %arg1, %mul3A : i32
    %broadcast_in_dim3A = arith.constant 0.000000e+00 : f32
    %broadcast_in_dim3A_1 = vector.broadcast %broadcast_in_dim3A : f32 to vector<16xf32>
    %scan3A = arith.constant 0 : i32
    %scan3A_2 = arith.constant 0 : i32
    %scan3A_3 = arith.constant 128 : i32
    %scan3A_4 = arith.addi %scan3A_2, %scan3A_3 : i32
    %scan3A_5 = arith.constant 1 : i32
    %scan3A_6 = scf.for %scan3A_30 = %scan3A_2 to %scan3A_4 step %scan3A_5 iter_args(%scan3A_31 = %scan3A) -> (i32)  : i32 {
      %swap3A = arith.index_cast %scan3A_30 : i32 to index
      %swap3A_32 = arith.constant 0 : index
      %swap3A_33 = tpu.vector_load %arg10[%swap3A, %swap3A_32] {strides = array<i32>} : memref<128x128xf32, #tpu.memory_space<vmem>>, vector<1x16xf32>,
      %swap3A_34 = vector.shape_cast %swap3A_33 : vector<1x16xf32> to vector<16xf32>
      %swap3A_35 = vector.shape_cast %broadcast_in_dim3A_1 : vector<16xf32> to vector<1x16xf32>
      tpu.vector_store %arg10[%swap3A, %swap3A_32], %swap3A_35 {strides = array<i32>} : memref<128x128xf32, #tpu.memory_space<vmem>>, vector<1x16xf32>,
      %swap3A_36 = arith.index_cast %scan3A_30 : i32 to index
      %swap3A_37 = arith.constant 16 : index
      %swap3A_38 = tpu.vector_load %arg10[%swap3A_36, %swap3A_37] {strides = array<i32>} : memref<128x128xf32, #tpu.memory_space<vmem>>, vector<1x16xf32>,
      %swap3A_39 = vector.shape_cast %swap3A_38 : vector<1x16xf32> to vector<16xf32>
      %swap3A_40 = vector.shape_cast %broadcast_in_dim3A_1 : vector<16xf32> to vector<1x16xf32>
      tpu.vector_store %arg10[%swap3A_36, %swap3A_37], %swap3A_40 {strides = array<i32>} : memref<128x128xf32, #tpu.memory_space<vmem>>, vector<1x16xf32>,
      %swap3A_41 = arith.index_cast %scan3A_30 : i32 to index
      %swap3A_42 = arith.constant 32 : index
      %swap3A_43 = tpu.vector_load %arg10[%swap3A_41, %swap3A_42] {strides = array<i32>} : memref<128x128xf32, #tpu.memory_space<vmem>>, vector<1x16xf32>,
      %swap3A_44 = vector.shape_cast %swap3A_43 : vector<1x16xf32> to vector<16xf32>
      %swap3A_45 = vector.shape_cast %broadcast_in_dim3A_1 : vector<16xf32> to vector<1x16xf32>
      tpu.vector_store %arg10[%swap3A_41, %swap3A_42], %swap3A_45 {strides = array<i32>} : memref<128x128xf32, #tpu.memory_space<vmem>>, vector<1x16xf32>,
      %swap3A_46 = arith.index_cast %scan3A_30 : i32 to index
      %swap3A_47 = arith.constant 48 : index
      %swap3A_48 = tpu.vector_load %arg10[%swap3A_46, %swap3A_47] {strides = array<i32>} : memref<128x128xf32, #tpu.memory_space<vmem>>, vector<1x16xf32>,
      %swap3A_49 = vector.shape_cast %swap3A_48 : vector<1x16xf32> to vector<16xf32>
      %swap3A_50 = vector.shape_cast %broadcast_in_dim3A_1 : vector<16xf32> to vector<1x16xf32>
      tpu.vector_store %arg10[%swap3A_46, %swap3A_47], %swap3A_50 {strides = array<i32>} : memref<128x128xf32, #tpu.memory_space<vmem>>, vector<1x16xf32>,
      %swap3A_51 = arith.index_cast %scan3A_30 : i32 to index
      %swap3A_52 = arith.constant 64 : index
      %swap3A_53 = tpu.vector_load %arg10[%swap3A_51, %swap3A_52] {strides = array<i32>} : memref<128x128xf32, #tpu.memory_space<vmem>>, vector<1x16xf32>,
      %swap3A_54 = vector.shape_cast %swap3A_53 : vector<1x16xf32> to vector<16xf32>
      %swap3A_55 = vector.shape_cast %broadcast_in_dim3A_1 : vector<16xf32> to vector<1x16xf32>
      tpu.vector_store %arg10[%swap3A_51, %swap3A_52], %swap3A_55 {strides = array<i32>} : memref<128x128xf32, #tpu.memory_space<vmem>>, vector<1x16xf32>,
      %swap3A_56 = arith.index_cast %scan3A_30 : i32 to index
      %swap3A_57 = arith.constant 80 : index
      %swap3A_58 = tpu.vector_load %arg10[%swap3A_56, %swap3A_57] {strides = array<i32>} : memref<128x128xf32, #tpu.memory_space<vmem>>, vector<1x16xf32>,
      %swap3A_59 = vector.shape_cast %swap3A_58 : vector<1x16xf32> to vector<16xf32>
      %swap3A_60 = vector.shape_cast %broadcast_in_dim3A_1 : vector<16xf32> to vector<1x16xf32>
      tpu.vector_store %arg10[%swap3A_56, %swap3A_57], %swap3A_60 {strides = array<i32>} : memref<128x128xf32, #tpu.memory_space<vmem>>, vector<1x16xf32>,
      %swap3A_61 = arith.index_cast %scan3A_30 : i32 to index
      %swap3A_62 = arith.constant 96 : index
      %swap3A_63 = tpu.vector_load %arg10[%swap3A_61, %swap3A_62] {strides = array<i32>} : memref<128x128xf32, #tpu.memory_space<vmem>>, vector<1x16xf32>,
      %swap3A_64 = vector.shape_cast %swap3A_63 : vector<1x16xf32> to vector<16xf32>
      %swap3A_65 = vector.shape_cast %broadcast_in_dim3A_1 : vector<16xf32> to vector<1x16xf32>
      tpu.vector_store %arg10[%swap3A_61, %swap3A_62], %swap3A_65 {strides = array<i32>} : memref<128x128xf32, #tpu.memory_space<vmem>>, vector<1x16xf32>,
      %swap3A_66 = arith.index_cast %scan3A_30 : i32 to index
      %swap3A_67 = arith.constant 112 : index
      %swap3A_68 = tpu.vector_load %arg10[%swap3A_66, %swap3A_67] {strides = array<i32>} : memref<128x128xf32, #tpu.memory_space<vmem>>, vector<1x16xf32>,
      %swap3A_69 = vector.shape_cast %swap3A_68 : vector<1x16xf32> to vector<16xf32>
      %swap3A_70 = vector.shape_cast %broadcast_in_dim3A_1 : vector<16xf32> to vector<1x16xf32>
      tpu.vector_store %arg10[%swap3A_66, %swap3A_67], %swap3A_70 {strides = array<i32>} : memref<128x128xf32, #tpu.memory_space<vmem>>, vector<1x16xf32>,
      %scan3A_71 = arith.constant 0 : i32
      scf.yield %scan3A_71 : i32
    }
    %scan3A_7 = arith.constant 128 : i32
    %add3A = arith.constant 0 : i32
    %add3A_8 = arith.addi %mul3A_0, %add3A : i32
    "tpu.region"() ({
      %run_scoped3A = tpu.sem_alloc : memref<!tpu.dma_semaphore, #tpu.memory_space<semaphore_mem>>
      %dma_start3A = arith.constant 0 : i32
      %dma_start3A_30 = tpu.memref_slice %arg12[%add3A_8, %dma_start3A] : memref<10240x128xf32, #tpu.memory_space<vmem_shared>> -> memref<128x128xf32, #tpu.memory_space<vmem_shared>>
      %dma_start3A_31 = arith.constant 0 : i32
      %dma_start3A_32 = tpu.memref_slice %arg12[%add3A_8, %dma_start3A_31] : memref<10240x128xf32, #tpu.memory_space<vmem_shared>> -> memref<128x128xf32, #tpu.memory_space<vmem_shared>>
      tpu.enqueue_dma source(%arg10 : memref<128x128xf32, #tpu.memory_space<vmem>>) target(%dma_start3A_32 : memref<128x128xf32, #tpu.memory_space<vmem_shared>>) target_semaphore(%run_scoped3A : memref<!tpu.dma_semaphore, #tpu.memory_space<semaphore_mem>>)
      %dma_wait3A = arith.constant 0 : i32
      %dma_wait3A_33 = tpu.memref_slice %arg12[%add3A_8, %dma_wait3A] : memref<10240x128xf32, #tpu.memory_space<vmem_shared>> -> memref<128x128xf32, #tpu.memory_space<vmem_shared>>
      %dma_wait3A_34 = arith.constant 0 : i32
      %dma_wait3A_35 = tpu.memref_slice %arg12[%add3A_8, %dma_wait3A_34] : memref<10240x128xf32, #tpu.memory_space<vmem_shared>> -> memref<128x128xf32, #tpu.memory_space<vmem_shared>>
      tpu.wait_dma2 semaphore(%run_scoped3A : memref<!tpu.dma_semaphore, #tpu.memory_space<semaphore_mem>>) src(%arg10 : memref<128x128xf32, #tpu.memory_space<vmem>>) dst(%dma_wait3A_35 : memref<128x128xf32, #tpu.memory_space<vmem_shared>>)
      tpu.yield
    }) : () -> ()
    %add3A_9 = arith.constant 128 : i32
    %add3A_10 = arith.addi %mul3A_0, %add3A_9 : i32
    "tpu.region"() ({
      %run_scoped3A = tpu.sem_alloc : memref<!tpu.dma_semaphore, #tpu.memory_space<semaphore_mem>>
      %dma_start3A = arith.constant 0 : i32
      %dma_start3A_30 = tpu.memref_slice %arg12[%add3A_10, %dma_start3A] : memref<10240x128xf32, #tpu.memory_space<vmem_shared>> -> memref<128x128xf32, #tpu.memory_space<vmem_shared>>
      %dma_start3A_31 = arith.constant 0 : i32
      %dma_start3A_32 = tpu.memref_slice %arg12[%add3A_10, %dma_start3A_31] : memref<10240x128xf32, #tpu.memory_space<vmem_shared>> -> memref<128x128xf32, #tpu.memory_space<vmem_shared>>
      tpu.enqueue_dma source(%arg10 : memref<128x128xf32, #tpu.memory_space<vmem>>) target(%dma_start3A_32 : memref<128x128xf32, #tpu.memory_space<vmem_shared>>) target_semaphore(%run_scoped3A : memref<!tpu.dma_semaphore, #tpu.memory_space<semaphore_mem>>)
      %dma_wait3A = arith.constant 0 : i32
      %dma_wait3A_33 = tpu.memref_slice %arg12[%add3A_10, %dma_wait3A] : memref<10240x128xf32, #tpu.memory_space<vmem_shared>> -> memref<128x128xf32, #tpu.memory_space<vmem_shared>>
      %dma_wait3A_34 = arith.constant 0 : i32
      %dma_wait3A_35 = tpu.memref_slice %arg12[%add3A_10, %dma_wait3A_34] : memref<10240x128xf32, #tpu.memory_space<vmem_shared>> -> memref<128x128xf32, #tpu.memory_space<vmem_shared>>
      tpu.wait_dma2 semaphore(%run_scoped3A : memref<!tpu.dma_semaphore, #tpu.memory_space<semaphore_mem>>) src(%arg10 : memref<128x128xf32, #tpu.memory_space<vmem>>) dst(%dma_wait3A_35 : memref<128x128xf32, #tpu.memory_space<vmem_shared>>)
      tpu.yield
    }) : () -> ()
    %add3A_11 = arith.constant 256 : i32
    %add3A_12 = arith.addi %mul3A_0, %add3A_11 : i32
    "tpu.region"() ({
      %run_scoped3A = tpu.sem_alloc : memref<!tpu.dma_semaphore, #tpu.memory_space<semaphore_mem>>
      %dma_start3A = arith.constant 0 : i32
      %dma_start3A_30 = tpu.memref_slice %arg12[%add3A_12, %dma_start3A] : memref<10240x128xf32, #tpu.memory_space<vmem_shared>> -> memref<128x128xf32, #tpu.memory_space<vmem_shared>>
      %dma_start3A_31 = arith.constant 0 : i32
      %dma_start3A_32 = tpu.memref_slice %arg12[%add3A_12, %dma_start3A_31] : memref<10240x128xf32, #tpu.memory_space<vmem_shared>> -> memref<128x128xf32, #tpu.memory_space<vmem_shared>>
      tpu.enqueue_dma source(%arg10 : memref<128x128xf32, #tpu.memory_space<vmem>>) target(%dma_start3A_32 : memref<128x128xf32, #tpu.memory_space<vmem_shared>>) target_semaphore(%run_scoped3A : memref<!tpu.dma_semaphore, #tpu.memory_space<semaphore_mem>>)
      %dma_wait3A = arith.constant 0 : i32
      %dma_wait3A_33 = tpu.memref_slice %arg12[%add3A_12, %dma_wait3A] : memref<10240x128xf32, #tpu.memory_space<vmem_shared>> -> memref<128x128xf32, #tpu.memory_space<vmem_shared>>
      %dma_wait3A_34 = arith.constant 0 : i32
      %dma_wait3A_35 = tpu.memref_slice %arg12[%add3A_12, %dma_wait3A_34] : memref<10240x128xf32, #tpu.memory_space<vmem_shared>> -> memref<128x128xf32, #tpu.memory_space<vmem_shared>>
      tpu.wait_dma2 semaphore(%run_scoped3A : memref<!tpu.dma_semaphore, #tpu.memory_space<semaphore_mem>>) src(%arg10 : memref<128x128xf32, #tpu.memory_space<vmem>>) dst(%dma_wait3A_35 : memref<128x128xf32, #tpu.memory_space<vmem_shared>>)
      tpu.yield
    }) : () -> ()
    %add3A_13 = arith.constant 384 : i32
    %add3A_14 = arith.addi %mul3A_0, %add3A_13 : i32
    "tpu.region"() ({
      %run_scoped3A = tpu.sem_alloc : memref<!tpu.dma_semaphore, #tpu.memory_space<semaphore_mem>>
      %dma_start3A = arith.constant 0 : i32
      %dma_start3A_30 = tpu.memref_slice %arg12[%add3A_14, %dma_start3A] : memref<10240x128xf32, #tpu.memory_space<vmem_shared>> -> memref<128x128xf32, #tpu.memory_space<vmem_shared>>
      %dma_start3A_31 = arith.constant 0 : i32
      %dma_start3A_32 = tpu.memref_slice %arg12[%add3A_14, %dma_start3A_31] : memref<10240x128xf32, #tpu.memory_space<vmem_shared>> -> memref<128x128xf32, #tpu.memory_space<vmem_shared>>
      tpu.enqueue_dma source(%arg10 : memref<128x128xf32, #tpu.memory_space<vmem>>) target(%dma_start3A_32 : memref<128x128xf32, #tpu.memory_space<vmem_shared>>) target_semaphore(%run_scoped3A : memref<!tpu.dma_semaphore, #tpu.memory_space<semaphore_mem>>)
      %dma_wait3A = arith.constant 0 : i32
      %dma_wait3A_33 = tpu.memref_slice %arg12[%add3A_14, %dma_wait3A] : memref<10240x128xf32, #tpu.memory_space<vmem_shared>> -> memref<128x128xf32, #tpu.memory_space<vmem_shared>>
      %dma_wait3A_34 = arith.constant 0 : i32
      %dma_wait3A_35 = tpu.memref_slice %arg12[%add3A_14, %dma_wait3A_34] : memref<10240x128xf32, #tpu.memory_space<vmem_shared>> -> memref<128x128xf32, #tpu.memory_space<vmem_shared>>
      tpu.wait_dma2 semaphore(%run_scoped3A : memref<!tpu.dma_semaphore, #tpu.memory_space<semaphore_mem>>) src(%arg10 : memref<128x128xf32, #tpu.memory_space<vmem>>) dst(%dma_wait3A_35 : memref<128x128xf32, #tpu.memory_space<vmem_shared>>)
      tpu.yield
    }) : () -> ()
    %add3A_15 = arith.constant 512 : i32
    %add3A_16 = arith.addi %mul3A_0, %add3A_15 : i32
    "tpu.region"() ({
      %run_scoped3A = tpu.sem_alloc : memref<!tpu.dma_semaphore, #tpu.memory_space<semaphore_mem>>
      %dma_start3A = arith.constant 0 : i32
      %dma_start3A_30 = tpu.memref_slice %arg12[%add3A_16, %dma_start3A] : memref<10240x128xf32, #tpu.memory_space<vmem_shared>> -> memref<128x128xf32, #tpu.memory_space<vmem_shared>>
      %dma_start3A_31 = arith.constant 0 : i32
      %dma_start3A_32 = tpu.memref_slice %arg12[%add3A_16, %dma_start3A_31] : memref<10240x128xf32, #tpu.memory_space<vmem_shared>> -> memref<128x128xf32, #tpu.memory_space<vmem_shared>>
      tpu.enqueue_dma source(%arg10 : memref<128x128xf32, #tpu.memory_space<vmem>>) target(%dma_start3A_32 : memref<128x128xf32, #tpu.memory_space<vmem_shared>>) target_semaphore(%run_scoped3A : memref<!tpu.dma_semaphore, #tpu.memory_space<semaphore_mem>>)
      %dma_wait3A = arith.constant 0 : i32
      %dma_wait3A_33 = tpu.memref_slice %arg12[%add3A_16, %dma_wait3A] : memref<10240x128xf32, #tpu.memory_space<vmem_shared>> -> memref<128x128xf32, #tpu.memory_space<vmem_shared>>
      %dma_wait3A_34 = arith.constant 0 : i32
      %dma_wait3A_35 = tpu.memref_slice %arg12[%add3A_16, %dma_wait3A_34] : memref<10240x128xf32, #tpu.memory_space<vmem_shared>> -> memref<128x128xf32, #tpu.memory_space<vmem_shared>>
      tpu.wait_dma2 semaphore(%run_scoped3A : memref<!tpu.dma_semaphore, #tpu.memory_space<semaphore_mem>>) src(%arg10 : memref<128x128xf32, #tpu.memory_space<vmem>>) dst(%dma_wait3A_35 : memref<128x128xf32, #tpu.memory_space<vmem_shared>>)
      tpu.yield
    }) : () -> ()
    %barrier3A = arith.constant 0 : index
    tpu.barrier barrier_id(%barrier3A)
    %mul3A_17 = arith.constant 10240 : i32
    %mul3A_18 = arith.muli %arg1, %mul3A_17 : i32
    %mul3A_19 = arith.constant 10240 : i32
    %mul3A_20 = arith.muli %arg0, %mul3A_19 : i32
    %scan3A_21 = arith.constant 0 : i32
    %scan3A_22 = arith.constant 0 : i32
    %scan3A_23 = arith.constant 80 : i32
    %scan3A_24 = arith.addi %scan3A_22, %scan3A_23 : i32
    %scan3A_25 = arith.constant 1 : i32
    %scan3A_26 = scf.for %scan3A_30 = %scan3A_22 to %scan3A_24 step %scan3A_25 iter_args(%scan3A_31 = %scan3A_21) -> (i32)  : i32 {
      %mul3A_32 = arith.constant 128 : i32
      %mul3A_33 = arith.muli %scan3A_30, %mul3A_32 : i32
      %add3A_34 = arith.addi %mul3A_18, %mul3A_33 : i32
      "tpu.region"() ({
        %run_scoped3A_118 = tpu.sem_alloc : memref<!tpu.dma_semaphore, #tpu.memory_space<semaphore_mem>>
        %dma_start3A_119 = tpu.memref_slice %arg3[%add3A_34] : memref<163840xi32, #tpu.memory_space<hbm>> -> memref<128xi32, #tpu.memory_space<hbm>>
        %dma_start3A_120 = tpu.memref_slice %arg3[%add3A_34] : memref<163840xi32, #tpu.memory_space<hbm>> -> memref<128xi32, #tpu.memory_space<hbm>>
        tpu.enqueue_dma source(%dma_start3A_120 : memref<128xi32, #tpu.memory_space<hbm>>) target(%arg7 : memref<128xi32, #tpu.memory_space<vmem>>) target_semaphore(%run_scoped3A_118 : memref<!tpu.dma_semaphore, #tpu.memory_space<semaphore_mem>>)
        %dma_wait3A_121 = tpu.memref_slice %arg3[%add3A_34] : memref<163840xi32, #tpu.memory_space<hbm>> -> memref<128xi32, #tpu.memory_space<hbm>>
        %dma_wait3A_122 = tpu.memref_slice %arg3[%add3A_34] : memref<163840xi32, #tpu.memory_space<hbm>> -> memref<128xi32, #tpu.memory_space<hbm>>
        tpu.wait_dma2 semaphore(%run_scoped3A_118 : memref<!tpu.dma_semaphore, #tpu.memory_space<semaphore_mem>>) src(%dma_wait3A_122 : memref<128xi32, #tpu.memory_space<hbm>>) dst(%arg7 : memref<128xi32, #tpu.memory_space<vmem>>)
        tpu.yield
      }) : () -> ()
      %run_scoped3A = arith.constant 0 : i32
      "tpu.region"() ({
        %run_scoped3A_118 = tpu.sem_alloc : memref<!tpu.dma_semaphore, #tpu.memory_space<semaphore_mem>>
        %dma_start3A_119 = arith.constant 0 : i32
        %dma_start3A_120 = tpu.memref_slice %arg8[%run_scoped3A, %dma_start3A_119] : memref<1x128xi32, #tpu.memory_space<vmem>> -> memref<1x128xi32, #tpu.memory_space<vmem>>
        %dma_start3A_121 = tpu.memref_squeeze %dma_start3A_120 : memref<1x128xi32, #tpu.memory_space<vmem>> -> memref<128xi32, #tpu.memory_space<vmem>>
        %dma_start3A_122 = tpu.memref_slice %arg4[%add3A_34] : memref<163840xi32, #tpu.memory_space<hbm>> -> memref<128xi32, #tpu.memory_space<hbm>>
        %dma_start3A_123 = arith.constant 0 : i32
        %dma_start3A_124 = tpu.memref_slice %arg8[%run_scoped3A, %dma_start3A_123] : memref<1x128xi32, #tpu.memory_space<vmem>> -> memref<1x128xi32, #tpu.memory_space<vmem>>
        %dma_start3A_125 = tpu.memref_squeeze %dma_start3A_124 : memref<1x128xi32, #tpu.memory_space<vmem>> -> memref<128xi32, #tpu.memory_space<vmem>>
        %dma_start3A_126 = tpu.memref_slice %arg4[%add3A_34] : memref<163840xi32, #tpu.memory_space<hbm>> -> memref<128xi32, #tpu.memory_space<hbm>>
        tpu.enqueue_dma source(%dma_start3A_126 : memref<128xi32, #tpu.memory_space<hbm>>) target(%dma_start3A_125 : memref<128xi32, #tpu.memory_space<vmem>>) target_semaphore(%run_scoped3A_118 : memref<!tpu.dma_semaphore, #tpu.memory_space<semaphore_mem>>)
        %dma_wait3A_127 = arith.constant 0 : i32
        %dma_wait3A_128 = tpu.memref_slice %arg8[%run_scoped3A, %dma_wait3A_127] : memref<1x128xi32, #tpu.memory_space<vmem>> -> memref<1x128xi32, #tpu.memory_space<vmem>>
        %dma_wait3A_129 = tpu.memref_squeeze %dma_wait3A_128 : memref<1x128xi32, #tpu.memory_space<vmem>> -> memref<128xi32, #tpu.memory_space<vmem>>
        %dma_wait3A_130 = tpu.memref_slice %arg4[%add3A_34] : memref<163840xi32, #tpu.memory_space<hbm>> -> memref<128xi32, #tpu.memory_space<hbm>>
        %dma_wait3A_131 = arith.constant 0 : i32
        %dma_wait3A_132 = tpu.memref_slice %arg8[%run_scoped3A, %dma_wait3A_131] : memref<1x128xi32, #tpu.memory_space<vmem>> -> memref<1x128xi32, #tpu.memory_space<vmem>>
        %dma_wait3A_133 = tpu.memref_squeeze %dma_wait3A_132 : memref<1x128xi32, #tpu.memory_space<vmem>> -> memref<128xi32, #tpu.memory_space<vmem>>
        %dma_wait3A_134 = tpu.memref_slice %arg4[%add3A_34] : memref<163840xi32, #tpu.memory_space<hbm>> -> memref<128xi32, #tpu.memory_space<hbm>>
        tpu.wait_dma2 semaphore(%run_scoped3A_118 : memref<!tpu.dma_semaphore, #tpu.memory_space<semaphore_mem>>) src(%dma_wait3A_134 : memref<128xi32, #tpu.memory_space<hbm>>) dst(%dma_wait3A_133 : memref<128xi32, #tpu.memory_space<vmem>>)
        tpu.yield
      }) : () -> ()
      "tpu.region"() ({
        %run_scoped3A_118 = tpu.sem_alloc : memref<!tpu.dma_semaphore, #tpu.memory_space<semaphore_mem>>
        %dma_start3A_119 = arith.constant 0 : i32
        %dma_start3A_120 = tpu.memref_slice %arg5[%add3A_34, %dma_start3A_119] : memref<163840x16xf32, #tpu.memory_space<hbm>> -> memref<128x16xf32, #tpu.memory_space<hbm>>
        %dma_start3A_121 = arith.constant 0 : i32
        %dma_start3A_122 = tpu.memref_slice %arg5[%add3A_34, %dma_start3A_121] : memref<163840x16xf32, #tpu.memory_space<hbm>> -> memref<128x16xf32, #tpu.memory_space<hbm>>
        tpu.enqueue_dma source(%dma_start3A_122 : memref<128x16xf32, #tpu.memory_space<hbm>>) target(%arg9 : memref<128x16xf32, #tpu.memory_space<vmem>>) target_semaphore(%run_scoped3A_118 : memref<!tpu.dma_semaphore, #tpu.memory_space<semaphore_mem>>)
        %dma_wait3A_123 = arith.constant 0 : i32
        %dma_wait3A_124 = tpu.memref_slice %arg5[%add3A_34, %dma_wait3A_123] : memref<163840x16xf32, #tpu.memory_space<hbm>> -> memref<128x16xf32, #tpu.memory_space<hbm>>
        %dma_wait3A_125 = arith.constant 0 : i32
        %dma_wait3A_126 = tpu.memref_slice %arg5[%add3A_34, %dma_wait3A_125] : memref<163840x16xf32, #tpu.memory_space<hbm>> -> memref<128x16xf32, #tpu.memory_space<hbm>>
        tpu.wait_dma2 semaphore(%run_scoped3A_118 : memref<!tpu.dma_semaphore, #tpu.memory_space<semaphore_mem>>) src(%dma_wait3A_126 : memref<128x16xf32, #tpu.memory_space<hbm>>) dst(%arg9 : memref<128x16xf32, #tpu.memory_space<vmem>>)
        tpu.yield
      }) : () -> ()
      %get3A = arith.constant 0 : index
      %get3A_35 = tpu.vector_load %arg7[%get3A] {strides = array<i32>} : memref<128xi32, #tpu.memory_space<vmem>>, vector<16xi32>,
      %get3A_36 = vector.shape_cast %get3A_35 : vector<16xi32> to vector<16xi32>
      %add3A_37 = vector.broadcast %mul3A_20 : i32 to vector<16xi32>
      %add3A_38 = arith.addi %get3A_36, %add3A_37 : vector<16xi32>
      %swap3A = arith.constant 0 : index
      %swap3A_39 = tpu.vector_load %arg7[%swap3A] {strides = array<i32>} : memref<128xi32, #tpu.memory_space<vmem>>, vector<16xi32>,
      %swap3A_40 = vector.shape_cast %swap3A_39 : vector<16xi32> to vector<16xi32>
      %swap3A_41 = vector.shape_cast %add3A_38 : vector<16xi32> to vector<16xi32>
      tpu.vector_store %arg7[%swap3A], %swap3A_41 {strides = array<i32>} : memref<128xi32, #tpu.memory_space<vmem>>, vector<16xi32>,
      %get3A_42 = arith.constant 16 : index
      %get3A_43 = tpu.vector_load %arg7[%get3A_42] {strides = array<i32>} : memref<128xi32, #tpu.memory_space<vmem>>, vector<16xi32>,
      %get3A_44 = vector.shape_cast %get3A_43 : vector<16xi32> to vector<16xi32>
      %add3A_45 = vector.broadcast %mul3A_20 : i32 to vector<16xi32>
      %add3A_46 = arith.addi %get3A_44, %add3A_45 : vector<16xi32>
      %swap3A_47 = arith.constant 16 : index
      %swap3A_48 = tpu.vector_load %arg7[%swap3A_47] {strides = array<i32>} : memref<128xi32, #tpu.memory_space<vmem>>, vector<16xi32>,
      %swap3A_49 = vector.shape_cast %swap3A_48 : vector<16xi32> to vector<16xi32>
      %swap3A_50 = vector.shape_cast %add3A_46 : vector<16xi32> to vector<16xi32>
      tpu.vector_store %arg7[%swap3A_47], %swap3A_50 {strides = array<i32>} : memref<128xi32, #tpu.memory_space<vmem>>, vector<16xi32>,
      %get3A_51 = arith.constant 32 : index
      %get3A_52 = tpu.vector_load %arg7[%get3A_51] {strides = array<i32>} : memref<128xi32, #tpu.memory_space<vmem>>, vector<16xi32>,
      %get3A_53 = vector.shape_cast %get3A_52 : vector<16xi32> to vector<16xi32>
      %add3A_54 = vector.broadcast %mul3A_20 : i32 to vector<16xi32>
      %add3A_55 = arith.addi %get3A_53, %add3A_54 : vector<16xi32>
      %swap3A_56 = arith.constant 32 : index
      %swap3A_57 = tpu.vector_load %arg7[%swap3A_56] {strides = array<i32>} : memref<128xi32, #tpu.memory_space<vmem>>, vector<16xi32>,
      %swap3A_58 = vector.shape_cast %swap3A_57 : vector<16xi32> to vector<16xi32>
      %swap3A_59 = vector.shape_cast %add3A_55 : vector<16xi32> to vector<16xi32>
      tpu.vector_store %arg7[%swap3A_56], %swap3A_59 {strides = array<i32>} : memref<128xi32, #tpu.memory_space<vmem>>, vector<16xi32>,
      %get3A_60 = arith.constant 48 : index
      %get3A_61 = tpu.vector_load %arg7[%get3A_60] {strides = array<i32>} : memref<128xi32, #tpu.memory_space<vmem>>, vector<16xi32>,
      %get3A_62 = vector.shape_cast %get3A_61 : vector<16xi32> to vector<16xi32>
      %add3A_63 = vector.broadcast %mul3A_20 : i32 to vector<16xi32>
      %add3A_64 = arith.addi %get3A_62, %add3A_63 : vector<16xi32>
      %swap3A_65 = arith.constant 48 : index
      %swap3A_66 = tpu.vector_load %arg7[%swap3A_65] {strides = array<i32>} : memref<128xi32, #tpu.memory_space<vmem>>, vector<16xi32>,
      %swap3A_67 = vector.shape_cast %swap3A_66 : vector<16xi32> to vector<16xi32>
      %swap3A_68 = vector.shape_cast %add3A_64 : vector<16xi32> to vector<16xi32>
      tpu.vector_store %arg7[%swap3A_65], %swap3A_68 {strides = array<i32>} : memref<128xi32, #tpu.memory_space<vmem>>, vector<16xi32>,
      %get3A_69 = arith.constant 64 : index
      %get3A_70 = tpu.vector_load %arg7[%get3A_69] {strides = array<i32>} : memref<128xi32, #tpu.memory_space<vmem>>, vector<16xi32>,
      %get3A_71 = vector.shape_cast %get3A_70 : vector<16xi32> to vector<16xi32>
      %add3A_72 = vector.broadcast %mul3A_20 : i32 to vector<16xi32>
      %add3A_73 = arith.addi %get3A_71, %add3A_72 : vector<16xi32>
      %swap3A_74 = arith.constant 64 : index
      %swap3A_75 = tpu.vector_load %arg7[%swap3A_74] {strides = array<i32>} : memref<128xi32, #tpu.memory_space<vmem>>, vector<16xi32>,
      %swap3A_76 = vector.shape_cast %swap3A_75 : vector<16xi32> to vector<16xi32>
      %swap3A_77 = vector.shape_cast %add3A_73 : vector<16xi32> to vector<16xi32>
      tpu.vector_store %arg7[%swap3A_74], %swap3A_77 {strides = array<i32>} : memref<128xi32, #tpu.memory_space<vmem>>, vector<16xi32>,
      %get3A_78 = arith.constant 80 : index
      %get3A_79 = tpu.vector_load %arg7[%get3A_78] {strides = array<i32>} : memref<128xi32, #tpu.memory_space<vmem>>, vector<16xi32>,
      %get3A_80 = vector.shape_cast %get3A_79 : vector<16xi32> to vector<16xi32>
      %add3A_81 = vector.broadcast %mul3A_20 : i32 to vector<16xi32>
      %add3A_82 = arith.addi %get3A_80, %add3A_81 : vector<16xi32>
      %swap3A_83 = arith.constant 80 : index
      %swap3A_84 = tpu.vector_load %arg7[%swap3A_83] {strides = array<i32>} : memref<128xi32, #tpu.memory_space<vmem>>, vector<16xi32>,
      %swap3A_85 = vector.shape_cast %swap3A_84 : vector<16xi32> to vector<16xi32>
      %swap3A_86 = vector.shape_cast %add3A_82 : vector<16xi32> to vector<16xi32>
      tpu.vector_store %arg7[%swap3A_83], %swap3A_86 {strides = array<i32>} : memref<128xi32, #tpu.memory_space<vmem>>, vector<16xi32>,
      %get3A_87 = arith.constant 96 : index
      %get3A_88 = tpu.vector_load %arg7[%get3A_87] {strides = array<i32>} : memref<128xi32, #tpu.memory_space<vmem>>, vector<16xi32>,
      %get3A_89 = vector.shape_cast %get3A_88 : vector<16xi32> to vector<16xi32>
      %add3A_90 = vector.broadcast %mul3A_20 : i32 to vector<16xi32>
      %add3A_91 = arith.addi %get3A_89, %add3A_90 : vector<16xi32>
      %swap3A_92 = arith.constant 96 : index
      %swap3A_93 = tpu.vector_load %arg7[%swap3A_92] {strides = array<i32>} : memref<128xi32, #tpu.memory_space<vmem>>, vector<16xi32>,
      %swap3A_94 = vector.shape_cast %swap3A_93 : vector<16xi32> to vector<16xi32>
      %swap3A_95 = vector.shape_cast %add3A_91 : vector<16xi32> to vector<16xi32>
      tpu.vector_store %arg7[%swap3A_92], %swap3A_95 {strides = array<i32>} : memref<128xi32, #tpu.memory_space<vmem>>, vector<16xi32>,
      %get3A_96 = arith.constant 112 : index
      %get3A_97 = tpu.vector_load %arg7[%get3A_96] {strides = array<i32>} : memref<128xi32, #tpu.memory_space<vmem>>, vector<16xi32>,
      %get3A_98 = vector.shape_cast %get3A_97 : vector<16xi32> to vector<16xi32>
      %add3A_99 = vector.broadcast %mul3A_20 : i32 to vector<16xi32>
      %add3A_100 = arith.addi %get3A_98, %add3A_99 : vector<16xi32>
      %swap3A_101 = arith.constant 112 : index
      %swap3A_102 = tpu.vector_load %arg7[%swap3A_101] {strides = array<i32>} : memref<128xi32, #tpu.memory_space<vmem>>, vector<16xi32>,
      %swap3A_103 = vector.shape_cast %swap3A_102 : vector<16xi32> to vector<16xi32>
      %swap3A_104 = vector.shape_cast %add3A_100 : vector<16xi32> to vector<16xi32>
      tpu.vector_store %arg7[%swap3A_101], %swap3A_104 {strides = array<i32>} : memref<128xi32, #tpu.memory_space<vmem>>, vector<16xi32>,
      %dma_start3A = arith.constant 0 : i32
      %dma_start3A_105 = arith.constant 0 : i32
      %dma_start3A_106 = tpu.memref_slice %arg2[%dma_start3A, %dma_start3A_105] : memref<20480x128xf32, #tpu.memory_space<hbm>> -> memref<20480x128xf32, #tpu.memory_space<hbm>>
      tpu.enqueue_indirect_dma source(%dma_start3A_106 : memref<20480x128xf32, #tpu.memory_space<hbm>>) target(%arg10 : memref<128x128xf32, #tpu.memory_space<vmem>>) offsets(%arg7 : memref<128xi32, #tpu.memory_space<vmem>>) semaphore(%arg11 : memref<!tpu.dma_semaphore, #tpu.memory_space<semaphore_mem>>)
      %dma_wait3A = arith.constant 0 : i32
      %dma_wait3A_107 = arith.constant 0 : i32
      %dma_wait3A_108 = tpu.memref_slice %arg2[%dma_wait3A, %dma_wait3A_107] : memref<20480x128xf32, #tpu.memory_space<hbm>> -> memref<20480x128xf32, #tpu.memory_space<hbm>>
      tpu.wait_indirect_dma semaphore(%arg11 : memref<!tpu.dma_semaphore, #tpu.memory_space<semaphore_mem>>) src(%dma_wait3A_108 : memref<20480x128xf32, #tpu.memory_space<hbm>>) dst(%arg10 : memref<128x128xf32, #tpu.memory_space<vmem>>)
      %scan3A_109 = arith.constant 0 : i32
      %scan3A_110 = arith.constant 0 : i32
      %scan3A_111 = arith.constant 128 : i32
      %scan3A_112 = arith.addi %scan3A_110, %scan3A_111 : i32
      %scan3A_113 = arith.constant 1 : i32
      %scan3A_114 = scf.for %scan3A_118 = %scan3A_110 to %scan3A_112 step %scan3A_113 iter_args(%scan3A_119 = %scan3A_109) -> (i32)  : i32 {
        %get3A_120 = arith.index_cast %scan3A_118 : i32 to index
        %get3A_121 = arith.constant 0 : index
        %get3A_122 = tpu.vector_load %arg9[%get3A_120, %get3A_121] {strides = array<i32>} : memref<128x16xf32, #tpu.memory_space<vmem>>, vector<1x16xf32>,
        %get3A_123 = vector.shape_cast %get3A_122 : vector<1x16xf32> to vector<16xf32>
        %get3A_124 = arith.index_cast %scan3A_118 : i32 to index
        %get3A_125 = arith.constant 0 : index
        %get3A_126 = tpu.vector_load %arg10[%get3A_124, %get3A_125] {strides = array<i32>} : memref<128x128xf32, #tpu.memory_space<vmem>>, vector<1x16xf32>,
        %get3A_127 = vector.shape_cast %get3A_126 : vector<1x16xf32> to vector<16xf32>
        %mul3A_128 = arith.mulf %get3A_127, %get3A_123 : vector<16xf32>
        %swap3A_129 = arith.index_cast %scan3A_118 : i32 to index
        %swap3A_130 = arith.constant 0 : index
        %swap3A_131 = tpu.vector_load %arg10[%swap3A_129, %swap3A_130] {strides = array<i32>} : memref<128x128xf32, #tpu.memory_space<vmem>>, vector<1x16xf32>,
        %swap3A_132 = vector.shape_cast %swap3A_131 : vector<1x16xf32> to vector<16xf32>
        %swap3A_133 = vector.shape_cast %mul3A_128 : vector<16xf32> to vector<1x16xf32>
        tpu.vector_store %arg10[%swap3A_129, %swap3A_130], %swap3A_133 {strides = array<i32>} : memref<128x128xf32, #tpu.memory_space<vmem>>, vector<1x16xf32>,
        %get3A_134 = arith.index_cast %scan3A_118 : i32 to index
        %get3A_135 = arith.constant 16 : index
        %get3A_136 = tpu.vector_load %arg10[%get3A_134, %get3A_135] {strides = array<i32>} : memref<128x128xf32, #tpu.memory_space<vmem>>, vector<1x16xf32>,
        %get3A_137 = vector.shape_cast %get3A_136 : vector<1x16xf32> to vector<16xf32>
        %mul3A_138 = arith.mulf %get3A_137, %get3A_123 : vector<16xf32>
        %swap3A_139 = arith.index_cast %scan3A_118 : i32 to index
        %swap3A_140 = arith.constant 16 : index
        %swap3A_141 = tpu.vector_load %arg10[%swap3A_139, %swap3A_140] {strides = array<i32>} : memref<128x128xf32, #tpu.memory_space<vmem>>, vector<1x16xf32>,
        %swap3A_142 = vector.shape_cast %swap3A_141 : vector<1x16xf32> to vector<16xf32>
        %swap3A_143 = vector.shape_cast %mul3A_138 : vector<16xf32> to vector<1x16xf32>
        tpu.vector_store %arg10[%swap3A_139, %swap3A_140], %swap3A_143 {strides = array<i32>} : memref<128x128xf32, #tpu.memory_space<vmem>>, vector<1x16xf32>,
        %get3A_144 = arith.index_cast %scan3A_118 : i32 to index
        %get3A_145 = arith.constant 32 : index
        %get3A_146 = tpu.vector_load %arg10[%get3A_144, %get3A_145] {strides = array<i32>} : memref<128x128xf32, #tpu.memory_space<vmem>>, vector<1x16xf32>,
        %get3A_147 = vector.shape_cast %get3A_146 : vector<1x16xf32> to vector<16xf32>
        %mul3A_148 = arith.mulf %get3A_147, %get3A_123 : vector<16xf32>
        %swap3A_149 = arith.index_cast %scan3A_118 : i32 to index
        %swap3A_150 = arith.constant 32 : index
        %swap3A_151 = tpu.vector_load %arg10[%swap3A_149, %swap3A_150] {strides = array<i32>} : memref<128x128xf32, #tpu.memory_space<vmem>>, vector<1x16xf32>,
        %swap3A_152 = vector.shape_cast %swap3A_151 : vector<1x16xf32> to vector<16xf32>
        %swap3A_153 = vector.shape_cast %mul3A_148 : vector<16xf32> to vector<1x16xf32>
        tpu.vector_store %arg10[%swap3A_149, %swap3A_150], %swap3A_153 {strides = array<i32>} : memref<128x128xf32, #tpu.memory_space<vmem>>, vector<1x16xf32>,
        %get3A_154 = arith.index_cast %scan3A_118 : i32 to index
        %get3A_155 = arith.constant 48 : index
        %get3A_156 = tpu.vector_load %arg10[%get3A_154, %get3A_155] {strides = array<i32>} : memref<128x128xf32, #tpu.memory_space<vmem>>, vector<1x16xf32>,
        %get3A_157 = vector.shape_cast %get3A_156 : vector<1x16xf32> to vector<16xf32>
        %mul3A_158 = arith.mulf %get3A_157, %get3A_123 : vector<16xf32>
        %swap3A_159 = arith.index_cast %scan3A_118 : i32 to index
        %swap3A_160 = arith.constant 48 : index
        %swap3A_161 = tpu.vector_load %arg10[%swap3A_159, %swap3A_160] {strides = array<i32>} : memref<128x128xf32, #tpu.memory_space<vmem>>, vector<1x16xf32>,
        %swap3A_162 = vector.shape_cast %swap3A_161 : vector<1x16xf32> to vector<16xf32>
        %swap3A_163 = vector.shape_cast %mul3A_158 : vector<16xf32> to vector<1x16xf32>
        tpu.vector_store %arg10[%swap3A_159, %swap3A_160], %swap3A_163 {strides = array<i32>} : memref<128x128xf32, #tpu.memory_space<vmem>>, vector<1x16xf32>,
        %get3A_164 = arith.index_cast %scan3A_118 : i32 to index
        %get3A_165 = arith.constant 64 : index
        %get3A_166 = tpu.vector_load %arg10[%get3A_164, %get3A_165] {strides = array<i32>} : memref<128x128xf32, #tpu.memory_space<vmem>>, vector<1x16xf32>,
        %get3A_167 = vector.shape_cast %get3A_166 : vector<1x16xf32> to vector<16xf32>
        %mul3A_168 = arith.mulf %get3A_167, %get3A_123 : vector<16xf32>
        %swap3A_169 = arith.index_cast %scan3A_118 : i32 to index
        %swap3A_170 = arith.constant 64 : index
        %swap3A_171 = tpu.vector_load %arg10[%swap3A_169, %swap3A_170] {strides = array<i32>} : memref<128x128xf32, #tpu.memory_space<vmem>>, vector<1x16xf32>,
        %swap3A_172 = vector.shape_cast %swap3A_171 : vector<1x16xf32> to vector<16xf32>
        %swap3A_173 = vector.shape_cast %mul3A_168 : vector<16xf32> to vector<1x16xf32>
        tpu.vector_store %arg10[%swap3A_169, %swap3A_170], %swap3A_173 {strides = array<i32>} : memref<128x128xf32, #tpu.memory_space<vmem>>, vector<1x16xf32>,
        %get3A_174 = arith.index_cast %scan3A_118 : i32 to index
        %get3A_175 = arith.constant 80 : index
        %get3A_176 = tpu.vector_load %arg10[%get3A_174, %get3A_175] {strides = array<i32>} : memref<128x128xf32, #tpu.memory_space<vmem>>, vector<1x16xf32>,
        %get3A_177 = vector.shape_cast %get3A_176 : vector<1x16xf32> to vector<16xf32>
        %mul3A_178 = arith.mulf %get3A_177, %get3A_123 : vector<16xf32>
        %swap3A_179 = arith.index_cast %scan3A_118 : i32 to index
        %swap3A_180 = arith.constant 80 : index
        %swap3A_181 = tpu.vector_load %arg10[%swap3A_179, %swap3A_180] {strides = array<i32>} : memref<128x128xf32, #tpu.memory_space<vmem>>, vector<1x16xf32>,
        %swap3A_182 = vector.shape_cast %swap3A_181 : vector<1x16xf32> to vector<16xf32>
        %swap3A_183 = vector.shape_cast %mul3A_178 : vector<16xf32> to vector<1x16xf32>
        tpu.vector_store %arg10[%swap3A_179, %swap3A_180], %swap3A_183 {strides = array<i32>} : memref<128x128xf32, #tpu.memory_space<vmem>>, vector<1x16xf32>,
        %get3A_184 = arith.index_cast %scan3A_118 : i32 to index
        %get3A_185 = arith.constant 96 : index
        %get3A_186 = tpu.vector_load %arg10[%get3A_184, %get3A_185] {strides = array<i32>} : memref<128x128xf32, #tpu.memory_space<vmem>>, vector<1x16xf32>,
        %get3A_187 = vector.shape_cast %get3A_186 : vector<1x16xf32> to vector<16xf32>
        %mul3A_188 = arith.mulf %get3A_187, %get3A_123 : vector<16xf32>
        %swap3A_189 = arith.index_cast %scan3A_118 : i32 to index
        %swap3A_190 = arith.constant 96 : index
        %swap3A_191 = tpu.vector_load %arg10[%swap3A_189, %swap3A_190] {strides = array<i32>} : memref<128x128xf32, #tpu.memory_space<vmem>>, vector<1x16xf32>,
        %swap3A_192 = vector.shape_cast %swap3A_191 : vector<1x16xf32> to vector<16xf32>
        %swap3A_193 = vector.shape_cast %mul3A_188 : vector<16xf32> to vector<1x16xf32>
        tpu.vector_store %arg10[%swap3A_189, %swap3A_190], %swap3A_193 {strides = array<i32>} : memref<128x128xf32, #tpu.memory_space<vmem>>, vector<1x16xf32>,
        %get3A_194 = arith.index_cast %scan3A_118 : i32 to index
        %get3A_195 = arith.constant 112 : index
        %get3A_196 = tpu.vector_load %arg10[%get3A_194, %get3A_195] {strides = array<i32>} : memref<128x128xf32, #tpu.memory_space<vmem>>, vector<1x16xf32>,
        %get3A_197 = vector.shape_cast %get3A_196 : vector<1x16xf32> to vector<16xf32>
        %mul3A_198 = arith.mulf %get3A_197, %get3A_123 : vector<16xf32>
        %swap3A_199 = arith.index_cast %scan3A_118 : i32 to index
        %swap3A_200 = arith.constant 112 : index
        %swap3A_201 = tpu.vector_load %arg10[%swap3A_199, %swap3A_200] {strides = array<i32>} : memref<128x128xf32, #tpu.memory_space<vmem>>, vector<1x16xf32>,
        %swap3A_202 = vector.shape_cast %swap3A_201 : vector<1x16xf32> to vector<16xf32>
        %swap3A_203 = vector.shape_cast %mul3A_198 : vector<16xf32> to vector<1x16xf32>
        tpu.vector_store %arg10[%swap3A_199, %swap3A_200], %swap3A_203 {strides = array<i32>} : memref<128x128xf32, #tpu.memory_space<vmem>>, vector<1x16xf32>,
        %scan3A_204 = arith.constant 0 : i32
        scf.yield %scan3A_204 : i32
      }
      %scan3A_115 = arith.constant 128 : i32
      %run_scoped3A_116 = arith.constant 0 : i32
      "tpu.region"() ({
        %run_scoped3A_118 = tpu.sem_alloc : memref<!tpu.dma_semaphore, #tpu.memory_space<semaphore_mem>>
        %dma_start3A_119 = arith.constant 0 : i32
        %dma_start3A_120 = tpu.memref_slice %arg8[%run_scoped3A_116, %dma_start3A_119] : memref<1x128xi32, #tpu.memory_space<vmem>> -> memref<1x128xi32, #tpu.memory_space<vmem>>
        %dma_start3A_121 = tpu.memref_squeeze %dma_start3A_120 : memref<1x128xi32, #tpu.memory_space<vmem>> -> memref<128xi32, #tpu.memory_space<vmem>>
        %dma_start3A_122 = arith.constant 0 : i32
        %dma_start3A_123 = arith.constant 0 : i32
        %dma_start3A_124 = tpu.memref_slice %arg12[%dma_start3A_122, %dma_start3A_123] : memref<10240x128xf32, #tpu.memory_space<vmem_shared>> -> memref<10240x128xf32, #tpu.memory_space<vmem_shared>>
        tpu.enqueue_indirect_dma source(%arg10 : memref<128x128xf32, #tpu.memory_space<vmem>>) target(%dma_start3A_124 : memref<10240x128xf32, #tpu.memory_space<vmem_shared>>) offsets(%dma_start3A_121 : memref<128xi32, #tpu.memory_space<vmem>>) semaphore(%run_scoped3A_118 : memref<!tpu.dma_semaphore, #tpu.memory_space<semaphore_mem>>) {add = true}
        %dma_wait3A_125 = arith.constant 0 : i32
        %dma_wait3A_126 = tpu.memref_slice %arg8[%run_scoped3A_116, %dma_wait3A_125] : memref<1x128xi32, #tpu.memory_space<vmem>> -> memref<1x128xi32, #tpu.memory_space<vmem>>
        %dma_wait3A_127 = tpu.memref_squeeze %dma_wait3A_126 : memref<1x128xi32, #tpu.memory_space<vmem>> -> memref<128xi32, #tpu.memory_space<vmem>>
        %dma_wait3A_128 = arith.constant 0 : i32
        %dma_wait3A_129 = arith.constant 0 : i32
        %dma_wait3A_130 = tpu.memref_slice %arg12[%dma_wait3A_128, %dma_wait3A_129] : memref<10240x128xf32, #tpu.memory_space<vmem_shared>> -> memref<10240x128xf32, #tpu.memory_space<vmem_shared>>
        tpu.wait_indirect_dma semaphore(%run_scoped3A_118 : memref<!tpu.dma_semaphore, #tpu.memory_space<semaphore_mem>>) src(%arg10 : memref<128x128xf32, #tpu.memory_space<vmem>>) dst(%dma_wait3A_130 : memref<10240x128xf32, #tpu.memory_space<vmem_shared>>)
        tpu.yield
      }) : () -> ()
      %scan3A_117 = arith.constant 0 : i32
      scf.yield %scan3A_117 : i32
    }
    %scan3A_27 = arith.constant 80 : i32
    %barrier3A_28 = arith.constant 0 : index
    tpu.barrier barrier_id(%barrier3A_28)
    %add3A_29 = arith.addi %mul3A_20, %mul3A_0 : i32
    "tpu.region"() ({
      %run_scoped3A = tpu.sem_alloc : memref<!tpu.dma_semaphore, #tpu.memory_space<semaphore_mem>>
      %dma_start3A = arith.constant 0 : i32
      %dma_start3A_30 = tpu.memref_slice %arg6[%add3A_29, %dma_start3A] : memref<20480x128xf32, #tpu.memory_space<hbm>> -> memref<640x128xf32, #tpu.memory_space<hbm>>
      %dma_start3A_31 = arith.constant 0 : i32
      %dma_start3A_32 = tpu.memref_slice %arg12[%mul3A_0, %dma_start3A_31] : memref<10240x128xf32, #tpu.memory_space<vmem_shared>> -> memref<640x128xf32, #tpu.memory_space<vmem_shared>>
      tpu.enqueue_dma source(%dma_start3A_32 : memref<640x128xf32, #tpu.memory_space<vmem_shared>>) target(%dma_start3A_30 : memref<640x128xf32, #tpu.memory_space<hbm>>) target_semaphore(%run_scoped3A : memref<!tpu.dma_semaphore, #tpu.memory_space<semaphore_mem>>)
      %dma_wait3A = arith.constant 0 : i32
      %dma_wait3A_33 = tpu.memref_slice %arg6[%add3A_29, %dma_wait3A] : memref<20480x128xf32, #tpu.memory_space<hbm>> -> memref<640x128xf32, #tpu.memory_space<hbm>>
      %dma_wait3A_34 = arith.constant 0 : i32
      %dma_wait3A_35 = tpu.memref_slice %arg12[%mul3A_0, %dma_wait3A_34] : memref<10240x128xf32, #tpu.memory_space<vmem_shared>> -> memref<640x128xf32, #tpu.memory_space<vmem_shared>>
      tpu.wait_dma2 semaphore(%run_scoped3A : memref<!tpu.dma_semaphore, #tpu.memory_space<semaphore_mem>>) src(%dma_wait3A_35 : memref<640x128xf32, #tpu.memory_space<vmem_shared>>) dst(%dma_wait3A_33 : memref<640x128xf32, #tpu.memory_space<hbm>>)
      tpu.yield
    }) : () -> ()
    return
  }
}

module attributes {stable_mosaic.version = 14 : i64} {
  func.func @_tc0_body(%arg0: i32, %arg1: memref<1280x3xf32, #tpu.memory_space<vmem>>, %arg2: memref<1280x1xi32, #tpu.memory_space<vmem>>, %arg3: memref<4x2xf32, #tpu.memory_space<vmem>>, %arg4: memref<1280x128xf32, #tpu.memory_space<vmem>>) attributes {dimension_semantics = [#tpu.dimension_semantics<arbitrary>], iteration_bounds = array<i64: 8>, scalar_prefetch = 0 : i64, scratch_operands = 0 : i64, tpu.core_type = #tpu.core_type<tc>, window_params = [{transform_indices = @transform_0, window_bounds = array<i64: 1280, 3>}, {transform_indices = @transform_1, window_bounds = array<i64: 1280, 1>}, {pipeline_mode = #tpu.pipeline_mode<synchronous>, transform_indices = @transform_2, window_bounds = array<i64: 4, 2>}, {transform_indices = @transform_3, window_bounds = array<i64: 1280, 128>}]} {
    %get3A = arith.constant 0 : index
    %get3A_0 = arith.constant 0 : index
    %get3A_1 = vector.load %arg1[%get3A, %get3A_0] : memref<1280x3xf32, #tpu.memory_space<vmem>>, vector<1280x3xf32>
    %swap3A = arith.constant 0 : index
    %swap3A_2 = arith.constant 0 : index
    %swap3A_3 = vector.load %arg4[%swap3A, %swap3A_2] : memref<1280x128xf32, #tpu.memory_space<vmem>>, vector<1280x3xf32>
    tpu.vector_store %arg4[%swap3A, %swap3A_2], %get3A_1 {strides = array<i32>} : memref<1280x128xf32, #tpu.memory_space<vmem>>, vector<1280x3xf32>,
    %get3A_4 = arith.constant 0 : index
    %get3A_5 = arith.constant 0 : index
    %get3A_6 = vector.load %arg2[%get3A_4, %get3A_5] : memref<1280x1xi32, #tpu.memory_space<vmem>>, vector<1280x1xi32>
    %broadcast_in_dim3A = arith.constant 0.000000e+00 : f32
    %broadcast_in_dim3A_7 = vector.broadcast %broadcast_in_dim3A : f32 to vector<1280x1xf32>
    %eq3A = arith.constant 0 : i32
    %eq3A_8 = vector.broadcast %eq3A : i32 to vector<1280x1xi32>
    %eq3A_9 = arith.cmpi eq, %get3A_6, %eq3A_8 : vector<1280x1xi32>
    %jit3A = arith.constant 1.000000e+00 : f32
    %jit3A_10 = arith.constant 0.000000e+00 : f32
    %broadcast_in_dim3A_11 = vector.broadcast %jit3A : f32 to vector<1280x1xf32>
    %broadcast_in_dim3A_12 = vector.broadcast %jit3A_10 : f32 to vector<1280x1xf32>
    %select_n3A = arith.select %eq3A_9, %broadcast_in_dim3A_11, %broadcast_in_dim3A_12 : vector<1280x1xi1>, vector<1280x1xf32>
    %get3A_13 = arith.constant 0 : index
    %get3A_14 = arith.constant 0 : index
    %get3A_15 = vector.load %arg3[%get3A_13, %get3A_14] : memref<4x2xf32, #tpu.memory_space<vmem>>, vector<1x1xf32>
    %get3A_16 = vector.extract %get3A_15[0, 0] : f32 from vector<1x1xf32>
    %mul3A = vector.broadcast %get3A_16 : f32 to vector<1280x1xf32>
    %mul3A_17 = arith.mulf %select_n3A, %mul3A : vector<1280x1xf32>
    %add3A = arith.addf %broadcast_in_dim3A_7, %mul3A_17 : vector<1280x1xf32>
    %eq3A_18 = arith.constant 1 : i32
    %eq3A_19 = vector.broadcast %eq3A_18 : i32 to vector<1280x1xi32>
    %eq3A_20 = arith.cmpi eq, %get3A_6, %eq3A_19 : vector<1280x1xi32>
    %jit3A_21 = arith.constant 1.000000e+00 : f32
    %jit3A_22 = arith.constant 0.000000e+00 : f32
    %broadcast_in_dim3A_23 = vector.broadcast %jit3A_21 : f32 to vector<1280x1xf32>
    %broadcast_in_dim3A_24 = vector.broadcast %jit3A_22 : f32 to vector<1280x1xf32>
    %select_n3A_25 = arith.select %eq3A_20, %broadcast_in_dim3A_23, %broadcast_in_dim3A_24 : vector<1280x1xi1>, vector<1280x1xf32>
    %get3A_26 = arith.constant 1 : index
    %get3A_27 = arith.constant 0 : index
    %get3A_28 = vector.load %arg3[%get3A_26, %get3A_27] : memref<4x2xf32, #tpu.memory_space<vmem>>, vector<1x1xf32>
    %get3A_29 = vector.extract %get3A_28[0, 0] : f32 from vector<1x1xf32>
    %mul3A_30 = vector.broadcast %get3A_29 : f32 to vector<1280x1xf32>
    %mul3A_31 = arith.mulf %select_n3A_25, %mul3A_30 : vector<1280x1xf32>
    %add3A_32 = arith.addf %add3A, %mul3A_31 : vector<1280x1xf32>
    %eq3A_33 = arith.constant 2 : i32
    %eq3A_34 = vector.broadcast %eq3A_33 : i32 to vector<1280x1xi32>
    %eq3A_35 = arith.cmpi eq, %get3A_6, %eq3A_34 : vector<1280x1xi32>
    %jit3A_36 = arith.constant 1.000000e+00 : f32
    %jit3A_37 = arith.constant 0.000000e+00 : f32
    %broadcast_in_dim3A_38 = vector.broadcast %jit3A_36 : f32 to vector<1280x1xf32>
    %broadcast_in_dim3A_39 = vector.broadcast %jit3A_37 : f32 to vector<1280x1xf32>
    %select_n3A_40 = arith.select %eq3A_35, %broadcast_in_dim3A_38, %broadcast_in_dim3A_39 : vector<1280x1xi1>, vector<1280x1xf32>
    %get3A_41 = arith.constant 2 : index
    %get3A_42 = arith.constant 0 : index
    %get3A_43 = vector.load %arg3[%get3A_41, %get3A_42] : memref<4x2xf32, #tpu.memory_space<vmem>>, vector<1x1xf32>
    %get3A_44 = vector.extract %get3A_43[0, 0] : f32 from vector<1x1xf32>
    %mul3A_45 = vector.broadcast %get3A_44 : f32 to vector<1280x1xf32>
    %mul3A_46 = arith.mulf %select_n3A_40, %mul3A_45 : vector<1280x1xf32>
    %add3A_47 = arith.addf %add3A_32, %mul3A_46 : vector<1280x1xf32>
    %eq3A_48 = arith.constant 3 : i32
    %eq3A_49 = vector.broadcast %eq3A_48 : i32 to vector<1280x1xi32>
    %eq3A_50 = arith.cmpi eq, %get3A_6, %eq3A_49 : vector<1280x1xi32>
    %jit3A_51 = arith.constant 1.000000e+00 : f32
    %jit3A_52 = arith.constant 0.000000e+00 : f32
    %broadcast_in_dim3A_53 = vector.broadcast %jit3A_51 : f32 to vector<1280x1xf32>
    %broadcast_in_dim3A_54 = vector.broadcast %jit3A_52 : f32 to vector<1280x1xf32>
    %select_n3A_55 = arith.select %eq3A_50, %broadcast_in_dim3A_53, %broadcast_in_dim3A_54 : vector<1280x1xi1>, vector<1280x1xf32>
    %get3A_56 = arith.constant 3 : index
    %get3A_57 = arith.constant 0 : index
    %get3A_58 = vector.load %arg3[%get3A_56, %get3A_57] : memref<4x2xf32, #tpu.memory_space<vmem>>, vector<1x1xf32>
    %get3A_59 = vector.extract %get3A_58[0, 0] : f32 from vector<1x1xf32>
    %mul3A_60 = vector.broadcast %get3A_59 : f32 to vector<1280x1xf32>
    %mul3A_61 = arith.mulf %select_n3A_55, %mul3A_60 : vector<1280x1xf32>
    %add3A_62 = arith.addf %add3A_47, %mul3A_61 : vector<1280x1xf32>
    %swap3A_63 = arith.constant 0 : index
    %swap3A_64 = arith.constant 3 : index
    %swap3A_65 = vector.load %arg4[%swap3A_63, %swap3A_64] : memref<1280x128xf32, #tpu.memory_space<vmem>>, vector<1280x1xf32>
    tpu.vector_store %arg4[%swap3A_63, %swap3A_64], %add3A_62 {strides = array<i32>} : memref<1280x128xf32, #tpu.memory_space<vmem>>, vector<1280x1xf32>,
    %broadcast_in_dim3A_66 = arith.constant 0.000000e+00 : f32
    %broadcast_in_dim3A_67 = vector.broadcast %broadcast_in_dim3A_66 : f32 to vector<1280x1xf32>
    %eq3A_68 = arith.constant 0 : i32
    %eq3A_69 = vector.broadcast %eq3A_68 : i32 to vector<1280x1xi32>
    %eq3A_70 = arith.cmpi eq, %get3A_6, %eq3A_69 : vector<1280x1xi32>
    %jit3A_71 = arith.constant 1.000000e+00 : f32
    %jit3A_72 = arith.constant 0.000000e+00 : f32
    %broadcast_in_dim3A_73 = vector.broadcast %jit3A_71 : f32 to vector<1280x1xf32>
    %broadcast_in_dim3A_74 = vector.broadcast %jit3A_72 : f32 to vector<1280x1xf32>
    %select_n3A_75 = arith.select %eq3A_70, %broadcast_in_dim3A_73, %broadcast_in_dim3A_74 : vector<1280x1xi1>, vector<1280x1xf32>
    %get3A_76 = arith.constant 0 : index
    %get3A_77 = arith.constant 1 : index
    %get3A_78 = vector.load %arg3[%get3A_76, %get3A_77] : memref<4x2xf32, #tpu.memory_space<vmem>>, vector<1x1xf32>
    %get3A_79 = vector.extract %get3A_78[0, 0] : f32 from vector<1x1xf32>
    %mul3A_80 = vector.broadcast %get3A_79 : f32 to vector<1280x1xf32>
    %mul3A_81 = arith.mulf %select_n3A_75, %mul3A_80 : vector<1280x1xf32>
    %add3A_82 = arith.addf %broadcast_in_dim3A_67, %mul3A_81 : vector<1280x1xf32>
    %eq3A_83 = arith.constant 1 : i32
    %eq3A_84 = vector.broadcast %eq3A_83 : i32 to vector<1280x1xi32>
    %eq3A_85 = arith.cmpi eq, %get3A_6, %eq3A_84 : vector<1280x1xi32>
    %jit3A_86 = arith.constant 1.000000e+00 : f32
    %jit3A_87 = arith.constant 0.000000e+00 : f32
    %broadcast_in_dim3A_88 = vector.broadcast %jit3A_86 : f32 to vector<1280x1xf32>
    %broadcast_in_dim3A_89 = vector.broadcast %jit3A_87 : f32 to vector<1280x1xf32>
    %select_n3A_90 = arith.select %eq3A_85, %broadcast_in_dim3A_88, %broadcast_in_dim3A_89 : vector<1280x1xi1>, vector<1280x1xf32>
    %get3A_91 = arith.constant 1 : index
    %get3A_92 = arith.constant 1 : index
    %get3A_93 = vector.load %arg3[%get3A_91, %get3A_92] : memref<4x2xf32, #tpu.memory_space<vmem>>, vector<1x1xf32>
    %get3A_94 = vector.extract %get3A_93[0, 0] : f32 from vector<1x1xf32>
    %mul3A_95 = vector.broadcast %get3A_94 : f32 to vector<1280x1xf32>
    %mul3A_96 = arith.mulf %select_n3A_90, %mul3A_95 : vector<1280x1xf32>
    %add3A_97 = arith.addf %add3A_82, %mul3A_96 : vector<1280x1xf32>
    %eq3A_98 = arith.constant 2 : i32
    %eq3A_99 = vector.broadcast %eq3A_98 : i32 to vector<1280x1xi32>
    %eq3A_100 = arith.cmpi eq, %get3A_6, %eq3A_99 : vector<1280x1xi32>
    %jit3A_101 = arith.constant 1.000000e+00 : f32
    %jit3A_102 = arith.constant 0.000000e+00 : f32
    %broadcast_in_dim3A_103 = vector.broadcast %jit3A_101 : f32 to vector<1280x1xf32>
    %broadcast_in_dim3A_104 = vector.broadcast %jit3A_102 : f32 to vector<1280x1xf32>
    %select_n3A_105 = arith.select %eq3A_100, %broadcast_in_dim3A_103, %broadcast_in_dim3A_104 : vector<1280x1xi1>, vector<1280x1xf32>
    %get3A_106 = arith.constant 2 : index
    %get3A_107 = arith.constant 1 : index
    %get3A_108 = vector.load %arg3[%get3A_106, %get3A_107] : memref<4x2xf32, #tpu.memory_space<vmem>>, vector<1x1xf32>
    %get3A_109 = vector.extract %get3A_108[0, 0] : f32 from vector<1x1xf32>
    %mul3A_110 = vector.broadcast %get3A_109 : f32 to vector<1280x1xf32>
    %mul3A_111 = arith.mulf %select_n3A_105, %mul3A_110 : vector<1280x1xf32>
    %add3A_112 = arith.addf %add3A_97, %mul3A_111 : vector<1280x1xf32>
    %eq3A_113 = arith.constant 3 : i32
    %eq3A_114 = vector.broadcast %eq3A_113 : i32 to vector<1280x1xi32>
    %eq3A_115 = arith.cmpi eq, %get3A_6, %eq3A_114 : vector<1280x1xi32>
    %jit3A_116 = arith.constant 1.000000e+00 : f32
    %jit3A_117 = arith.constant 0.000000e+00 : f32
    %broadcast_in_dim3A_118 = vector.broadcast %jit3A_116 : f32 to vector<1280x1xf32>
    %broadcast_in_dim3A_119 = vector.broadcast %jit3A_117 : f32 to vector<1280x1xf32>
    %select_n3A_120 = arith.select %eq3A_115, %broadcast_in_dim3A_118, %broadcast_in_dim3A_119 : vector<1280x1xi1>, vector<1280x1xf32>
    %get3A_121 = arith.constant 3 : index
    %get3A_122 = arith.constant 1 : index
    %get3A_123 = vector.load %arg3[%get3A_121, %get3A_122] : memref<4x2xf32, #tpu.memory_space<vmem>>, vector<1x1xf32>
    %get3A_124 = vector.extract %get3A_123[0, 0] : f32 from vector<1x1xf32>
    %mul3A_125 = vector.broadcast %get3A_124 : f32 to vector<1280x1xf32>
    %mul3A_126 = arith.mulf %select_n3A_120, %mul3A_125 : vector<1280x1xf32>
    %add3A_127 = arith.addf %add3A_112, %mul3A_126 : vector<1280x1xf32>
    %swap3A_128 = arith.constant 0 : index
    %swap3A_129 = arith.constant 4 : index
    %swap3A_130 = vector.load %arg4[%swap3A_128, %swap3A_129] : memref<1280x128xf32, #tpu.memory_space<vmem>>, vector<1280x1xf32>
    tpu.vector_store %arg4[%swap3A_128, %swap3A_129], %add3A_127 {strides = array<i32>} : memref<1280x128xf32, #tpu.memory_space<vmem>>, vector<1280x1xf32>,
    %broadcast_in_dim3A_131 = arith.constant 0.000000e+00 : f32
    %broadcast_in_dim3A_132 = vector.broadcast %broadcast_in_dim3A_131 : f32 to vector<1280x123xf32>
    %swap3A_133 = arith.constant 0 : index
    %swap3A_134 = arith.constant 5 : index
    %swap3A_135 = vector.load %arg4[%swap3A_133, %swap3A_134] : memref<1280x128xf32, #tpu.memory_space<vmem>>, vector<1280x123xf32>
    tpu.vector_store %arg4[%swap3A_133, %swap3A_134], %broadcast_in_dim3A_132 {strides = array<i32>} : memref<1280x128xf32, #tpu.memory_space<vmem>>, vector<1280x123xf32>,
    return
  }
  func.func @transform_0(%arg0: i32) -> (i32, i32) {
    %c0_i32 = arith.constant 0 : i32
    %c0_i32_0 = arith.constant 0 : i32
    return %arg0, %c0_i32 : i32, i32
  }
  func.func @transform_1(%arg0: i32) -> (i32, i32) {
    %c0_i32 = arith.constant 0 : i32
    %c0_i32_0 = arith.constant 0 : i32
    return %arg0, %c0_i32 : i32, i32
  }
  func.func @transform_2(%arg0: i32) -> (i32, i32) {
    %c0_i32 = arith.constant 0 : i32
    %c0_i32_0 = arith.constant 0 : i32
    %c0_i32_1 = arith.constant 0 : i32
    return %c0_i32, %c0_i32_0 : i32, i32
  }
  func.func @transform_3(%arg0: i32) -> (i32, i32) {
    %c0_i32 = arith.constant 0 : i32
    %c0_i32_0 = arith.constant 0 : i32
    return %arg0, %c0_i32 : i32, i32
  }
}

module attributes {stable_mosaic.version = 14 : i64} {
  func.func @_tc1_body(%arg0: i32, %arg1: memref<10x5x128xf32, #tpu.memory_space<vmem>>, %arg2: memref<10x5x128xf32, #tpu.memory_space<vmem>>, %arg3: memref<10x3x128xf32, #tpu.memory_space<vmem>>, %arg4: memref<3x6x6xf32, #tpu.memory_space<vmem>>, %arg5: memref<1x1xf32, #tpu.memory_space<vmem>>, %arg6: memref<10x128x128xf32, #tpu.memory_space<vmem>>, %arg7: memref<10x1x128xf32, #tpu.memory_space<vmem>>) attributes {dimension_semantics = [#tpu.dimension_semantics<arbitrary>], iteration_bounds = array<i64: 125>, scalar_prefetch = 0 : i64, scratch_operands = 0 : i64, tpu.core_type = #tpu.core_type<tc>, window_params = [{transform_indices = @transform_0, window_bounds = array<i64: 10, 5, 128>}, {transform_indices = @transform_1, window_bounds = array<i64: 10, 5, 128>}, {transform_indices = @transform_2, window_bounds = array<i64: 10, 3, 128>}, {pipeline_mode = #tpu.pipeline_mode<synchronous>, transform_indices = @transform_3, window_bounds = array<i64: 3, 6, 6>}, {pipeline_mode = #tpu.pipeline_mode<synchronous>, transform_indices = @transform_4, window_bounds = array<i64: 1, 1>}, {transform_indices = @transform_5, window_bounds = array<i64: 10, 128, 128>}, {transform_indices = @transform_6, window_bounds = array<i64: 10, 1, 128>}]} {
    %get3A = arith.constant 0 : index
    %get3A_0 = arith.constant 0 : index
    %get3A_1 = arith.constant 0 : index
    %get3A_2 = vector.load %arg1[%get3A, %get3A_0, %get3A_1] : memref<10x5x128xf32, #tpu.memory_space<vmem>>, vector<10x1x128xf32>
    %get3A_3 = vector.shape_cast %get3A_2 : vector<10x1x128xf32> to vector<10x128xf32>
    %get3A_4 = arith.constant 0 : index
    %get3A_5 = arith.constant 1 : index
    %get3A_6 = arith.constant 0 : index
    %get3A_7 = vector.load %arg1[%get3A_4, %get3A_5, %get3A_6] : memref<10x5x128xf32, #tpu.memory_space<vmem>>, vector<10x1x128xf32>
    %get3A_8 = vector.shape_cast %get3A_7 : vector<10x1x128xf32> to vector<10x128xf32>
    %get3A_9 = arith.constant 0 : index
    %get3A_10 = arith.constant 2 : index
    %get3A_11 = arith.constant 0 : index
    %get3A_12 = vector.load %arg1[%get3A_9, %get3A_10, %get3A_11] : memref<10x5x128xf32, #tpu.memory_space<vmem>>, vector<10x1x128xf32>
    %get3A_13 = vector.shape_cast %get3A_12 : vector<10x1x128xf32> to vector<10x128xf32>
    %get3A_14 = arith.constant 0 : index
    %get3A_15 = arith.constant 3 : index
    %get3A_16 = arith.constant 0 : index
    %get3A_17 = vector.load %arg1[%get3A_14, %get3A_15, %get3A_16] : memref<10x5x128xf32, #tpu.memory_space<vmem>>, vector<10x1x128xf32>
    %get3A_18 = vector.shape_cast %get3A_17 : vector<10x1x128xf32> to vector<10x128xf32>
    %get3A_19 = arith.constant 0 : index
    %get3A_20 = arith.constant 4 : index
    %get3A_21 = arith.constant 0 : index
    %get3A_22 = vector.load %arg1[%get3A_19, %get3A_20, %get3A_21] : memref<10x5x128xf32, #tpu.memory_space<vmem>>, vector<10x1x128xf32>
    %get3A_23 = vector.shape_cast %get3A_22 : vector<10x1x128xf32> to vector<10x128xf32>
    %get3A_24 = arith.constant 0 : index
    %get3A_25 = arith.constant 0 : index
    %get3A_26 = arith.constant 0 : index
    %get3A_27 = vector.load %arg2[%get3A_24, %get3A_25, %get3A_26] : memref<10x5x128xf32, #tpu.memory_space<vmem>>, vector<10x1x128xf32>
    %get3A_28 = vector.shape_cast %get3A_27 : vector<10x1x128xf32> to vector<10x128xf32>
    %sub3A = arith.subf %get3A_28, %get3A_3 : vector<10x128xf32>
    %get3A_29 = arith.constant 0 : index
    %get3A_30 = arith.constant 0 : index
    %get3A_31 = arith.constant 0 : index
    %get3A_32 = vector.load %arg3[%get3A_29, %get3A_30, %get3A_31] : memref<10x3x128xf32, #tpu.memory_space<vmem>>, vector<10x1x128xf32>
    %get3A_33 = vector.shape_cast %get3A_32 : vector<10x1x128xf32> to vector<10x128xf32>
    %add3A = arith.addf %sub3A, %get3A_33 : vector<10x128xf32>
    %get3A_34 = arith.constant 0 : index
    %get3A_35 = arith.constant 1 : index
    %get3A_36 = arith.constant 0 : index
    %get3A_37 = vector.load %arg2[%get3A_34, %get3A_35, %get3A_36] : memref<10x5x128xf32, #tpu.memory_space<vmem>>, vector<10x1x128xf32>
    %get3A_38 = vector.shape_cast %get3A_37 : vector<10x1x128xf32> to vector<10x128xf32>
    %sub3A_39 = arith.subf %get3A_38, %get3A_8 : vector<10x128xf32>
    %get3A_40 = arith.constant 0 : index
    %get3A_41 = arith.constant 1 : index
    %get3A_42 = arith.constant 0 : index
    %get3A_43 = vector.load %arg3[%get3A_40, %get3A_41, %get3A_42] : memref<10x3x128xf32, #tpu.memory_space<vmem>>, vector<10x1x128xf32>
    %get3A_44 = vector.shape_cast %get3A_43 : vector<10x1x128xf32> to vector<10x128xf32>
    %add3A_45 = arith.addf %sub3A_39, %get3A_44 : vector<10x128xf32>
    %get3A_46 = arith.constant 0 : index
    %get3A_47 = arith.constant 2 : index
    %get3A_48 = arith.constant 0 : index
    %get3A_49 = vector.load %arg2[%get3A_46, %get3A_47, %get3A_48] : memref<10x5x128xf32, #tpu.memory_space<vmem>>, vector<10x1x128xf32>
    %get3A_50 = vector.shape_cast %get3A_49 : vector<10x1x128xf32> to vector<10x128xf32>
    %sub3A_51 = arith.subf %get3A_50, %get3A_13 : vector<10x128xf32>
    %get3A_52 = arith.constant 0 : index
    %get3A_53 = arith.constant 2 : index
    %get3A_54 = arith.constant 0 : index
    %get3A_55 = vector.load %arg3[%get3A_52, %get3A_53, %get3A_54] : memref<10x3x128xf32, #tpu.memory_space<vmem>>, vector<10x1x128xf32>
    %get3A_56 = vector.shape_cast %get3A_55 : vector<10x1x128xf32> to vector<10x128xf32>
    %add3A_57 = arith.addf %sub3A_51, %get3A_56 : vector<10x128xf32>
    %mul3A = arith.mulf %add3A, %add3A : vector<10x128xf32>
    %mul3A_58 = arith.mulf %add3A_45, %add3A_45 : vector<10x128xf32>
    %add3A_59 = arith.addf %mul3A, %mul3A_58 : vector<10x128xf32>
    %mul3A_60 = arith.mulf %add3A_57, %add3A_57 : vector<10x128xf32>
    %add3A_61 = arith.addf %add3A_59, %mul3A_60 : vector<10x128xf32>
    %add3A_62 = arith.constant 9.99999996E-13 : f32
    %add3A_63 = vector.broadcast %add3A_62 : f32 to vector<10x128xf32>
    %add3A_64 = arith.addf %add3A_61, %add3A_63 : vector<10x128xf32>
    %sqrt3A = math.sqrt %add3A_64 : vector<10x128xf32>
    %div3A = arith.constant 1.000000e+00 : f32
    %div3A_65 = vector.broadcast %div3A : f32 to vector<10x128xf32>
    %div3A_66 = arith.divf %div3A_65, %sqrt3A : vector<10x128xf32>
    %mul3A_67 = arith.mulf %add3A, %div3A_66 : vector<10x128xf32>
    %mul3A_68 = arith.mulf %add3A_45, %div3A_66 : vector<10x128xf32>
    %mul3A_69 = arith.mulf %add3A_57, %div3A_66 : vector<10x128xf32>
    %mul3A_70 = arith.constant 0.181818187 : f32
    %mul3A_71 = vector.broadcast %mul3A_70 : f32 to vector<10x128xf32>
    %mul3A_72 = arith.mulf %sqrt3A, %mul3A_71 : vector<10x128xf32>
    %mul3A_73 = arith.mulf %mul3A_72, %mul3A_72 : vector<10x128xf32>
    %mul3A_74 = arith.mulf %mul3A_73, %mul3A_73 : vector<10x128xf32>
    %mul3A_75 = arith.mulf %mul3A_74, %mul3A_73 : vector<10x128xf32>
    %mul3A_76 = arith.constant 2.800000e+01 : f32
    %mul3A_77 = vector.broadcast %mul3A_76 : f32 to vector<10x128xf32>
    %mul3A_78 = arith.mulf %mul3A_77, %mul3A_75 : vector<10x128xf32>
    %sub3A_79 = arith.constant 1.000000e+00 : f32
    %sub3A_80 = vector.broadcast %sub3A_79 : f32 to vector<10x128xf32>
    %sub3A_81 = arith.subf %sub3A_80, %mul3A_78 : vector<10x128xf32>
    %mul3A_82 = arith.constant 4.800000e+01 : f32
    %mul3A_83 = vector.broadcast %mul3A_82 : f32 to vector<10x128xf32>
    %mul3A_84 = arith.mulf %mul3A_83, %mul3A_75 : vector<10x128xf32>
    %mul3A_85 = arith.mulf %mul3A_84, %mul3A_72 : vector<10x128xf32>
    %add3A_86 = arith.addf %sub3A_81, %mul3A_85 : vector<10x128xf32>
    %mul3A_87 = arith.constant 2.100000e+01 : f32
    %mul3A_88 = vector.broadcast %mul3A_87 : f32 to vector<10x128xf32>
    %mul3A_89 = arith.mulf %mul3A_88, %mul3A_75 : vector<10x128xf32>
    %mul3A_90 = arith.mulf %mul3A_89, %mul3A_73 : vector<10x128xf32>
    %sub3A_91 = arith.subf %add3A_86, %mul3A_90 : vector<10x128xf32>
    %lt3A = arith.constant 1.000000e+00 : f32
    %lt3A_92 = vector.broadcast %lt3A : f32 to vector<10x128xf32>
    %lt3A_93 = arith.cmpf olt, %mul3A_72, %lt3A_92 : vector<10x128xf32>
    %jit3A = arith.constant 0.000000e+00 : f32
    %broadcast_in_dim3A = vector.broadcast %jit3A : f32 to vector<10x128xf32>
    %select_n3A = arith.select %lt3A_93, %sub3A_91, %broadcast_in_dim3A : vector<10x128xi1>, vector<10x128xf32>
    %min3A = arith.constant 1.000000e+00 : f32
    %min3A_94 = vector.broadcast %min3A : f32 to vector<10x128xf32>
    %min3A_95 = arith.minimumf %mul3A_72, %min3A_94 : vector<10x128xf32>
    %mul3A_96 = arith.constant 3.14159274 : f32
    %mul3A_97 = vector.broadcast %mul3A_96 : f32 to vector<10x128xf32>
    %mul3A_98 = arith.mulf %min3A_95, %mul3A_97 : vector<10x128xf32>
    %sin3A = math.sin %mul3A_98 : vector<10x128xf32>
    %cos3A = math.cos %mul3A_98 : vector<10x128xf32>
    %mul3A_99 = arith.constant 2.000000e+00 : f32
    %mul3A_100 = vector.broadcast %mul3A_99 : f32 to vector<10x128xf32>
    %mul3A_101 = arith.mulf %mul3A_100, %cos3A : vector<10x128xf32>
    %mul3A_102 = arith.mulf %div3A_66, %select_n3A : vector<10x128xf32>
    %mul3A_103 = arith.constant 0.603022695 : f32
    %mul3A_104 = vector.broadcast %mul3A_103 : f32 to vector<10x128xf32>
    %mul3A_105 = arith.mulf %mul3A_102, %mul3A_104 : vector<10x128xf32>
    %mul3A_106 = arith.mulf %mul3A_101, %sin3A : vector<10x128xf32>
    %mul3A_107 = arith.mulf %mul3A_101, %mul3A_106 : vector<10x128xf32>
    %sub3A_108 = arith.subf %mul3A_107, %sin3A : vector<10x128xf32>
    %mul3A_109 = arith.mulf %mul3A_101, %sub3A_108 : vector<10x128xf32>
    %sub3A_110 = arith.subf %mul3A_109, %mul3A_106 : vector<10x128xf32>
    %mul3A_111 = arith.mulf %mul3A_101, %sub3A_110 : vector<10x128xf32>
    %sub3A_112 = arith.subf %mul3A_111, %sub3A_108 : vector<10x128xf32>
    %mul3A_113 = arith.mulf %mul3A_101, %sub3A_112 : vector<10x128xf32>
    %sub3A_114 = arith.subf %mul3A_113, %sub3A_110 : vector<10x128xf32>
    %mul3A_115 = arith.mulf %sin3A, %mul3A_105 : vector<10x128xf32>
    %mul3A_116 = arith.mulf %mul3A_106, %mul3A_105 : vector<10x128xf32>
    %mul3A_117 = arith.mulf %sub3A_108, %mul3A_105 : vector<10x128xf32>
    %mul3A_118 = arith.mulf %sub3A_110, %mul3A_105 : vector<10x128xf32>
    %mul3A_119 = arith.mulf %sub3A_112, %mul3A_105 : vector<10x128xf32>
    %mul3A_120 = arith.mulf %sub3A_114, %mul3A_105 : vector<10x128xf32>
    %get3A_121 = arith.constant 0 : index
    %get3A_122 = arith.constant 0 : index
    %get3A_123 = arith.constant 0 : index
    %get3A_124 = vector.load %arg4[%get3A_121, %get3A_122, %get3A_123] : memref<3x6x6xf32, #tpu.memory_space<vmem>>, vector<1x1x1xf32>
    %get3A_125 = vector.extract %get3A_124[0, 0, 0] : f32 from vector<1x1x1xf32>
    %mul3A_126 = vector.broadcast %get3A_125 : f32 to vector<10x128xf32>
    %mul3A_127 = arith.mulf %mul3A_115, %mul3A_126 : vector<10x128xf32>
    %add3A_128 = arith.constant 0.000000e+00 : f32
    %add3A_129 = vector.broadcast %add3A_128 : f32 to vector<10x128xf32>
    %add3A_130 = arith.addf %add3A_129, %mul3A_127 : vector<10x128xf32>
    %get3A_131 = arith.constant 0 : index
    %get3A_132 = arith.constant 1 : index
    %get3A_133 = arith.constant 0 : index
    %get3A_134 = vector.load %arg4[%get3A_131, %get3A_132, %get3A_133] : memref<3x6x6xf32, #tpu.memory_space<vmem>>, vector<1x1x1xf32>
    %get3A_135 = vector.extract %get3A_134[0, 0, 0] : f32 from vector<1x1x1xf32>
    %mul3A_136 = vector.broadcast %get3A_135 : f32 to vector<10x128xf32>
    %mul3A_137 = arith.mulf %mul3A_116, %mul3A_136 : vector<10x128xf32>
    %add3A_138 = arith.addf %add3A_130, %mul3A_137 : vector<10x128xf32>
    %get3A_139 = arith.constant 0 : index
    %get3A_140 = arith.constant 2 : index
    %get3A_141 = arith.constant 0 : index
    %get3A_142 = vector.load %arg4[%get3A_139, %get3A_140, %get3A_141] : memref<3x6x6xf32, #tpu.memory_space<vmem>>, vector<1x1x1xf32>
    %get3A_143 = vector.extract %get3A_142[0, 0, 0] : f32 from vector<1x1x1xf32>
    %mul3A_144 = vector.broadcast %get3A_143 : f32 to vector<10x128xf32>
    %mul3A_145 = arith.mulf %mul3A_117, %mul3A_144 : vector<10x128xf32>
    %add3A_146 = arith.addf %add3A_138, %mul3A_145 : vector<10x128xf32>
    %get3A_147 = arith.constant 0 : index
    %get3A_148 = arith.constant 3 : index
    %get3A_149 = arith.constant 0 : index
    %get3A_150 = vector.load %arg4[%get3A_147, %get3A_148, %get3A_149] : memref<3x6x6xf32, #tpu.memory_space<vmem>>, vector<1x1x1xf32>
    %get3A_151 = vector.extract %get3A_150[0, 0, 0] : f32 from vector<1x1x1xf32>
    %mul3A_152 = vector.broadcast %get3A_151 : f32 to vector<10x128xf32>
    %mul3A_153 = arith.mulf %mul3A_118, %mul3A_152 : vector<10x128xf32>
    %add3A_154 = arith.addf %add3A_146, %mul3A_153 : vector<10x128xf32>
    %get3A_155 = arith.constant 0 : index
    %get3A_156 = arith.constant 4 : index
    %get3A_157 = arith.constant 0 : index
    %get3A_158 = vector.load %arg4[%get3A_155, %get3A_156, %get3A_157] : memref<3x6x6xf32, #tpu.memory_space<vmem>>, vector<1x1x1xf32>
    %get3A_159 = vector.extract %get3A_158[0, 0, 0] : f32 from vector<1x1x1xf32>
    %mul3A_160 = vector.broadcast %get3A_159 : f32 to vector<10x128xf32>
    %mul3A_161 = arith.mulf %mul3A_119, %mul3A_160 : vector<10x128xf32>
    %add3A_162 = arith.addf %add3A_154, %mul3A_161 : vector<10x128xf32>
    %get3A_163 = arith.constant 0 : index
    %get3A_164 = arith.constant 5 : index
    %get3A_165 = arith.constant 0 : index
    %get3A_166 = vector.load %arg4[%get3A_163, %get3A_164, %get3A_165] : memref<3x6x6xf32, #tpu.memory_space<vmem>>, vector<1x1x1xf32>
    %get3A_167 = vector.extract %get3A_166[0, 0, 0] : f32 from vector<1x1x1xf32>
    %mul3A_168 = vector.broadcast %get3A_167 : f32 to vector<10x128xf32>
    %mul3A_169 = arith.mulf %mul3A_120, %mul3A_168 : vector<10x128xf32>
    %add3A_170 = arith.addf %add3A_162, %mul3A_169 : vector<10x128xf32>
    %get3A_171 = arith.constant 0 : index
    %get3A_172 = arith.constant 0 : index
    %get3A_173 = arith.constant 1 : index
    %get3A_174 = vector.load %arg4[%get3A_171, %get3A_172, %get3A_173] : memref<3x6x6xf32, #tpu.memory_space<vmem>>, vector<1x1x1xf32>
    %get3A_175 = vector.extract %get3A_174[0, 0, 0] : f32 from vector<1x1x1xf32>
    %mul3A_176 = vector.broadcast %get3A_175 : f32 to vector<10x128xf32>
    %mul3A_177 = arith.mulf %mul3A_115, %mul3A_176 : vector<10x128xf32>
    %add3A_178 = arith.constant 0.000000e+00 : f32
    %add3A_179 = vector.broadcast %add3A_178 : f32 to vector<10x128xf32>
    %add3A_180 = arith.addf %add3A_179, %mul3A_177 : vector<10x128xf32>
    %get3A_181 = arith.constant 0 : index
    %get3A_182 = arith.constant 1 : index
    %get3A_183 = arith.constant 1 : index
    %get3A_184 = vector.load %arg4[%get3A_181, %get3A_182, %get3A_183] : memref<3x6x6xf32, #tpu.memory_space<vmem>>, vector<1x1x1xf32>
    %get3A_185 = vector.extract %get3A_184[0, 0, 0] : f32 from vector<1x1x1xf32>
    %mul3A_186 = vector.broadcast %get3A_185 : f32 to vector<10x128xf32>
    %mul3A_187 = arith.mulf %mul3A_116, %mul3A_186 : vector<10x128xf32>
    %add3A_188 = arith.addf %add3A_180, %mul3A_187 : vector<10x128xf32>
    %get3A_189 = arith.constant 0 : index
    %get3A_190 = arith.constant 2 : index
    %get3A_191 = arith.constant 1 : index
    %get3A_192 = vector.load %arg4[%get3A_189, %get3A_190, %get3A_191] : memref<3x6x6xf32, #tpu.memory_space<vmem>>, vector<1x1x1xf32>
    %get3A_193 = vector.extract %get3A_192[0, 0, 0] : f32 from vector<1x1x1xf32>
    %mul3A_194 = vector.broadcast %get3A_193 : f32 to vector<10x128xf32>
    %mul3A_195 = arith.mulf %mul3A_117, %mul3A_194 : vector<10x128xf32>
    %add3A_196 = arith.addf %add3A_188, %mul3A_195 : vector<10x128xf32>
    %get3A_197 = arith.constant 0 : index
    %get3A_198 = arith.constant 3 : index
    %get3A_199 = arith.constant 1 : index
    %get3A_200 = vector.load %arg4[%get3A_197, %get3A_198, %get3A_199] : memref<3x6x6xf32, #tpu.memory_space<vmem>>, vector<1x1x1xf32>
    %get3A_201 = vector.extract %get3A_200[0, 0, 0] : f32 from vector<1x1x1xf32>
    %mul3A_202 = vector.broadcast %get3A_201 : f32 to vector<10x128xf32>
    %mul3A_203 = arith.mulf %mul3A_118, %mul3A_202 : vector<10x128xf32>
    %add3A_204 = arith.addf %add3A_196, %mul3A_203 : vector<10x128xf32>
    %get3A_205 = arith.constant 0 : index
    %get3A_206 = arith.constant 4 : index
    %get3A_207 = arith.constant 1 : index
    %get3A_208 = vector.load %arg4[%get3A_205, %get3A_206, %get3A_207] : memref<3x6x6xf32, #tpu.memory_space<vmem>>, vector<1x1x1xf32>
    %get3A_209 = vector.extract %get3A_208[0, 0, 0] : f32 from vector<1x1x1xf32>
    %mul3A_210 = vector.broadcast %get3A_209 : f32 to vector<10x128xf32>
    %mul3A_211 = arith.mulf %mul3A_119, %mul3A_210 : vector<10x128xf32>
    %add3A_212 = arith.addf %add3A_204, %mul3A_211 : vector<10x128xf32>
    %get3A_213 = arith.constant 0 : index
    %get3A_214 = arith.constant 5 : index
    %get3A_215 = arith.constant 1 : index
    %get3A_216 = vector.load %arg4[%get3A_213, %get3A_214, %get3A_215] : memref<3x6x6xf32, #tpu.memory_space<vmem>>, vector<1x1x1xf32>
    %get3A_217 = vector.extract %get3A_216[0, 0, 0] : f32 from vector<1x1x1xf32>
    %mul3A_218 = vector.broadcast %get3A_217 : f32 to vector<10x128xf32>
    %mul3A_219 = arith.mulf %mul3A_120, %mul3A_218 : vector<10x128xf32>
    %add3A_220 = arith.addf %add3A_212, %mul3A_219 : vector<10x128xf32>
    %get3A_221 = arith.constant 0 : index
    %get3A_222 = arith.constant 0 : index
    %get3A_223 = arith.constant 2 : index
    %get3A_224 = vector.load %arg4[%get3A_221, %get3A_222, %get3A_223] : memref<3x6x6xf32, #tpu.memory_space<vmem>>, vector<1x1x1xf32>
    %get3A_225 = vector.extract %get3A_224[0, 0, 0] : f32 from vector<1x1x1xf32>
    %mul3A_226 = vector.broadcast %get3A_225 : f32 to vector<10x128xf32>
    %mul3A_227 = arith.mulf %mul3A_115, %mul3A_226 : vector<10x128xf32>
    %add3A_228 = arith.constant 0.000000e+00 : f32
    %add3A_229 = vector.broadcast %add3A_228 : f32 to vector<10x128xf32>
    %add3A_230 = arith.addf %add3A_229, %mul3A_227 : vector<10x128xf32>
    %get3A_231 = arith.constant 0 : index
    %get3A_232 = arith.constant 1 : index
    %get3A_233 = arith.constant 2 : index
    %get3A_234 = vector.load %arg4[%get3A_231, %get3A_232, %get3A_233] : memref<3x6x6xf32, #tpu.memory_space<vmem>>, vector<1x1x1xf32>
    %get3A_235 = vector.extract %get3A_234[0, 0, 0] : f32 from vector<1x1x1xf32>
    %mul3A_236 = vector.broadcast %get3A_235 : f32 to vector<10x128xf32>
    %mul3A_237 = arith.mulf %mul3A_116, %mul3A_236 : vector<10x128xf32>
    %add3A_238 = arith.addf %add3A_230, %mul3A_237 : vector<10x128xf32>
    %get3A_239 = arith.constant 0 : index
    %get3A_240 = arith.constant 2 : index
    %get3A_241 = arith.constant 2 : index
    %get3A_242 = vector.load %arg4[%get3A_239, %get3A_240, %get3A_241] : memref<3x6x6xf32, #tpu.memory_space<vmem>>, vector<1x1x1xf32>
    %get3A_243 = vector.extract %get3A_242[0, 0, 0] : f32 from vector<1x1x1xf32>
    %mul3A_244 = vector.broadcast %get3A_243 : f32 to vector<10x128xf32>
    %mul3A_245 = arith.mulf %mul3A_117, %mul3A_244 : vector<10x128xf32>
    %add3A_246 = arith.addf %add3A_238, %mul3A_245 : vector<10x128xf32>
    %get3A_247 = arith.constant 0 : index
    %get3A_248 = arith.constant 3 : index
    %get3A_249 = arith.constant 2 : index
    %get3A_250 = vector.load %arg4[%get3A_247, %get3A_248, %get3A_249] : memref<3x6x6xf32, #tpu.memory_space<vmem>>, vector<1x1x1xf32>
    %get3A_251 = vector.extract %get3A_250[0, 0, 0] : f32 from vector<1x1x1xf32>
    %mul3A_252 = vector.broadcast %get3A_251 : f32 to vector<10x128xf32>
    %mul3A_253 = arith.mulf %mul3A_118, %mul3A_252 : vector<10x128xf32>
    %add3A_254 = arith.addf %add3A_246, %mul3A_253 : vector<10x128xf32>
    %get3A_255 = arith.constant 0 : index
    %get3A_256 = arith.constant 4 : index
    %get3A_257 = arith.constant 2 : index
    %get3A_258 = vector.load %arg4[%get3A_255, %get3A_256, %get3A_257] : memref<3x6x6xf32, #tpu.memory_space<vmem>>, vector<1x1x1xf32>
    %get3A_259 = vector.extract %get3A_258[0, 0, 0] : f32 from vector<1x1x1xf32>
    %mul3A_260 = vector.broadcast %get3A_259 : f32 to vector<10x128xf32>
    %mul3A_261 = arith.mulf %mul3A_119, %mul3A_260 : vector<10x128xf32>
    %add3A_262 = arith.addf %add3A_254, %mul3A_261 : vector<10x128xf32>
    %get3A_263 = arith.constant 0 : index
    %get3A_264 = arith.constant 5 : index
    %get3A_265 = arith.constant 2 : index
    %get3A_266 = vector.load %arg4[%get3A_263, %get3A_264, %get3A_265] : memref<3x6x6xf32, #tpu.memory_space<vmem>>, vector<1x1x1xf32>
    %get3A_267 = vector.extract %get3A_266[0, 0, 0] : f32 from vector<1x1x1xf32>
    %mul3A_268 = vector.broadcast %get3A_267 : f32 to vector<10x128xf32>
    %mul3A_269 = arith.mulf %mul3A_120, %mul3A_268 : vector<10x128xf32>
    %add3A_270 = arith.addf %add3A_262, %mul3A_269 : vector<10x128xf32>
    %get3A_271 = arith.constant 0 : index
    %get3A_272 = arith.constant 0 : index
    %get3A_273 = arith.constant 3 : index
    %get3A_274 = vector.load %arg4[%get3A_271, %get3A_272, %get3A_273] : memref<3x6x6xf32, #tpu.memory_space<vmem>>, vector<1x1x1xf32>
    %get3A_275 = vector.extract %get3A_274[0, 0, 0] : f32 from vector<1x1x1xf32>
    %mul3A_276 = vector.broadcast %get3A_275 : f32 to vector<10x128xf32>
    %mul3A_277 = arith.mulf %mul3A_115, %mul3A_276 : vector<10x128xf32>
    %add3A_278 = arith.constant 0.000000e+00 : f32
    %add3A_279 = vector.broadcast %add3A_278 : f32 to vector<10x128xf32>
    %add3A_280 = arith.addf %add3A_279, %mul3A_277 : vector<10x128xf32>
    %get3A_281 = arith.constant 0 : index
    %get3A_282 = arith.constant 1 : index
    %get3A_283 = arith.constant 3 : index
    %get3A_284 = vector.load %arg4[%get3A_281, %get3A_282, %get3A_283] : memref<3x6x6xf32, #tpu.memory_space<vmem>>, vector<1x1x1xf32>
    %get3A_285 = vector.extract %get3A_284[0, 0, 0] : f32 from vector<1x1x1xf32>
    %mul3A_286 = vector.broadcast %get3A_285 : f32 to vector<10x128xf32>
    %mul3A_287 = arith.mulf %mul3A_116, %mul3A_286 : vector<10x128xf32>
    %add3A_288 = arith.addf %add3A_280, %mul3A_287 : vector<10x128xf32>
    %get3A_289 = arith.constant 0 : index
    %get3A_290 = arith.constant 2 : index
    %get3A_291 = arith.constant 3 : index
    %get3A_292 = vector.load %arg4[%get3A_289, %get3A_290, %get3A_291] : memref<3x6x6xf32, #tpu.memory_space<vmem>>, vector<1x1x1xf32>
    %get3A_293 = vector.extract %get3A_292[0, 0, 0] : f32 from vector<1x1x1xf32>
    %mul3A_294 = vector.broadcast %get3A_293 : f32 to vector<10x128xf32>
    %mul3A_295 = arith.mulf %mul3A_117, %mul3A_294 : vector<10x128xf32>
    %add3A_296 = arith.addf %add3A_288, %mul3A_295 : vector<10x128xf32>
    %get3A_297 = arith.constant 0 : index
    %get3A_298 = arith.constant 3 : index
    %get3A_299 = arith.constant 3 : index
    %get3A_300 = vector.load %arg4[%get3A_297, %get3A_298, %get3A_299] : memref<3x6x6xf32, #tpu.memory_space<vmem>>, vector<1x1x1xf32>
    %get3A_301 = vector.extract %get3A_300[0, 0, 0] : f32 from vector<1x1x1xf32>
    %mul3A_302 = vector.broadcast %get3A_301 : f32 to vector<10x128xf32>
    %mul3A_303 = arith.mulf %mul3A_118, %mul3A_302 : vector<10x128xf32>
    %add3A_304 = arith.addf %add3A_296, %mul3A_303 : vector<10x128xf32>
    %get3A_305 = arith.constant 0 : index
    %get3A_306 = arith.constant 4 : index
    %get3A_307 = arith.constant 3 : index
    %get3A_308 = vector.load %arg4[%get3A_305, %get3A_306, %get3A_307] : memref<3x6x6xf32, #tpu.memory_space<vmem>>, vector<1x1x1xf32>
    %get3A_309 = vector.extract %get3A_308[0, 0, 0] : f32 from vector<1x1x1xf32>
    %mul3A_310 = vector.broadcast %get3A_309 : f32 to vector<10x128xf32>
    %mul3A_311 = arith.mulf %mul3A_119, %mul3A_310 : vector<10x128xf32>
    %add3A_312 = arith.addf %add3A_304, %mul3A_311 : vector<10x128xf32>
    %get3A_313 = arith.constant 0 : index
    %get3A_314 = arith.constant 5 : index
    %get3A_315 = arith.constant 3 : index
    %get3A_316 = vector.load %arg4[%get3A_313, %get3A_314, %get3A_315] : memref<3x6x6xf32, #tpu.memory_space<vmem>>, vector<1x1x1xf32>
    %get3A_317 = vector.extract %get3A_316[0, 0, 0] : f32 from vector<1x1x1xf32>
    %mul3A_318 = vector.broadcast %get3A_317 : f32 to vector<10x128xf32>
    %mul3A_319 = arith.mulf %mul3A_120, %mul3A_318 : vector<10x128xf32>
    %add3A_320 = arith.addf %add3A_312, %mul3A_319 : vector<10x128xf32>
    %get3A_321 = arith.constant 0 : index
    %get3A_322 = arith.constant 0 : index
    %get3A_323 = arith.constant 4 : index
    %get3A_324 = vector.load %arg4[%get3A_321, %get3A_322, %get3A_323] : memref<3x6x6xf32, #tpu.memory_space<vmem>>, vector<1x1x1xf32>
    %get3A_325 = vector.extract %get3A_324[0, 0, 0] : f32 from vector<1x1x1xf32>
    %mul3A_326 = vector.broadcast %get3A_325 : f32 to vector<10x128xf32>
    %mul3A_327 = arith.mulf %mul3A_115, %mul3A_326 : vector<10x128xf32>
    %add3A_328 = arith.constant 0.000000e+00 : f32
    %add3A_329 = vector.broadcast %add3A_328 : f32 to vector<10x128xf32>
    %add3A_330 = arith.addf %add3A_329, %mul3A_327 : vector<10x128xf32>
    %get3A_331 = arith.constant 0 : index
    %get3A_332 = arith.constant 1 : index
    %get3A_333 = arith.constant 4 : index
    %get3A_334 = vector.load %arg4[%get3A_331, %get3A_332, %get3A_333] : memref<3x6x6xf32, #tpu.memory_space<vmem>>, vector<1x1x1xf32>
    %get3A_335 = vector.extract %get3A_334[0, 0, 0] : f32 from vector<1x1x1xf32>
    %mul3A_336 = vector.broadcast %get3A_335 : f32 to vector<10x128xf32>
    %mul3A_337 = arith.mulf %mul3A_116, %mul3A_336 : vector<10x128xf32>
    %add3A_338 = arith.addf %add3A_330, %mul3A_337 : vector<10x128xf32>
    %get3A_339 = arith.constant 0 : index
    %get3A_340 = arith.constant 2 : index
    %get3A_341 = arith.constant 4 : index
    %get3A_342 = vector.load %arg4[%get3A_339, %get3A_340, %get3A_341] : memref<3x6x6xf32, #tpu.memory_space<vmem>>, vector<1x1x1xf32>
    %get3A_343 = vector.extract %get3A_342[0, 0, 0] : f32 from vector<1x1x1xf32>
    %mul3A_344 = vector.broadcast %get3A_343 : f32 to vector<10x128xf32>
    %mul3A_345 = arith.mulf %mul3A_117, %mul3A_344 : vector<10x128xf32>
    %add3A_346 = arith.addf %add3A_338, %mul3A_345 : vector<10x128xf32>
    %get3A_347 = arith.constant 0 : index
    %get3A_348 = arith.constant 3 : index
    %get3A_349 = arith.constant 4 : index
    %get3A_350 = vector.load %arg4[%get3A_347, %get3A_348, %get3A_349] : memref<3x6x6xf32, #tpu.memory_space<vmem>>, vector<1x1x1xf32>
    %get3A_351 = vector.extract %get3A_350[0, 0, 0] : f32 from vector<1x1x1xf32>
    %mul3A_352 = vector.broadcast %get3A_351 : f32 to vector<10x128xf32>
    %mul3A_353 = arith.mulf %mul3A_118, %mul3A_352 : vector<10x128xf32>
    %add3A_354 = arith.addf %add3A_346, %mul3A_353 : vector<10x128xf32>
    %get3A_355 = arith.constant 0 : index
    %get3A_356 = arith.constant 4 : index
    %get3A_357 = arith.constant 4 : index
    %get3A_358 = vector.load %arg4[%get3A_355, %get3A_356, %get3A_357] : memref<3x6x6xf32, #tpu.memory_space<vmem>>, vector<1x1x1xf32>
    %get3A_359 = vector.extract %get3A_358[0, 0, 0] : f32 from vector<1x1x1xf32>
    %mul3A_360 = vector.broadcast %get3A_359 : f32 to vector<10x128xf32>
    %mul3A_361 = arith.mulf %mul3A_119, %mul3A_360 : vector<10x128xf32>
    %add3A_362 = arith.addf %add3A_354, %mul3A_361 : vector<10x128xf32>
    %get3A_363 = arith.constant 0 : index
    %get3A_364 = arith.constant 5 : index
    %get3A_365 = arith.constant 4 : index
    %get3A_366 = vector.load %arg4[%get3A_363, %get3A_364, %get3A_365] : memref<3x6x6xf32, #tpu.memory_space<vmem>>, vector<1x1x1xf32>
    %get3A_367 = vector.extract %get3A_366[0, 0, 0] : f32 from vector<1x1x1xf32>
    %mul3A_368 = vector.broadcast %get3A_367 : f32 to vector<10x128xf32>
    %mul3A_369 = arith.mulf %mul3A_120, %mul3A_368 : vector<10x128xf32>
    %add3A_370 = arith.addf %add3A_362, %mul3A_369 : vector<10x128xf32>
    %get3A_371 = arith.constant 0 : index
    %get3A_372 = arith.constant 0 : index
    %get3A_373 = arith.constant 5 : index
    %get3A_374 = vector.load %arg4[%get3A_371, %get3A_372, %get3A_373] : memref<3x6x6xf32, #tpu.memory_space<vmem>>, vector<1x1x1xf32>
    %get3A_375 = vector.extract %get3A_374[0, 0, 0] : f32 from vector<1x1x1xf32>
    %mul3A_376 = vector.broadcast %get3A_375 : f32 to vector<10x128xf32>
    %mul3A_377 = arith.mulf %mul3A_115, %mul3A_376 : vector<10x128xf32>
    %add3A_378 = arith.constant 0.000000e+00 : f32
    %add3A_379 = vector.broadcast %add3A_378 : f32 to vector<10x128xf32>
    %add3A_380 = arith.addf %add3A_379, %mul3A_377 : vector<10x128xf32>
    %get3A_381 = arith.constant 0 : index
    %get3A_382 = arith.constant 1 : index
    %get3A_383 = arith.constant 5 : index
    %get3A_384 = vector.load %arg4[%get3A_381, %get3A_382, %get3A_383] : memref<3x6x6xf32, #tpu.memory_space<vmem>>, vector<1x1x1xf32>
    %get3A_385 = vector.extract %get3A_384[0, 0, 0] : f32 from vector<1x1x1xf32>
    %mul3A_386 = vector.broadcast %get3A_385 : f32 to vector<10x128xf32>
    %mul3A_387 = arith.mulf %mul3A_116, %mul3A_386 : vector<10x128xf32>
    %add3A_388 = arith.addf %add3A_380, %mul3A_387 : vector<10x128xf32>
    %get3A_389 = arith.constant 0 : index
    %get3A_390 = arith.constant 2 : index
    %get3A_391 = arith.constant 5 : index
    %get3A_392 = vector.load %arg4[%get3A_389, %get3A_390, %get3A_391] : memref<3x6x6xf32, #tpu.memory_space<vmem>>, vector<1x1x1xf32>
    %get3A_393 = vector.extract %get3A_392[0, 0, 0] : f32 from vector<1x1x1xf32>
    %mul3A_394 = vector.broadcast %get3A_393 : f32 to vector<10x128xf32>
    %mul3A_395 = arith.mulf %mul3A_117, %mul3A_394 : vector<10x128xf32>
    %add3A_396 = arith.addf %add3A_388, %mul3A_395 : vector<10x128xf32>
    %get3A_397 = arith.constant 0 : index
    %get3A_398 = arith.constant 3 : index
    %get3A_399 = arith.constant 5 : index
    %get3A_400 = vector.load %arg4[%get3A_397, %get3A_398, %get3A_399] : memref<3x6x6xf32, #tpu.memory_space<vmem>>, vector<1x1x1xf32>
    %get3A_401 = vector.extract %get3A_400[0, 0, 0] : f32 from vector<1x1x1xf32>
    %mul3A_402 = vector.broadcast %get3A_401 : f32 to vector<10x128xf32>
    %mul3A_403 = arith.mulf %mul3A_118, %mul3A_402 : vector<10x128xf32>
    %add3A_404 = arith.addf %add3A_396, %mul3A_403 : vector<10x128xf32>
    %get3A_405 = arith.constant 0 : index
    %get3A_406 = arith.constant 4 : index
    %get3A_407 = arith.constant 5 : index
    %get3A_408 = vector.load %arg4[%get3A_405, %get3A_406, %get3A_407] : memref<3x6x6xf32, #tpu.memory_space<vmem>>, vector<1x1x1xf32>
    %get3A_409 = vector.extract %get3A_408[0, 0, 0] : f32 from vector<1x1x1xf32>
    %mul3A_410 = vector.broadcast %get3A_409 : f32 to vector<10x128xf32>
    %mul3A_411 = arith.mulf %mul3A_119, %mul3A_410 : vector<10x128xf32>
    %add3A_412 = arith.addf %add3A_404, %mul3A_411 : vector<10x128xf32>
    %get3A_413 = arith.constant 0 : index
    %get3A_414 = arith.constant 5 : index
    %get3A_415 = arith.constant 5 : index
    %get3A_416 = vector.load %arg4[%get3A_413, %get3A_414, %get3A_415] : memref<3x6x6xf32, #tpu.memory_space<vmem>>, vector<1x1x1xf32>
    %get3A_417 = vector.extract %get3A_416[0, 0, 0] : f32 from vector<1x1x1xf32>
    %mul3A_418 = vector.broadcast %get3A_417 : f32 to vector<10x128xf32>
    %mul3A_419 = arith.mulf %mul3A_120, %mul3A_418 : vector<10x128xf32>
    %add3A_420 = arith.addf %add3A_412, %mul3A_419 : vector<10x128xf32>
    %get3A_421 = arith.constant 1 : index
    %get3A_422 = arith.constant 0 : index
    %get3A_423 = arith.constant 0 : index
    %get3A_424 = vector.load %arg4[%get3A_421, %get3A_422, %get3A_423] : memref<3x6x6xf32, #tpu.memory_space<vmem>>, vector<1x1x1xf32>
    %get3A_425 = vector.extract %get3A_424[0, 0, 0] : f32 from vector<1x1x1xf32>
    %mul3A_426 = vector.broadcast %get3A_425 : f32 to vector<10x128xf32>
    %mul3A_427 = arith.mulf %mul3A_115, %mul3A_426 : vector<10x128xf32>
    %add3A_428 = arith.constant 0.000000e+00 : f32
    %add3A_429 = vector.broadcast %add3A_428 : f32 to vector<10x128xf32>
    %add3A_430 = arith.addf %add3A_429, %mul3A_427 : vector<10x128xf32>
    %get3A_431 = arith.constant 1 : index
    %get3A_432 = arith.constant 1 : index
    %get3A_433 = arith.constant 0 : index
    %get3A_434 = vector.load %arg4[%get3A_431, %get3A_432, %get3A_433] : memref<3x6x6xf32, #tpu.memory_space<vmem>>, vector<1x1x1xf32>
    %get3A_435 = vector.extract %get3A_434[0, 0, 0] : f32 from vector<1x1x1xf32>
    %mul3A_436 = vector.broadcast %get3A_435 : f32 to vector<10x128xf32>
    %mul3A_437 = arith.mulf %mul3A_116, %mul3A_436 : vector<10x128xf32>
    %add3A_438 = arith.addf %add3A_430, %mul3A_437 : vector<10x128xf32>
    %get3A_439 = arith.constant 1 : index
    %get3A_440 = arith.constant 2 : index
    %get3A_441 = arith.constant 0 : index
    %get3A_442 = vector.load %arg4[%get3A_439, %get3A_440, %get3A_441] : memref<3x6x6xf32, #tpu.memory_space<vmem>>, vector<1x1x1xf32>
    %get3A_443 = vector.extract %get3A_442[0, 0, 0] : f32 from vector<1x1x1xf32>
    %mul3A_444 = vector.broadcast %get3A_443 : f32 to vector<10x128xf32>
    %mul3A_445 = arith.mulf %mul3A_117, %mul3A_444 : vector<10x128xf32>
    %add3A_446 = arith.addf %add3A_438, %mul3A_445 : vector<10x128xf32>
    %get3A_447 = arith.constant 1 : index
    %get3A_448 = arith.constant 3 : index
    %get3A_449 = arith.constant 0 : index
    %get3A_450 = vector.load %arg4[%get3A_447, %get3A_448, %get3A_449] : memref<3x6x6xf32, #tpu.memory_space<vmem>>, vector<1x1x1xf32>
    %get3A_451 = vector.extract %get3A_450[0, 0, 0] : f32 from vector<1x1x1xf32>
    %mul3A_452 = vector.broadcast %get3A_451 : f32 to vector<10x128xf32>
    %mul3A_453 = arith.mulf %mul3A_118, %mul3A_452 : vector<10x128xf32>
    %add3A_454 = arith.addf %add3A_446, %mul3A_453 : vector<10x128xf32>
    %get3A_455 = arith.constant 1 : index
    %get3A_456 = arith.constant 4 : index
    %get3A_457 = arith.constant 0 : index
    %get3A_458 = vector.load %arg4[%get3A_455, %get3A_456, %get3A_457] : memref<3x6x6xf32, #tpu.memory_space<vmem>>, vector<1x1x1xf32>
    %get3A_459 = vector.extract %get3A_458[0, 0, 0] : f32 from vector<1x1x1xf32>
    %mul3A_460 = vector.broadcast %get3A_459 : f32 to vector<10x128xf32>
    %mul3A_461 = arith.mulf %mul3A_119, %mul3A_460 : vector<10x128xf32>
    %add3A_462 = arith.addf %add3A_454, %mul3A_461 : vector<10x128xf32>
    %get3A_463 = arith.constant 1 : index
    %get3A_464 = arith.constant 5 : index
    %get3A_465 = arith.constant 0 : index
    %get3A_466 = vector.load %arg4[%get3A_463, %get3A_464, %get3A_465] : memref<3x6x6xf32, #tpu.memory_space<vmem>>, vector<1x1x1xf32>
    %get3A_467 = vector.extract %get3A_466[0, 0, 0] : f32 from vector<1x1x1xf32>
    %mul3A_468 = vector.broadcast %get3A_467 : f32 to vector<10x128xf32>
    %mul3A_469 = arith.mulf %mul3A_120, %mul3A_468 : vector<10x128xf32>
    %add3A_470 = arith.addf %add3A_462, %mul3A_469 : vector<10x128xf32>
    %get3A_471 = arith.constant 1 : index
    %get3A_472 = arith.constant 0 : index
    %get3A_473 = arith.constant 1 : index
    %get3A_474 = vector.load %arg4[%get3A_471, %get3A_472, %get3A_473] : memref<3x6x6xf32, #tpu.memory_space<vmem>>, vector<1x1x1xf32>
    %get3A_475 = vector.extract %get3A_474[0, 0, 0] : f32 from vector<1x1x1xf32>
    %mul3A_476 = vector.broadcast %get3A_475 : f32 to vector<10x128xf32>
    %mul3A_477 = arith.mulf %mul3A_115, %mul3A_476 : vector<10x128xf32>
    %add3A_478 = arith.constant 0.000000e+00 : f32
    %add3A_479 = vector.broadcast %add3A_478 : f32 to vector<10x128xf32>
    %add3A_480 = arith.addf %add3A_479, %mul3A_477 : vector<10x128xf32>
    %get3A_481 = arith.constant 1 : index
    %get3A_482 = arith.constant 1 : index
    %get3A_483 = arith.constant 1 : index
    %get3A_484 = vector.load %arg4[%get3A_481, %get3A_482, %get3A_483] : memref<3x6x6xf32, #tpu.memory_space<vmem>>, vector<1x1x1xf32>
    %get3A_485 = vector.extract %get3A_484[0, 0, 0] : f32 from vector<1x1x1xf32>
    %mul3A_486 = vector.broadcast %get3A_485 : f32 to vector<10x128xf32>
    %mul3A_487 = arith.mulf %mul3A_116, %mul3A_486 : vector<10x128xf32>
    %add3A_488 = arith.addf %add3A_480, %mul3A_487 : vector<10x128xf32>
    %get3A_489 = arith.constant 1 : index
    %get3A_490 = arith.constant 2 : index
    %get3A_491 = arith.constant 1 : index
    %get3A_492 = vector.load %arg4[%get3A_489, %get3A_490, %get3A_491] : memref<3x6x6xf32, #tpu.memory_space<vmem>>, vector<1x1x1xf32>
    %get3A_493 = vector.extract %get3A_492[0, 0, 0] : f32 from vector<1x1x1xf32>
    %mul3A_494 = vector.broadcast %get3A_493 : f32 to vector<10x128xf32>
    %mul3A_495 = arith.mulf %mul3A_117, %mul3A_494 : vector<10x128xf32>
    %add3A_496 = arith.addf %add3A_488, %mul3A_495 : vector<10x128xf32>
    %get3A_497 = arith.constant 1 : index
    %get3A_498 = arith.constant 3 : index
    %get3A_499 = arith.constant 1 : index
    %get3A_500 = vector.load %arg4[%get3A_497, %get3A_498, %get3A_499] : memref<3x6x6xf32, #tpu.memory_space<vmem>>, vector<1x1x1xf32>
    %get3A_501 = vector.extract %get3A_500[0, 0, 0] : f32 from vector<1x1x1xf32>
    %mul3A_502 = vector.broadcast %get3A_501 : f32 to vector<10x128xf32>
    %mul3A_503 = arith.mulf %mul3A_118, %mul3A_502 : vector<10x128xf32>
    %add3A_504 = arith.addf %add3A_496, %mul3A_503 : vector<10x128xf32>
    %get3A_505 = arith.constant 1 : index
    %get3A_506 = arith.constant 4 : index
    %get3A_507 = arith.constant 1 : index
    %get3A_508 = vector.load %arg4[%get3A_505, %get3A_506, %get3A_507] : memref<3x6x6xf32, #tpu.memory_space<vmem>>, vector<1x1x1xf32>
    %get3A_509 = vector.extract %get3A_508[0, 0, 0] : f32 from vector<1x1x1xf32>
    %mul3A_510 = vector.broadcast %get3A_509 : f32 to vector<10x128xf32>
    %mul3A_511 = arith.mulf %mul3A_119, %mul3A_510 : vector<10x128xf32>
    %add3A_512 = arith.addf %add3A_504, %mul3A_511 : vector<10x128xf32>
    %get3A_513 = arith.constant 1 : index
    %get3A_514 = arith.constant 5 : index
    %get3A_515 = arith.constant 1 : index
    %get3A_516 = vector.load %arg4[%get3A_513, %get3A_514, %get3A_515] : memref<3x6x6xf32, #tpu.memory_space<vmem>>, vector<1x1x1xf32>
    %get3A_517 = vector.extract %get3A_516[0, 0, 0] : f32 from vector<1x1x1xf32>
    %mul3A_518 = vector.broadcast %get3A_517 : f32 to vector<10x128xf32>
    %mul3A_519 = arith.mulf %mul3A_120, %mul3A_518 : vector<10x128xf32>
    %add3A_520 = arith.addf %add3A_512, %mul3A_519 : vector<10x128xf32>
    %get3A_521 = arith.constant 1 : index
    %get3A_522 = arith.constant 0 : index
    %get3A_523 = arith.constant 2 : index
    %get3A_524 = vector.load %arg4[%get3A_521, %get3A_522, %get3A_523] : memref<3x6x6xf32, #tpu.memory_space<vmem>>, vector<1x1x1xf32>
    %get3A_525 = vector.extract %get3A_524[0, 0, 0] : f32 from vector<1x1x1xf32>
    %mul3A_526 = vector.broadcast %get3A_525 : f32 to vector<10x128xf32>
    %mul3A_527 = arith.mulf %mul3A_115, %mul3A_526 : vector<10x128xf32>
    %add3A_528 = arith.constant 0.000000e+00 : f32
    %add3A_529 = vector.broadcast %add3A_528 : f32 to vector<10x128xf32>
    %add3A_530 = arith.addf %add3A_529, %mul3A_527 : vector<10x128xf32>
    %get3A_531 = arith.constant 1 : index
    %get3A_532 = arith.constant 1 : index
    %get3A_533 = arith.constant 2 : index
    %get3A_534 = vector.load %arg4[%get3A_531, %get3A_532, %get3A_533] : memref<3x6x6xf32, #tpu.memory_space<vmem>>, vector<1x1x1xf32>
    %get3A_535 = vector.extract %get3A_534[0, 0, 0] : f32 from vector<1x1x1xf32>
    %mul3A_536 = vector.broadcast %get3A_535 : f32 to vector<10x128xf32>
    %mul3A_537 = arith.mulf %mul3A_116, %mul3A_536 : vector<10x128xf32>
    %add3A_538 = arith.addf %add3A_530, %mul3A_537 : vector<10x128xf32>
    %get3A_539 = arith.constant 1 : index
    %get3A_540 = arith.constant 2 : index
    %get3A_541 = arith.constant 2 : index
    %get3A_542 = vector.load %arg4[%get3A_539, %get3A_540, %get3A_541] : memref<3x6x6xf32, #tpu.memory_space<vmem>>, vector<1x1x1xf32>
    %get3A_543 = vector.extract %get3A_542[0, 0, 0] : f32 from vector<1x1x1xf32>
    %mul3A_544 = vector.broadcast %get3A_543 : f32 to vector<10x128xf32>
    %mul3A_545 = arith.mulf %mul3A_117, %mul3A_544 : vector<10x128xf32>
    %add3A_546 = arith.addf %add3A_538, %mul3A_545 : vector<10x128xf32>
    %get3A_547 = arith.constant 1 : index
    %get3A_548 = arith.constant 3 : index
    %get3A_549 = arith.constant 2 : index
    %get3A_550 = vector.load %arg4[%get3A_547, %get3A_548, %get3A_549] : memref<3x6x6xf32, #tpu.memory_space<vmem>>, vector<1x1x1xf32>
    %get3A_551 = vector.extract %get3A_550[0, 0, 0] : f32 from vector<1x1x1xf32>
    %mul3A_552 = vector.broadcast %get3A_551 : f32 to vector<10x128xf32>
    %mul3A_553 = arith.mulf %mul3A_118, %mul3A_552 : vector<10x128xf32>
    %add3A_554 = arith.addf %add3A_546, %mul3A_553 : vector<10x128xf32>
    %get3A_555 = arith.constant 1 : index
    %get3A_556 = arith.constant 4 : index
    %get3A_557 = arith.constant 2 : index
    %get3A_558 = vector.load %arg4[%get3A_555, %get3A_556, %get3A_557] : memref<3x6x6xf32, #tpu.memory_space<vmem>>, vector<1x1x1xf32>
    %get3A_559 = vector.extract %get3A_558[0, 0, 0] : f32 from vector<1x1x1xf32>
    %mul3A_560 = vector.broadcast %get3A_559 : f32 to vector<10x128xf32>
    %mul3A_561 = arith.mulf %mul3A_119, %mul3A_560 : vector<10x128xf32>
    %add3A_562 = arith.addf %add3A_554, %mul3A_561 : vector<10x128xf32>
    %get3A_563 = arith.constant 1 : index
    %get3A_564 = arith.constant 5 : index
    %get3A_565 = arith.constant 2 : index
    %get3A_566 = vector.load %arg4[%get3A_563, %get3A_564, %get3A_565] : memref<3x6x6xf32, #tpu.memory_space<vmem>>, vector<1x1x1xf32>
    %get3A_567 = vector.extract %get3A_566[0, 0, 0] : f32 from vector<1x1x1xf32>
    %mul3A_568 = vector.broadcast %get3A_567 : f32 to vector<10x128xf32>
    %mul3A_569 = arith.mulf %mul3A_120, %mul3A_568 : vector<10x128xf32>
    %add3A_570 = arith.addf %add3A_562, %mul3A_569 : vector<10x128xf32>
    %get3A_571 = arith.constant 1 : index
    %get3A_572 = arith.constant 0 : index
    %get3A_573 = arith.constant 3 : index
    %get3A_574 = vector.load %arg4[%get3A_571, %get3A_572, %get3A_573] : memref<3x6x6xf32, #tpu.memory_space<vmem>>, vector<1x1x1xf32>
    %get3A_575 = vector.extract %get3A_574[0, 0, 0] : f32 from vector<1x1x1xf32>
    %mul3A_576 = vector.broadcast %get3A_575 : f32 to vector<10x128xf32>
    %mul3A_577 = arith.mulf %mul3A_115, %mul3A_576 : vector<10x128xf32>
    %add3A_578 = arith.constant 0.000000e+00 : f32
    %add3A_579 = vector.broadcast %add3A_578 : f32 to vector<10x128xf32>
    %add3A_580 = arith.addf %add3A_579, %mul3A_577 : vector<10x128xf32>
    %get3A_581 = arith.constant 1 : index
    %get3A_582 = arith.constant 1 : index
    %get3A_583 = arith.constant 3 : index
    %get3A_584 = vector.load %arg4[%get3A_581, %get3A_582, %get3A_583] : memref<3x6x6xf32, #tpu.memory_space<vmem>>, vector<1x1x1xf32>
    %get3A_585 = vector.extract %get3A_584[0, 0, 0] : f32 from vector<1x1x1xf32>
    %mul3A_586 = vector.broadcast %get3A_585 : f32 to vector<10x128xf32>
    %mul3A_587 = arith.mulf %mul3A_116, %mul3A_586 : vector<10x128xf32>
    %add3A_588 = arith.addf %add3A_580, %mul3A_587 : vector<10x128xf32>
    %get3A_589 = arith.constant 1 : index
    %get3A_590 = arith.constant 2 : index
    %get3A_591 = arith.constant 3 : index
    %get3A_592 = vector.load %arg4[%get3A_589, %get3A_590, %get3A_591] : memref<3x6x6xf32, #tpu.memory_space<vmem>>, vector<1x1x1xf32>
    %get3A_593 = vector.extract %get3A_592[0, 0, 0] : f32 from vector<1x1x1xf32>
    %mul3A_594 = vector.broadcast %get3A_593 : f32 to vector<10x128xf32>
    %mul3A_595 = arith.mulf %mul3A_117, %mul3A_594 : vector<10x128xf32>
    %add3A_596 = arith.addf %add3A_588, %mul3A_595 : vector<10x128xf32>
    %get3A_597 = arith.constant 1 : index
    %get3A_598 = arith.constant 3 : index
    %get3A_599 = arith.constant 3 : index
    %get3A_600 = vector.load %arg4[%get3A_597, %get3A_598, %get3A_599] : memref<3x6x6xf32, #tpu.memory_space<vmem>>, vector<1x1x1xf32>
    %get3A_601 = vector.extract %get3A_600[0, 0, 0] : f32 from vector<1x1x1xf32>
    %mul3A_602 = vector.broadcast %get3A_601 : f32 to vector<10x128xf32>
    %mul3A_603 = arith.mulf %mul3A_118, %mul3A_602 : vector<10x128xf32>
    %add3A_604 = arith.addf %add3A_596, %mul3A_603 : vector<10x128xf32>
    %get3A_605 = arith.constant 1 : index
    %get3A_606 = arith.constant 4 : index
    %get3A_607 = arith.constant 3 : index
    %get3A_608 = vector.load %arg4[%get3A_605, %get3A_606, %get3A_607] : memref<3x6x6xf32, #tpu.memory_space<vmem>>, vector<1x1x1xf32>
    %get3A_609 = vector.extract %get3A_608[0, 0, 0] : f32 from vector<1x1x1xf32>
    %mul3A_610 = vector.broadcast %get3A_609 : f32 to vector<10x128xf32>
    %mul3A_611 = arith.mulf %mul3A_119, %mul3A_610 : vector<10x128xf32>
    %add3A_612 = arith.addf %add3A_604, %mul3A_611 : vector<10x128xf32>
    %get3A_613 = arith.constant 1 : index
    %get3A_614 = arith.constant 5 : index
    %get3A_615 = arith.constant 3 : index
    %get3A_616 = vector.load %arg4[%get3A_613, %get3A_614, %get3A_615] : memref<3x6x6xf32, #tpu.memory_space<vmem>>, vector<1x1x1xf32>
    %get3A_617 = vector.extract %get3A_616[0, 0, 0] : f32 from vector<1x1x1xf32>
    %mul3A_618 = vector.broadcast %get3A_617 : f32 to vector<10x128xf32>
    %mul3A_619 = arith.mulf %mul3A_120, %mul3A_618 : vector<10x128xf32>
    %add3A_620 = arith.addf %add3A_612, %mul3A_619 : vector<10x128xf32>
    %get3A_621 = arith.constant 1 : index
    %get3A_622 = arith.constant 0 : index
    %get3A_623 = arith.constant 4 : index
    %get3A_624 = vector.load %arg4[%get3A_621, %get3A_622, %get3A_623] : memref<3x6x6xf32, #tpu.memory_space<vmem>>, vector<1x1x1xf32>
    %get3A_625 = vector.extract %get3A_624[0, 0, 0] : f32 from vector<1x1x1xf32>
    %mul3A_626 = vector.broadcast %get3A_625 : f32 to vector<10x128xf32>
    %mul3A_627 = arith.mulf %mul3A_115, %mul3A_626 : vector<10x128xf32>
    %add3A_628 = arith.constant 0.000000e+00 : f32
    %add3A_629 = vector.broadcast %add3A_628 : f32 to vector<10x128xf32>
    %add3A_630 = arith.addf %add3A_629, %mul3A_627 : vector<10x128xf32>
    %get3A_631 = arith.constant 1 : index
    %get3A_632 = arith.constant 1 : index
    %get3A_633 = arith.constant 4 : index
    %get3A_634 = vector.load %arg4[%get3A_631, %get3A_632, %get3A_633] : memref<3x6x6xf32, #tpu.memory_space<vmem>>, vector<1x1x1xf32>
    %get3A_635 = vector.extract %get3A_634[0, 0, 0] : f32 from vector<1x1x1xf32>
    %mul3A_636 = vector.broadcast %get3A_635 : f32 to vector<10x128xf32>
    %mul3A_637 = arith.mulf %mul3A_116, %mul3A_636 : vector<10x128xf32>
    %add3A_638 = arith.addf %add3A_630, %mul3A_637 : vector<10x128xf32>
    %get3A_639 = arith.constant 1 : index
    %get3A_640 = arith.constant 2 : index
    %get3A_641 = arith.constant 4 : index
    %get3A_642 = vector.load %arg4[%get3A_639, %get3A_640, %get3A_641] : memref<3x6x6xf32, #tpu.memory_space<vmem>>, vector<1x1x1xf32>
    %get3A_643 = vector.extract %get3A_642[0, 0, 0] : f32 from vector<1x1x1xf32>
    %mul3A_644 = vector.broadcast %get3A_643 : f32 to vector<10x128xf32>
    %mul3A_645 = arith.mulf %mul3A_117, %mul3A_644 : vector<10x128xf32>
    %add3A_646 = arith.addf %add3A_638, %mul3A_645 : vector<10x128xf32>
    %get3A_647 = arith.constant 1 : index
    %get3A_648 = arith.constant 3 : index
    %get3A_649 = arith.constant 4 : index
    %get3A_650 = vector.load %arg4[%get3A_647, %get3A_648, %get3A_649] : memref<3x6x6xf32, #tpu.memory_space<vmem>>, vector<1x1x1xf32>
    %get3A_651 = vector.extract %get3A_650[0, 0, 0] : f32 from vector<1x1x1xf32>
    %mul3A_652 = vector.broadcast %get3A_651 : f32 to vector<10x128xf32>
    %mul3A_653 = arith.mulf %mul3A_118, %mul3A_652 : vector<10x128xf32>
    %add3A_654 = arith.addf %add3A_646, %mul3A_653 : vector<10x128xf32>
    %get3A_655 = arith.constant 1 : index
    %get3A_656 = arith.constant 4 : index
    %get3A_657 = arith.constant 4 : index
    %get3A_658 = vector.load %arg4[%get3A_655, %get3A_656, %get3A_657] : memref<3x6x6xf32, #tpu.memory_space<vmem>>, vector<1x1x1xf32>
    %get3A_659 = vector.extract %get3A_658[0, 0, 0] : f32 from vector<1x1x1xf32>
    %mul3A_660 = vector.broadcast %get3A_659 : f32 to vector<10x128xf32>
    %mul3A_661 = arith.mulf %mul3A_119, %mul3A_660 : vector<10x128xf32>
    %add3A_662 = arith.addf %add3A_654, %mul3A_661 : vector<10x128xf32>
    %get3A_663 = arith.constant 1 : index
    %get3A_664 = arith.constant 5 : index
    %get3A_665 = arith.constant 4 : index
    %get3A_666 = vector.load %arg4[%get3A_663, %get3A_664, %get3A_665] : memref<3x6x6xf32, #tpu.memory_space<vmem>>, vector<1x1x1xf32>
    %get3A_667 = vector.extract %get3A_666[0, 0, 0] : f32 from vector<1x1x1xf32>
    %mul3A_668 = vector.broadcast %get3A_667 : f32 to vector<10x128xf32>
    %mul3A_669 = arith.mulf %mul3A_120, %mul3A_668 : vector<10x128xf32>
    %add3A_670 = arith.addf %add3A_662, %mul3A_669 : vector<10x128xf32>
    %get3A_671 = arith.constant 1 : index
    %get3A_672 = arith.constant 0 : index
    %get3A_673 = arith.constant 5 : index
    %get3A_674 = vector.load %arg4[%get3A_671, %get3A_672, %get3A_673] : memref<3x6x6xf32, #tpu.memory_space<vmem>>, vector<1x1x1xf32>
    %get3A_675 = vector.extract %get3A_674[0, 0, 0] : f32 from vector<1x1x1xf32>
    %mul3A_676 = vector.broadcast %get3A_675 : f32 to vector<10x128xf32>
    %mul3A_677 = arith.mulf %mul3A_115, %mul3A_676 : vector<10x128xf32>
    %add3A_678 = arith.constant 0.000000e+00 : f32
    %add3A_679 = vector.broadcast %add3A_678 : f32 to vector<10x128xf32>
    %add3A_680 = arith.addf %add3A_679, %mul3A_677 : vector<10x128xf32>
    %get3A_681 = arith.constant 1 : index
    %get3A_682 = arith.constant 1 : index
    %get3A_683 = arith.constant 5 : index
    %get3A_684 = vector.load %arg4[%get3A_681, %get3A_682, %get3A_683] : memref<3x6x6xf32, #tpu.memory_space<vmem>>, vector<1x1x1xf32>
    %get3A_685 = vector.extract %get3A_684[0, 0, 0] : f32 from vector<1x1x1xf32>
    %mul3A_686 = vector.broadcast %get3A_685 : f32 to vector<10x128xf32>
    %mul3A_687 = arith.mulf %mul3A_116, %mul3A_686 : vector<10x128xf32>
    %add3A_688 = arith.addf %add3A_680, %mul3A_687 : vector<10x128xf32>
    %get3A_689 = arith.constant 1 : index
    %get3A_690 = arith.constant 2 : index
    %get3A_691 = arith.constant 5 : index
    %get3A_692 = vector.load %arg4[%get3A_689, %get3A_690, %get3A_691] : memref<3x6x6xf32, #tpu.memory_space<vmem>>, vector<1x1x1xf32>
    %get3A_693 = vector.extract %get3A_692[0, 0, 0] : f32 from vector<1x1x1xf32>
    %mul3A_694 = vector.broadcast %get3A_693 : f32 to vector<10x128xf32>
    %mul3A_695 = arith.mulf %mul3A_117, %mul3A_694 : vector<10x128xf32>
    %add3A_696 = arith.addf %add3A_688, %mul3A_695 : vector<10x128xf32>
    %get3A_697 = arith.constant 1 : index
    %get3A_698 = arith.constant 3 : index
    %get3A_699 = arith.constant 5 : index
    %get3A_700 = vector.load %arg4[%get3A_697, %get3A_698, %get3A_699] : memref<3x6x6xf32, #tpu.memory_space<vmem>>, vector<1x1x1xf32>
    %get3A_701 = vector.extract %get3A_700[0, 0, 0] : f32 from vector<1x1x1xf32>
    %mul3A_702 = vector.broadcast %get3A_701 : f32 to vector<10x128xf32>
    %mul3A_703 = arith.mulf %mul3A_118, %mul3A_702 : vector<10x128xf32>
    %add3A_704 = arith.addf %add3A_696, %mul3A_703 : vector<10x128xf32>
    %get3A_705 = arith.constant 1 : index
    %get3A_706 = arith.constant 4 : index
    %get3A_707 = arith.constant 5 : index
    %get3A_708 = vector.load %arg4[%get3A_705, %get3A_706, %get3A_707] : memref<3x6x6xf32, #tpu.memory_space<vmem>>, vector<1x1x1xf32>
    %get3A_709 = vector.extract %get3A_708[0, 0, 0] : f32 from vector<1x1x1xf32>
    %mul3A_710 = vector.broadcast %get3A_709 : f32 to vector<10x128xf32>
    %mul3A_711 = arith.mulf %mul3A_119, %mul3A_710 : vector<10x128xf32>
    %add3A_712 = arith.addf %add3A_704, %mul3A_711 : vector<10x128xf32>
    %get3A_713 = arith.constant 1 : index
    %get3A_714 = arith.constant 5 : index
    %get3A_715 = arith.constant 5 : index
    %get3A_716 = vector.load %arg4[%get3A_713, %get3A_714, %get3A_715] : memref<3x6x6xf32, #tpu.memory_space<vmem>>, vector<1x1x1xf32>
    %get3A_717 = vector.extract %get3A_716[0, 0, 0] : f32 from vector<1x1x1xf32>
    %mul3A_718 = vector.broadcast %get3A_717 : f32 to vector<10x128xf32>
    %mul3A_719 = arith.mulf %mul3A_120, %mul3A_718 : vector<10x128xf32>
    %add3A_720 = arith.addf %add3A_712, %mul3A_719 : vector<10x128xf32>
    %get3A_721 = arith.constant 2 : index
    %get3A_722 = arith.constant 0 : index
    %get3A_723 = arith.constant 0 : index
    %get3A_724 = vector.load %arg4[%get3A_721, %get3A_722, %get3A_723] : memref<3x6x6xf32, #tpu.memory_space<vmem>>, vector<1x1x1xf32>
    %get3A_725 = vector.extract %get3A_724[0, 0, 0] : f32 from vector<1x1x1xf32>
    %mul3A_726 = vector.broadcast %get3A_725 : f32 to vector<10x128xf32>
    %mul3A_727 = arith.mulf %mul3A_115, %mul3A_726 : vector<10x128xf32>
    %add3A_728 = arith.constant 0.000000e+00 : f32
    %add3A_729 = vector.broadcast %add3A_728 : f32 to vector<10x128xf32>
    %add3A_730 = arith.addf %add3A_729, %mul3A_727 : vector<10x128xf32>
    %get3A_731 = arith.constant 2 : index
    %get3A_732 = arith.constant 1 : index
    %get3A_733 = arith.constant 0 : index
    %get3A_734 = vector.load %arg4[%get3A_731, %get3A_732, %get3A_733] : memref<3x6x6xf32, #tpu.memory_space<vmem>>, vector<1x1x1xf32>
    %get3A_735 = vector.extract %get3A_734[0, 0, 0] : f32 from vector<1x1x1xf32>
    %mul3A_736 = vector.broadcast %get3A_735 : f32 to vector<10x128xf32>
    %mul3A_737 = arith.mulf %mul3A_116, %mul3A_736 : vector<10x128xf32>
    %add3A_738 = arith.addf %add3A_730, %mul3A_737 : vector<10x128xf32>
    %get3A_739 = arith.constant 2 : index
    %get3A_740 = arith.constant 2 : index
    %get3A_741 = arith.constant 0 : index
    %get3A_742 = vector.load %arg4[%get3A_739, %get3A_740, %get3A_741] : memref<3x6x6xf32, #tpu.memory_space<vmem>>, vector<1x1x1xf32>
    %get3A_743 = vector.extract %get3A_742[0, 0, 0] : f32 from vector<1x1x1xf32>
    %mul3A_744 = vector.broadcast %get3A_743 : f32 to vector<10x128xf32>
    %mul3A_745 = arith.mulf %mul3A_117, %mul3A_744 : vector<10x128xf32>
    %add3A_746 = arith.addf %add3A_738, %mul3A_745 : vector<10x128xf32>
    %get3A_747 = arith.constant 2 : index
    %get3A_748 = arith.constant 3 : index
    %get3A_749 = arith.constant 0 : index
    %get3A_750 = vector.load %arg4[%get3A_747, %get3A_748, %get3A_749] : memref<3x6x6xf32, #tpu.memory_space<vmem>>, vector<1x1x1xf32>
    %get3A_751 = vector.extract %get3A_750[0, 0, 0] : f32 from vector<1x1x1xf32>
    %mul3A_752 = vector.broadcast %get3A_751 : f32 to vector<10x128xf32>
    %mul3A_753 = arith.mulf %mul3A_118, %mul3A_752 : vector<10x128xf32>
    %add3A_754 = arith.addf %add3A_746, %mul3A_753 : vector<10x128xf32>
    %get3A_755 = arith.constant 2 : index
    %get3A_756 = arith.constant 4 : index
    %get3A_757 = arith.constant 0 : index
    %get3A_758 = vector.load %arg4[%get3A_755, %get3A_756, %get3A_757] : memref<3x6x6xf32, #tpu.memory_space<vmem>>, vector<1x1x1xf32>
    %get3A_759 = vector.extract %get3A_758[0, 0, 0] : f32 from vector<1x1x1xf32>
    %mul3A_760 = vector.broadcast %get3A_759 : f32 to vector<10x128xf32>
    %mul3A_761 = arith.mulf %mul3A_119, %mul3A_760 : vector<10x128xf32>
    %add3A_762 = arith.addf %add3A_754, %mul3A_761 : vector<10x128xf32>
    %get3A_763 = arith.constant 2 : index
    %get3A_764 = arith.constant 5 : index
    %get3A_765 = arith.constant 0 : index
    %get3A_766 = vector.load %arg4[%get3A_763, %get3A_764, %get3A_765] : memref<3x6x6xf32, #tpu.memory_space<vmem>>, vector<1x1x1xf32>
    %get3A_767 = vector.extract %get3A_766[0, 0, 0] : f32 from vector<1x1x1xf32>
    %mul3A_768 = vector.broadcast %get3A_767 : f32 to vector<10x128xf32>
    %mul3A_769 = arith.mulf %mul3A_120, %mul3A_768 : vector<10x128xf32>
    %add3A_770 = arith.addf %add3A_762, %mul3A_769 : vector<10x128xf32>
    %get3A_771 = arith.constant 2 : index
    %get3A_772 = arith.constant 0 : index
    %get3A_773 = arith.constant 1 : index
    %get3A_774 = vector.load %arg4[%get3A_771, %get3A_772, %get3A_773] : memref<3x6x6xf32, #tpu.memory_space<vmem>>, vector<1x1x1xf32>
    %get3A_775 = vector.extract %get3A_774[0, 0, 0] : f32 from vector<1x1x1xf32>
    %mul3A_776 = vector.broadcast %get3A_775 : f32 to vector<10x128xf32>
    %mul3A_777 = arith.mulf %mul3A_115, %mul3A_776 : vector<10x128xf32>
    %add3A_778 = arith.constant 0.000000e+00 : f32
    %add3A_779 = vector.broadcast %add3A_778 : f32 to vector<10x128xf32>
    %add3A_780 = arith.addf %add3A_779, %mul3A_777 : vector<10x128xf32>
    %get3A_781 = arith.constant 2 : index
    %get3A_782 = arith.constant 1 : index
    %get3A_783 = arith.constant 1 : index
    %get3A_784 = vector.load %arg4[%get3A_781, %get3A_782, %get3A_783] : memref<3x6x6xf32, #tpu.memory_space<vmem>>, vector<1x1x1xf32>
    %get3A_785 = vector.extract %get3A_784[0, 0, 0] : f32 from vector<1x1x1xf32>
    %mul3A_786 = vector.broadcast %get3A_785 : f32 to vector<10x128xf32>
    %mul3A_787 = arith.mulf %mul3A_116, %mul3A_786 : vector<10x128xf32>
    %add3A_788 = arith.addf %add3A_780, %mul3A_787 : vector<10x128xf32>
    %get3A_789 = arith.constant 2 : index
    %get3A_790 = arith.constant 2 : index
    %get3A_791 = arith.constant 1 : index
    %get3A_792 = vector.load %arg4[%get3A_789, %get3A_790, %get3A_791] : memref<3x6x6xf32, #tpu.memory_space<vmem>>, vector<1x1x1xf32>
    %get3A_793 = vector.extract %get3A_792[0, 0, 0] : f32 from vector<1x1x1xf32>
    %mul3A_794 = vector.broadcast %get3A_793 : f32 to vector<10x128xf32>
    %mul3A_795 = arith.mulf %mul3A_117, %mul3A_794 : vector<10x128xf32>
    %add3A_796 = arith.addf %add3A_788, %mul3A_795 : vector<10x128xf32>
    %get3A_797 = arith.constant 2 : index
    %get3A_798 = arith.constant 3 : index
    %get3A_799 = arith.constant 1 : index
    %get3A_800 = vector.load %arg4[%get3A_797, %get3A_798, %get3A_799] : memref<3x6x6xf32, #tpu.memory_space<vmem>>, vector<1x1x1xf32>
    %get3A_801 = vector.extract %get3A_800[0, 0, 0] : f32 from vector<1x1x1xf32>
    %mul3A_802 = vector.broadcast %get3A_801 : f32 to vector<10x128xf32>
    %mul3A_803 = arith.mulf %mul3A_118, %mul3A_802 : vector<10x128xf32>
    %add3A_804 = arith.addf %add3A_796, %mul3A_803 : vector<10x128xf32>
    %get3A_805 = arith.constant 2 : index
    %get3A_806 = arith.constant 4 : index
    %get3A_807 = arith.constant 1 : index
    %get3A_808 = vector.load %arg4[%get3A_805, %get3A_806, %get3A_807] : memref<3x6x6xf32, #tpu.memory_space<vmem>>, vector<1x1x1xf32>
    %get3A_809 = vector.extract %get3A_808[0, 0, 0] : f32 from vector<1x1x1xf32>
    %mul3A_810 = vector.broadcast %get3A_809 : f32 to vector<10x128xf32>
    %mul3A_811 = arith.mulf %mul3A_119, %mul3A_810 : vector<10x128xf32>
    %add3A_812 = arith.addf %add3A_804, %mul3A_811 : vector<10x128xf32>
    %get3A_813 = arith.constant 2 : index
    %get3A_814 = arith.constant 5 : index
    %get3A_815 = arith.constant 1 : index
    %get3A_816 = vector.load %arg4[%get3A_813, %get3A_814, %get3A_815] : memref<3x6x6xf32, #tpu.memory_space<vmem>>, vector<1x1x1xf32>
    %get3A_817 = vector.extract %get3A_816[0, 0, 0] : f32 from vector<1x1x1xf32>
    %mul3A_818 = vector.broadcast %get3A_817 : f32 to vector<10x128xf32>
    %mul3A_819 = arith.mulf %mul3A_120, %mul3A_818 : vector<10x128xf32>
    %add3A_820 = arith.addf %add3A_812, %mul3A_819 : vector<10x128xf32>
    %get3A_821 = arith.constant 2 : index
    %get3A_822 = arith.constant 0 : index
    %get3A_823 = arith.constant 2 : index
    %get3A_824 = vector.load %arg4[%get3A_821, %get3A_822, %get3A_823] : memref<3x6x6xf32, #tpu.memory_space<vmem>>, vector<1x1x1xf32>
    %get3A_825 = vector.extract %get3A_824[0, 0, 0] : f32 from vector<1x1x1xf32>
    %mul3A_826 = vector.broadcast %get3A_825 : f32 to vector<10x128xf32>
    %mul3A_827 = arith.mulf %mul3A_115, %mul3A_826 : vector<10x128xf32>
    %add3A_828 = arith.constant 0.000000e+00 : f32
    %add3A_829 = vector.broadcast %add3A_828 : f32 to vector<10x128xf32>
    %add3A_830 = arith.addf %add3A_829, %mul3A_827 : vector<10x128xf32>
    %get3A_831 = arith.constant 2 : index
    %get3A_832 = arith.constant 1 : index
    %get3A_833 = arith.constant 2 : index
    %get3A_834 = vector.load %arg4[%get3A_831, %get3A_832, %get3A_833] : memref<3x6x6xf32, #tpu.memory_space<vmem>>, vector<1x1x1xf32>
    %get3A_835 = vector.extract %get3A_834[0, 0, 0] : f32 from vector<1x1x1xf32>
    %mul3A_836 = vector.broadcast %get3A_835 : f32 to vector<10x128xf32>
    %mul3A_837 = arith.mulf %mul3A_116, %mul3A_836 : vector<10x128xf32>
    %add3A_838 = arith.addf %add3A_830, %mul3A_837 : vector<10x128xf32>
    %get3A_839 = arith.constant 2 : index
    %get3A_840 = arith.constant 2 : index
    %get3A_841 = arith.constant 2 : index
    %get3A_842 = vector.load %arg4[%get3A_839, %get3A_840, %get3A_841] : memref<3x6x6xf32, #tpu.memory_space<vmem>>, vector<1x1x1xf32>
    %get3A_843 = vector.extract %get3A_842[0, 0, 0] : f32 from vector<1x1x1xf32>
    %mul3A_844 = vector.broadcast %get3A_843 : f32 to vector<10x128xf32>
    %mul3A_845 = arith.mulf %mul3A_117, %mul3A_844 : vector<10x128xf32>
    %add3A_846 = arith.addf %add3A_838, %mul3A_845 : vector<10x128xf32>
    %get3A_847 = arith.constant 2 : index
    %get3A_848 = arith.constant 3 : index
    %get3A_849 = arith.constant 2 : index
    %get3A_850 = vector.load %arg4[%get3A_847, %get3A_848, %get3A_849] : memref<3x6x6xf32, #tpu.memory_space<vmem>>, vector<1x1x1xf32>
    %get3A_851 = vector.extract %get3A_850[0, 0, 0] : f32 from vector<1x1x1xf32>
    %mul3A_852 = vector.broadcast %get3A_851 : f32 to vector<10x128xf32>
    %mul3A_853 = arith.mulf %mul3A_118, %mul3A_852 : vector<10x128xf32>
    %add3A_854 = arith.addf %add3A_846, %mul3A_853 : vector<10x128xf32>
    %get3A_855 = arith.constant 2 : index
    %get3A_856 = arith.constant 4 : index
    %get3A_857 = arith.constant 2 : index
    %get3A_858 = vector.load %arg4[%get3A_855, %get3A_856, %get3A_857] : memref<3x6x6xf32, #tpu.memory_space<vmem>>, vector<1x1x1xf32>
    %get3A_859 = vector.extract %get3A_858[0, 0, 0] : f32 from vector<1x1x1xf32>
    %mul3A_860 = vector.broadcast %get3A_859 : f32 to vector<10x128xf32>
    %mul3A_861 = arith.mulf %mul3A_119, %mul3A_860 : vector<10x128xf32>
    %add3A_862 = arith.addf %add3A_854, %mul3A_861 : vector<10x128xf32>
    %get3A_863 = arith.constant 2 : index
    %get3A_864 = arith.constant 5 : index
    %get3A_865 = arith.constant 2 : index
    %get3A_866 = vector.load %arg4[%get3A_863, %get3A_864, %get3A_865] : memref<3x6x6xf32, #tpu.memory_space<vmem>>, vector<1x1x1xf32>
    %get3A_867 = vector.extract %get3A_866[0, 0, 0] : f32 from vector<1x1x1xf32>
    %mul3A_868 = vector.broadcast %get3A_867 : f32 to vector<10x128xf32>
    %mul3A_869 = arith.mulf %mul3A_120, %mul3A_868 : vector<10x128xf32>
    %add3A_870 = arith.addf %add3A_862, %mul3A_869 : vector<10x128xf32>
    %get3A_871 = arith.constant 2 : index
    %get3A_872 = arith.constant 0 : index
    %get3A_873 = arith.constant 3 : index
    %get3A_874 = vector.load %arg4[%get3A_871, %get3A_872, %get3A_873] : memref<3x6x6xf32, #tpu.memory_space<vmem>>, vector<1x1x1xf32>
    %get3A_875 = vector.extract %get3A_874[0, 0, 0] : f32 from vector<1x1x1xf32>
    %mul3A_876 = vector.broadcast %get3A_875 : f32 to vector<10x128xf32>
    %mul3A_877 = arith.mulf %mul3A_115, %mul3A_876 : vector<10x128xf32>
    %add3A_878 = arith.constant 0.000000e+00 : f32
    %add3A_879 = vector.broadcast %add3A_878 : f32 to vector<10x128xf32>
    %add3A_880 = arith.addf %add3A_879, %mul3A_877 : vector<10x128xf32>
    %get3A_881 = arith.constant 2 : index
    %get3A_882 = arith.constant 1 : index
    %get3A_883 = arith.constant 3 : index
    %get3A_884 = vector.load %arg4[%get3A_881, %get3A_882, %get3A_883] : memref<3x6x6xf32, #tpu.memory_space<vmem>>, vector<1x1x1xf32>
    %get3A_885 = vector.extract %get3A_884[0, 0, 0] : f32 from vector<1x1x1xf32>
    %mul3A_886 = vector.broadcast %get3A_885 : f32 to vector<10x128xf32>
    %mul3A_887 = arith.mulf %mul3A_116, %mul3A_886 : vector<10x128xf32>
    %add3A_888 = arith.addf %add3A_880, %mul3A_887 : vector<10x128xf32>
    %get3A_889 = arith.constant 2 : index
    %get3A_890 = arith.constant 2 : index
    %get3A_891 = arith.constant 3 : index
    %get3A_892 = vector.load %arg4[%get3A_889, %get3A_890, %get3A_891] : memref<3x6x6xf32, #tpu.memory_space<vmem>>, vector<1x1x1xf32>
    %get3A_893 = vector.extract %get3A_892[0, 0, 0] : f32 from vector<1x1x1xf32>
    %mul3A_894 = vector.broadcast %get3A_893 : f32 to vector<10x128xf32>
    %mul3A_895 = arith.mulf %mul3A_117, %mul3A_894 : vector<10x128xf32>
    %add3A_896 = arith.addf %add3A_888, %mul3A_895 : vector<10x128xf32>
    %get3A_897 = arith.constant 2 : index
    %get3A_898 = arith.constant 3 : index
    %get3A_899 = arith.constant 3 : index
    %get3A_900 = vector.load %arg4[%get3A_897, %get3A_898, %get3A_899] : memref<3x6x6xf32, #tpu.memory_space<vmem>>, vector<1x1x1xf32>
    %get3A_901 = vector.extract %get3A_900[0, 0, 0] : f32 from vector<1x1x1xf32>
    %mul3A_902 = vector.broadcast %get3A_901 : f32 to vector<10x128xf32>
    %mul3A_903 = arith.mulf %mul3A_118, %mul3A_902 : vector<10x128xf32>
    %add3A_904 = arith.addf %add3A_896, %mul3A_903 : vector<10x128xf32>
    %get3A_905 = arith.constant 2 : index
    %get3A_906 = arith.constant 4 : index
    %get3A_907 = arith.constant 3 : index
    %get3A_908 = vector.load %arg4[%get3A_905, %get3A_906, %get3A_907] : memref<3x6x6xf32, #tpu.memory_space<vmem>>, vector<1x1x1xf32>
    %get3A_909 = vector.extract %get3A_908[0, 0, 0] : f32 from vector<1x1x1xf32>
    %mul3A_910 = vector.broadcast %get3A_909 : f32 to vector<10x128xf32>
    %mul3A_911 = arith.mulf %mul3A_119, %mul3A_910 : vector<10x128xf32>
    %add3A_912 = arith.addf %add3A_904, %mul3A_911 : vector<10x128xf32>
    %get3A_913 = arith.constant 2 : index
    %get3A_914 = arith.constant 5 : index
    %get3A_915 = arith.constant 3 : index
    %get3A_916 = vector.load %arg4[%get3A_913, %get3A_914, %get3A_915] : memref<3x6x6xf32, #tpu.memory_space<vmem>>, vector<1x1x1xf32>
    %get3A_917 = vector.extract %get3A_916[0, 0, 0] : f32 from vector<1x1x1xf32>
    %mul3A_918 = vector.broadcast %get3A_917 : f32 to vector<10x128xf32>
    %mul3A_919 = arith.mulf %mul3A_120, %mul3A_918 : vector<10x128xf32>
    %add3A_920 = arith.addf %add3A_912, %mul3A_919 : vector<10x128xf32>
    %get3A_921 = arith.constant 2 : index
    %get3A_922 = arith.constant 0 : index
    %get3A_923 = arith.constant 4 : index
    %get3A_924 = vector.load %arg4[%get3A_921, %get3A_922, %get3A_923] : memref<3x6x6xf32, #tpu.memory_space<vmem>>, vector<1x1x1xf32>
    %get3A_925 = vector.extract %get3A_924[0, 0, 0] : f32 from vector<1x1x1xf32>
    %mul3A_926 = vector.broadcast %get3A_925 : f32 to vector<10x128xf32>
    %mul3A_927 = arith.mulf %mul3A_115, %mul3A_926 : vector<10x128xf32>
    %add3A_928 = arith.constant 0.000000e+00 : f32
    %add3A_929 = vector.broadcast %add3A_928 : f32 to vector<10x128xf32>
    %add3A_930 = arith.addf %add3A_929, %mul3A_927 : vector<10x128xf32>
    %get3A_931 = arith.constant 2 : index
    %get3A_932 = arith.constant 1 : index
    %get3A_933 = arith.constant 4 : index
    %get3A_934 = vector.load %arg4[%get3A_931, %get3A_932, %get3A_933] : memref<3x6x6xf32, #tpu.memory_space<vmem>>, vector<1x1x1xf32>
    %get3A_935 = vector.extract %get3A_934[0, 0, 0] : f32 from vector<1x1x1xf32>
    %mul3A_936 = vector.broadcast %get3A_935 : f32 to vector<10x128xf32>
    %mul3A_937 = arith.mulf %mul3A_116, %mul3A_936 : vector<10x128xf32>
    %add3A_938 = arith.addf %add3A_930, %mul3A_937 : vector<10x128xf32>
    %get3A_939 = arith.constant 2 : index
    %get3A_940 = arith.constant 2 : index
    %get3A_941 = arith.constant 4 : index
    %get3A_942 = vector.load %arg4[%get3A_939, %get3A_940, %get3A_941] : memref<3x6x6xf32, #tpu.memory_space<vmem>>, vector<1x1x1xf32>
    %get3A_943 = vector.extract %get3A_942[0, 0, 0] : f32 from vector<1x1x1xf32>
    %mul3A_944 = vector.broadcast %get3A_943 : f32 to vector<10x128xf32>
    %mul3A_945 = arith.mulf %mul3A_117, %mul3A_944 : vector<10x128xf32>
    %add3A_946 = arith.addf %add3A_938, %mul3A_945 : vector<10x128xf32>
    %get3A_947 = arith.constant 2 : index
    %get3A_948 = arith.constant 3 : index
    %get3A_949 = arith.constant 4 : index
    %get3A_950 = vector.load %arg4[%get3A_947, %get3A_948, %get3A_949] : memref<3x6x6xf32, #tpu.memory_space<vmem>>, vector<1x1x1xf32>
    %get3A_951 = vector.extract %get3A_950[0, 0, 0] : f32 from vector<1x1x1xf32>
    %mul3A_952 = vector.broadcast %get3A_951 : f32 to vector<10x128xf32>
    %mul3A_953 = arith.mulf %mul3A_118, %mul3A_952 : vector<10x128xf32>
    %add3A_954 = arith.addf %add3A_946, %mul3A_953 : vector<10x128xf32>
    %get3A_955 = arith.constant 2 : index
    %get3A_956 = arith.constant 4 : index
    %get3A_957 = arith.constant 4 : index
    %get3A_958 = vector.load %arg4[%get3A_955, %get3A_956, %get3A_957] : memref<3x6x6xf32, #tpu.memory_space<vmem>>, vector<1x1x1xf32>
    %get3A_959 = vector.extract %get3A_958[0, 0, 0] : f32 from vector<1x1x1xf32>
    %mul3A_960 = vector.broadcast %get3A_959 : f32 to vector<10x128xf32>
    %mul3A_961 = arith.mulf %mul3A_119, %mul3A_960 : vector<10x128xf32>
    %add3A_962 = arith.addf %add3A_954, %mul3A_961 : vector<10x128xf32>
    %get3A_963 = arith.constant 2 : index
    %get3A_964 = arith.constant 5 : index
    %get3A_965 = arith.constant 4 : index
    %get3A_966 = vector.load %arg4[%get3A_963, %get3A_964, %get3A_965] : memref<3x6x6xf32, #tpu.memory_space<vmem>>, vector<1x1x1xf32>
    %get3A_967 = vector.extract %get3A_966[0, 0, 0] : f32 from vector<1x1x1xf32>
    %mul3A_968 = vector.broadcast %get3A_967 : f32 to vector<10x128xf32>
    %mul3A_969 = arith.mulf %mul3A_120, %mul3A_968 : vector<10x128xf32>
    %add3A_970 = arith.addf %add3A_962, %mul3A_969 : vector<10x128xf32>
    %get3A_971 = arith.constant 2 : index
    %get3A_972 = arith.constant 0 : index
    %get3A_973 = arith.constant 5 : index
    %get3A_974 = vector.load %arg4[%get3A_971, %get3A_972, %get3A_973] : memref<3x6x6xf32, #tpu.memory_space<vmem>>, vector<1x1x1xf32>
    %get3A_975 = vector.extract %get3A_974[0, 0, 0] : f32 from vector<1x1x1xf32>
    %mul3A_976 = vector.broadcast %get3A_975 : f32 to vector<10x128xf32>
    %mul3A_977 = arith.mulf %mul3A_115, %mul3A_976 : vector<10x128xf32>
    %add3A_978 = arith.constant 0.000000e+00 : f32
    %add3A_979 = vector.broadcast %add3A_978 : f32 to vector<10x128xf32>
    %add3A_980 = arith.addf %add3A_979, %mul3A_977 : vector<10x128xf32>
    %get3A_981 = arith.constant 2 : index
    %get3A_982 = arith.constant 1 : index
    %get3A_983 = arith.constant 5 : index
    %get3A_984 = vector.load %arg4[%get3A_981, %get3A_982, %get3A_983] : memref<3x6x6xf32, #tpu.memory_space<vmem>>, vector<1x1x1xf32>
    %get3A_985 = vector.extract %get3A_984[0, 0, 0] : f32 from vector<1x1x1xf32>
    %mul3A_986 = vector.broadcast %get3A_985 : f32 to vector<10x128xf32>
    %mul3A_987 = arith.mulf %mul3A_116, %mul3A_986 : vector<10x128xf32>
    %add3A_988 = arith.addf %add3A_980, %mul3A_987 : vector<10x128xf32>
    %get3A_989 = arith.constant 2 : index
    %get3A_990 = arith.constant 2 : index
    %get3A_991 = arith.constant 5 : index
    %get3A_992 = vector.load %arg4[%get3A_989, %get3A_990, %get3A_991] : memref<3x6x6xf32, #tpu.memory_space<vmem>>, vector<1x1x1xf32>
    %get3A_993 = vector.extract %get3A_992[0, 0, 0] : f32 from vector<1x1x1xf32>
    %mul3A_994 = vector.broadcast %get3A_993 : f32 to vector<10x128xf32>
    %mul3A_995 = arith.mulf %mul3A_117, %mul3A_994 : vector<10x128xf32>
    %add3A_996 = arith.addf %add3A_988, %mul3A_995 : vector<10x128xf32>
    %get3A_997 = arith.constant 2 : index
    %get3A_998 = arith.constant 3 : index
    %get3A_999 = arith.constant 5 : index
    %get3A_1000 = vector.load %arg4[%get3A_997, %get3A_998, %get3A_999] : memref<3x6x6xf32, #tpu.memory_space<vmem>>, vector<1x1x1xf32>
    %get3A_1001 = vector.extract %get3A_1000[0, 0, 0] : f32 from vector<1x1x1xf32>
    %mul3A_1002 = vector.broadcast %get3A_1001 : f32 to vector<10x128xf32>
    %mul3A_1003 = arith.mulf %mul3A_118, %mul3A_1002 : vector<10x128xf32>
    %add3A_1004 = arith.addf %add3A_996, %mul3A_1003 : vector<10x128xf32>
    %get3A_1005 = arith.constant 2 : index
    %get3A_1006 = arith.constant 4 : index
    %get3A_1007 = arith.constant 5 : index
    %get3A_1008 = vector.load %arg4[%get3A_1005, %get3A_1006, %get3A_1007] : memref<3x6x6xf32, #tpu.memory_space<vmem>>, vector<1x1x1xf32>
    %get3A_1009 = vector.extract %get3A_1008[0, 0, 0] : f32 from vector<1x1x1xf32>
    %mul3A_1010 = vector.broadcast %get3A_1009 : f32 to vector<10x128xf32>
    %mul3A_1011 = arith.mulf %mul3A_119, %mul3A_1010 : vector<10x128xf32>
    %add3A_1012 = arith.addf %add3A_1004, %mul3A_1011 : vector<10x128xf32>
    %get3A_1013 = arith.constant 2 : index
    %get3A_1014 = arith.constant 5 : index
    %get3A_1015 = arith.constant 5 : index
    %get3A_1016 = vector.load %arg4[%get3A_1013, %get3A_1014, %get3A_1015] : memref<3x6x6xf32, #tpu.memory_space<vmem>>, vector<1x1x1xf32>
    %get3A_1017 = vector.extract %get3A_1016[0, 0, 0] : f32 from vector<1x1x1xf32>
    %mul3A_1018 = vector.broadcast %get3A_1017 : f32 to vector<10x128xf32>
    %mul3A_1019 = arith.mulf %mul3A_120, %mul3A_1018 : vector<10x128xf32>
    %add3A_1020 = arith.addf %add3A_1012, %mul3A_1019 : vector<10x128xf32>
    %broadcast_in_dim3A_1021 = arith.constant 1.000000e+00 : f32
    %broadcast_in_dim3A_1022 = vector.broadcast %broadcast_in_dim3A_1021 : f32 to vector<10x128xf32>
    %mul3A_1023 = arith.mulf %broadcast_in_dim3A_1022, %broadcast_in_dim3A_1022 : vector<10x128xf32>
    %mul3A_1024 = arith.mulf %mul3A_1023, %broadcast_in_dim3A_1022 : vector<10x128xf32>
    %mul3A_1025 = arith.mulf %mul3A_67, %broadcast_in_dim3A_1022 : vector<10x128xf32>
    %mul3A_1026 = arith.mulf %mul3A_1025, %broadcast_in_dim3A_1022 : vector<10x128xf32>
    %mul3A_1027 = arith.mulf %broadcast_in_dim3A_1022, %mul3A_68 : vector<10x128xf32>
    %mul3A_1028 = arith.mulf %mul3A_1027, %broadcast_in_dim3A_1022 : vector<10x128xf32>
    %mul3A_1029 = arith.mulf %broadcast_in_dim3A_1022, %broadcast_in_dim3A_1022 : vector<10x128xf32>
    %mul3A_1030 = arith.mulf %mul3A_1029, %mul3A_69 : vector<10x128xf32>
    %mul3A_1031 = arith.mulf %mul3A_67, %mul3A_67 : vector<10x128xf32>
    %mul3A_1032 = arith.mulf %mul3A_1031, %broadcast_in_dim3A_1022 : vector<10x128xf32>
    %mul3A_1033 = arith.mulf %mul3A_1032, %broadcast_in_dim3A_1022 : vector<10x128xf32>
    %mul3A_1034 = arith.mulf %mul3A_67, %mul3A_68 : vector<10x128xf32>
    %mul3A_1035 = arith.mulf %mul3A_1034, %broadcast_in_dim3A_1022 : vector<10x128xf32>
    %mul3A_1036 = arith.mulf %mul3A_67, %broadcast_in_dim3A_1022 : vector<10x128xf32>
    %mul3A_1037 = arith.mulf %mul3A_1036, %mul3A_69 : vector<10x128xf32>
    %mul3A_1038 = arith.mulf %mul3A_68, %mul3A_68 : vector<10x128xf32>
    %mul3A_1039 = arith.mulf %broadcast_in_dim3A_1022, %mul3A_1038 : vector<10x128xf32>
    %mul3A_1040 = arith.mulf %mul3A_1039, %broadcast_in_dim3A_1022 : vector<10x128xf32>
    %mul3A_1041 = arith.mulf %broadcast_in_dim3A_1022, %mul3A_68 : vector<10x128xf32>
    %mul3A_1042 = arith.mulf %mul3A_1041, %mul3A_69 : vector<10x128xf32>
    %mul3A_1043 = arith.mulf %broadcast_in_dim3A_1022, %broadcast_in_dim3A_1022 : vector<10x128xf32>
    %mul3A_1044 = arith.mulf %mul3A_69, %mul3A_69 : vector<10x128xf32>
    %mul3A_1045 = arith.mulf %mul3A_1043, %mul3A_1044 : vector<10x128xf32>
    %broadcast_in_dim3A_1046 = arith.constant 0.000000e+00 : f32
    %broadcast_in_dim3A_1047 = vector.broadcast %broadcast_in_dim3A_1046 : f32 to vector<10x128xf32>
    %mul3A_1048 = arith.mulf %mul3A_1024, %add3A_170 : vector<10x128xf32>
    %mul3A_1049 = arith.mulf %mul3A_1048, %get3A_18 : vector<10x128xf32>
    %swap3A = arith.constant 0 : index
    %swap3A_1050 = arith.constant 0 : index
    %swap3A_1051 = arith.constant 0 : index
    %swap3A_1052 = vector.load %arg6[%swap3A, %swap3A_1050, %swap3A_1051] : memref<10x128x128xf32, #tpu.memory_space<vmem>>, vector<10x1x128xf32>
    %swap3A_1053 = vector.shape_cast %swap3A_1052 : vector<10x1x128xf32> to vector<10x128xf32>
    %swap3A_1054 = vector.shape_cast %mul3A_1049 : vector<10x128xf32> to vector<10x1x128xf32>
    tpu.vector_store %arg6[%swap3A, %swap3A_1050, %swap3A_1051], %swap3A_1054 {strides = array<i32>} : memref<10x128x128xf32, #tpu.memory_space<vmem>>, vector<10x1x128xf32>,
    %mul3A_1055 = arith.mulf %mul3A_1048, %get3A_23 : vector<10x128xf32>
    %swap3A_1056 = arith.constant 0 : index
    %swap3A_1057 = arith.constant 1 : index
    %swap3A_1058 = arith.constant 0 : index
    %swap3A_1059 = vector.load %arg6[%swap3A_1056, %swap3A_1057, %swap3A_1058] : memref<10x128x128xf32, #tpu.memory_space<vmem>>, vector<10x1x128xf32>
    %swap3A_1060 = vector.shape_cast %swap3A_1059 : vector<10x1x128xf32> to vector<10x128xf32>
    %swap3A_1061 = vector.shape_cast %mul3A_1055 : vector<10x128xf32> to vector<10x1x128xf32>
    tpu.vector_store %arg6[%swap3A_1056, %swap3A_1057, %swap3A_1058], %swap3A_1061 {strides = array<i32>} : memref<10x128x128xf32, #tpu.memory_space<vmem>>, vector<10x1x128xf32>,
    %mul3A_1062 = arith.mulf %mul3A_1024, %add3A_220 : vector<10x128xf32>
    %mul3A_1063 = arith.mulf %mul3A_1062, %get3A_18 : vector<10x128xf32>
    %swap3A_1064 = arith.constant 0 : index
    %swap3A_1065 = arith.constant 2 : index
    %swap3A_1066 = arith.constant 0 : index
    %swap3A_1067 = vector.load %arg6[%swap3A_1064, %swap3A_1065, %swap3A_1066] : memref<10x128x128xf32, #tpu.memory_space<vmem>>, vector<10x1x128xf32>
    %swap3A_1068 = vector.shape_cast %swap3A_1067 : vector<10x1x128xf32> to vector<10x128xf32>
    %swap3A_1069 = vector.shape_cast %mul3A_1063 : vector<10x128xf32> to vector<10x1x128xf32>
    tpu.vector_store %arg6[%swap3A_1064, %swap3A_1065, %swap3A_1066], %swap3A_1069 {strides = array<i32>} : memref<10x128x128xf32, #tpu.memory_space<vmem>>, vector<10x1x128xf32>,
    %mul3A_1070 = arith.mulf %mul3A_1062, %get3A_23 : vector<10x128xf32>
    %swap3A_1071 = arith.constant 0 : index
    %swap3A_1072 = arith.constant 3 : index
    %swap3A_1073 = arith.constant 0 : index
    %swap3A_1074 = vector.load %arg6[%swap3A_1071, %swap3A_1072, %swap3A_1073] : memref<10x128x128xf32, #tpu.memory_space<vmem>>, vector<10x1x128xf32>
    %swap3A_1075 = vector.shape_cast %swap3A_1074 : vector<10x1x128xf32> to vector<10x128xf32>
    %swap3A_1076 = vector.shape_cast %mul3A_1070 : vector<10x128xf32> to vector<10x1x128xf32>
    tpu.vector_store %arg6[%swap3A_1071, %swap3A_1072, %swap3A_1073], %swap3A_1076 {strides = array<i32>} : memref<10x128x128xf32, #tpu.memory_space<vmem>>, vector<10x1x128xf32>,
    %mul3A_1077 = arith.mulf %mul3A_1024, %add3A_270 : vector<10x128xf32>
    %mul3A_1078 = arith.mulf %mul3A_1077, %get3A_18 : vector<10x128xf32>
    %swap3A_1079 = arith.constant 0 : index
    %swap3A_1080 = arith.constant 4 : index
    %swap3A_1081 = arith.constant 0 : index
    %swap3A_1082 = vector.load %arg6[%swap3A_1079, %swap3A_1080, %swap3A_1081] : memref<10x128x128xf32, #tpu.memory_space<vmem>>, vector<10x1x128xf32>
    %swap3A_1083 = vector.shape_cast %swap3A_1082 : vector<10x1x128xf32> to vector<10x128xf32>
    %swap3A_1084 = vector.shape_cast %mul3A_1078 : vector<10x128xf32> to vector<10x1x128xf32>
    tpu.vector_store %arg6[%swap3A_1079, %swap3A_1080, %swap3A_1081], %swap3A_1084 {strides = array<i32>} : memref<10x128x128xf32, #tpu.memory_space<vmem>>, vector<10x1x128xf32>,
    %mul3A_1085 = arith.mulf %mul3A_1077, %get3A_23 : vector<10x128xf32>
    %swap3A_1086 = arith.constant 0 : index
    %swap3A_1087 = arith.constant 5 : index
    %swap3A_1088 = arith.constant 0 : index
    %swap3A_1089 = vector.load %arg6[%swap3A_1086, %swap3A_1087, %swap3A_1088] : memref<10x128x128xf32, #tpu.memory_space<vmem>>, vector<10x1x128xf32>
    %swap3A_1090 = vector.shape_cast %swap3A_1089 : vector<10x1x128xf32> to vector<10x128xf32>
    %swap3A_1091 = vector.shape_cast %mul3A_1085 : vector<10x128xf32> to vector<10x1x128xf32>
    tpu.vector_store %arg6[%swap3A_1086, %swap3A_1087, %swap3A_1088], %swap3A_1091 {strides = array<i32>} : memref<10x128x128xf32, #tpu.memory_space<vmem>>, vector<10x1x128xf32>,
    %mul3A_1092 = arith.mulf %mul3A_1024, %add3A_320 : vector<10x128xf32>
    %mul3A_1093 = arith.mulf %mul3A_1092, %get3A_18 : vector<10x128xf32>
    %swap3A_1094 = arith.constant 0 : index
    %swap3A_1095 = arith.constant 6 : index
    %swap3A_1096 = arith.constant 0 : index
    %swap3A_1097 = vector.load %arg6[%swap3A_1094, %swap3A_1095, %swap3A_1096] : memref<10x128x128xf32, #tpu.memory_space<vmem>>, vector<10x1x128xf32>
    %swap3A_1098 = vector.shape_cast %swap3A_1097 : vector<10x1x128xf32> to vector<10x128xf32>
    %swap3A_1099 = vector.shape_cast %mul3A_1093 : vector<10x128xf32> to vector<10x1x128xf32>
    tpu.vector_store %arg6[%swap3A_1094, %swap3A_1095, %swap3A_1096], %swap3A_1099 {strides = array<i32>} : memref<10x128x128xf32, #tpu.memory_space<vmem>>, vector<10x1x128xf32>,
    %mul3A_1100 = arith.mulf %mul3A_1092, %get3A_23 : vector<10x128xf32>
    %swap3A_1101 = arith.constant 0 : index
    %swap3A_1102 = arith.constant 7 : index
    %swap3A_1103 = arith.constant 0 : index
    %swap3A_1104 = vector.load %arg6[%swap3A_1101, %swap3A_1102, %swap3A_1103] : memref<10x128x128xf32, #tpu.memory_space<vmem>>, vector<10x1x128xf32>
    %swap3A_1105 = vector.shape_cast %swap3A_1104 : vector<10x1x128xf32> to vector<10x128xf32>
    %swap3A_1106 = vector.shape_cast %mul3A_1100 : vector<10x128xf32> to vector<10x1x128xf32>
    tpu.vector_store %arg6[%swap3A_1101, %swap3A_1102, %swap3A_1103], %swap3A_1106 {strides = array<i32>} : memref<10x128x128xf32, #tpu.memory_space<vmem>>, vector<10x1x128xf32>,
    %mul3A_1107 = arith.mulf %mul3A_1024, %add3A_370 : vector<10x128xf32>
    %mul3A_1108 = arith.mulf %mul3A_1107, %get3A_18 : vector<10x128xf32>
    %swap3A_1109 = arith.constant 0 : index
    %swap3A_1110 = arith.constant 8 : index
    %swap3A_1111 = arith.constant 0 : index
    %swap3A_1112 = vector.load %arg6[%swap3A_1109, %swap3A_1110, %swap3A_1111] : memref<10x128x128xf32, #tpu.memory_space<vmem>>, vector<10x1x128xf32>
    %swap3A_1113 = vector.shape_cast %swap3A_1112 : vector<10x1x128xf32> to vector<10x128xf32>
    %swap3A_1114 = vector.shape_cast %mul3A_1108 : vector<10x128xf32> to vector<10x1x128xf32>
    tpu.vector_store %arg6[%swap3A_1109, %swap3A_1110, %swap3A_1111], %swap3A_1114 {strides = array<i32>} : memref<10x128x128xf32, #tpu.memory_space<vmem>>, vector<10x1x128xf32>,
    %mul3A_1115 = arith.mulf %mul3A_1107, %get3A_23 : vector<10x128xf32>
    %swap3A_1116 = arith.constant 0 : index
    %swap3A_1117 = arith.constant 9 : index
    %swap3A_1118 = arith.constant 0 : index
    %swap3A_1119 = vector.load %arg6[%swap3A_1116, %swap3A_1117, %swap3A_1118] : memref<10x128x128xf32, #tpu.memory_space<vmem>>, vector<10x1x128xf32>
    %swap3A_1120 = vector.shape_cast %swap3A_1119 : vector<10x1x128xf32> to vector<10x128xf32>
    %swap3A_1121 = vector.shape_cast %mul3A_1115 : vector<10x128xf32> to vector<10x1x128xf32>
    tpu.vector_store %arg6[%swap3A_1116, %swap3A_1117, %swap3A_1118], %swap3A_1121 {strides = array<i32>} : memref<10x128x128xf32, #tpu.memory_space<vmem>>, vector<10x1x128xf32>,
    %mul3A_1122 = arith.mulf %mul3A_1024, %add3A_420 : vector<10x128xf32>
    %mul3A_1123 = arith.mulf %mul3A_1122, %get3A_18 : vector<10x128xf32>
    %swap3A_1124 = arith.constant 0 : index
    %swap3A_1125 = arith.constant 10 : index
    %swap3A_1126 = arith.constant 0 : index
    %swap3A_1127 = vector.load %arg6[%swap3A_1124, %swap3A_1125, %swap3A_1126] : memref<10x128x128xf32, #tpu.memory_space<vmem>>, vector<10x1x128xf32>
    %swap3A_1128 = vector.shape_cast %swap3A_1127 : vector<10x1x128xf32> to vector<10x128xf32>
    %swap3A_1129 = vector.shape_cast %mul3A_1123 : vector<10x128xf32> to vector<10x1x128xf32>
    tpu.vector_store %arg6[%swap3A_1124, %swap3A_1125, %swap3A_1126], %swap3A_1129 {strides = array<i32>} : memref<10x128x128xf32, #tpu.memory_space<vmem>>, vector<10x1x128xf32>,
    %mul3A_1130 = arith.mulf %mul3A_1122, %get3A_23 : vector<10x128xf32>
    %swap3A_1131 = arith.constant 0 : index
    %swap3A_1132 = arith.constant 11 : index
    %swap3A_1133 = arith.constant 0 : index
    %swap3A_1134 = vector.load %arg6[%swap3A_1131, %swap3A_1132, %swap3A_1133] : memref<10x128x128xf32, #tpu.memory_space<vmem>>, vector<10x1x128xf32>
    %swap3A_1135 = vector.shape_cast %swap3A_1134 : vector<10x1x128xf32> to vector<10x128xf32>
    %swap3A_1136 = vector.shape_cast %mul3A_1130 : vector<10x128xf32> to vector<10x1x128xf32>
    tpu.vector_store %arg6[%swap3A_1131, %swap3A_1132, %swap3A_1133], %swap3A_1136 {strides = array<i32>} : memref<10x128x128xf32, #tpu.memory_space<vmem>>, vector<10x1x128xf32>,
    %mul3A_1137 = arith.mulf %mul3A_1026, %add3A_470 : vector<10x128xf32>
    %mul3A_1138 = arith.mulf %mul3A_1137, %get3A_18 : vector<10x128xf32>
    %swap3A_1139 = arith.constant 0 : index
    %swap3A_1140 = arith.constant 12 : index
    %swap3A_1141 = arith.constant 0 : index
    %swap3A_1142 = vector.load %arg6[%swap3A_1139, %swap3A_1140, %swap3A_1141] : memref<10x128x128xf32, #tpu.memory_space<vmem>>, vector<10x1x128xf32>
    %swap3A_1143 = vector.shape_cast %swap3A_1142 : vector<10x1x128xf32> to vector<10x128xf32>
    %swap3A_1144 = vector.shape_cast %mul3A_1138 : vector<10x128xf32> to vector<10x1x128xf32>
    tpu.vector_store %arg6[%swap3A_1139, %swap3A_1140, %swap3A_1141], %swap3A_1144 {strides = array<i32>} : memref<10x128x128xf32, #tpu.memory_space<vmem>>, vector<10x1x128xf32>,
    %mul3A_1145 = arith.mulf %mul3A_1137, %get3A_23 : vector<10x128xf32>
    %swap3A_1146 = arith.constant 0 : index
    %swap3A_1147 = arith.constant 13 : index
    %swap3A_1148 = arith.constant 0 : index
    %swap3A_1149 = vector.load %arg6[%swap3A_1146, %swap3A_1147, %swap3A_1148] : memref<10x128x128xf32, #tpu.memory_space<vmem>>, vector<10x1x128xf32>
    %swap3A_1150 = vector.shape_cast %swap3A_1149 : vector<10x1x128xf32> to vector<10x128xf32>
    %swap3A_1151 = vector.shape_cast %mul3A_1145 : vector<10x128xf32> to vector<10x1x128xf32>
    tpu.vector_store %arg6[%swap3A_1146, %swap3A_1147, %swap3A_1148], %swap3A_1151 {strides = array<i32>} : memref<10x128x128xf32, #tpu.memory_space<vmem>>, vector<10x1x128xf32>,
    %mul3A_1152 = arith.mulf %mul3A_1026, %add3A_520 : vector<10x128xf32>
    %mul3A_1153 = arith.mulf %mul3A_1152, %get3A_18 : vector<10x128xf32>
    %swap3A_1154 = arith.constant 0 : index
    %swap3A_1155 = arith.constant 14 : index
    %swap3A_1156 = arith.constant 0 : index
    %swap3A_1157 = vector.load %arg6[%swap3A_1154, %swap3A_1155, %swap3A_1156] : memref<10x128x128xf32, #tpu.memory_space<vmem>>, vector<10x1x128xf32>
    %swap3A_1158 = vector.shape_cast %swap3A_1157 : vector<10x1x128xf32> to vector<10x128xf32>
    %swap3A_1159 = vector.shape_cast %mul3A_1153 : vector<10x128xf32> to vector<10x1x128xf32>
    tpu.vector_store %arg6[%swap3A_1154, %swap3A_1155, %swap3A_1156], %swap3A_1159 {strides = array<i32>} : memref<10x128x128xf32, #tpu.memory_space<vmem>>, vector<10x1x128xf32>,
    %mul3A_1160 = arith.mulf %mul3A_1152, %get3A_23 : vector<10x128xf32>
    %swap3A_1161 = arith.constant 0 : index
    %swap3A_1162 = arith.constant 15 : index
    %swap3A_1163 = arith.constant 0 : index
    %swap3A_1164 = vector.load %arg6[%swap3A_1161, %swap3A_1162, %swap3A_1163] : memref<10x128x128xf32, #tpu.memory_space<vmem>>, vector<10x1x128xf32>
    %swap3A_1165 = vector.shape_cast %swap3A_1164 : vector<10x1x128xf32> to vector<10x128xf32>
    %swap3A_1166 = vector.shape_cast %mul3A_1160 : vector<10x128xf32> to vector<10x1x128xf32>
    tpu.vector_store %arg6[%swap3A_1161, %swap3A_1162, %swap3A_1163], %swap3A_1166 {strides = array<i32>} : memref<10x128x128xf32, #tpu.memory_space<vmem>>, vector<10x1x128xf32>,
    %mul3A_1167 = arith.mulf %mul3A_1026, %add3A_570 : vector<10x128xf32>
    %mul3A_1168 = arith.mulf %mul3A_1167, %get3A_18 : vector<10x128xf32>
    %swap3A_1169 = arith.constant 0 : index
    %swap3A_1170 = arith.constant 16 : index
    %swap3A_1171 = arith.constant 0 : index
    %swap3A_1172 = vector.load %arg6[%swap3A_1169, %swap3A_1170, %swap3A_1171] : memref<10x128x128xf32, #tpu.memory_space<vmem>>, vector<10x1x128xf32>
    %swap3A_1173 = vector.shape_cast %swap3A_1172 : vector<10x1x128xf32> to vector<10x128xf32>
    %swap3A_1174 = vector.shape_cast %mul3A_1168 : vector<10x128xf32> to vector<10x1x128xf32>
    tpu.vector_store %arg6[%swap3A_1169, %swap3A_1170, %swap3A_1171], %swap3A_1174 {strides = array<i32>} : memref<10x128x128xf32, #tpu.memory_space<vmem>>, vector<10x1x128xf32>,
    %mul3A_1175 = arith.mulf %mul3A_1167, %get3A_23 : vector<10x128xf32>
    %swap3A_1176 = arith.constant 0 : index
    %swap3A_1177 = arith.constant 17 : index
    %swap3A_1178 = arith.constant 0 : index
    %swap3A_1179 = vector.load %arg6[%swap3A_1176, %swap3A_1177, %swap3A_1178] : memref<10x128x128xf32, #tpu.memory_space<vmem>>, vector<10x1x128xf32>
    %swap3A_1180 = vector.shape_cast %swap3A_1179 : vector<10x1x128xf32> to vector<10x128xf32>
    %swap3A_1181 = vector.shape_cast %mul3A_1175 : vector<10x128xf32> to vector<10x1x128xf32>
    tpu.vector_store %arg6[%swap3A_1176, %swap3A_1177, %swap3A_1178], %swap3A_1181 {strides = array<i32>} : memref<10x128x128xf32, #tpu.memory_space<vmem>>, vector<10x1x128xf32>,
    %mul3A_1182 = arith.mulf %mul3A_1026, %add3A_620 : vector<10x128xf32>
    %mul3A_1183 = arith.mulf %mul3A_1182, %get3A_18 : vector<10x128xf32>
    %swap3A_1184 = arith.constant 0 : index
    %swap3A_1185 = arith.constant 18 : index
    %swap3A_1186 = arith.constant 0 : index
    %swap3A_1187 = vector.load %arg6[%swap3A_1184, %swap3A_1185, %swap3A_1186] : memref<10x128x128xf32, #tpu.memory_space<vmem>>, vector<10x1x128xf32>
    %swap3A_1188 = vector.shape_cast %swap3A_1187 : vector<10x1x128xf32> to vector<10x128xf32>
    %swap3A_1189 = vector.shape_cast %mul3A_1183 : vector<10x128xf32> to vector<10x1x128xf32>
    tpu.vector_store %arg6[%swap3A_1184, %swap3A_1185, %swap3A_1186], %swap3A_1189 {strides = array<i32>} : memref<10x128x128xf32, #tpu.memory_space<vmem>>, vector<10x1x128xf32>,
    %mul3A_1190 = arith.mulf %mul3A_1182, %get3A_23 : vector<10x128xf32>
    %swap3A_1191 = arith.constant 0 : index
    %swap3A_1192 = arith.constant 19 : index
    %swap3A_1193 = arith.constant 0 : index
    %swap3A_1194 = vector.load %arg6[%swap3A_1191, %swap3A_1192, %swap3A_1193] : memref<10x128x128xf32, #tpu.memory_space<vmem>>, vector<10x1x128xf32>
    %swap3A_1195 = vector.shape_cast %swap3A_1194 : vector<10x1x128xf32> to vector<10x128xf32>
    %swap3A_1196 = vector.shape_cast %mul3A_1190 : vector<10x128xf32> to vector<10x1x128xf32>
    tpu.vector_store %arg6[%swap3A_1191, %swap3A_1192, %swap3A_1193], %swap3A_1196 {strides = array<i32>} : memref<10x128x128xf32, #tpu.memory_space<vmem>>, vector<10x1x128xf32>,
    %mul3A_1197 = arith.mulf %mul3A_1026, %add3A_670 : vector<10x128xf32>
    %mul3A_1198 = arith.mulf %mul3A_1197, %get3A_18 : vector<10x128xf32>
    %swap3A_1199 = arith.constant 0 : index
    %swap3A_1200 = arith.constant 20 : index
    %swap3A_1201 = arith.constant 0 : index
    %swap3A_1202 = vector.load %arg6[%swap3A_1199, %swap3A_1200, %swap3A_1201] : memref<10x128x128xf32, #tpu.memory_space<vmem>>, vector<10x1x128xf32>
    %swap3A_1203 = vector.shape_cast %swap3A_1202 : vector<10x1x128xf32> to vector<10x128xf32>
    %swap3A_1204 = vector.shape_cast %mul3A_1198 : vector<10x128xf32> to vector<10x1x128xf32>
    tpu.vector_store %arg6[%swap3A_1199, %swap3A_1200, %swap3A_1201], %swap3A_1204 {strides = array<i32>} : memref<10x128x128xf32, #tpu.memory_space<vmem>>, vector<10x1x128xf32>,
    %mul3A_1205 = arith.mulf %mul3A_1197, %get3A_23 : vector<10x128xf32>
    %swap3A_1206 = arith.constant 0 : index
    %swap3A_1207 = arith.constant 21 : index
    %swap3A_1208 = arith.constant 0 : index
    %swap3A_1209 = vector.load %arg6[%swap3A_1206, %swap3A_1207, %swap3A_1208] : memref<10x128x128xf32, #tpu.memory_space<vmem>>, vector<10x1x128xf32>
    %swap3A_1210 = vector.shape_cast %swap3A_1209 : vector<10x1x128xf32> to vector<10x128xf32>
    %swap3A_1211 = vector.shape_cast %mul3A_1205 : vector<10x128xf32> to vector<10x1x128xf32>
    tpu.vector_store %arg6[%swap3A_1206, %swap3A_1207, %swap3A_1208], %swap3A_1211 {strides = array<i32>} : memref<10x128x128xf32, #tpu.memory_space<vmem>>, vector<10x1x128xf32>,
    %mul3A_1212 = arith.mulf %mul3A_1026, %add3A_720 : vector<10x128xf32>
    %mul3A_1213 = arith.mulf %mul3A_1212, %get3A_18 : vector<10x128xf32>
    %swap3A_1214 = arith.constant 0 : index
    %swap3A_1215 = arith.constant 22 : index
    %swap3A_1216 = arith.constant 0 : index
    %swap3A_1217 = vector.load %arg6[%swap3A_1214, %swap3A_1215, %swap3A_1216] : memref<10x128x128xf32, #tpu.memory_space<vmem>>, vector<10x1x128xf32>
    %swap3A_1218 = vector.shape_cast %swap3A_1217 : vector<10x1x128xf32> to vector<10x128xf32>
    %swap3A_1219 = vector.shape_cast %mul3A_1213 : vector<10x128xf32> to vector<10x1x128xf32>
    tpu.vector_store %arg6[%swap3A_1214, %swap3A_1215, %swap3A_1216], %swap3A_1219 {strides = array<i32>} : memref<10x128x128xf32, #tpu.memory_space<vmem>>, vector<10x1x128xf32>,
    %mul3A_1220 = arith.mulf %mul3A_1212, %get3A_23 : vector<10x128xf32>
    %swap3A_1221 = arith.constant 0 : index
    %swap3A_1222 = arith.constant 23 : index
    %swap3A_1223 = arith.constant 0 : index
    %swap3A_1224 = vector.load %arg6[%swap3A_1221, %swap3A_1222, %swap3A_1223] : memref<10x128x128xf32, #tpu.memory_space<vmem>>, vector<10x1x128xf32>
    %swap3A_1225 = vector.shape_cast %swap3A_1224 : vector<10x1x128xf32> to vector<10x128xf32>
    %swap3A_1226 = vector.shape_cast %mul3A_1220 : vector<10x128xf32> to vector<10x1x128xf32>
    tpu.vector_store %arg6[%swap3A_1221, %swap3A_1222, %swap3A_1223], %swap3A_1226 {strides = array<i32>} : memref<10x128x128xf32, #tpu.memory_space<vmem>>, vector<10x1x128xf32>,
    %mul3A_1227 = arith.mulf %mul3A_1028, %add3A_470 : vector<10x128xf32>
    %mul3A_1228 = arith.mulf %mul3A_1227, %get3A_18 : vector<10x128xf32>
    %swap3A_1229 = arith.constant 0 : index
    %swap3A_1230 = arith.constant 24 : index
    %swap3A_1231 = arith.constant 0 : index
    %swap3A_1232 = vector.load %arg6[%swap3A_1229, %swap3A_1230, %swap3A_1231] : memref<10x128x128xf32, #tpu.memory_space<vmem>>, vector<10x1x128xf32>
    %swap3A_1233 = vector.shape_cast %swap3A_1232 : vector<10x1x128xf32> to vector<10x128xf32>
    %swap3A_1234 = vector.shape_cast %mul3A_1228 : vector<10x128xf32> to vector<10x1x128xf32>
    tpu.vector_store %arg6[%swap3A_1229, %swap3A_1230, %swap3A_1231], %swap3A_1234 {strides = array<i32>} : memref<10x128x128xf32, #tpu.memory_space<vmem>>, vector<10x1x128xf32>,
    %mul3A_1235 = arith.mulf %mul3A_1227, %get3A_23 : vector<10x128xf32>
    %swap3A_1236 = arith.constant 0 : index
    %swap3A_1237 = arith.constant 25 : index
    %swap3A_1238 = arith.constant 0 : index
    %swap3A_1239 = vector.load %arg6[%swap3A_1236, %swap3A_1237, %swap3A_1238] : memref<10x128x128xf32, #tpu.memory_space<vmem>>, vector<10x1x128xf32>
    %swap3A_1240 = vector.shape_cast %swap3A_1239 : vector<10x1x128xf32> to vector<10x128xf32>
    %swap3A_1241 = vector.shape_cast %mul3A_1235 : vector<10x128xf32> to vector<10x1x128xf32>
    tpu.vector_store %arg6[%swap3A_1236, %swap3A_1237, %swap3A_1238], %swap3A_1241 {strides = array<i32>} : memref<10x128x128xf32, #tpu.memory_space<vmem>>, vector<10x1x128xf32>,
    %mul3A_1242 = arith.mulf %mul3A_1028, %add3A_520 : vector<10x128xf32>
    %mul3A_1243 = arith.mulf %mul3A_1242, %get3A_18 : vector<10x128xf32>
    %swap3A_1244 = arith.constant 0 : index
    %swap3A_1245 = arith.constant 26 : index
    %swap3A_1246 = arith.constant 0 : index
    %swap3A_1247 = vector.load %arg6[%swap3A_1244, %swap3A_1245, %swap3A_1246] : memref<10x128x128xf32, #tpu.memory_space<vmem>>, vector<10x1x128xf32>
    %swap3A_1248 = vector.shape_cast %swap3A_1247 : vector<10x1x128xf32> to vector<10x128xf32>
    %swap3A_1249 = vector.shape_cast %mul3A_1243 : vector<10x128xf32> to vector<10x1x128xf32>
    tpu.vector_store %arg6[%swap3A_1244, %swap3A_1245, %swap3A_1246], %swap3A_1249 {strides = array<i32>} : memref<10x128x128xf32, #tpu.memory_space<vmem>>, vector<10x1x128xf32>,
    %mul3A_1250 = arith.mulf %mul3A_1242, %get3A_23 : vector<10x128xf32>
    %swap3A_1251 = arith.constant 0 : index
    %swap3A_1252 = arith.constant 27 : index
    %swap3A_1253 = arith.constant 0 : index
    %swap3A_1254 = vector.load %arg6[%swap3A_1251, %swap3A_1252, %swap3A_1253] : memref<10x128x128xf32, #tpu.memory_space<vmem>>, vector<10x1x128xf32>
    %swap3A_1255 = vector.shape_cast %swap3A_1254 : vector<10x1x128xf32> to vector<10x128xf32>
    %swap3A_1256 = vector.shape_cast %mul3A_1250 : vector<10x128xf32> to vector<10x1x128xf32>
    tpu.vector_store %arg6[%swap3A_1251, %swap3A_1252, %swap3A_1253], %swap3A_1256 {strides = array<i32>} : memref<10x128x128xf32, #tpu.memory_space<vmem>>, vector<10x1x128xf32>,
    %mul3A_1257 = arith.mulf %mul3A_1028, %add3A_570 : vector<10x128xf32>
    %mul3A_1258 = arith.mulf %mul3A_1257, %get3A_18 : vector<10x128xf32>
    %swap3A_1259 = arith.constant 0 : index
    %swap3A_1260 = arith.constant 28 : index
    %swap3A_1261 = arith.constant 0 : index
    %swap3A_1262 = vector.load %arg6[%swap3A_1259, %swap3A_1260, %swap3A_1261] : memref<10x128x128xf32, #tpu.memory_space<vmem>>, vector<10x1x128xf32>
    %swap3A_1263 = vector.shape_cast %swap3A_1262 : vector<10x1x128xf32> to vector<10x128xf32>
    %swap3A_1264 = vector.shape_cast %mul3A_1258 : vector<10x128xf32> to vector<10x1x128xf32>
    tpu.vector_store %arg6[%swap3A_1259, %swap3A_1260, %swap3A_1261], %swap3A_1264 {strides = array<i32>} : memref<10x128x128xf32, #tpu.memory_space<vmem>>, vector<10x1x128xf32>,
    %mul3A_1265 = arith.mulf %mul3A_1257, %get3A_23 : vector<10x128xf32>
    %swap3A_1266 = arith.constant 0 : index
    %swap3A_1267 = arith.constant 29 : index
    %swap3A_1268 = arith.constant 0 : index
    %swap3A_1269 = vector.load %arg6[%swap3A_1266, %swap3A_1267, %swap3A_1268] : memref<10x128x128xf32, #tpu.memory_space<vmem>>, vector<10x1x128xf32>
    %swap3A_1270 = vector.shape_cast %swap3A_1269 : vector<10x1x128xf32> to vector<10x128xf32>
    %swap3A_1271 = vector.shape_cast %mul3A_1265 : vector<10x128xf32> to vector<10x1x128xf32>
    tpu.vector_store %arg6[%swap3A_1266, %swap3A_1267, %swap3A_1268], %swap3A_1271 {strides = array<i32>} : memref<10x128x128xf32, #tpu.memory_space<vmem>>, vector<10x1x128xf32>,
    %mul3A_1272 = arith.mulf %mul3A_1028, %add3A_620 : vector<10x128xf32>
    %mul3A_1273 = arith.mulf %mul3A_1272, %get3A_18 : vector<10x128xf32>
    %swap3A_1274 = arith.constant 0 : index
    %swap3A_1275 = arith.constant 30 : index
    %swap3A_1276 = arith.constant 0 : index
    %swap3A_1277 = vector.load %arg6[%swap3A_1274, %swap3A_1275, %swap3A_1276] : memref<10x128x128xf32, #tpu.memory_space<vmem>>, vector<10x1x128xf32>
    %swap3A_1278 = vector.shape_cast %swap3A_1277 : vector<10x1x128xf32> to vector<10x128xf32>
    %swap3A_1279 = vector.shape_cast %mul3A_1273 : vector<10x128xf32> to vector<10x1x128xf32>
    tpu.vector_store %arg6[%swap3A_1274, %swap3A_1275, %swap3A_1276], %swap3A_1279 {strides = array<i32>} : memref<10x128x128xf32, #tpu.memory_space<vmem>>, vector<10x1x128xf32>,
    %mul3A_1280 = arith.mulf %mul3A_1272, %get3A_23 : vector<10x128xf32>
    %swap3A_1281 = arith.constant 0 : index
    %swap3A_1282 = arith.constant 31 : index
    %swap3A_1283 = arith.constant 0 : index
    %swap3A_1284 = vector.load %arg6[%swap3A_1281, %swap3A_1282, %swap3A_1283] : memref<10x128x128xf32, #tpu.memory_space<vmem>>, vector<10x1x128xf32>
    %swap3A_1285 = vector.shape_cast %swap3A_1284 : vector<10x1x128xf32> to vector<10x128xf32>
    %swap3A_1286 = vector.shape_cast %mul3A_1280 : vector<10x128xf32> to vector<10x1x128xf32>
    tpu.vector_store %arg6[%swap3A_1281, %swap3A_1282, %swap3A_1283], %swap3A_1286 {strides = array<i32>} : memref<10x128x128xf32, #tpu.memory_space<vmem>>, vector<10x1x128xf32>,
    %mul3A_1287 = arith.mulf %mul3A_1028, %add3A_670 : vector<10x128xf32>
    %mul3A_1288 = arith.mulf %mul3A_1287, %get3A_18 : vector<10x128xf32>
    %swap3A_1289 = arith.constant 0 : index
    %swap3A_1290 = arith.constant 32 : index
    %swap3A_1291 = arith.constant 0 : index
    %swap3A_1292 = vector.load %arg6[%swap3A_1289, %swap3A_1290, %swap3A_1291] : memref<10x128x128xf32, #tpu.memory_space<vmem>>, vector<10x1x128xf32>
    %swap3A_1293 = vector.shape_cast %swap3A_1292 : vector<10x1x128xf32> to vector<10x128xf32>
    %swap3A_1294 = vector.shape_cast %mul3A_1288 : vector<10x128xf32> to vector<10x1x128xf32>
    tpu.vector_store %arg6[%swap3A_1289, %swap3A_1290, %swap3A_1291], %swap3A_1294 {strides = array<i32>} : memref<10x128x128xf32, #tpu.memory_space<vmem>>, vector<10x1x128xf32>,
    %mul3A_1295 = arith.mulf %mul3A_1287, %get3A_23 : vector<10x128xf32>
    %swap3A_1296 = arith.constant 0 : index
    %swap3A_1297 = arith.constant 33 : index
    %swap3A_1298 = arith.constant 0 : index
    %swap3A_1299 = vector.load %arg6[%swap3A_1296, %swap3A_1297, %swap3A_1298] : memref<10x128x128xf32, #tpu.memory_space<vmem>>, vector<10x1x128xf32>
    %swap3A_1300 = vector.shape_cast %swap3A_1299 : vector<10x1x128xf32> to vector<10x128xf32>
    %swap3A_1301 = vector.shape_cast %mul3A_1295 : vector<10x128xf32> to vector<10x1x128xf32>
    tpu.vector_store %arg6[%swap3A_1296, %swap3A_1297, %swap3A_1298], %swap3A_1301 {strides = array<i32>} : memref<10x128x128xf32, #tpu.memory_space<vmem>>, vector<10x1x128xf32>,
    %mul3A_1302 = arith.mulf %mul3A_1028, %add3A_720 : vector<10x128xf32>
    %mul3A_1303 = arith.mulf %mul3A_1302, %get3A_18 : vector<10x128xf32>
    %swap3A_1304 = arith.constant 0 : index
    %swap3A_1305 = arith.constant 34 : index
    %swap3A_1306 = arith.constant 0 : index
    %swap3A_1307 = vector.load %arg6[%swap3A_1304, %swap3A_1305, %swap3A_1306] : memref<10x128x128xf32, #tpu.memory_space<vmem>>, vector<10x1x128xf32>
    %swap3A_1308 = vector.shape_cast %swap3A_1307 : vector<10x1x128xf32> to vector<10x128xf32>
    %swap3A_1309 = vector.shape_cast %mul3A_1303 : vector<10x128xf32> to vector<10x1x128xf32>
    tpu.vector_store %arg6[%swap3A_1304, %swap3A_1305, %swap3A_1306], %swap3A_1309 {strides = array<i32>} : memref<10x128x128xf32, #tpu.memory_space<vmem>>, vector<10x1x128xf32>,
    %mul3A_1310 = arith.mulf %mul3A_1302, %get3A_23 : vector<10x128xf32>
    %swap3A_1311 = arith.constant 0 : index
    %swap3A_1312 = arith.constant 35 : index
    %swap3A_1313 = arith.constant 0 : index
    %swap3A_1314 = vector.load %arg6[%swap3A_1311, %swap3A_1312, %swap3A_1313] : memref<10x128x128xf32, #tpu.memory_space<vmem>>, vector<10x1x128xf32>
    %swap3A_1315 = vector.shape_cast %swap3A_1314 : vector<10x1x128xf32> to vector<10x128xf32>
    %swap3A_1316 = vector.shape_cast %mul3A_1310 : vector<10x128xf32> to vector<10x1x128xf32>
    tpu.vector_store %arg6[%swap3A_1311, %swap3A_1312, %swap3A_1313], %swap3A_1316 {strides = array<i32>} : memref<10x128x128xf32, #tpu.memory_space<vmem>>, vector<10x1x128xf32>,
    %mul3A_1317 = arith.mulf %mul3A_1030, %add3A_470 : vector<10x128xf32>
    %mul3A_1318 = arith.mulf %mul3A_1317, %get3A_18 : vector<10x128xf32>
    %swap3A_1319 = arith.constant 0 : index
    %swap3A_1320 = arith.constant 36 : index
    %swap3A_1321 = arith.constant 0 : index
    %swap3A_1322 = vector.load %arg6[%swap3A_1319, %swap3A_1320, %swap3A_1321] : memref<10x128x128xf32, #tpu.memory_space<vmem>>, vector<10x1x128xf32>
    %swap3A_1323 = vector.shape_cast %swap3A_1322 : vector<10x1x128xf32> to vector<10x128xf32>
    %swap3A_1324 = vector.shape_cast %mul3A_1318 : vector<10x128xf32> to vector<10x1x128xf32>
    tpu.vector_store %arg6[%swap3A_1319, %swap3A_1320, %swap3A_1321], %swap3A_1324 {strides = array<i32>} : memref<10x128x128xf32, #tpu.memory_space<vmem>>, vector<10x1x128xf32>,
    %mul3A_1325 = arith.mulf %mul3A_1317, %get3A_23 : vector<10x128xf32>
    %swap3A_1326 = arith.constant 0 : index
    %swap3A_1327 = arith.constant 37 : index
    %swap3A_1328 = arith.constant 0 : index
    %swap3A_1329 = vector.load %arg6[%swap3A_1326, %swap3A_1327, %swap3A_1328] : memref<10x128x128xf32, #tpu.memory_space<vmem>>, vector<10x1x128xf32>
    %swap3A_1330 = vector.shape_cast %swap3A_1329 : vector<10x1x128xf32> to vector<10x128xf32>
    %swap3A_1331 = vector.shape_cast %mul3A_1325 : vector<10x128xf32> to vector<10x1x128xf32>
    tpu.vector_store %arg6[%swap3A_1326, %swap3A_1327, %swap3A_1328], %swap3A_1331 {strides = array<i32>} : memref<10x128x128xf32, #tpu.memory_space<vmem>>, vector<10x1x128xf32>,
    %mul3A_1332 = arith.mulf %mul3A_1030, %add3A_520 : vector<10x128xf32>
    %mul3A_1333 = arith.mulf %mul3A_1332, %get3A_18 : vector<10x128xf32>
    %swap3A_1334 = arith.constant 0 : index
    %swap3A_1335 = arith.constant 38 : index
    %swap3A_1336 = arith.constant 0 : index
    %swap3A_1337 = vector.load %arg6[%swap3A_1334, %swap3A_1335, %swap3A_1336] : memref<10x128x128xf32, #tpu.memory_space<vmem>>, vector<10x1x128xf32>
    %swap3A_1338 = vector.shape_cast %swap3A_1337 : vector<10x1x128xf32> to vector<10x128xf32>
    %swap3A_1339 = vector.shape_cast %mul3A_1333 : vector<10x128xf32> to vector<10x1x128xf32>
    tpu.vector_store %arg6[%swap3A_1334, %swap3A_1335, %swap3A_1336], %swap3A_1339 {strides = array<i32>} : memref<10x128x128xf32, #tpu.memory_space<vmem>>, vector<10x1x128xf32>,
    %mul3A_1340 = arith.mulf %mul3A_1332, %get3A_23 : vector<10x128xf32>
    %swap3A_1341 = arith.constant 0 : index
    %swap3A_1342 = arith.constant 39 : index
    %swap3A_1343 = arith.constant 0 : index
    %swap3A_1344 = vector.load %arg6[%swap3A_1341, %swap3A_1342, %swap3A_1343] : memref<10x128x128xf32, #tpu.memory_space<vmem>>, vector<10x1x128xf32>
    %swap3A_1345 = vector.shape_cast %swap3A_1344 : vector<10x1x128xf32> to vector<10x128xf32>
    %swap3A_1346 = vector.shape_cast %mul3A_1340 : vector<10x128xf32> to vector<10x1x128xf32>
    tpu.vector_store %arg6[%swap3A_1341, %swap3A_1342, %swap3A_1343], %swap3A_1346 {strides = array<i32>} : memref<10x128x128xf32, #tpu.memory_space<vmem>>, vector<10x1x128xf32>,
    %mul3A_1347 = arith.mulf %mul3A_1030, %add3A_570 : vector<10x128xf32>
    %mul3A_1348 = arith.mulf %mul3A_1347, %get3A_18 : vector<10x128xf32>
    %swap3A_1349 = arith.constant 0 : index
    %swap3A_1350 = arith.constant 40 : index
    %swap3A_1351 = arith.constant 0 : index
    %swap3A_1352 = vector.load %arg6[%swap3A_1349, %swap3A_1350, %swap3A_1351] : memref<10x128x128xf32, #tpu.memory_space<vmem>>, vector<10x1x128xf32>
    %swap3A_1353 = vector.shape_cast %swap3A_1352 : vector<10x1x128xf32> to vector<10x128xf32>
    %swap3A_1354 = vector.shape_cast %mul3A_1348 : vector<10x128xf32> to vector<10x1x128xf32>
    tpu.vector_store %arg6[%swap3A_1349, %swap3A_1350, %swap3A_1351], %swap3A_1354 {strides = array<i32>} : memref<10x128x128xf32, #tpu.memory_space<vmem>>, vector<10x1x128xf32>,
    %mul3A_1355 = arith.mulf %mul3A_1347, %get3A_23 : vector<10x128xf32>
    %swap3A_1356 = arith.constant 0 : index
    %swap3A_1357 = arith.constant 41 : index
    %swap3A_1358 = arith.constant 0 : index
    %swap3A_1359 = vector.load %arg6[%swap3A_1356, %swap3A_1357, %swap3A_1358] : memref<10x128x128xf32, #tpu.memory_space<vmem>>, vector<10x1x128xf32>
    %swap3A_1360 = vector.shape_cast %swap3A_1359 : vector<10x1x128xf32> to vector<10x128xf32>
    %swap3A_1361 = vector.shape_cast %mul3A_1355 : vector<10x128xf32> to vector<10x1x128xf32>
    tpu.vector_store %arg6[%swap3A_1356, %swap3A_1357, %swap3A_1358], %swap3A_1361 {strides = array<i32>} : memref<10x128x128xf32, #tpu.memory_space<vmem>>, vector<10x1x128xf32>,
    %mul3A_1362 = arith.mulf %mul3A_1030, %add3A_620 : vector<10x128xf32>
    %mul3A_1363 = arith.mulf %mul3A_1362, %get3A_18 : vector<10x128xf32>
    %swap3A_1364 = arith.constant 0 : index
    %swap3A_1365 = arith.constant 42 : index
    %swap3A_1366 = arith.constant 0 : index
    %swap3A_1367 = vector.load %arg6[%swap3A_1364, %swap3A_1365, %swap3A_1366] : memref<10x128x128xf32, #tpu.memory_space<vmem>>, vector<10x1x128xf32>
    %swap3A_1368 = vector.shape_cast %swap3A_1367 : vector<10x1x128xf32> to vector<10x128xf32>
    %swap3A_1369 = vector.shape_cast %mul3A_1363 : vector<10x128xf32> to vector<10x1x128xf32>
    tpu.vector_store %arg6[%swap3A_1364, %swap3A_1365, %swap3A_1366], %swap3A_1369 {strides = array<i32>} : memref<10x128x128xf32, #tpu.memory_space<vmem>>, vector<10x1x128xf32>,
    %mul3A_1370 = arith.mulf %mul3A_1362, %get3A_23 : vector<10x128xf32>
    %swap3A_1371 = arith.constant 0 : index
    %swap3A_1372 = arith.constant 43 : index
    %swap3A_1373 = arith.constant 0 : index
    %swap3A_1374 = vector.load %arg6[%swap3A_1371, %swap3A_1372, %swap3A_1373] : memref<10x128x128xf32, #tpu.memory_space<vmem>>, vector<10x1x128xf32>
    %swap3A_1375 = vector.shape_cast %swap3A_1374 : vector<10x1x128xf32> to vector<10x128xf32>
    %swap3A_1376 = vector.shape_cast %mul3A_1370 : vector<10x128xf32> to vector<10x1x128xf32>
    tpu.vector_store %arg6[%swap3A_1371, %swap3A_1372, %swap3A_1373], %swap3A_1376 {strides = array<i32>} : memref<10x128x128xf32, #tpu.memory_space<vmem>>, vector<10x1x128xf32>,
    %mul3A_1377 = arith.mulf %mul3A_1030, %add3A_670 : vector<10x128xf32>
    %mul3A_1378 = arith.mulf %mul3A_1377, %get3A_18 : vector<10x128xf32>
    %swap3A_1379 = arith.constant 0 : index
    %swap3A_1380 = arith.constant 44 : index
    %swap3A_1381 = arith.constant 0 : index
    %swap3A_1382 = vector.load %arg6[%swap3A_1379, %swap3A_1380, %swap3A_1381] : memref<10x128x128xf32, #tpu.memory_space<vmem>>, vector<10x1x128xf32>
    %swap3A_1383 = vector.shape_cast %swap3A_1382 : vector<10x1x128xf32> to vector<10x128xf32>
    %swap3A_1384 = vector.shape_cast %mul3A_1378 : vector<10x128xf32> to vector<10x1x128xf32>
    tpu.vector_store %arg6[%swap3A_1379, %swap3A_1380, %swap3A_1381], %swap3A_1384 {strides = array<i32>} : memref<10x128x128xf32, #tpu.memory_space<vmem>>, vector<10x1x128xf32>,
    %mul3A_1385 = arith.mulf %mul3A_1377, %get3A_23 : vector<10x128xf32>
    %swap3A_1386 = arith.constant 0 : index
    %swap3A_1387 = arith.constant 45 : index
    %swap3A_1388 = arith.constant 0 : index
    %swap3A_1389 = vector.load %arg6[%swap3A_1386, %swap3A_1387, %swap3A_1388] : memref<10x128x128xf32, #tpu.memory_space<vmem>>, vector<10x1x128xf32>
    %swap3A_1390 = vector.shape_cast %swap3A_1389 : vector<10x1x128xf32> to vector<10x128xf32>
    %swap3A_1391 = vector.shape_cast %mul3A_1385 : vector<10x128xf32> to vector<10x1x128xf32>
    tpu.vector_store %arg6[%swap3A_1386, %swap3A_1387, %swap3A_1388], %swap3A_1391 {strides = array<i32>} : memref<10x128x128xf32, #tpu.memory_space<vmem>>, vector<10x1x128xf32>,
    %mul3A_1392 = arith.mulf %mul3A_1030, %add3A_720 : vector<10x128xf32>
    %mul3A_1393 = arith.mulf %mul3A_1392, %get3A_18 : vector<10x128xf32>
    %swap3A_1394 = arith.constant 0 : index
    %swap3A_1395 = arith.constant 46 : index
    %swap3A_1396 = arith.constant 0 : index
    %swap3A_1397 = vector.load %arg6[%swap3A_1394, %swap3A_1395, %swap3A_1396] : memref<10x128x128xf32, #tpu.memory_space<vmem>>, vector<10x1x128xf32>
    %swap3A_1398 = vector.shape_cast %swap3A_1397 : vector<10x1x128xf32> to vector<10x128xf32>
    %swap3A_1399 = vector.shape_cast %mul3A_1393 : vector<10x128xf32> to vector<10x1x128xf32>
    tpu.vector_store %arg6[%swap3A_1394, %swap3A_1395, %swap3A_1396], %swap3A_1399 {strides = array<i32>} : memref<10x128x128xf32, #tpu.memory_space<vmem>>, vector<10x1x128xf32>,
    %mul3A_1400 = arith.mulf %mul3A_1392, %get3A_23 : vector<10x128xf32>
    %swap3A_1401 = arith.constant 0 : index
    %swap3A_1402 = arith.constant 47 : index
    %swap3A_1403 = arith.constant 0 : index
    %swap3A_1404 = vector.load %arg6[%swap3A_1401, %swap3A_1402, %swap3A_1403] : memref<10x128x128xf32, #tpu.memory_space<vmem>>, vector<10x1x128xf32>
    %swap3A_1405 = vector.shape_cast %swap3A_1404 : vector<10x1x128xf32> to vector<10x128xf32>
    %swap3A_1406 = vector.shape_cast %mul3A_1400 : vector<10x128xf32> to vector<10x1x128xf32>
    tpu.vector_store %arg6[%swap3A_1401, %swap3A_1402, %swap3A_1403], %swap3A_1406 {strides = array<i32>} : memref<10x128x128xf32, #tpu.memory_space<vmem>>, vector<10x1x128xf32>,
    %mul3A_1407 = arith.mulf %mul3A_1033, %add3A_770 : vector<10x128xf32>
    %mul3A_1408 = arith.mulf %mul3A_1407, %get3A_18 : vector<10x128xf32>
    %swap3A_1409 = arith.constant 0 : index
    %swap3A_1410 = arith.constant 48 : index
    %swap3A_1411 = arith.constant 0 : index
    %swap3A_1412 = vector.load %arg6[%swap3A_1409, %swap3A_1410, %swap3A_1411] : memref<10x128x128xf32, #tpu.memory_space<vmem>>, vector<10x1x128xf32>
    %swap3A_1413 = vector.shape_cast %swap3A_1412 : vector<10x1x128xf32> to vector<10x128xf32>
    %swap3A_1414 = vector.shape_cast %mul3A_1408 : vector<10x128xf32> to vector<10x1x128xf32>
    tpu.vector_store %arg6[%swap3A_1409, %swap3A_1410, %swap3A_1411], %swap3A_1414 {strides = array<i32>} : memref<10x128x128xf32, #tpu.memory_space<vmem>>, vector<10x1x128xf32>,
    %mul3A_1415 = arith.mulf %mul3A_1407, %get3A_23 : vector<10x128xf32>
    %swap3A_1416 = arith.constant 0 : index
    %swap3A_1417 = arith.constant 49 : index
    %swap3A_1418 = arith.constant 0 : index
    %swap3A_1419 = vector.load %arg6[%swap3A_1416, %swap3A_1417, %swap3A_1418] : memref<10x128x128xf32, #tpu.memory_space<vmem>>, vector<10x1x128xf32>
    %swap3A_1420 = vector.shape_cast %swap3A_1419 : vector<10x1x128xf32> to vector<10x128xf32>
    %swap3A_1421 = vector.shape_cast %mul3A_1415 : vector<10x128xf32> to vector<10x1x128xf32>
    tpu.vector_store %arg6[%swap3A_1416, %swap3A_1417, %swap3A_1418], %swap3A_1421 {strides = array<i32>} : memref<10x128x128xf32, #tpu.memory_space<vmem>>, vector<10x1x128xf32>,
    %mul3A_1422 = arith.mulf %mul3A_1033, %add3A_820 : vector<10x128xf32>
    %mul3A_1423 = arith.mulf %mul3A_1422, %get3A_18 : vector<10x128xf32>
    %swap3A_1424 = arith.constant 0 : index
    %swap3A_1425 = arith.constant 50 : index
    %swap3A_1426 = arith.constant 0 : index
    %swap3A_1427 = vector.load %arg6[%swap3A_1424, %swap3A_1425, %swap3A_1426] : memref<10x128x128xf32, #tpu.memory_space<vmem>>, vector<10x1x128xf32>
    %swap3A_1428 = vector.shape_cast %swap3A_1427 : vector<10x1x128xf32> to vector<10x128xf32>
    %swap3A_1429 = vector.shape_cast %mul3A_1423 : vector<10x128xf32> to vector<10x1x128xf32>
    tpu.vector_store %arg6[%swap3A_1424, %swap3A_1425, %swap3A_1426], %swap3A_1429 {strides = array<i32>} : memref<10x128x128xf32, #tpu.memory_space<vmem>>, vector<10x1x128xf32>,
    %mul3A_1430 = arith.mulf %mul3A_1422, %get3A_23 : vector<10x128xf32>
    %swap3A_1431 = arith.constant 0 : index
    %swap3A_1432 = arith.constant 51 : index
    %swap3A_1433 = arith.constant 0 : index
    %swap3A_1434 = vector.load %arg6[%swap3A_1431, %swap3A_1432, %swap3A_1433] : memref<10x128x128xf32, #tpu.memory_space<vmem>>, vector<10x1x128xf32>
    %swap3A_1435 = vector.shape_cast %swap3A_1434 : vector<10x1x128xf32> to vector<10x128xf32>
    %swap3A_1436 = vector.shape_cast %mul3A_1430 : vector<10x128xf32> to vector<10x1x128xf32>
    tpu.vector_store %arg6[%swap3A_1431, %swap3A_1432, %swap3A_1433], %swap3A_1436 {strides = array<i32>} : memref<10x128x128xf32, #tpu.memory_space<vmem>>, vector<10x1x128xf32>,
    %mul3A_1437 = arith.mulf %mul3A_1033, %add3A_870 : vector<10x128xf32>
    %mul3A_1438 = arith.mulf %mul3A_1437, %get3A_18 : vector<10x128xf32>
    %swap3A_1439 = arith.constant 0 : index
    %swap3A_1440 = arith.constant 52 : index
    %swap3A_1441 = arith.constant 0 : index
    %swap3A_1442 = vector.load %arg6[%swap3A_1439, %swap3A_1440, %swap3A_1441] : memref<10x128x128xf32, #tpu.memory_space<vmem>>, vector<10x1x128xf32>
    %swap3A_1443 = vector.shape_cast %swap3A_1442 : vector<10x1x128xf32> to vector<10x128xf32>
    %swap3A_1444 = vector.shape_cast %mul3A_1438 : vector<10x128xf32> to vector<10x1x128xf32>
    tpu.vector_store %arg6[%swap3A_1439, %swap3A_1440, %swap3A_1441], %swap3A_1444 {strides = array<i32>} : memref<10x128x128xf32, #tpu.memory_space<vmem>>, vector<10x1x128xf32>,
    %mul3A_1445 = arith.mulf %mul3A_1437, %get3A_23 : vector<10x128xf32>
    %swap3A_1446 = arith.constant 0 : index
    %swap3A_1447 = arith.constant 53 : index
    %swap3A_1448 = arith.constant 0 : index
    %swap3A_1449 = vector.load %arg6[%swap3A_1446, %swap3A_1447, %swap3A_1448] : memref<10x128x128xf32, #tpu.memory_space<vmem>>, vector<10x1x128xf32>
    %swap3A_1450 = vector.shape_cast %swap3A_1449 : vector<10x1x128xf32> to vector<10x128xf32>
    %swap3A_1451 = vector.shape_cast %mul3A_1445 : vector<10x128xf32> to vector<10x1x128xf32>
    tpu.vector_store %arg6[%swap3A_1446, %swap3A_1447, %swap3A_1448], %swap3A_1451 {strides = array<i32>} : memref<10x128x128xf32, #tpu.memory_space<vmem>>, vector<10x1x128xf32>,
    %mul3A_1452 = arith.mulf %mul3A_1033, %add3A_920 : vector<10x128xf32>
    %mul3A_1453 = arith.mulf %mul3A_1452, %get3A_18 : vector<10x128xf32>
    %swap3A_1454 = arith.constant 0 : index
    %swap3A_1455 = arith.constant 54 : index
    %swap3A_1456 = arith.constant 0 : index
    %swap3A_1457 = vector.load %arg6[%swap3A_1454, %swap3A_1455, %swap3A_1456] : memref<10x128x128xf32, #tpu.memory_space<vmem>>, vector<10x1x128xf32>
    %swap3A_1458 = vector.shape_cast %swap3A_1457 : vector<10x1x128xf32> to vector<10x128xf32>
    %swap3A_1459 = vector.shape_cast %mul3A_1453 : vector<10x128xf32> to vector<10x1x128xf32>
    tpu.vector_store %arg6[%swap3A_1454, %swap3A_1455, %swap3A_1456], %swap3A_1459 {strides = array<i32>} : memref<10x128x128xf32, #tpu.memory_space<vmem>>, vector<10x1x128xf32>,
    %mul3A_1460 = arith.mulf %mul3A_1452, %get3A_23 : vector<10x128xf32>
    %swap3A_1461 = arith.constant 0 : index
    %swap3A_1462 = arith.constant 55 : index
    %swap3A_1463 = arith.constant 0 : index
    %swap3A_1464 = vector.load %arg6[%swap3A_1461, %swap3A_1462, %swap3A_1463] : memref<10x128x128xf32, #tpu.memory_space<vmem>>, vector<10x1x128xf32>
    %swap3A_1465 = vector.shape_cast %swap3A_1464 : vector<10x1x128xf32> to vector<10x128xf32>
    %swap3A_1466 = vector.shape_cast %mul3A_1460 : vector<10x128xf32> to vector<10x1x128xf32>
    tpu.vector_store %arg6[%swap3A_1461, %swap3A_1462, %swap3A_1463], %swap3A_1466 {strides = array<i32>} : memref<10x128x128xf32, #tpu.memory_space<vmem>>, vector<10x1x128xf32>,
    %mul3A_1467 = arith.mulf %mul3A_1033, %add3A_970 : vector<10x128xf32>
    %mul3A_1468 = arith.mulf %mul3A_1467, %get3A_18 : vector<10x128xf32>
    %swap3A_1469 = arith.constant 0 : index
    %swap3A_1470 = arith.constant 56 : index
    %swap3A_1471 = arith.constant 0 : index
    %swap3A_1472 = vector.load %arg6[%swap3A_1469, %swap3A_1470, %swap3A_1471] : memref<10x128x128xf32, #tpu.memory_space<vmem>>, vector<10x1x128xf32>
    %swap3A_1473 = vector.shape_cast %swap3A_1472 : vector<10x1x128xf32> to vector<10x128xf32>
    %swap3A_1474 = vector.shape_cast %mul3A_1468 : vector<10x128xf32> to vector<10x1x128xf32>
    tpu.vector_store %arg6[%swap3A_1469, %swap3A_1470, %swap3A_1471], %swap3A_1474 {strides = array<i32>} : memref<10x128x128xf32, #tpu.memory_space<vmem>>, vector<10x1x128xf32>,
    %mul3A_1475 = arith.mulf %mul3A_1467, %get3A_23 : vector<10x128xf32>
    %swap3A_1476 = arith.constant 0 : index
    %swap3A_1477 = arith.constant 57 : index
    %swap3A_1478 = arith.constant 0 : index
    %swap3A_1479 = vector.load %arg6[%swap3A_1476, %swap3A_1477, %swap3A_1478] : memref<10x128x128xf32, #tpu.memory_space<vmem>>, vector<10x1x128xf32>
    %swap3A_1480 = vector.shape_cast %swap3A_1479 : vector<10x1x128xf32> to vector<10x128xf32>
    %swap3A_1481 = vector.shape_cast %mul3A_1475 : vector<10x128xf32> to vector<10x1x128xf32>
    tpu.vector_store %arg6[%swap3A_1476, %swap3A_1477, %swap3A_1478], %swap3A_1481 {strides = array<i32>} : memref<10x128x128xf32, #tpu.memory_space<vmem>>, vector<10x1x128xf32>,
    %mul3A_1482 = arith.mulf %mul3A_1033, %add3A_1020 : vector<10x128xf32>
    %mul3A_1483 = arith.mulf %mul3A_1482, %get3A_18 : vector<10x128xf32>
    %swap3A_1484 = arith.constant 0 : index
    %swap3A_1485 = arith.constant 58 : index
    %swap3A_1486 = arith.constant 0 : index
    %swap3A_1487 = vector.load %arg6[%swap3A_1484, %swap3A_1485, %swap3A_1486] : memref<10x128x128xf32, #tpu.memory_space<vmem>>, vector<10x1x128xf32>
    %swap3A_1488 = vector.shape_cast %swap3A_1487 : vector<10x1x128xf32> to vector<10x128xf32>
    %swap3A_1489 = vector.shape_cast %mul3A_1483 : vector<10x128xf32> to vector<10x1x128xf32>
    tpu.vector_store %arg6[%swap3A_1484, %swap3A_1485, %swap3A_1486], %swap3A_1489 {strides = array<i32>} : memref<10x128x128xf32, #tpu.memory_space<vmem>>, vector<10x1x128xf32>,
    %mul3A_1490 = arith.mulf %mul3A_1482, %get3A_23 : vector<10x128xf32>
    %swap3A_1491 = arith.constant 0 : index
    %swap3A_1492 = arith.constant 59 : index
    %swap3A_1493 = arith.constant 0 : index
    %swap3A_1494 = vector.load %arg6[%swap3A_1491, %swap3A_1492, %swap3A_1493] : memref<10x128x128xf32, #tpu.memory_space<vmem>>, vector<10x1x128xf32>
    %swap3A_1495 = vector.shape_cast %swap3A_1494 : vector<10x1x128xf32> to vector<10x128xf32>
    %swap3A_1496 = vector.shape_cast %mul3A_1490 : vector<10x128xf32> to vector<10x1x128xf32>
    tpu.vector_store %arg6[%swap3A_1491, %swap3A_1492, %swap3A_1493], %swap3A_1496 {strides = array<i32>} : memref<10x128x128xf32, #tpu.memory_space<vmem>>, vector<10x1x128xf32>,
    %mul3A_1497 = arith.mulf %mul3A_1035, %add3A_770 : vector<10x128xf32>
    %mul3A_1498 = arith.mulf %mul3A_1497, %get3A_18 : vector<10x128xf32>
    %swap3A_1499 = arith.constant 0 : index
    %swap3A_1500 = arith.constant 64 : index
    %swap3A_1501 = arith.constant 0 : index
    %swap3A_1502 = vector.load %arg6[%swap3A_1499, %swap3A_1500, %swap3A_1501] : memref<10x128x128xf32, #tpu.memory_space<vmem>>, vector<10x1x128xf32>
    %swap3A_1503 = vector.shape_cast %swap3A_1502 : vector<10x1x128xf32> to vector<10x128xf32>
    %swap3A_1504 = vector.shape_cast %mul3A_1498 : vector<10x128xf32> to vector<10x1x128xf32>
    tpu.vector_store %arg6[%swap3A_1499, %swap3A_1500, %swap3A_1501], %swap3A_1504 {strides = array<i32>} : memref<10x128x128xf32, #tpu.memory_space<vmem>>, vector<10x1x128xf32>,
    %mul3A_1505 = arith.mulf %mul3A_1497, %get3A_23 : vector<10x128xf32>
    %swap3A_1506 = arith.constant 0 : index
    %swap3A_1507 = arith.constant 65 : index
    %swap3A_1508 = arith.constant 0 : index
    %swap3A_1509 = vector.load %arg6[%swap3A_1506, %swap3A_1507, %swap3A_1508] : memref<10x128x128xf32, #tpu.memory_space<vmem>>, vector<10x1x128xf32>
    %swap3A_1510 = vector.shape_cast %swap3A_1509 : vector<10x1x128xf32> to vector<10x128xf32>
    %swap3A_1511 = vector.shape_cast %mul3A_1505 : vector<10x128xf32> to vector<10x1x128xf32>
    tpu.vector_store %arg6[%swap3A_1506, %swap3A_1507, %swap3A_1508], %swap3A_1511 {strides = array<i32>} : memref<10x128x128xf32, #tpu.memory_space<vmem>>, vector<10x1x128xf32>,
    %mul3A_1512 = arith.mulf %mul3A_1035, %add3A_820 : vector<10x128xf32>
    %mul3A_1513 = arith.mulf %mul3A_1512, %get3A_18 : vector<10x128xf32>
    %swap3A_1514 = arith.constant 0 : index
    %swap3A_1515 = arith.constant 66 : index
    %swap3A_1516 = arith.constant 0 : index
    %swap3A_1517 = vector.load %arg6[%swap3A_1514, %swap3A_1515, %swap3A_1516] : memref<10x128x128xf32, #tpu.memory_space<vmem>>, vector<10x1x128xf32>
    %swap3A_1518 = vector.shape_cast %swap3A_1517 : vector<10x1x128xf32> to vector<10x128xf32>
    %swap3A_1519 = vector.shape_cast %mul3A_1513 : vector<10x128xf32> to vector<10x1x128xf32>
    tpu.vector_store %arg6[%swap3A_1514, %swap3A_1515, %swap3A_1516], %swap3A_1519 {strides = array<i32>} : memref<10x128x128xf32, #tpu.memory_space<vmem>>, vector<10x1x128xf32>,
    %mul3A_1520 = arith.mulf %mul3A_1512, %get3A_23 : vector<10x128xf32>
    %swap3A_1521 = arith.constant 0 : index
    %swap3A_1522 = arith.constant 67 : index
    %swap3A_1523 = arith.constant 0 : index
    %swap3A_1524 = vector.load %arg6[%swap3A_1521, %swap3A_1522, %swap3A_1523] : memref<10x128x128xf32, #tpu.memory_space<vmem>>, vector<10x1x128xf32>
    %swap3A_1525 = vector.shape_cast %swap3A_1524 : vector<10x1x128xf32> to vector<10x128xf32>
    %swap3A_1526 = vector.shape_cast %mul3A_1520 : vector<10x128xf32> to vector<10x1x128xf32>
    tpu.vector_store %arg6[%swap3A_1521, %swap3A_1522, %swap3A_1523], %swap3A_1526 {strides = array<i32>} : memref<10x128x128xf32, #tpu.memory_space<vmem>>, vector<10x1x128xf32>,
    %mul3A_1527 = arith.mulf %mul3A_1035, %add3A_870 : vector<10x128xf32>
    %mul3A_1528 = arith.mulf %mul3A_1527, %get3A_18 : vector<10x128xf32>
    %swap3A_1529 = arith.constant 0 : index
    %swap3A_1530 = arith.constant 68 : index
    %swap3A_1531 = arith.constant 0 : index
    %swap3A_1532 = vector.load %arg6[%swap3A_1529, %swap3A_1530, %swap3A_1531] : memref<10x128x128xf32, #tpu.memory_space<vmem>>, vector<10x1x128xf32>
    %swap3A_1533 = vector.shape_cast %swap3A_1532 : vector<10x1x128xf32> to vector<10x128xf32>
    %swap3A_1534 = vector.shape_cast %mul3A_1528 : vector<10x128xf32> to vector<10x1x128xf32>
    tpu.vector_store %arg6[%swap3A_1529, %swap3A_1530, %swap3A_1531], %swap3A_1534 {strides = array<i32>} : memref<10x128x128xf32, #tpu.memory_space<vmem>>, vector<10x1x128xf32>,
    %mul3A_1535 = arith.mulf %mul3A_1527, %get3A_23 : vector<10x128xf32>
    %swap3A_1536 = arith.constant 0 : index
    %swap3A_1537 = arith.constant 69 : index
    %swap3A_1538 = arith.constant 0 : index
    %swap3A_1539 = vector.load %arg6[%swap3A_1536, %swap3A_1537, %swap3A_1538] : memref<10x128x128xf32, #tpu.memory_space<vmem>>, vector<10x1x128xf32>
    %swap3A_1540 = vector.shape_cast %swap3A_1539 : vector<10x1x128xf32> to vector<10x128xf32>
    %swap3A_1541 = vector.shape_cast %mul3A_1535 : vector<10x128xf32> to vector<10x1x128xf32>
    tpu.vector_store %arg6[%swap3A_1536, %swap3A_1537, %swap3A_1538], %swap3A_1541 {strides = array<i32>} : memref<10x128x128xf32, #tpu.memory_space<vmem>>, vector<10x1x128xf32>,
    %mul3A_1542 = arith.mulf %mul3A_1035, %add3A_920 : vector<10x128xf32>
    %mul3A_1543 = arith.mulf %mul3A_1542, %get3A_18 : vector<10x128xf32>
    %swap3A_1544 = arith.constant 0 : index
    %swap3A_1545 = arith.constant 70 : index
    %swap3A_1546 = arith.constant 0 : index
    %swap3A_1547 = vector.load %arg6[%swap3A_1544, %swap3A_1545, %swap3A_1546] : memref<10x128x128xf32, #tpu.memory_space<vmem>>, vector<10x1x128xf32>
    %swap3A_1548 = vector.shape_cast %swap3A_1547 : vector<10x1x128xf32> to vector<10x128xf32>
    %swap3A_1549 = vector.shape_cast %mul3A_1543 : vector<10x128xf32> to vector<10x1x128xf32>
    tpu.vector_store %arg6[%swap3A_1544, %swap3A_1545, %swap3A_1546], %swap3A_1549 {strides = array<i32>} : memref<10x128x128xf32, #tpu.memory_space<vmem>>, vector<10x1x128xf32>,
    %mul3A_1550 = arith.mulf %mul3A_1542, %get3A_23 : vector<10x128xf32>
    %swap3A_1551 = arith.constant 0 : index
    %swap3A_1552 = arith.constant 71 : index
    %swap3A_1553 = arith.constant 0 : index
    %swap3A_1554 = vector.load %arg6[%swap3A_1551, %swap3A_1552, %swap3A_1553] : memref<10x128x128xf32, #tpu.memory_space<vmem>>, vector<10x1x128xf32>
    %swap3A_1555 = vector.shape_cast %swap3A_1554 : vector<10x1x128xf32> to vector<10x128xf32>
    %swap3A_1556 = vector.shape_cast %mul3A_1550 : vector<10x128xf32> to vector<10x1x128xf32>
    tpu.vector_store %arg6[%swap3A_1551, %swap3A_1552, %swap3A_1553], %swap3A_1556 {strides = array<i32>} : memref<10x128x128xf32, #tpu.memory_space<vmem>>, vector<10x1x128xf32>,
    %mul3A_1557 = arith.mulf %mul3A_1035, %add3A_970 : vector<10x128xf32>
    %mul3A_1558 = arith.mulf %mul3A_1557, %get3A_18 : vector<10x128xf32>
    %swap3A_1559 = arith.constant 0 : index
    %swap3A_1560 = arith.constant 72 : index
    %swap3A_1561 = arith.constant 0 : index
    %swap3A_1562 = vector.load %arg6[%swap3A_1559, %swap3A_1560, %swap3A_1561] : memref<10x128x128xf32, #tpu.memory_space<vmem>>, vector<10x1x128xf32>
    %swap3A_1563 = vector.shape_cast %swap3A_1562 : vector<10x1x128xf32> to vector<10x128xf32>
    %swap3A_1564 = vector.shape_cast %mul3A_1558 : vector<10x128xf32> to vector<10x1x128xf32>
    tpu.vector_store %arg6[%swap3A_1559, %swap3A_1560, %swap3A_1561], %swap3A_1564 {strides = array<i32>} : memref<10x128x128xf32, #tpu.memory_space<vmem>>, vector<10x1x128xf32>,
    %mul3A_1565 = arith.mulf %mul3A_1557, %get3A_23 : vector<10x128xf32>
    %swap3A_1566 = arith.constant 0 : index
    %swap3A_1567 = arith.constant 73 : index
    %swap3A_1568 = arith.constant 0 : index
    %swap3A_1569 = vector.load %arg6[%swap3A_1566, %swap3A_1567, %swap3A_1568] : memref<10x128x128xf32, #tpu.memory_space<vmem>>, vector<10x1x128xf32>
    %swap3A_1570 = vector.shape_cast %swap3A_1569 : vector<10x1x128xf32> to vector<10x128xf32>
    %swap3A_1571 = vector.shape_cast %mul3A_1565 : vector<10x128xf32> to vector<10x1x128xf32>
    tpu.vector_store %arg6[%swap3A_1566, %swap3A_1567, %swap3A_1568], %swap3A_1571 {strides = array<i32>} : memref<10x128x128xf32, #tpu.memory_space<vmem>>, vector<10x1x128xf32>,
    %mul3A_1572 = arith.mulf %mul3A_1035, %add3A_1020 : vector<10x128xf32>
    %mul3A_1573 = arith.mulf %mul3A_1572, %get3A_18 : vector<10x128xf32>
    %swap3A_1574 = arith.constant 0 : index
    %swap3A_1575 = arith.constant 74 : index
    %swap3A_1576 = arith.constant 0 : index
    %swap3A_1577 = vector.load %arg6[%swap3A_1574, %swap3A_1575, %swap3A_1576] : memref<10x128x128xf32, #tpu.memory_space<vmem>>, vector<10x1x128xf32>
    %swap3A_1578 = vector.shape_cast %swap3A_1577 : vector<10x1x128xf32> to vector<10x128xf32>
    %swap3A_1579 = vector.shape_cast %mul3A_1573 : vector<10x128xf32> to vector<10x1x128xf32>
    tpu.vector_store %arg6[%swap3A_1574, %swap3A_1575, %swap3A_1576], %swap3A_1579 {strides = array<i32>} : memref<10x128x128xf32, #tpu.memory_space<vmem>>, vector<10x1x128xf32>,
    %mul3A_1580 = arith.mulf %mul3A_1572, %get3A_23 : vector<10x128xf32>
    %swap3A_1581 = arith.constant 0 : index
    %swap3A_1582 = arith.constant 75 : index
    %swap3A_1583 = arith.constant 0 : index
    %swap3A_1584 = vector.load %arg6[%swap3A_1581, %swap3A_1582, %swap3A_1583] : memref<10x128x128xf32, #tpu.memory_space<vmem>>, vector<10x1x128xf32>
    %swap3A_1585 = vector.shape_cast %swap3A_1584 : vector<10x1x128xf32> to vector<10x128xf32>
    %swap3A_1586 = vector.shape_cast %mul3A_1580 : vector<10x128xf32> to vector<10x1x128xf32>
    tpu.vector_store %arg6[%swap3A_1581, %swap3A_1582, %swap3A_1583], %swap3A_1586 {strides = array<i32>} : memref<10x128x128xf32, #tpu.memory_space<vmem>>, vector<10x1x128xf32>,
    %mul3A_1587 = arith.mulf %mul3A_1037, %add3A_770 : vector<10x128xf32>
    %mul3A_1588 = arith.mulf %mul3A_1587, %get3A_18 : vector<10x128xf32>
    %swap3A_1589 = arith.constant 0 : index
    %swap3A_1590 = arith.constant 76 : index
    %swap3A_1591 = arith.constant 0 : index
    %swap3A_1592 = vector.load %arg6[%swap3A_1589, %swap3A_1590, %swap3A_1591] : memref<10x128x128xf32, #tpu.memory_space<vmem>>, vector<10x1x128xf32>
    %swap3A_1593 = vector.shape_cast %swap3A_1592 : vector<10x1x128xf32> to vector<10x128xf32>
    %swap3A_1594 = vector.shape_cast %mul3A_1588 : vector<10x128xf32> to vector<10x1x128xf32>
    tpu.vector_store %arg6[%swap3A_1589, %swap3A_1590, %swap3A_1591], %swap3A_1594 {strides = array<i32>} : memref<10x128x128xf32, #tpu.memory_space<vmem>>, vector<10x1x128xf32>,
    %mul3A_1595 = arith.mulf %mul3A_1587, %get3A_23 : vector<10x128xf32>
    %swap3A_1596 = arith.constant 0 : index
    %swap3A_1597 = arith.constant 77 : index
    %swap3A_1598 = arith.constant 0 : index
    %swap3A_1599 = vector.load %arg6[%swap3A_1596, %swap3A_1597, %swap3A_1598] : memref<10x128x128xf32, #tpu.memory_space<vmem>>, vector<10x1x128xf32>
    %swap3A_1600 = vector.shape_cast %swap3A_1599 : vector<10x1x128xf32> to vector<10x128xf32>
    %swap3A_1601 = vector.shape_cast %mul3A_1595 : vector<10x128xf32> to vector<10x1x128xf32>
    tpu.vector_store %arg6[%swap3A_1596, %swap3A_1597, %swap3A_1598], %swap3A_1601 {strides = array<i32>} : memref<10x128x128xf32, #tpu.memory_space<vmem>>, vector<10x1x128xf32>,
    %mul3A_1602 = arith.mulf %mul3A_1037, %add3A_820 : vector<10x128xf32>
    %mul3A_1603 = arith.mulf %mul3A_1602, %get3A_18 : vector<10x128xf32>
    %swap3A_1604 = arith.constant 0 : index
    %swap3A_1605 = arith.constant 78 : index
    %swap3A_1606 = arith.constant 0 : index
    %swap3A_1607 = vector.load %arg6[%swap3A_1604, %swap3A_1605, %swap3A_1606] : memref<10x128x128xf32, #tpu.memory_space<vmem>>, vector<10x1x128xf32>
    %swap3A_1608 = vector.shape_cast %swap3A_1607 : vector<10x1x128xf32> to vector<10x128xf32>
    %swap3A_1609 = vector.shape_cast %mul3A_1603 : vector<10x128xf32> to vector<10x1x128xf32>
    tpu.vector_store %arg6[%swap3A_1604, %swap3A_1605, %swap3A_1606], %swap3A_1609 {strides = array<i32>} : memref<10x128x128xf32, #tpu.memory_space<vmem>>, vector<10x1x128xf32>,
    %mul3A_1610 = arith.mulf %mul3A_1602, %get3A_23 : vector<10x128xf32>
    %swap3A_1611 = arith.constant 0 : index
    %swap3A_1612 = arith.constant 79 : index
    %swap3A_1613 = arith.constant 0 : index
    %swap3A_1614 = vector.load %arg6[%swap3A_1611, %swap3A_1612, %swap3A_1613] : memref<10x128x128xf32, #tpu.memory_space<vmem>>, vector<10x1x128xf32>
    %swap3A_1615 = vector.shape_cast %swap3A_1614 : vector<10x1x128xf32> to vector<10x128xf32>
    %swap3A_1616 = vector.shape_cast %mul3A_1610 : vector<10x128xf32> to vector<10x1x128xf32>
    tpu.vector_store %arg6[%swap3A_1611, %swap3A_1612, %swap3A_1613], %swap3A_1616 {strides = array<i32>} : memref<10x128x128xf32, #tpu.memory_space<vmem>>, vector<10x1x128xf32>,
    %mul3A_1617 = arith.mulf %mul3A_1037, %add3A_870 : vector<10x128xf32>
    %mul3A_1618 = arith.mulf %mul3A_1617, %get3A_18 : vector<10x128xf32>
    %swap3A_1619 = arith.constant 0 : index
    %swap3A_1620 = arith.constant 80 : index
    %swap3A_1621 = arith.constant 0 : index
    %swap3A_1622 = vector.load %arg6[%swap3A_1619, %swap3A_1620, %swap3A_1621] : memref<10x128x128xf32, #tpu.memory_space<vmem>>, vector<10x1x128xf32>
    %swap3A_1623 = vector.shape_cast %swap3A_1622 : vector<10x1x128xf32> to vector<10x128xf32>
    %swap3A_1624 = vector.shape_cast %mul3A_1618 : vector<10x128xf32> to vector<10x1x128xf32>
    tpu.vector_store %arg6[%swap3A_1619, %swap3A_1620, %swap3A_1621], %swap3A_1624 {strides = array<i32>} : memref<10x128x128xf32, #tpu.memory_space<vmem>>, vector<10x1x128xf32>,
    %mul3A_1625 = arith.mulf %mul3A_1617, %get3A_23 : vector<10x128xf32>
    %swap3A_1626 = arith.constant 0 : index
    %swap3A_1627 = arith.constant 81 : index
    %swap3A_1628 = arith.constant 0 : index
    %swap3A_1629 = vector.load %arg6[%swap3A_1626, %swap3A_1627, %swap3A_1628] : memref<10x128x128xf32, #tpu.memory_space<vmem>>, vector<10x1x128xf32>
    %swap3A_1630 = vector.shape_cast %swap3A_1629 : vector<10x1x128xf32> to vector<10x128xf32>
    %swap3A_1631 = vector.shape_cast %mul3A_1625 : vector<10x128xf32> to vector<10x1x128xf32>
    tpu.vector_store %arg6[%swap3A_1626, %swap3A_1627, %swap3A_1628], %swap3A_1631 {strides = array<i32>} : memref<10x128x128xf32, #tpu.memory_space<vmem>>, vector<10x1x128xf32>,
    %mul3A_1632 = arith.mulf %mul3A_1037, %add3A_920 : vector<10x128xf32>
    %mul3A_1633 = arith.mulf %mul3A_1632, %get3A_18 : vector<10x128xf32>
    %swap3A_1634 = arith.constant 0 : index
    %swap3A_1635 = arith.constant 82 : index
    %swap3A_1636 = arith.constant 0 : index
    %swap3A_1637 = vector.load %arg6[%swap3A_1634, %swap3A_1635, %swap3A_1636] : memref<10x128x128xf32, #tpu.memory_space<vmem>>, vector<10x1x128xf32>
    %swap3A_1638 = vector.shape_cast %swap3A_1637 : vector<10x1x128xf32> to vector<10x128xf32>
    %swap3A_1639 = vector.shape_cast %mul3A_1633 : vector<10x128xf32> to vector<10x1x128xf32>
    tpu.vector_store %arg6[%swap3A_1634, %swap3A_1635, %swap3A_1636], %swap3A_1639 {strides = array<i32>} : memref<10x128x128xf32, #tpu.memory_space<vmem>>, vector<10x1x128xf32>,
    %mul3A_1640 = arith.mulf %mul3A_1632, %get3A_23 : vector<10x128xf32>
    %swap3A_1641 = arith.constant 0 : index
    %swap3A_1642 = arith.constant 83 : index
    %swap3A_1643 = arith.constant 0 : index
    %swap3A_1644 = vector.load %arg6[%swap3A_1641, %swap3A_1642, %swap3A_1643] : memref<10x128x128xf32, #tpu.memory_space<vmem>>, vector<10x1x128xf32>
    %swap3A_1645 = vector.shape_cast %swap3A_1644 : vector<10x1x128xf32> to vector<10x128xf32>
    %swap3A_1646 = vector.shape_cast %mul3A_1640 : vector<10x128xf32> to vector<10x1x128xf32>
    tpu.vector_store %arg6[%swap3A_1641, %swap3A_1642, %swap3A_1643], %swap3A_1646 {strides = array<i32>} : memref<10x128x128xf32, #tpu.memory_space<vmem>>, vector<10x1x128xf32>,
    %mul3A_1647 = arith.mulf %mul3A_1037, %add3A_970 : vector<10x128xf32>
    %mul3A_1648 = arith.mulf %mul3A_1647, %get3A_18 : vector<10x128xf32>
    %swap3A_1649 = arith.constant 0 : index
    %swap3A_1650 = arith.constant 84 : index
    %swap3A_1651 = arith.constant 0 : index
    %swap3A_1652 = vector.load %arg6[%swap3A_1649, %swap3A_1650, %swap3A_1651] : memref<10x128x128xf32, #tpu.memory_space<vmem>>, vector<10x1x128xf32>
    %swap3A_1653 = vector.shape_cast %swap3A_1652 : vector<10x1x128xf32> to vector<10x128xf32>
    %swap3A_1654 = vector.shape_cast %mul3A_1648 : vector<10x128xf32> to vector<10x1x128xf32>
    tpu.vector_store %arg6[%swap3A_1649, %swap3A_1650, %swap3A_1651], %swap3A_1654 {strides = array<i32>} : memref<10x128x128xf32, #tpu.memory_space<vmem>>, vector<10x1x128xf32>,
    %mul3A_1655 = arith.mulf %mul3A_1647, %get3A_23 : vector<10x128xf32>
    %swap3A_1656 = arith.constant 0 : index
    %swap3A_1657 = arith.constant 85 : index
    %swap3A_1658 = arith.constant 0 : index
    %swap3A_1659 = vector.load %arg6[%swap3A_1656, %swap3A_1657, %swap3A_1658] : memref<10x128x128xf32, #tpu.memory_space<vmem>>, vector<10x1x128xf32>
    %swap3A_1660 = vector.shape_cast %swap3A_1659 : vector<10x1x128xf32> to vector<10x128xf32>
    %swap3A_1661 = vector.shape_cast %mul3A_1655 : vector<10x128xf32> to vector<10x1x128xf32>
    tpu.vector_store %arg6[%swap3A_1656, %swap3A_1657, %swap3A_1658], %swap3A_1661 {strides = array<i32>} : memref<10x128x128xf32, #tpu.memory_space<vmem>>, vector<10x1x128xf32>,
    %mul3A_1662 = arith.mulf %mul3A_1037, %add3A_1020 : vector<10x128xf32>
    %mul3A_1663 = arith.mulf %mul3A_1662, %get3A_18 : vector<10x128xf32>
    %swap3A_1664 = arith.constant 0 : index
    %swap3A_1665 = arith.constant 86 : index
    %swap3A_1666 = arith.constant 0 : index
    %swap3A_1667 = vector.load %arg6[%swap3A_1664, %swap3A_1665, %swap3A_1666] : memref<10x128x128xf32, #tpu.memory_space<vmem>>, vector<10x1x128xf32>
    %swap3A_1668 = vector.shape_cast %swap3A_1667 : vector<10x1x128xf32> to vector<10x128xf32>
    %swap3A_1669 = vector.shape_cast %mul3A_1663 : vector<10x128xf32> to vector<10x1x128xf32>
    tpu.vector_store %arg6[%swap3A_1664, %swap3A_1665, %swap3A_1666], %swap3A_1669 {strides = array<i32>} : memref<10x128x128xf32, #tpu.memory_space<vmem>>, vector<10x1x128xf32>,
    %mul3A_1670 = arith.mulf %mul3A_1662, %get3A_23 : vector<10x128xf32>
    %swap3A_1671 = arith.constant 0 : index
    %swap3A_1672 = arith.constant 87 : index
    %swap3A_1673 = arith.constant 0 : index
    %swap3A_1674 = vector.load %arg6[%swap3A_1671, %swap3A_1672, %swap3A_1673] : memref<10x128x128xf32, #tpu.memory_space<vmem>>, vector<10x1x128xf32>
    %swap3A_1675 = vector.shape_cast %swap3A_1674 : vector<10x1x128xf32> to vector<10x128xf32>
    %swap3A_1676 = vector.shape_cast %mul3A_1670 : vector<10x128xf32> to vector<10x1x128xf32>
    tpu.vector_store %arg6[%swap3A_1671, %swap3A_1672, %swap3A_1673], %swap3A_1676 {strides = array<i32>} : memref<10x128x128xf32, #tpu.memory_space<vmem>>, vector<10x1x128xf32>,
    %mul3A_1677 = arith.mulf %mul3A_1040, %add3A_770 : vector<10x128xf32>
    %mul3A_1678 = arith.mulf %mul3A_1677, %get3A_18 : vector<10x128xf32>
    %swap3A_1679 = arith.constant 0 : index
    %swap3A_1680 = arith.constant 88 : index
    %swap3A_1681 = arith.constant 0 : index
    %swap3A_1682 = vector.load %arg6[%swap3A_1679, %swap3A_1680, %swap3A_1681] : memref<10x128x128xf32, #tpu.memory_space<vmem>>, vector<10x1x128xf32>
    %swap3A_1683 = vector.shape_cast %swap3A_1682 : vector<10x1x128xf32> to vector<10x128xf32>
    %swap3A_1684 = vector.shape_cast %mul3A_1678 : vector<10x128xf32> to vector<10x1x128xf32>
    tpu.vector_store %arg6[%swap3A_1679, %swap3A_1680, %swap3A_1681], %swap3A_1684 {strides = array<i32>} : memref<10x128x128xf32, #tpu.memory_space<vmem>>, vector<10x1x128xf32>,
    %mul3A_1685 = arith.mulf %mul3A_1677, %get3A_23 : vector<10x128xf32>
    %swap3A_1686 = arith.constant 0 : index
    %swap3A_1687 = arith.constant 89 : index
    %swap3A_1688 = arith.constant 0 : index
    %swap3A_1689 = vector.load %arg6[%swap3A_1686, %swap3A_1687, %swap3A_1688] : memref<10x128x128xf32, #tpu.memory_space<vmem>>, vector<10x1x128xf32>
    %swap3A_1690 = vector.shape_cast %swap3A_1689 : vector<10x1x128xf32> to vector<10x128xf32>
    %swap3A_1691 = vector.shape_cast %mul3A_1685 : vector<10x128xf32> to vector<10x1x128xf32>
    tpu.vector_store %arg6[%swap3A_1686, %swap3A_1687, %swap3A_1688], %swap3A_1691 {strides = array<i32>} : memref<10x128x128xf32, #tpu.memory_space<vmem>>, vector<10x1x128xf32>,
    %mul3A_1692 = arith.mulf %mul3A_1040, %add3A_820 : vector<10x128xf32>
    %mul3A_1693 = arith.mulf %mul3A_1692, %get3A_18 : vector<10x128xf32>
    %swap3A_1694 = arith.constant 0 : index
    %swap3A_1695 = arith.constant 90 : index
    %swap3A_1696 = arith.constant 0 : index
    %swap3A_1697 = vector.load %arg6[%swap3A_1694, %swap3A_1695, %swap3A_1696] : memref<10x128x128xf32, #tpu.memory_space<vmem>>, vector<10x1x128xf32>
    %swap3A_1698 = vector.shape_cast %swap3A_1697 : vector<10x1x128xf32> to vector<10x128xf32>
    %swap3A_1699 = vector.shape_cast %mul3A_1693 : vector<10x128xf32> to vector<10x1x128xf32>
    tpu.vector_store %arg6[%swap3A_1694, %swap3A_1695, %swap3A_1696], %swap3A_1699 {strides = array<i32>} : memref<10x128x128xf32, #tpu.memory_space<vmem>>, vector<10x1x128xf32>,
    %mul3A_1700 = arith.mulf %mul3A_1692, %get3A_23 : vector<10x128xf32>
    %swap3A_1701 = arith.constant 0 : index
    %swap3A_1702 = arith.constant 91 : index
    %swap3A_1703 = arith.constant 0 : index
    %swap3A_1704 = vector.load %arg6[%swap3A_1701, %swap3A_1702, %swap3A_1703] : memref<10x128x128xf32, #tpu.memory_space<vmem>>, vector<10x1x128xf32>
    %swap3A_1705 = vector.shape_cast %swap3A_1704 : vector<10x1x128xf32> to vector<10x128xf32>
    %swap3A_1706 = vector.shape_cast %mul3A_1700 : vector<10x128xf32> to vector<10x1x128xf32>
    tpu.vector_store %arg6[%swap3A_1701, %swap3A_1702, %swap3A_1703], %swap3A_1706 {strides = array<i32>} : memref<10x128x128xf32, #tpu.memory_space<vmem>>, vector<10x1x128xf32>,
    %mul3A_1707 = arith.mulf %mul3A_1040, %add3A_870 : vector<10x128xf32>
    %mul3A_1708 = arith.mulf %mul3A_1707, %get3A_18 : vector<10x128xf32>
    %swap3A_1709 = arith.constant 0 : index
    %swap3A_1710 = arith.constant 92 : index
    %swap3A_1711 = arith.constant 0 : index
    %swap3A_1712 = vector.load %arg6[%swap3A_1709, %swap3A_1710, %swap3A_1711] : memref<10x128x128xf32, #tpu.memory_space<vmem>>, vector<10x1x128xf32>
    %swap3A_1713 = vector.shape_cast %swap3A_1712 : vector<10x1x128xf32> to vector<10x128xf32>
    %swap3A_1714 = vector.shape_cast %mul3A_1708 : vector<10x128xf32> to vector<10x1x128xf32>
    tpu.vector_store %arg6[%swap3A_1709, %swap3A_1710, %swap3A_1711], %swap3A_1714 {strides = array<i32>} : memref<10x128x128xf32, #tpu.memory_space<vmem>>, vector<10x1x128xf32>,
    %mul3A_1715 = arith.mulf %mul3A_1707, %get3A_23 : vector<10x128xf32>
    %swap3A_1716 = arith.constant 0 : index
    %swap3A_1717 = arith.constant 93 : index
    %swap3A_1718 = arith.constant 0 : index
    %swap3A_1719 = vector.load %arg6[%swap3A_1716, %swap3A_1717, %swap3A_1718] : memref<10x128x128xf32, #tpu.memory_space<vmem>>, vector<10x1x128xf32>
    %swap3A_1720 = vector.shape_cast %swap3A_1719 : vector<10x1x128xf32> to vector<10x128xf32>
    %swap3A_1721 = vector.shape_cast %mul3A_1715 : vector<10x128xf32> to vector<10x1x128xf32>
    tpu.vector_store %arg6[%swap3A_1716, %swap3A_1717, %swap3A_1718], %swap3A_1721 {strides = array<i32>} : memref<10x128x128xf32, #tpu.memory_space<vmem>>, vector<10x1x128xf32>,
    %mul3A_1722 = arith.mulf %mul3A_1040, %add3A_920 : vector<10x128xf32>
    %mul3A_1723 = arith.mulf %mul3A_1722, %get3A_18 : vector<10x128xf32>
    %swap3A_1724 = arith.constant 0 : index
    %swap3A_1725 = arith.constant 94 : index
    %swap3A_1726 = arith.constant 0 : index
    %swap3A_1727 = vector.load %arg6[%swap3A_1724, %swap3A_1725, %swap3A_1726] : memref<10x128x128xf32, #tpu.memory_space<vmem>>, vector<10x1x128xf32>
    %swap3A_1728 = vector.shape_cast %swap3A_1727 : vector<10x1x128xf32> to vector<10x128xf32>
    %swap3A_1729 = vector.shape_cast %mul3A_1723 : vector<10x128xf32> to vector<10x1x128xf32>
    tpu.vector_store %arg6[%swap3A_1724, %swap3A_1725, %swap3A_1726], %swap3A_1729 {strides = array<i32>} : memref<10x128x128xf32, #tpu.memory_space<vmem>>, vector<10x1x128xf32>,
    %mul3A_1730 = arith.mulf %mul3A_1722, %get3A_23 : vector<10x128xf32>
    %swap3A_1731 = arith.constant 0 : index
    %swap3A_1732 = arith.constant 95 : index
    %swap3A_1733 = arith.constant 0 : index
    %swap3A_1734 = vector.load %arg6[%swap3A_1731, %swap3A_1732, %swap3A_1733] : memref<10x128x128xf32, #tpu.memory_space<vmem>>, vector<10x1x128xf32>
    %swap3A_1735 = vector.shape_cast %swap3A_1734 : vector<10x1x128xf32> to vector<10x128xf32>
    %swap3A_1736 = vector.shape_cast %mul3A_1730 : vector<10x128xf32> to vector<10x1x128xf32>
    tpu.vector_store %arg6[%swap3A_1731, %swap3A_1732, %swap3A_1733], %swap3A_1736 {strides = array<i32>} : memref<10x128x128xf32, #tpu.memory_space<vmem>>, vector<10x1x128xf32>,
    %mul3A_1737 = arith.mulf %mul3A_1040, %add3A_970 : vector<10x128xf32>
    %mul3A_1738 = arith.mulf %mul3A_1737, %get3A_18 : vector<10x128xf32>
    %swap3A_1739 = arith.constant 0 : index
    %swap3A_1740 = arith.constant 96 : index
    %swap3A_1741 = arith.constant 0 : index
    %swap3A_1742 = vector.load %arg6[%swap3A_1739, %swap3A_1740, %swap3A_1741] : memref<10x128x128xf32, #tpu.memory_space<vmem>>, vector<10x1x128xf32>
    %swap3A_1743 = vector.shape_cast %swap3A_1742 : vector<10x1x128xf32> to vector<10x128xf32>
    %swap3A_1744 = vector.shape_cast %mul3A_1738 : vector<10x128xf32> to vector<10x1x128xf32>
    tpu.vector_store %arg6[%swap3A_1739, %swap3A_1740, %swap3A_1741], %swap3A_1744 {strides = array<i32>} : memref<10x128x128xf32, #tpu.memory_space<vmem>>, vector<10x1x128xf32>,
    %mul3A_1745 = arith.mulf %mul3A_1737, %get3A_23 : vector<10x128xf32>
    %swap3A_1746 = arith.constant 0 : index
    %swap3A_1747 = arith.constant 97 : index
    %swap3A_1748 = arith.constant 0 : index
    %swap3A_1749 = vector.load %arg6[%swap3A_1746, %swap3A_1747, %swap3A_1748] : memref<10x128x128xf32, #tpu.memory_space<vmem>>, vector<10x1x128xf32>
    %swap3A_1750 = vector.shape_cast %swap3A_1749 : vector<10x1x128xf32> to vector<10x128xf32>
    %swap3A_1751 = vector.shape_cast %mul3A_1745 : vector<10x128xf32> to vector<10x1x128xf32>
    tpu.vector_store %arg6[%swap3A_1746, %swap3A_1747, %swap3A_1748], %swap3A_1751 {strides = array<i32>} : memref<10x128x128xf32, #tpu.memory_space<vmem>>, vector<10x1x128xf32>,
    %mul3A_1752 = arith.mulf %mul3A_1040, %add3A_1020 : vector<10x128xf32>
    %mul3A_1753 = arith.mulf %mul3A_1752, %get3A_18 : vector<10x128xf32>
    %swap3A_1754 = arith.constant 0 : index
    %swap3A_1755 = arith.constant 98 : index
    %swap3A_1756 = arith.constant 0 : index
    %swap3A_1757 = vector.load %arg6[%swap3A_1754, %swap3A_1755, %swap3A_1756] : memref<10x128x128xf32, #tpu.memory_space<vmem>>, vector<10x1x128xf32>
    %swap3A_1758 = vector.shape_cast %swap3A_1757 : vector<10x1x128xf32> to vector<10x128xf32>
    %swap3A_1759 = vector.shape_cast %mul3A_1753 : vector<10x128xf32> to vector<10x1x128xf32>
    tpu.vector_store %arg6[%swap3A_1754, %swap3A_1755, %swap3A_1756], %swap3A_1759 {strides = array<i32>} : memref<10x128x128xf32, #tpu.memory_space<vmem>>, vector<10x1x128xf32>,
    %mul3A_1760 = arith.mulf %mul3A_1752, %get3A_23 : vector<10x128xf32>
    %swap3A_1761 = arith.constant 0 : index
    %swap3A_1762 = arith.constant 99 : index
    %swap3A_1763 = arith.constant 0 : index
    %swap3A_1764 = vector.load %arg6[%swap3A_1761, %swap3A_1762, %swap3A_1763] : memref<10x128x128xf32, #tpu.memory_space<vmem>>, vector<10x1x128xf32>
    %swap3A_1765 = vector.shape_cast %swap3A_1764 : vector<10x1x128xf32> to vector<10x128xf32>
    %swap3A_1766 = vector.shape_cast %mul3A_1760 : vector<10x128xf32> to vector<10x1x128xf32>
    tpu.vector_store %arg6[%swap3A_1761, %swap3A_1762, %swap3A_1763], %swap3A_1766 {strides = array<i32>} : memref<10x128x128xf32, #tpu.memory_space<vmem>>, vector<10x1x128xf32>,
    %mul3A_1767 = arith.mulf %mul3A_1042, %add3A_770 : vector<10x128xf32>
    %mul3A_1768 = arith.mulf %mul3A_1767, %get3A_18 : vector<10x128xf32>
    %swap3A_1769 = arith.constant 0 : index
    %swap3A_1770 = arith.constant 100 : index
    %swap3A_1771 = arith.constant 0 : index
    %swap3A_1772 = vector.load %arg6[%swap3A_1769, %swap3A_1770, %swap3A_1771] : memref<10x128x128xf32, #tpu.memory_space<vmem>>, vector<10x1x128xf32>
    %swap3A_1773 = vector.shape_cast %swap3A_1772 : vector<10x1x128xf32> to vector<10x128xf32>
    %swap3A_1774 = vector.shape_cast %mul3A_1768 : vector<10x128xf32> to vector<10x1x128xf32>
    tpu.vector_store %arg6[%swap3A_1769, %swap3A_1770, %swap3A_1771], %swap3A_1774 {strides = array<i32>} : memref<10x128x128xf32, #tpu.memory_space<vmem>>, vector<10x1x128xf32>,
    %mul3A_1775 = arith.mulf %mul3A_1767, %get3A_23 : vector<10x128xf32>
    %swap3A_1776 = arith.constant 0 : index
    %swap3A_1777 = arith.constant 101 : index
    %swap3A_1778 = arith.constant 0 : index
    %swap3A_1779 = vector.load %arg6[%swap3A_1776, %swap3A_1777, %swap3A_1778] : memref<10x128x128xf32, #tpu.memory_space<vmem>>, vector<10x1x128xf32>
    %swap3A_1780 = vector.shape_cast %swap3A_1779 : vector<10x1x128xf32> to vector<10x128xf32>
    %swap3A_1781 = vector.shape_cast %mul3A_1775 : vector<10x128xf32> to vector<10x1x128xf32>
    tpu.vector_store %arg6[%swap3A_1776, %swap3A_1777, %swap3A_1778], %swap3A_1781 {strides = array<i32>} : memref<10x128x128xf32, #tpu.memory_space<vmem>>, vector<10x1x128xf32>,
    %mul3A_1782 = arith.mulf %mul3A_1042, %add3A_820 : vector<10x128xf32>
    %mul3A_1783 = arith.mulf %mul3A_1782, %get3A_18 : vector<10x128xf32>
    %swap3A_1784 = arith.constant 0 : index
    %swap3A_1785 = arith.constant 102 : index
    %swap3A_1786 = arith.constant 0 : index
    %swap3A_1787 = vector.load %arg6[%swap3A_1784, %swap3A_1785, %swap3A_1786] : memref<10x128x128xf32, #tpu.memory_space<vmem>>, vector<10x1x128xf32>
    %swap3A_1788 = vector.shape_cast %swap3A_1787 : vector<10x1x128xf32> to vector<10x128xf32>
    %swap3A_1789 = vector.shape_cast %mul3A_1783 : vector<10x128xf32> to vector<10x1x128xf32>
    tpu.vector_store %arg6[%swap3A_1784, %swap3A_1785, %swap3A_1786], %swap3A_1789 {strides = array<i32>} : memref<10x128x128xf32, #tpu.memory_space<vmem>>, vector<10x1x128xf32>,
    %mul3A_1790 = arith.mulf %mul3A_1782, %get3A_23 : vector<10x128xf32>
    %swap3A_1791 = arith.constant 0 : index
    %swap3A_1792 = arith.constant 103 : index
    %swap3A_1793 = arith.constant 0 : index
    %swap3A_1794 = vector.load %arg6[%swap3A_1791, %swap3A_1792, %swap3A_1793] : memref<10x128x128xf32, #tpu.memory_space<vmem>>, vector<10x1x128xf32>
    %swap3A_1795 = vector.shape_cast %swap3A_1794 : vector<10x1x128xf32> to vector<10x128xf32>
    %swap3A_1796 = vector.shape_cast %mul3A_1790 : vector<10x128xf32> to vector<10x1x128xf32>
    tpu.vector_store %arg6[%swap3A_1791, %swap3A_1792, %swap3A_1793], %swap3A_1796 {strides = array<i32>} : memref<10x128x128xf32, #tpu.memory_space<vmem>>, vector<10x1x128xf32>,
    %mul3A_1797 = arith.mulf %mul3A_1042, %add3A_870 : vector<10x128xf32>
    %mul3A_1798 = arith.mulf %mul3A_1797, %get3A_18 : vector<10x128xf32>
    %swap3A_1799 = arith.constant 0 : index
    %swap3A_1800 = arith.constant 104 : index
    %swap3A_1801 = arith.constant 0 : index
    %swap3A_1802 = vector.load %arg6[%swap3A_1799, %swap3A_1800, %swap3A_1801] : memref<10x128x128xf32, #tpu.memory_space<vmem>>, vector<10x1x128xf32>
    %swap3A_1803 = vector.shape_cast %swap3A_1802 : vector<10x1x128xf32> to vector<10x128xf32>
    %swap3A_1804 = vector.shape_cast %mul3A_1798 : vector<10x128xf32> to vector<10x1x128xf32>
    tpu.vector_store %arg6[%swap3A_1799, %swap3A_1800, %swap3A_1801], %swap3A_1804 {strides = array<i32>} : memref<10x128x128xf32, #tpu.memory_space<vmem>>, vector<10x1x128xf32>,
    %mul3A_1805 = arith.mulf %mul3A_1797, %get3A_23 : vector<10x128xf32>
    %swap3A_1806 = arith.constant 0 : index
    %swap3A_1807 = arith.constant 105 : index
    %swap3A_1808 = arith.constant 0 : index
    %swap3A_1809 = vector.load %arg6[%swap3A_1806, %swap3A_1807, %swap3A_1808] : memref<10x128x128xf32, #tpu.memory_space<vmem>>, vector<10x1x128xf32>
    %swap3A_1810 = vector.shape_cast %swap3A_1809 : vector<10x1x128xf32> to vector<10x128xf32>
    %swap3A_1811 = vector.shape_cast %mul3A_1805 : vector<10x128xf32> to vector<10x1x128xf32>
    tpu.vector_store %arg6[%swap3A_1806, %swap3A_1807, %swap3A_1808], %swap3A_1811 {strides = array<i32>} : memref<10x128x128xf32, #tpu.memory_space<vmem>>, vector<10x1x128xf32>,
    %mul3A_1812 = arith.mulf %mul3A_1042, %add3A_920 : vector<10x128xf32>
    %mul3A_1813 = arith.mulf %mul3A_1812, %get3A_18 : vector<10x128xf32>
    %swap3A_1814 = arith.constant 0 : index
    %swap3A_1815 = arith.constant 106 : index
    %swap3A_1816 = arith.constant 0 : index
    %swap3A_1817 = vector.load %arg6[%swap3A_1814, %swap3A_1815, %swap3A_1816] : memref<10x128x128xf32, #tpu.memory_space<vmem>>, vector<10x1x128xf32>
    %swap3A_1818 = vector.shape_cast %swap3A_1817 : vector<10x1x128xf32> to vector<10x128xf32>
    %swap3A_1819 = vector.shape_cast %mul3A_1813 : vector<10x128xf32> to vector<10x1x128xf32>
    tpu.vector_store %arg6[%swap3A_1814, %swap3A_1815, %swap3A_1816], %swap3A_1819 {strides = array<i32>} : memref<10x128x128xf32, #tpu.memory_space<vmem>>, vector<10x1x128xf32>,
    %mul3A_1820 = arith.mulf %mul3A_1812, %get3A_23 : vector<10x128xf32>
    %swap3A_1821 = arith.constant 0 : index
    %swap3A_1822 = arith.constant 107 : index
    %swap3A_1823 = arith.constant 0 : index
    %swap3A_1824 = vector.load %arg6[%swap3A_1821, %swap3A_1822, %swap3A_1823] : memref<10x128x128xf32, #tpu.memory_space<vmem>>, vector<10x1x128xf32>
    %swap3A_1825 = vector.shape_cast %swap3A_1824 : vector<10x1x128xf32> to vector<10x128xf32>
    %swap3A_1826 = vector.shape_cast %mul3A_1820 : vector<10x128xf32> to vector<10x1x128xf32>
    tpu.vector_store %arg6[%swap3A_1821, %swap3A_1822, %swap3A_1823], %swap3A_1826 {strides = array<i32>} : memref<10x128x128xf32, #tpu.memory_space<vmem>>, vector<10x1x128xf32>,
    %mul3A_1827 = arith.mulf %mul3A_1042, %add3A_970 : vector<10x128xf32>
    %mul3A_1828 = arith.mulf %mul3A_1827, %get3A_18 : vector<10x128xf32>
    %swap3A_1829 = arith.constant 0 : index
    %swap3A_1830 = arith.constant 108 : index
    %swap3A_1831 = arith.constant 0 : index
    %swap3A_1832 = vector.load %arg6[%swap3A_1829, %swap3A_1830, %swap3A_1831] : memref<10x128x128xf32, #tpu.memory_space<vmem>>, vector<10x1x128xf32>
    %swap3A_1833 = vector.shape_cast %swap3A_1832 : vector<10x1x128xf32> to vector<10x128xf32>
    %swap3A_1834 = vector.shape_cast %mul3A_1828 : vector<10x128xf32> to vector<10x1x128xf32>
    tpu.vector_store %arg6[%swap3A_1829, %swap3A_1830, %swap3A_1831], %swap3A_1834 {strides = array<i32>} : memref<10x128x128xf32, #tpu.memory_space<vmem>>, vector<10x1x128xf32>,
    %mul3A_1835 = arith.mulf %mul3A_1827, %get3A_23 : vector<10x128xf32>
    %swap3A_1836 = arith.constant 0 : index
    %swap3A_1837 = arith.constant 109 : index
    %swap3A_1838 = arith.constant 0 : index
    %swap3A_1839 = vector.load %arg6[%swap3A_1836, %swap3A_1837, %swap3A_1838] : memref<10x128x128xf32, #tpu.memory_space<vmem>>, vector<10x1x128xf32>
    %swap3A_1840 = vector.shape_cast %swap3A_1839 : vector<10x1x128xf32> to vector<10x128xf32>
    %swap3A_1841 = vector.shape_cast %mul3A_1835 : vector<10x128xf32> to vector<10x1x128xf32>
    tpu.vector_store %arg6[%swap3A_1836, %swap3A_1837, %swap3A_1838], %swap3A_1841 {strides = array<i32>} : memref<10x128x128xf32, #tpu.memory_space<vmem>>, vector<10x1x128xf32>,
    %mul3A_1842 = arith.mulf %mul3A_1042, %add3A_1020 : vector<10x128xf32>
    %mul3A_1843 = arith.mulf %mul3A_1842, %get3A_18 : vector<10x128xf32>
    %swap3A_1844 = arith.constant 0 : index
    %swap3A_1845 = arith.constant 110 : index
    %swap3A_1846 = arith.constant 0 : index
    %swap3A_1847 = vector.load %arg6[%swap3A_1844, %swap3A_1845, %swap3A_1846] : memref<10x128x128xf32, #tpu.memory_space<vmem>>, vector<10x1x128xf32>
    %swap3A_1848 = vector.shape_cast %swap3A_1847 : vector<10x1x128xf32> to vector<10x128xf32>
    %swap3A_1849 = vector.shape_cast %mul3A_1843 : vector<10x128xf32> to vector<10x1x128xf32>
    tpu.vector_store %arg6[%swap3A_1844, %swap3A_1845, %swap3A_1846], %swap3A_1849 {strides = array<i32>} : memref<10x128x128xf32, #tpu.memory_space<vmem>>, vector<10x1x128xf32>,
    %mul3A_1850 = arith.mulf %mul3A_1842, %get3A_23 : vector<10x128xf32>
    %swap3A_1851 = arith.constant 0 : index
    %swap3A_1852 = arith.constant 111 : index
    %swap3A_1853 = arith.constant 0 : index
    %swap3A_1854 = vector.load %arg6[%swap3A_1851, %swap3A_1852, %swap3A_1853] : memref<10x128x128xf32, #tpu.memory_space<vmem>>, vector<10x1x128xf32>
    %swap3A_1855 = vector.shape_cast %swap3A_1854 : vector<10x1x128xf32> to vector<10x128xf32>
    %swap3A_1856 = vector.shape_cast %mul3A_1850 : vector<10x128xf32> to vector<10x1x128xf32>
    tpu.vector_store %arg6[%swap3A_1851, %swap3A_1852, %swap3A_1853], %swap3A_1856 {strides = array<i32>} : memref<10x128x128xf32, #tpu.memory_space<vmem>>, vector<10x1x128xf32>,
    %mul3A_1857 = arith.mulf %mul3A_1045, %add3A_770 : vector<10x128xf32>
    %mul3A_1858 = arith.mulf %mul3A_1857, %get3A_18 : vector<10x128xf32>
    %swap3A_1859 = arith.constant 0 : index
    %swap3A_1860 = arith.constant 112 : index
    %swap3A_1861 = arith.constant 0 : index
    %swap3A_1862 = vector.load %arg6[%swap3A_1859, %swap3A_1860, %swap3A_1861] : memref<10x128x128xf32, #tpu.memory_space<vmem>>, vector<10x1x128xf32>
    %swap3A_1863 = vector.shape_cast %swap3A_1862 : vector<10x1x128xf32> to vector<10x128xf32>
    %swap3A_1864 = vector.shape_cast %mul3A_1858 : vector<10x128xf32> to vector<10x1x128xf32>
    tpu.vector_store %arg6[%swap3A_1859, %swap3A_1860, %swap3A_1861], %swap3A_1864 {strides = array<i32>} : memref<10x128x128xf32, #tpu.memory_space<vmem>>, vector<10x1x128xf32>,
    %mul3A_1865 = arith.mulf %mul3A_1857, %get3A_23 : vector<10x128xf32>
    %swap3A_1866 = arith.constant 0 : index
    %swap3A_1867 = arith.constant 113 : index
    %swap3A_1868 = arith.constant 0 : index
    %swap3A_1869 = vector.load %arg6[%swap3A_1866, %swap3A_1867, %swap3A_1868] : memref<10x128x128xf32, #tpu.memory_space<vmem>>, vector<10x1x128xf32>
    %swap3A_1870 = vector.shape_cast %swap3A_1869 : vector<10x1x128xf32> to vector<10x128xf32>
    %swap3A_1871 = vector.shape_cast %mul3A_1865 : vector<10x128xf32> to vector<10x1x128xf32>
    tpu.vector_store %arg6[%swap3A_1866, %swap3A_1867, %swap3A_1868], %swap3A_1871 {strides = array<i32>} : memref<10x128x128xf32, #tpu.memory_space<vmem>>, vector<10x1x128xf32>,
    %mul3A_1872 = arith.mulf %mul3A_1045, %add3A_820 : vector<10x128xf32>
    %mul3A_1873 = arith.mulf %mul3A_1872, %get3A_18 : vector<10x128xf32>
    %swap3A_1874 = arith.constant 0 : index
    %swap3A_1875 = arith.constant 114 : index
    %swap3A_1876 = arith.constant 0 : index
    %swap3A_1877 = vector.load %arg6[%swap3A_1874, %swap3A_1875, %swap3A_1876] : memref<10x128x128xf32, #tpu.memory_space<vmem>>, vector<10x1x128xf32>
    %swap3A_1878 = vector.shape_cast %swap3A_1877 : vector<10x1x128xf32> to vector<10x128xf32>
    %swap3A_1879 = vector.shape_cast %mul3A_1873 : vector<10x128xf32> to vector<10x1x128xf32>
    tpu.vector_store %arg6[%swap3A_1874, %swap3A_1875, %swap3A_1876], %swap3A_1879 {strides = array<i32>} : memref<10x128x128xf32, #tpu.memory_space<vmem>>, vector<10x1x128xf32>,
    %mul3A_1880 = arith.mulf %mul3A_1872, %get3A_23 : vector<10x128xf32>
    %swap3A_1881 = arith.constant 0 : index
    %swap3A_1882 = arith.constant 115 : index
    %swap3A_1883 = arith.constant 0 : index
    %swap3A_1884 = vector.load %arg6[%swap3A_1881, %swap3A_1882, %swap3A_1883] : memref<10x128x128xf32, #tpu.memory_space<vmem>>, vector<10x1x128xf32>
    %swap3A_1885 = vector.shape_cast %swap3A_1884 : vector<10x1x128xf32> to vector<10x128xf32>
    %swap3A_1886 = vector.shape_cast %mul3A_1880 : vector<10x128xf32> to vector<10x1x128xf32>
    tpu.vector_store %arg6[%swap3A_1881, %swap3A_1882, %swap3A_1883], %swap3A_1886 {strides = array<i32>} : memref<10x128x128xf32, #tpu.memory_space<vmem>>, vector<10x1x128xf32>,
    %mul3A_1887 = arith.mulf %mul3A_1045, %add3A_870 : vector<10x128xf32>
    %mul3A_1888 = arith.mulf %mul3A_1887, %get3A_18 : vector<10x128xf32>
    %swap3A_1889 = arith.constant 0 : index
    %swap3A_1890 = arith.constant 116 : index
    %swap3A_1891 = arith.constant 0 : index
    %swap3A_1892 = vector.load %arg6[%swap3A_1889, %swap3A_1890, %swap3A_1891] : memref<10x128x128xf32, #tpu.memory_space<vmem>>, vector<10x1x128xf32>
    %swap3A_1893 = vector.shape_cast %swap3A_1892 : vector<10x1x128xf32> to vector<10x128xf32>
    %swap3A_1894 = vector.shape_cast %mul3A_1888 : vector<10x128xf32> to vector<10x1x128xf32>
    tpu.vector_store %arg6[%swap3A_1889, %swap3A_1890, %swap3A_1891], %swap3A_1894 {strides = array<i32>} : memref<10x128x128xf32, #tpu.memory_space<vmem>>, vector<10x1x128xf32>,
    %mul3A_1895 = arith.mulf %mul3A_1887, %get3A_23 : vector<10x128xf32>
    %swap3A_1896 = arith.constant 0 : index
    %swap3A_1897 = arith.constant 117 : index
    %swap3A_1898 = arith.constant 0 : index
    %swap3A_1899 = vector.load %arg6[%swap3A_1896, %swap3A_1897, %swap3A_1898] : memref<10x128x128xf32, #tpu.memory_space<vmem>>, vector<10x1x128xf32>
    %swap3A_1900 = vector.shape_cast %swap3A_1899 : vector<10x1x128xf32> to vector<10x128xf32>
    %swap3A_1901 = vector.shape_cast %mul3A_1895 : vector<10x128xf32> to vector<10x1x128xf32>
    tpu.vector_store %arg6[%swap3A_1896, %swap3A_1897, %swap3A_1898], %swap3A_1901 {strides = array<i32>} : memref<10x128x128xf32, #tpu.memory_space<vmem>>, vector<10x1x128xf32>,
    %mul3A_1902 = arith.mulf %mul3A_1045, %add3A_920 : vector<10x128xf32>
    %mul3A_1903 = arith.mulf %mul3A_1902, %get3A_18 : vector<10x128xf32>
    %swap3A_1904 = arith.constant 0 : index
    %swap3A_1905 = arith.constant 118 : index
    %swap3A_1906 = arith.constant 0 : index
    %swap3A_1907 = vector.load %arg6[%swap3A_1904, %swap3A_1905, %swap3A_1906] : memref<10x128x128xf32, #tpu.memory_space<vmem>>, vector<10x1x128xf32>
    %swap3A_1908 = vector.shape_cast %swap3A_1907 : vector<10x1x128xf32> to vector<10x128xf32>
    %swap3A_1909 = vector.shape_cast %mul3A_1903 : vector<10x128xf32> to vector<10x1x128xf32>
    tpu.vector_store %arg6[%swap3A_1904, %swap3A_1905, %swap3A_1906], %swap3A_1909 {strides = array<i32>} : memref<10x128x128xf32, #tpu.memory_space<vmem>>, vector<10x1x128xf32>,
    %mul3A_1910 = arith.mulf %mul3A_1902, %get3A_23 : vector<10x128xf32>
    %swap3A_1911 = arith.constant 0 : index
    %swap3A_1912 = arith.constant 119 : index
    %swap3A_1913 = arith.constant 0 : index
    %swap3A_1914 = vector.load %arg6[%swap3A_1911, %swap3A_1912, %swap3A_1913] : memref<10x128x128xf32, #tpu.memory_space<vmem>>, vector<10x1x128xf32>
    %swap3A_1915 = vector.shape_cast %swap3A_1914 : vector<10x1x128xf32> to vector<10x128xf32>
    %swap3A_1916 = vector.shape_cast %mul3A_1910 : vector<10x128xf32> to vector<10x1x128xf32>
    tpu.vector_store %arg6[%swap3A_1911, %swap3A_1912, %swap3A_1913], %swap3A_1916 {strides = array<i32>} : memref<10x128x128xf32, #tpu.memory_space<vmem>>, vector<10x1x128xf32>,
    %mul3A_1917 = arith.mulf %mul3A_1045, %add3A_970 : vector<10x128xf32>
    %mul3A_1918 = arith.mulf %mul3A_1917, %get3A_18 : vector<10x128xf32>
    %swap3A_1919 = arith.constant 0 : index
    %swap3A_1920 = arith.constant 120 : index
    %swap3A_1921 = arith.constant 0 : index
    %swap3A_1922 = vector.load %arg6[%swap3A_1919, %swap3A_1920, %swap3A_1921] : memref<10x128x128xf32, #tpu.memory_space<vmem>>, vector<10x1x128xf32>
    %swap3A_1923 = vector.shape_cast %swap3A_1922 : vector<10x1x128xf32> to vector<10x128xf32>
    %swap3A_1924 = vector.shape_cast %mul3A_1918 : vector<10x128xf32> to vector<10x1x128xf32>
    tpu.vector_store %arg6[%swap3A_1919, %swap3A_1920, %swap3A_1921], %swap3A_1924 {strides = array<i32>} : memref<10x128x128xf32, #tpu.memory_space<vmem>>, vector<10x1x128xf32>,
    %mul3A_1925 = arith.mulf %mul3A_1917, %get3A_23 : vector<10x128xf32>
    %swap3A_1926 = arith.constant 0 : index
    %swap3A_1927 = arith.constant 121 : index
    %swap3A_1928 = arith.constant 0 : index
    %swap3A_1929 = vector.load %arg6[%swap3A_1926, %swap3A_1927, %swap3A_1928] : memref<10x128x128xf32, #tpu.memory_space<vmem>>, vector<10x1x128xf32>
    %swap3A_1930 = vector.shape_cast %swap3A_1929 : vector<10x1x128xf32> to vector<10x128xf32>
    %swap3A_1931 = vector.shape_cast %mul3A_1925 : vector<10x128xf32> to vector<10x1x128xf32>
    tpu.vector_store %arg6[%swap3A_1926, %swap3A_1927, %swap3A_1928], %swap3A_1931 {strides = array<i32>} : memref<10x128x128xf32, #tpu.memory_space<vmem>>, vector<10x1x128xf32>,
    %mul3A_1932 = arith.mulf %mul3A_1045, %add3A_1020 : vector<10x128xf32>
    %mul3A_1933 = arith.mulf %mul3A_1932, %get3A_18 : vector<10x128xf32>
    %swap3A_1934 = arith.constant 0 : index
    %swap3A_1935 = arith.constant 122 : index
    %swap3A_1936 = arith.constant 0 : index
    %swap3A_1937 = vector.load %arg6[%swap3A_1934, %swap3A_1935, %swap3A_1936] : memref<10x128x128xf32, #tpu.memory_space<vmem>>, vector<10x1x128xf32>
    %swap3A_1938 = vector.shape_cast %swap3A_1937 : vector<10x1x128xf32> to vector<10x128xf32>
    %swap3A_1939 = vector.shape_cast %mul3A_1933 : vector<10x128xf32> to vector<10x1x128xf32>
    tpu.vector_store %arg6[%swap3A_1934, %swap3A_1935, %swap3A_1936], %swap3A_1939 {strides = array<i32>} : memref<10x128x128xf32, #tpu.memory_space<vmem>>, vector<10x1x128xf32>,
    %mul3A_1940 = arith.mulf %mul3A_1932, %get3A_23 : vector<10x128xf32>
    %swap3A_1941 = arith.constant 0 : index
    %swap3A_1942 = arith.constant 123 : index
    %swap3A_1943 = arith.constant 0 : index
    %swap3A_1944 = vector.load %arg6[%swap3A_1941, %swap3A_1942, %swap3A_1943] : memref<10x128x128xf32, #tpu.memory_space<vmem>>, vector<10x1x128xf32>
    %swap3A_1945 = vector.shape_cast %swap3A_1944 : vector<10x1x128xf32> to vector<10x128xf32>
    %swap3A_1946 = vector.shape_cast %mul3A_1940 : vector<10x128xf32> to vector<10x1x128xf32>
    tpu.vector_store %arg6[%swap3A_1941, %swap3A_1942, %swap3A_1943], %swap3A_1946 {strides = array<i32>} : memref<10x128x128xf32, #tpu.memory_space<vmem>>, vector<10x1x128xf32>,
    %swap3A_1947 = arith.constant 0 : index
    %swap3A_1948 = arith.constant 60 : index
    %swap3A_1949 = arith.constant 0 : index
    %swap3A_1950 = vector.load %arg6[%swap3A_1947, %swap3A_1948, %swap3A_1949] : memref<10x128x128xf32, #tpu.memory_space<vmem>>, vector<10x1x128xf32>
    %swap3A_1951 = vector.shape_cast %swap3A_1950 : vector<10x1x128xf32> to vector<10x128xf32>
    %swap3A_1952 = vector.shape_cast %broadcast_in_dim3A_1047 : vector<10x128xf32> to vector<10x1x128xf32>
    tpu.vector_store %arg6[%swap3A_1947, %swap3A_1948, %swap3A_1949], %swap3A_1952 {strides = array<i32>} : memref<10x128x128xf32, #tpu.memory_space<vmem>>, vector<10x1x128xf32>,
    %swap3A_1953 = arith.constant 0 : index
    %swap3A_1954 = arith.constant 61 : index
    %swap3A_1955 = arith.constant 0 : index
    %swap3A_1956 = vector.load %arg6[%swap3A_1953, %swap3A_1954, %swap3A_1955] : memref<10x128x128xf32, #tpu.memory_space<vmem>>, vector<10x1x128xf32>
    %swap3A_1957 = vector.shape_cast %swap3A_1956 : vector<10x1x128xf32> to vector<10x128xf32>
    %swap3A_1958 = vector.shape_cast %broadcast_in_dim3A_1047 : vector<10x128xf32> to vector<10x1x128xf32>
    tpu.vector_store %arg6[%swap3A_1953, %swap3A_1954, %swap3A_1955], %swap3A_1958 {strides = array<i32>} : memref<10x128x128xf32, #tpu.memory_space<vmem>>, vector<10x1x128xf32>,
    %swap3A_1959 = arith.constant 0 : index
    %swap3A_1960 = arith.constant 62 : index
    %swap3A_1961 = arith.constant 0 : index
    %swap3A_1962 = vector.load %arg6[%swap3A_1959, %swap3A_1960, %swap3A_1961] : memref<10x128x128xf32, #tpu.memory_space<vmem>>, vector<10x1x128xf32>
    %swap3A_1963 = vector.shape_cast %swap3A_1962 : vector<10x1x128xf32> to vector<10x128xf32>
    %swap3A_1964 = vector.shape_cast %broadcast_in_dim3A_1047 : vector<10x128xf32> to vector<10x1x128xf32>
    tpu.vector_store %arg6[%swap3A_1959, %swap3A_1960, %swap3A_1961], %swap3A_1964 {strides = array<i32>} : memref<10x128x128xf32, #tpu.memory_space<vmem>>, vector<10x1x128xf32>,
    %swap3A_1965 = arith.constant 0 : index
    %swap3A_1966 = arith.constant 63 : index
    %swap3A_1967 = arith.constant 0 : index
    %swap3A_1968 = vector.load %arg6[%swap3A_1965, %swap3A_1966, %swap3A_1967] : memref<10x128x128xf32, #tpu.memory_space<vmem>>, vector<10x1x128xf32>
    %swap3A_1969 = vector.shape_cast %swap3A_1968 : vector<10x1x128xf32> to vector<10x128xf32>
    %swap3A_1970 = vector.shape_cast %broadcast_in_dim3A_1047 : vector<10x128xf32> to vector<10x1x128xf32>
    tpu.vector_store %arg6[%swap3A_1965, %swap3A_1966, %swap3A_1967], %swap3A_1970 {strides = array<i32>} : memref<10x128x128xf32, #tpu.memory_space<vmem>>, vector<10x1x128xf32>,
    %swap3A_1971 = arith.constant 0 : index
    %swap3A_1972 = arith.constant 124 : index
    %swap3A_1973 = arith.constant 0 : index
    %swap3A_1974 = vector.load %arg6[%swap3A_1971, %swap3A_1972, %swap3A_1973] : memref<10x128x128xf32, #tpu.memory_space<vmem>>, vector<10x1x128xf32>
    %swap3A_1975 = vector.shape_cast %swap3A_1974 : vector<10x1x128xf32> to vector<10x128xf32>
    %swap3A_1976 = vector.shape_cast %broadcast_in_dim3A_1047 : vector<10x128xf32> to vector<10x1x128xf32>
    tpu.vector_store %arg6[%swap3A_1971, %swap3A_1972, %swap3A_1973], %swap3A_1976 {strides = array<i32>} : memref<10x128x128xf32, #tpu.memory_space<vmem>>, vector<10x1x128xf32>,
    %swap3A_1977 = arith.constant 0 : index
    %swap3A_1978 = arith.constant 125 : index
    %swap3A_1979 = arith.constant 0 : index
    %swap3A_1980 = vector.load %arg6[%swap3A_1977, %swap3A_1978, %swap3A_1979] : memref<10x128x128xf32, #tpu.memory_space<vmem>>, vector<10x1x128xf32>
    %swap3A_1981 = vector.shape_cast %swap3A_1980 : vector<10x1x128xf32> to vector<10x128xf32>
    %swap3A_1982 = vector.shape_cast %broadcast_in_dim3A_1047 : vector<10x128xf32> to vector<10x1x128xf32>
    tpu.vector_store %arg6[%swap3A_1977, %swap3A_1978, %swap3A_1979], %swap3A_1982 {strides = array<i32>} : memref<10x128x128xf32, #tpu.memory_space<vmem>>, vector<10x1x128xf32>,
    %swap3A_1983 = arith.constant 0 : index
    %swap3A_1984 = arith.constant 126 : index
    %swap3A_1985 = arith.constant 0 : index
    %swap3A_1986 = vector.load %arg6[%swap3A_1983, %swap3A_1984, %swap3A_1985] : memref<10x128x128xf32, #tpu.memory_space<vmem>>, vector<10x1x128xf32>
    %swap3A_1987 = vector.shape_cast %swap3A_1986 : vector<10x1x128xf32> to vector<10x128xf32>
    %swap3A_1988 = vector.shape_cast %broadcast_in_dim3A_1047 : vector<10x128xf32> to vector<10x1x128xf32>
    tpu.vector_store %arg6[%swap3A_1983, %swap3A_1984, %swap3A_1985], %swap3A_1988 {strides = array<i32>} : memref<10x128x128xf32, #tpu.memory_space<vmem>>, vector<10x1x128xf32>,
    %swap3A_1989 = arith.constant 0 : index
    %swap3A_1990 = arith.constant 127 : index
    %swap3A_1991 = arith.constant 0 : index
    %swap3A_1992 = vector.load %arg6[%swap3A_1989, %swap3A_1990, %swap3A_1991] : memref<10x128x128xf32, #tpu.memory_space<vmem>>, vector<10x1x128xf32>
    %swap3A_1993 = vector.shape_cast %swap3A_1992 : vector<10x1x128xf32> to vector<10x128xf32>
    %swap3A_1994 = vector.shape_cast %broadcast_in_dim3A_1047 : vector<10x128xf32> to vector<10x1x128xf32>
    tpu.vector_store %arg6[%swap3A_1989, %swap3A_1990, %swap3A_1991], %swap3A_1994 {strides = array<i32>} : memref<10x128x128xf32, #tpu.memory_space<vmem>>, vector<10x1x128xf32>,
    %neg3A = arith.constant 0.000000e+00 : f32
    %neg3A_1995 = vector.broadcast %neg3A : f32 to vector<10x128xf32>
    %neg3A_1996 = arith.subf %neg3A_1995, %sqrt3A : vector<10x128xf32>
    %get3A_1997 = arith.constant 0 : index
    %get3A_1998 = arith.constant 0 : index
    %get3A_1999 = vector.load %arg5[%get3A_1997, %get3A_1998] : memref<1x1xf32, #tpu.memory_space<vmem>>, vector<1x1xf32>
    %get3A_2000 = vector.extract %get3A_1999[0, 0] : f32 from vector<1x1xf32>
    %div3A_2001 = arith.constant 1.000000e+00 : f32
    %div3A_2002 = arith.divf %div3A_2001, %get3A_2000 : f32
    %mul3A_2003 = vector.broadcast %div3A_2002 : f32 to vector<10x128xf32>
    %mul3A_2004 = arith.mulf %neg3A_1996, %mul3A_2003 : vector<10x128xf32>
    %exp3A = math.exp %mul3A_2004 : vector<10x128xf32>
    %swap3A_2005 = arith.constant 0 : index
    %swap3A_2006 = arith.constant 0 : index
    %swap3A_2007 = arith.constant 0 : index
    %swap3A_2008 = vector.load %arg7[%swap3A_2005, %swap3A_2006, %swap3A_2007] : memref<10x1x128xf32, #tpu.memory_space<vmem>>, vector<10x1x128xf32>
    %swap3A_2009 = vector.shape_cast %swap3A_2008 : vector<10x1x128xf32> to vector<10x128xf32>
    %swap3A_2010 = vector.shape_cast %exp3A : vector<10x128xf32> to vector<10x1x128xf32>
    tpu.vector_store %arg7[%swap3A_2005, %swap3A_2006, %swap3A_2007], %swap3A_2010 {strides = array<i32>} : memref<10x1x128xf32, #tpu.memory_space<vmem>>, vector<10x1x128xf32>,
    return
  }
  func.func @transform_0(%arg0: i32) -> (i32, i32, i32) {
    %c0_i32 = arith.constant 0 : i32
    %c0_i32_0 = arith.constant 0 : i32
    %c0_i32_1 = arith.constant 0 : i32
    return %arg0, %c0_i32, %c0_i32_0 : i32, i32, i32
  }
  func.func @transform_1(%arg0: i32) -> (i32, i32, i32) {
    %c0_i32 = arith.constant 0 : i32
    %c0_i32_0 = arith.constant 0 : i32
    %c0_i32_1 = arith.constant 0 : i32
    return %arg0, %c0_i32, %c0_i32_0 : i32, i32, i32
  }
  func.func @transform_2(%arg0: i32) -> (i32, i32, i32) {
    %c0_i32 = arith.constant 0 : i32
    %c0_i32_0 = arith.constant 0 : i32
    %c0_i32_1 = arith.constant 0 : i32
    return %arg0, %c0_i32, %c0_i32_0 : i32, i32, i32
  }
  func.func @transform_3(%arg0: i32) -> (i32, i32, i32) {
    %c0_i32 = arith.constant 0 : i32
    %c0_i32_0 = arith.constant 0 : i32
    %c0_i32_1 = arith.constant 0 : i32
    %c0_i32_2 = arith.constant 0 : i32
    return %c0_i32, %c0_i32_0, %c0_i32_1 : i32, i32, i32
  }
  func.func @transform_4(%arg0: i32) -> (i32, i32) {
    %c0_i32 = arith.constant 0 : i32
    %c0_i32_0 = arith.constant 0 : i32
    %c0_i32_1 = arith.constant 0 : i32
    return %c0_i32, %c0_i32_0 : i32, i32
  }
  func.func @transform_5(%arg0: i32) -> (i32, i32, i32) {
    %c0_i32 = arith.constant 0 : i32
    %c0_i32_0 = arith.constant 0 : i32
    %c0_i32_1 = arith.constant 0 : i32
    return %arg0, %c0_i32, %c0_i32_0 : i32, i32, i32
  }
  func.func @transform_6(%arg0: i32) -> (i32, i32, i32) {
    %c0_i32 = arith.constant 0 : i32
    %c0_i32_0 = arith.constant 0 : i32
    %c0_i32_1 = arith.constant 0 : i32
    return %arg0, %c0_i32, %c0_i32_0 : i32, i32, i32
  }
}

module attributes {stable_mosaic.version = 14 : i64} {
  func.func @_tc3_body(%arg0: i32, %arg1: memref<2x1280x128xf32, #tpu.memory_space<vmem>>, %arg2: memref<1280x128xf32, #tpu.memory_space<vmem>>, %arg3: memref<2x1280x128xf32, #tpu.memory_space<vmem>>) attributes {dimension_semantics = [#tpu.dimension_semantics<arbitrary>], iteration_bounds = array<i64: 8>, scalar_prefetch = 0 : i64, scratch_operands = 0 : i64, tpu.core_type = #tpu.core_type<tc>, window_params = [{transform_indices = @transform_0, window_bounds = array<i64: 2, 1280, 128>}, {transform_indices = @transform_1, window_bounds = array<i64: 1280, 128>}, {transform_indices = @transform_2, window_bounds = array<i64: 2, 1280, 128>}]} {
    %get3A = arith.constant 0 : index
    %get3A_0 = arith.constant 0 : index
    %get3A_1 = arith.constant 0 : index
    %get3A_2 = vector.load %arg1[%get3A, %get3A_0, %get3A_1] : memref<2x1280x128xf32, #tpu.memory_space<vmem>>, vector<1x1280x128xf32>
    %get3A_3 = vector.shape_cast %get3A_2 : vector<1x1280x128xf32> to vector<1280x128xf32>
    %get3A_4 = arith.constant 1 : index
    %get3A_5 = arith.constant 0 : index
    %get3A_6 = arith.constant 0 : index
    %get3A_7 = vector.load %arg1[%get3A_4, %get3A_5, %get3A_6] : memref<2x1280x128xf32, #tpu.memory_space<vmem>>, vector<1x1280x128xf32>
    %get3A_8 = vector.shape_cast %get3A_7 : vector<1x1280x128xf32> to vector<1280x128xf32>
    %add3A = arith.addf %get3A_3, %get3A_8 : vector<1280x128xf32>
    %get3A_9 = arith.constant 0 : index
    %get3A_10 = arith.constant 3 : index
    %get3A_11 = vector.load %arg2[%get3A_9, %get3A_10] : memref<1280x128xf32, #tpu.memory_space<vmem>>, vector<1280x1xf32>
    %get3A_12 = arith.constant 0 : index
    %get3A_13 = arith.constant 4 : index
    %get3A_14 = vector.load %arg2[%get3A_12, %get3A_13] : memref<1280x128xf32, #tpu.memory_space<vmem>>, vector<1280x1xf32>
    %slice3A = vector.extract_strided_slice %add3A {offsets = [0, 0], sizes = [1280, 64], strides = [1, 1]} : vector<1280x128xf32> to vector<1280x64xf32>
    %slice3A_15 = vector.extract_strided_slice %add3A {offsets = [0, 64], sizes = [1280, 64], strides = [1, 1]} : vector<1280x128xf32> to vector<1280x64xf32>
    %mul3A = vector.broadcast %get3A_11 : vector<1280x1xf32> to vector<1280x64xf32>
    %mul3A_16 = arith.mulf %slice3A, %mul3A : vector<1280x64xf32>
    %swap3A = arith.constant 0 : index
    %swap3A_17 = arith.constant 0 : index
    %swap3A_18 = arith.constant 0 : index
    %swap3A_19 = vector.load %arg3[%swap3A, %swap3A_17, %swap3A_18] : memref<2x1280x128xf32, #tpu.memory_space<vmem>>, vector<1x1280x64xf32>
    %swap3A_20 = vector.shape_cast %swap3A_19 : vector<1x1280x64xf32> to vector<1280x64xf32>
    %swap3A_21 = vector.shape_cast %mul3A_16 : vector<1280x64xf32> to vector<1x1280x64xf32>
    tpu.vector_store %arg3[%swap3A, %swap3A_17, %swap3A_18], %swap3A_21 {strides = array<i32>} : memref<2x1280x128xf32, #tpu.memory_space<vmem>>, vector<1x1280x64xf32>,
    %mul3A_22 = vector.broadcast %get3A_14 : vector<1280x1xf32> to vector<1280x64xf32>
    %mul3A_23 = arith.mulf %slice3A, %mul3A_22 : vector<1280x64xf32>
    %swap3A_24 = arith.constant 0 : index
    %swap3A_25 = arith.constant 0 : index
    %swap3A_26 = arith.constant 64 : index
    %swap3A_27 = vector.load %arg3[%swap3A_24, %swap3A_25, %swap3A_26] : memref<2x1280x128xf32, #tpu.memory_space<vmem>>, vector<1x1280x64xf32>
    %swap3A_28 = vector.shape_cast %swap3A_27 : vector<1x1280x64xf32> to vector<1280x64xf32>
    %swap3A_29 = vector.shape_cast %mul3A_23 : vector<1280x64xf32> to vector<1x1280x64xf32>
    tpu.vector_store %arg3[%swap3A_24, %swap3A_25, %swap3A_26], %swap3A_29 {strides = array<i32>} : memref<2x1280x128xf32, #tpu.memory_space<vmem>>, vector<1x1280x64xf32>,
    %mul3A_30 = vector.broadcast %get3A_11 : vector<1280x1xf32> to vector<1280x64xf32>
    %mul3A_31 = arith.mulf %slice3A_15, %mul3A_30 : vector<1280x64xf32>
    %swap3A_32 = arith.constant 1 : index
    %swap3A_33 = arith.constant 0 : index
    %swap3A_34 = arith.constant 0 : index
    %swap3A_35 = vector.load %arg3[%swap3A_32, %swap3A_33, %swap3A_34] : memref<2x1280x128xf32, #tpu.memory_space<vmem>>, vector<1x1280x64xf32>
    %swap3A_36 = vector.shape_cast %swap3A_35 : vector<1x1280x64xf32> to vector<1280x64xf32>
    %swap3A_37 = vector.shape_cast %mul3A_31 : vector<1280x64xf32> to vector<1x1280x64xf32>
    tpu.vector_store %arg3[%swap3A_32, %swap3A_33, %swap3A_34], %swap3A_37 {strides = array<i32>} : memref<2x1280x128xf32, #tpu.memory_space<vmem>>, vector<1x1280x64xf32>,
    %mul3A_38 = vector.broadcast %get3A_14 : vector<1280x1xf32> to vector<1280x64xf32>
    %mul3A_39 = arith.mulf %slice3A_15, %mul3A_38 : vector<1280x64xf32>
    %swap3A_40 = arith.constant 1 : index
    %swap3A_41 = arith.constant 0 : index
    %swap3A_42 = arith.constant 64 : index
    %swap3A_43 = vector.load %arg3[%swap3A_40, %swap3A_41, %swap3A_42] : memref<2x1280x128xf32, #tpu.memory_space<vmem>>, vector<1x1280x64xf32>
    %swap3A_44 = vector.shape_cast %swap3A_43 : vector<1x1280x64xf32> to vector<1280x64xf32>
    %swap3A_45 = vector.shape_cast %mul3A_39 : vector<1280x64xf32> to vector<1x1280x64xf32>
    tpu.vector_store %arg3[%swap3A_40, %swap3A_41, %swap3A_42], %swap3A_45 {strides = array<i32>} : memref<2x1280x128xf32, #tpu.memory_space<vmem>>, vector<1x1280x64xf32>,
    return
  }
  func.func @transform_0(%arg0: i32) -> (i32, i32, i32) {
    %c0_i32 = arith.constant 0 : i32
    %c0_i32_0 = arith.constant 0 : i32
    %c0_i32_1 = arith.constant 0 : i32
    return %c0_i32, %arg0, %c0_i32_0 : i32, i32, i32
  }
  func.func @transform_1(%arg0: i32) -> (i32, i32) {
    %c0_i32 = arith.constant 0 : i32
    %c0_i32_0 = arith.constant 0 : i32
    return %arg0, %c0_i32 : i32, i32
  }
  func.func @transform_2(%arg0: i32) -> (i32, i32, i32) {
    %c0_i32 = arith.constant 0 : i32
    %c0_i32_0 = arith.constant 0 : i32
    %c0_i32_1 = arith.constant 0 : i32
    return %c0_i32, %arg0, %c0_i32_0 : i32, i32, i32
  }
}

module attributes {stable_mosaic.version = 14 : i64} {
  func.func @_tc4_body(%arg0: i32, %arg1: memref<2x1280x128xf32, #tpu.memory_space<vmem>>, %arg2: memref<2x1280x128xf32, #tpu.memory_space<vmem>>, %arg3: memref<1280x128xf32, #tpu.memory_space<vmem>>, %arg4: memref<1280x192xf32, #tpu.memory_space<vmem>>) attributes {dimension_semantics = [#tpu.dimension_semantics<arbitrary>], iteration_bounds = array<i64: 8>, scalar_prefetch = 0 : i64, scratch_operands = 0 : i64, tpu.core_type = #tpu.core_type<tc>, window_params = [{transform_indices = @transform_0, window_bounds = array<i64: 2, 1280, 128>}, {transform_indices = @transform_1, window_bounds = array<i64: 2, 1280, 128>}, {transform_indices = @transform_2, window_bounds = array<i64: 1280, 128>}, {transform_indices = @transform_3, window_bounds = array<i64: 1280, 192>}]} {
    %get3A = arith.constant 0 : index
    %get3A_0 = arith.constant 3 : index
    %get3A_1 = vector.load %arg3[%get3A, %get3A_0] : memref<1280x128xf32, #tpu.memory_space<vmem>>, vector<1280x1xf32>
    %get3A_2 = arith.constant 0 : index
    %get3A_3 = arith.constant 4 : index
    %get3A_4 = vector.load %arg3[%get3A_2, %get3A_3] : memref<1280x128xf32, #tpu.memory_space<vmem>>, vector<1280x1xf32>
    %get3A_5 = arith.constant 0 : index
    %get3A_6 = arith.constant 0 : index
    %get3A_7 = arith.constant 0 : index
    %get3A_8 = vector.load %arg1[%get3A_5, %get3A_6, %get3A_7] : memref<2x1280x128xf32, #tpu.memory_space<vmem>>, vector<1x1280x128xf32>
    %get3A_9 = vector.shape_cast %get3A_8 : vector<1x1280x128xf32> to vector<1280x128xf32>
    %get3A_10 = arith.constant 1 : index
    %get3A_11 = arith.constant 0 : index
    %get3A_12 = arith.constant 0 : index
    %get3A_13 = vector.load %arg1[%get3A_10, %get3A_11, %get3A_12] : memref<2x1280x128xf32, #tpu.memory_space<vmem>>, vector<1x1280x128xf32>
    %get3A_14 = vector.shape_cast %get3A_13 : vector<1x1280x128xf32> to vector<1280x128xf32>
    %add3A = arith.addf %get3A_9, %get3A_14 : vector<1280x128xf32>
    %slice3A = vector.extract_strided_slice %add3A {offsets = [0, 0], sizes = [1280, 12], strides = [1, 1]} : vector<1280x128xf32> to vector<1280x12xf32>
    %mul3A = vector.broadcast %get3A_1 : vector<1280x1xf32> to vector<1280x12xf32>
    %mul3A_15 = arith.mulf %slice3A, %mul3A : vector<1280x12xf32>
    %get3A_16 = arith.constant 0 : index
    %get3A_17 = arith.constant 0 : index
    %get3A_18 = arith.constant 0 : index
    %get3A_19 = vector.load %arg2[%get3A_16, %get3A_17, %get3A_18] : memref<2x1280x128xf32, #tpu.memory_space<vmem>>, vector<1x1280x12xf32>
    %get3A_20 = vector.shape_cast %get3A_19 : vector<1x1280x12xf32> to vector<1280x12xf32>
    %add3A_21 = arith.addf %mul3A_15, %get3A_20 : vector<1280x12xf32>
    %slice3A_22 = vector.extract_strided_slice %add3A {offsets = [0, 12], sizes = [1280, 12], strides = [1, 1]} : vector<1280x128xf32> to vector<1280x12xf32>
    %mul3A_23 = vector.broadcast %get3A_1 : vector<1280x1xf32> to vector<1280x12xf32>
    %mul3A_24 = arith.mulf %slice3A_22, %mul3A_23 : vector<1280x12xf32>
    %get3A_25 = arith.constant 0 : index
    %get3A_26 = arith.constant 0 : index
    %get3A_27 = arith.constant 12 : index
    %get3A_28 = vector.load %arg2[%get3A_25, %get3A_26, %get3A_27] : memref<2x1280x128xf32, #tpu.memory_space<vmem>>, vector<1x1280x12xf32>
    %get3A_29 = vector.shape_cast %get3A_28 : vector<1x1280x12xf32> to vector<1280x12xf32>
    %add3A_30 = arith.addf %mul3A_24, %get3A_29 : vector<1280x12xf32>
    %slice3A_31 = vector.extract_strided_slice %add3A {offsets = [0, 24], sizes = [1280, 12], strides = [1, 1]} : vector<1280x128xf32> to vector<1280x12xf32>
    %mul3A_32 = vector.broadcast %get3A_1 : vector<1280x1xf32> to vector<1280x12xf32>
    %mul3A_33 = arith.mulf %slice3A_31, %mul3A_32 : vector<1280x12xf32>
    %get3A_34 = arith.constant 0 : index
    %get3A_35 = arith.constant 0 : index
    %get3A_36 = arith.constant 24 : index
    %get3A_37 = vector.load %arg2[%get3A_34, %get3A_35, %get3A_36] : memref<2x1280x128xf32, #tpu.memory_space<vmem>>, vector<1x1280x12xf32>
    %get3A_38 = vector.shape_cast %get3A_37 : vector<1x1280x12xf32> to vector<1280x12xf32>
    %add3A_39 = arith.addf %mul3A_33, %get3A_38 : vector<1280x12xf32>
    %slice3A_40 = vector.extract_strided_slice %add3A {offsets = [0, 36], sizes = [1280, 12], strides = [1, 1]} : vector<1280x128xf32> to vector<1280x12xf32>
    %mul3A_41 = vector.broadcast %get3A_1 : vector<1280x1xf32> to vector<1280x12xf32>
    %mul3A_42 = arith.mulf %slice3A_40, %mul3A_41 : vector<1280x12xf32>
    %get3A_43 = arith.constant 0 : index
    %get3A_44 = arith.constant 0 : index
    %get3A_45 = arith.constant 36 : index
    %get3A_46 = vector.load %arg2[%get3A_43, %get3A_44, %get3A_45] : memref<2x1280x128xf32, #tpu.memory_space<vmem>>, vector<1x1280x12xf32>
    %get3A_47 = vector.shape_cast %get3A_46 : vector<1x1280x12xf32> to vector<1280x12xf32>
    %add3A_48 = arith.addf %mul3A_42, %get3A_47 : vector<1280x12xf32>
    %slice3A_49 = vector.extract_strided_slice %add3A {offsets = [0, 48], sizes = [1280, 12], strides = [1, 1]} : vector<1280x128xf32> to vector<1280x12xf32>
    %mul3A_50 = vector.broadcast %get3A_1 : vector<1280x1xf32> to vector<1280x12xf32>
    %mul3A_51 = arith.mulf %slice3A_49, %mul3A_50 : vector<1280x12xf32>
    %get3A_52 = arith.constant 0 : index
    %get3A_53 = arith.constant 0 : index
    %get3A_54 = arith.constant 48 : index
    %get3A_55 = vector.load %arg2[%get3A_52, %get3A_53, %get3A_54] : memref<2x1280x128xf32, #tpu.memory_space<vmem>>, vector<1x1280x12xf32>
    %get3A_56 = vector.shape_cast %get3A_55 : vector<1x1280x12xf32> to vector<1280x12xf32>
    %add3A_57 = arith.addf %mul3A_51, %get3A_56 : vector<1280x12xf32>
    %slice3A_58 = vector.extract_strided_slice %add3A {offsets = [0, 64], sizes = [1280, 12], strides = [1, 1]} : vector<1280x128xf32> to vector<1280x12xf32>
    %mul3A_59 = vector.broadcast %get3A_1 : vector<1280x1xf32> to vector<1280x12xf32>
    %mul3A_60 = arith.mulf %slice3A_58, %mul3A_59 : vector<1280x12xf32>
    %get3A_61 = arith.constant 1 : index
    %get3A_62 = arith.constant 0 : index
    %get3A_63 = arith.constant 0 : index
    %get3A_64 = vector.load %arg2[%get3A_61, %get3A_62, %get3A_63] : memref<2x1280x128xf32, #tpu.memory_space<vmem>>, vector<1x1280x12xf32>
    %get3A_65 = vector.shape_cast %get3A_64 : vector<1x1280x12xf32> to vector<1280x12xf32>
    %add3A_66 = arith.addf %mul3A_60, %get3A_65 : vector<1280x12xf32>
    %slice3A_67 = vector.extract_strided_slice %add3A {offsets = [0, 76], sizes = [1280, 12], strides = [1, 1]} : vector<1280x128xf32> to vector<1280x12xf32>
    %mul3A_68 = vector.broadcast %get3A_1 : vector<1280x1xf32> to vector<1280x12xf32>
    %mul3A_69 = arith.mulf %slice3A_67, %mul3A_68 : vector<1280x12xf32>
    %get3A_70 = arith.constant 1 : index
    %get3A_71 = arith.constant 0 : index
    %get3A_72 = arith.constant 12 : index
    %get3A_73 = vector.load %arg2[%get3A_70, %get3A_71, %get3A_72] : memref<2x1280x128xf32, #tpu.memory_space<vmem>>, vector<1x1280x12xf32>
    %get3A_74 = vector.shape_cast %get3A_73 : vector<1x1280x12xf32> to vector<1280x12xf32>
    %add3A_75 = arith.addf %mul3A_69, %get3A_74 : vector<1280x12xf32>
    %slice3A_76 = vector.extract_strided_slice %add3A {offsets = [0, 88], sizes = [1280, 12], strides = [1, 1]} : vector<1280x128xf32> to vector<1280x12xf32>
    %mul3A_77 = vector.broadcast %get3A_1 : vector<1280x1xf32> to vector<1280x12xf32>
    %mul3A_78 = arith.mulf %slice3A_76, %mul3A_77 : vector<1280x12xf32>
    %get3A_79 = arith.constant 1 : index
    %get3A_80 = arith.constant 0 : index
    %get3A_81 = arith.constant 24 : index
    %get3A_82 = vector.load %arg2[%get3A_79, %get3A_80, %get3A_81] : memref<2x1280x128xf32, #tpu.memory_space<vmem>>, vector<1x1280x12xf32>
    %get3A_83 = vector.shape_cast %get3A_82 : vector<1x1280x12xf32> to vector<1280x12xf32>
    %add3A_84 = arith.addf %mul3A_78, %get3A_83 : vector<1280x12xf32>
    %slice3A_85 = vector.extract_strided_slice %add3A {offsets = [0, 100], sizes = [1280, 12], strides = [1, 1]} : vector<1280x128xf32> to vector<1280x12xf32>
    %mul3A_86 = vector.broadcast %get3A_1 : vector<1280x1xf32> to vector<1280x12xf32>
    %mul3A_87 = arith.mulf %slice3A_85, %mul3A_86 : vector<1280x12xf32>
    %get3A_88 = arith.constant 1 : index
    %get3A_89 = arith.constant 0 : index
    %get3A_90 = arith.constant 36 : index
    %get3A_91 = vector.load %arg2[%get3A_88, %get3A_89, %get3A_90] : memref<2x1280x128xf32, #tpu.memory_space<vmem>>, vector<1x1280x12xf32>
    %get3A_92 = vector.shape_cast %get3A_91 : vector<1x1280x12xf32> to vector<1280x12xf32>
    %add3A_93 = arith.addf %mul3A_87, %get3A_92 : vector<1280x12xf32>
    %slice3A_94 = vector.extract_strided_slice %add3A {offsets = [0, 112], sizes = [1280, 12], strides = [1, 1]} : vector<1280x128xf32> to vector<1280x12xf32>
    %mul3A_95 = vector.broadcast %get3A_1 : vector<1280x1xf32> to vector<1280x12xf32>
    %mul3A_96 = arith.mulf %slice3A_94, %mul3A_95 : vector<1280x12xf32>
    %get3A_97 = arith.constant 1 : index
    %get3A_98 = arith.constant 0 : index
    %get3A_99 = arith.constant 48 : index
    %get3A_100 = vector.load %arg2[%get3A_97, %get3A_98, %get3A_99] : memref<2x1280x128xf32, #tpu.memory_space<vmem>>, vector<1x1280x12xf32>
    %get3A_101 = vector.shape_cast %get3A_100 : vector<1x1280x12xf32> to vector<1280x12xf32>
    %add3A_102 = arith.addf %mul3A_96, %get3A_101 : vector<1280x12xf32>
    %mul3A_103 = arith.mulf %mul3A_15, %mul3A_15 : vector<1280x12xf32>
    %mul3A_104 = arith.mulf %mul3A_24, %mul3A_24 : vector<1280x12xf32>
    %mul3A_105 = arith.mulf %mul3A_33, %mul3A_33 : vector<1280x12xf32>
    %add3A_106 = arith.addf %mul3A_104, %mul3A_105 : vector<1280x12xf32>
    %mul3A_107 = arith.mulf %mul3A_42, %mul3A_42 : vector<1280x12xf32>
    %add3A_108 = arith.addf %add3A_106, %mul3A_107 : vector<1280x12xf32>
    %mul3A_109 = arith.constant 1.000000e+00 : f32
    %mul3A_110 = vector.broadcast %mul3A_109 : f32 to vector<1280x12xf32>
    %mul3A_111 = arith.mulf %mul3A_110, %mul3A_51 : vector<1280x12xf32>
    %mul3A_112 = arith.mulf %mul3A_111, %mul3A_51 : vector<1280x12xf32>
    %add3A_113 = arith.constant 0.000000e+00 : f32
    %add3A_114 = vector.broadcast %add3A_113 : f32 to vector<1280x12xf32>
    %add3A_115 = arith.addf %add3A_114, %mul3A_112 : vector<1280x12xf32>
    %mul3A_116 = arith.constant 2.000000e+00 : f32
    %mul3A_117 = vector.broadcast %mul3A_116 : f32 to vector<1280x12xf32>
    %mul3A_118 = arith.mulf %mul3A_117, %mul3A_60 : vector<1280x12xf32>
    %mul3A_119 = arith.mulf %mul3A_118, %mul3A_60 : vector<1280x12xf32>
    %add3A_120 = arith.addf %add3A_115, %mul3A_119 : vector<1280x12xf32>
    %mul3A_121 = arith.constant 2.000000e+00 : f32
    %mul3A_122 = vector.broadcast %mul3A_121 : f32 to vector<1280x12xf32>
    %mul3A_123 = arith.mulf %mul3A_122, %mul3A_69 : vector<1280x12xf32>
    %mul3A_124 = arith.mulf %mul3A_123, %mul3A_69 : vector<1280x12xf32>
    %add3A_125 = arith.addf %add3A_120, %mul3A_124 : vector<1280x12xf32>
    %mul3A_126 = arith.constant 1.000000e+00 : f32
    %mul3A_127 = vector.broadcast %mul3A_126 : f32 to vector<1280x12xf32>
    %mul3A_128 = arith.mulf %mul3A_127, %mul3A_78 : vector<1280x12xf32>
    %mul3A_129 = arith.mulf %mul3A_128, %mul3A_78 : vector<1280x12xf32>
    %add3A_130 = arith.addf %add3A_125, %mul3A_129 : vector<1280x12xf32>
    %mul3A_131 = arith.constant 2.000000e+00 : f32
    %mul3A_132 = vector.broadcast %mul3A_131 : f32 to vector<1280x12xf32>
    %mul3A_133 = arith.mulf %mul3A_132, %mul3A_87 : vector<1280x12xf32>
    %mul3A_134 = arith.mulf %mul3A_133, %mul3A_87 : vector<1280x12xf32>
    %add3A_135 = arith.addf %add3A_130, %mul3A_134 : vector<1280x12xf32>
    %mul3A_136 = arith.constant 1.000000e+00 : f32
    %mul3A_137 = vector.broadcast %mul3A_136 : f32 to vector<1280x12xf32>
    %mul3A_138 = arith.mulf %mul3A_137, %mul3A_96 : vector<1280x12xf32>
    %mul3A_139 = arith.mulf %mul3A_138, %mul3A_96 : vector<1280x12xf32>
    %add3A_140 = arith.addf %add3A_135, %mul3A_139 : vector<1280x12xf32>
    %swap3A = arith.constant 0 : index
    %swap3A_141 = arith.constant 0 : index
    %swap3A_142 = vector.load %arg4[%swap3A, %swap3A_141] : memref<1280x192xf32, #tpu.memory_space<vmem>>, vector<1280x12xf32>
    tpu.vector_store %arg4[%swap3A, %swap3A_141], %mul3A_15 {strides = array<i32>} : memref<1280x192xf32, #tpu.memory_space<vmem>>, vector<1280x12xf32>,
    %swap3A_143 = arith.constant 0 : index
    %swap3A_144 = arith.constant 24 : index
    %swap3A_145 = vector.load %arg4[%swap3A_143, %swap3A_144] : memref<1280x192xf32, #tpu.memory_space<vmem>>, vector<1280x12xf32>
    tpu.vector_store %arg4[%swap3A_143, %swap3A_144], %mul3A_103 {strides = array<i32>} : memref<1280x192xf32, #tpu.memory_space<vmem>>, vector<1280x12xf32>,
    %swap3A_146 = arith.constant 0 : index
    %swap3A_147 = arith.constant 48 : index
    %swap3A_148 = vector.load %arg4[%swap3A_146, %swap3A_147] : memref<1280x192xf32, #tpu.memory_space<vmem>>, vector<1280x12xf32>
    tpu.vector_store %arg4[%swap3A_146, %swap3A_147], %add3A_108 {strides = array<i32>} : memref<1280x192xf32, #tpu.memory_space<vmem>>, vector<1280x12xf32>,
    %swap3A_149 = arith.constant 0 : index
    %swap3A_150 = arith.constant 72 : index
    %swap3A_151 = vector.load %arg4[%swap3A_149, %swap3A_150] : memref<1280x192xf32, #tpu.memory_space<vmem>>, vector<1280x12xf32>
    tpu.vector_store %arg4[%swap3A_149, %swap3A_150], %add3A_140 {strides = array<i32>} : memref<1280x192xf32, #tpu.memory_space<vmem>>, vector<1280x12xf32>,
    %mul3A_152 = arith.mulf %add3A_21, %add3A_21 : vector<1280x12xf32>
    %mul3A_153 = arith.mulf %add3A_30, %add3A_30 : vector<1280x12xf32>
    %mul3A_154 = arith.mulf %add3A_39, %add3A_39 : vector<1280x12xf32>
    %add3A_155 = arith.addf %mul3A_153, %mul3A_154 : vector<1280x12xf32>
    %mul3A_156 = arith.mulf %add3A_48, %add3A_48 : vector<1280x12xf32>
    %add3A_157 = arith.addf %add3A_155, %mul3A_156 : vector<1280x12xf32>
    %mul3A_158 = arith.constant 1.000000e+00 : f32
    %mul3A_159 = vector.broadcast %mul3A_158 : f32 to vector<1280x12xf32>
    %mul3A_160 = arith.mulf %mul3A_159, %add3A_57 : vector<1280x12xf32>
    %mul3A_161 = arith.mulf %mul3A_160, %add3A_57 : vector<1280x12xf32>
    %add3A_162 = arith.constant 0.000000e+00 : f32
    %add3A_163 = vector.broadcast %add3A_162 : f32 to vector<1280x12xf32>
    %add3A_164 = arith.addf %add3A_163, %mul3A_161 : vector<1280x12xf32>
    %mul3A_165 = arith.constant 2.000000e+00 : f32
    %mul3A_166 = vector.broadcast %mul3A_165 : f32 to vector<1280x12xf32>
    %mul3A_167 = arith.mulf %mul3A_166, %add3A_66 : vector<1280x12xf32>
    %mul3A_168 = arith.mulf %mul3A_167, %add3A_66 : vector<1280x12xf32>
    %add3A_169 = arith.addf %add3A_164, %mul3A_168 : vector<1280x12xf32>
    %mul3A_170 = arith.constant 2.000000e+00 : f32
    %mul3A_171 = vector.broadcast %mul3A_170 : f32 to vector<1280x12xf32>
    %mul3A_172 = arith.mulf %mul3A_171, %add3A_75 : vector<1280x12xf32>
    %mul3A_173 = arith.mulf %mul3A_172, %add3A_75 : vector<1280x12xf32>
    %add3A_174 = arith.addf %add3A_169, %mul3A_173 : vector<1280x12xf32>
    %mul3A_175 = arith.constant 1.000000e+00 : f32
    %mul3A_176 = vector.broadcast %mul3A_175 : f32 to vector<1280x12xf32>
    %mul3A_177 = arith.mulf %mul3A_176, %add3A_84 : vector<1280x12xf32>
    %mul3A_178 = arith.mulf %mul3A_177, %add3A_84 : vector<1280x12xf32>
    %add3A_179 = arith.addf %add3A_174, %mul3A_178 : vector<1280x12xf32>
    %mul3A_180 = arith.constant 2.000000e+00 : f32
    %mul3A_181 = vector.broadcast %mul3A_180 : f32 to vector<1280x12xf32>
    %mul3A_182 = arith.mulf %mul3A_181, %add3A_93 : vector<1280x12xf32>
    %mul3A_183 = arith.mulf %mul3A_182, %add3A_93 : vector<1280x12xf32>
    %add3A_184 = arith.addf %add3A_179, %mul3A_183 : vector<1280x12xf32>
    %mul3A_185 = arith.constant 1.000000e+00 : f32
    %mul3A_186 = vector.broadcast %mul3A_185 : f32 to vector<1280x12xf32>
    %mul3A_187 = arith.mulf %mul3A_186, %add3A_102 : vector<1280x12xf32>
    %mul3A_188 = arith.mulf %mul3A_187, %add3A_102 : vector<1280x12xf32>
    %add3A_189 = arith.addf %add3A_184, %mul3A_188 : vector<1280x12xf32>
    %swap3A_190 = arith.constant 0 : index
    %swap3A_191 = arith.constant 12 : index
    %swap3A_192 = vector.load %arg4[%swap3A_190, %swap3A_191] : memref<1280x192xf32, #tpu.memory_space<vmem>>, vector<1280x12xf32>
    tpu.vector_store %arg4[%swap3A_190, %swap3A_191], %add3A_21 {strides = array<i32>} : memref<1280x192xf32, #tpu.memory_space<vmem>>, vector<1280x12xf32>,
    %swap3A_193 = arith.constant 0 : index
    %swap3A_194 = arith.constant 36 : index
    %swap3A_195 = vector.load %arg4[%swap3A_193, %swap3A_194] : memref<1280x192xf32, #tpu.memory_space<vmem>>, vector<1280x12xf32>
    tpu.vector_store %arg4[%swap3A_193, %swap3A_194], %mul3A_152 {strides = array<i32>} : memref<1280x192xf32, #tpu.memory_space<vmem>>, vector<1280x12xf32>,
    %swap3A_196 = arith.constant 0 : index
    %swap3A_197 = arith.constant 60 : index
    %swap3A_198 = vector.load %arg4[%swap3A_196, %swap3A_197] : memref<1280x192xf32, #tpu.memory_space<vmem>>, vector<1280x12xf32>
    tpu.vector_store %arg4[%swap3A_196, %swap3A_197], %add3A_157 {strides = array<i32>} : memref<1280x192xf32, #tpu.memory_space<vmem>>, vector<1280x12xf32>,
    %swap3A_199 = arith.constant 0 : index
    %swap3A_200 = arith.constant 84 : index
    %swap3A_201 = vector.load %arg4[%swap3A_199, %swap3A_200] : memref<1280x192xf32, #tpu.memory_space<vmem>>, vector<1280x12xf32>
    tpu.vector_store %arg4[%swap3A_199, %swap3A_200], %add3A_189 {strides = array<i32>} : memref<1280x192xf32, #tpu.memory_space<vmem>>, vector<1280x12xf32>,
    %slice3A_202 = vector.extract_strided_slice %add3A {offsets = [0, 0], sizes = [1280, 12], strides = [1, 1]} : vector<1280x128xf32> to vector<1280x12xf32>
    %mul3A_203 = vector.broadcast %get3A_4 : vector<1280x1xf32> to vector<1280x12xf32>
    %mul3A_204 = arith.mulf %slice3A_202, %mul3A_203 : vector<1280x12xf32>
    %get3A_205 = arith.constant 0 : index
    %get3A_206 = arith.constant 0 : index
    %get3A_207 = arith.constant 64 : index
    %get3A_208 = vector.load %arg2[%get3A_205, %get3A_206, %get3A_207] : memref<2x1280x128xf32, #tpu.memory_space<vmem>>, vector<1x1280x12xf32>
    %get3A_209 = vector.shape_cast %get3A_208 : vector<1x1280x12xf32> to vector<1280x12xf32>
    %add3A_210 = arith.addf %mul3A_204, %get3A_209 : vector<1280x12xf32>
    %slice3A_211 = vector.extract_strided_slice %add3A {offsets = [0, 12], sizes = [1280, 12], strides = [1, 1]} : vector<1280x128xf32> to vector<1280x12xf32>
    %mul3A_212 = vector.broadcast %get3A_4 : vector<1280x1xf32> to vector<1280x12xf32>
    %mul3A_213 = arith.mulf %slice3A_211, %mul3A_212 : vector<1280x12xf32>
    %get3A_214 = arith.constant 0 : index
    %get3A_215 = arith.constant 0 : index
    %get3A_216 = arith.constant 76 : index
    %get3A_217 = vector.load %arg2[%get3A_214, %get3A_215, %get3A_216] : memref<2x1280x128xf32, #tpu.memory_space<vmem>>, vector<1x1280x12xf32>
    %get3A_218 = vector.shape_cast %get3A_217 : vector<1x1280x12xf32> to vector<1280x12xf32>
    %add3A_219 = arith.addf %mul3A_213, %get3A_218 : vector<1280x12xf32>
    %slice3A_220 = vector.extract_strided_slice %add3A {offsets = [0, 24], sizes = [1280, 12], strides = [1, 1]} : vector<1280x128xf32> to vector<1280x12xf32>
    %mul3A_221 = vector.broadcast %get3A_4 : vector<1280x1xf32> to vector<1280x12xf32>
    %mul3A_222 = arith.mulf %slice3A_220, %mul3A_221 : vector<1280x12xf32>
    %get3A_223 = arith.constant 0 : index
    %get3A_224 = arith.constant 0 : index
    %get3A_225 = arith.constant 88 : index
    %get3A_226 = vector.load %arg2[%get3A_223, %get3A_224, %get3A_225] : memref<2x1280x128xf32, #tpu.memory_space<vmem>>, vector<1x1280x12xf32>
    %get3A_227 = vector.shape_cast %get3A_226 : vector<1x1280x12xf32> to vector<1280x12xf32>
    %add3A_228 = arith.addf %mul3A_222, %get3A_227 : vector<1280x12xf32>
    %slice3A_229 = vector.extract_strided_slice %add3A {offsets = [0, 36], sizes = [1280, 12], strides = [1, 1]} : vector<1280x128xf32> to vector<1280x12xf32>
    %mul3A_230 = vector.broadcast %get3A_4 : vector<1280x1xf32> to vector<1280x12xf32>
    %mul3A_231 = arith.mulf %slice3A_229, %mul3A_230 : vector<1280x12xf32>
    %get3A_232 = arith.constant 0 : index
    %get3A_233 = arith.constant 0 : index
    %get3A_234 = arith.constant 100 : index
    %get3A_235 = vector.load %arg2[%get3A_232, %get3A_233, %get3A_234] : memref<2x1280x128xf32, #tpu.memory_space<vmem>>, vector<1x1280x12xf32>
    %get3A_236 = vector.shape_cast %get3A_235 : vector<1x1280x12xf32> to vector<1280x12xf32>
    %add3A_237 = arith.addf %mul3A_231, %get3A_236 : vector<1280x12xf32>
    %slice3A_238 = vector.extract_strided_slice %add3A {offsets = [0, 48], sizes = [1280, 12], strides = [1, 1]} : vector<1280x128xf32> to vector<1280x12xf32>
    %mul3A_239 = vector.broadcast %get3A_4 : vector<1280x1xf32> to vector<1280x12xf32>
    %mul3A_240 = arith.mulf %slice3A_238, %mul3A_239 : vector<1280x12xf32>
    %get3A_241 = arith.constant 0 : index
    %get3A_242 = arith.constant 0 : index
    %get3A_243 = arith.constant 112 : index
    %get3A_244 = vector.load %arg2[%get3A_241, %get3A_242, %get3A_243] : memref<2x1280x128xf32, #tpu.memory_space<vmem>>, vector<1x1280x12xf32>
    %get3A_245 = vector.shape_cast %get3A_244 : vector<1x1280x12xf32> to vector<1280x12xf32>
    %add3A_246 = arith.addf %mul3A_240, %get3A_245 : vector<1280x12xf32>
    %slice3A_247 = vector.extract_strided_slice %add3A {offsets = [0, 64], sizes = [1280, 12], strides = [1, 1]} : vector<1280x128xf32> to vector<1280x12xf32>
    %mul3A_248 = vector.broadcast %get3A_4 : vector<1280x1xf32> to vector<1280x12xf32>
    %mul3A_249 = arith.mulf %slice3A_247, %mul3A_248 : vector<1280x12xf32>
    %get3A_250 = arith.constant 1 : index
    %get3A_251 = arith.constant 0 : index
    %get3A_252 = arith.constant 64 : index
    %get3A_253 = vector.load %arg2[%get3A_250, %get3A_251, %get3A_252] : memref<2x1280x128xf32, #tpu.memory_space<vmem>>, vector<1x1280x12xf32>
    %get3A_254 = vector.shape_cast %get3A_253 : vector<1x1280x12xf32> to vector<1280x12xf32>
    %add3A_255 = arith.addf %mul3A_249, %get3A_254 : vector<1280x12xf32>
    %slice3A_256 = vector.extract_strided_slice %add3A {offsets = [0, 76], sizes = [1280, 12], strides = [1, 1]} : vector<1280x128xf32> to vector<1280x12xf32>
    %mul3A_257 = vector.broadcast %get3A_4 : vector<1280x1xf32> to vector<1280x12xf32>
    %mul3A_258 = arith.mulf %slice3A_256, %mul3A_257 : vector<1280x12xf32>
    %get3A_259 = arith.constant 1 : index
    %get3A_260 = arith.constant 0 : index
    %get3A_261 = arith.constant 76 : index
    %get3A_262 = vector.load %arg2[%get3A_259, %get3A_260, %get3A_261] : memref<2x1280x128xf32, #tpu.memory_space<vmem>>, vector<1x1280x12xf32>
    %get3A_263 = vector.shape_cast %get3A_262 : vector<1x1280x12xf32> to vector<1280x12xf32>
    %add3A_264 = arith.addf %mul3A_258, %get3A_263 : vector<1280x12xf32>
    %slice3A_265 = vector.extract_strided_slice %add3A {offsets = [0, 88], sizes = [1280, 12], strides = [1, 1]} : vector<1280x128xf32> to vector<1280x12xf32>
    %mul3A_266 = vector.broadcast %get3A_4 : vector<1280x1xf32> to vector<1280x12xf32>
    %mul3A_267 = arith.mulf %slice3A_265, %mul3A_266 : vector<1280x12xf32>
    %get3A_268 = arith.constant 1 : index
    %get3A_269 = arith.constant 0 : index
    %get3A_270 = arith.constant 88 : index
    %get3A_271 = vector.load %arg2[%get3A_268, %get3A_269, %get3A_270] : memref<2x1280x128xf32, #tpu.memory_space<vmem>>, vector<1x1280x12xf32>
    %get3A_272 = vector.shape_cast %get3A_271 : vector<1x1280x12xf32> to vector<1280x12xf32>
    %add3A_273 = arith.addf %mul3A_267, %get3A_272 : vector<1280x12xf32>
    %slice3A_274 = vector.extract_strided_slice %add3A {offsets = [0, 100], sizes = [1280, 12], strides = [1, 1]} : vector<1280x128xf32> to vector<1280x12xf32>
    %mul3A_275 = vector.broadcast %get3A_4 : vector<1280x1xf32> to vector<1280x12xf32>
    %mul3A_276 = arith.mulf %slice3A_274, %mul3A_275 : vector<1280x12xf32>
    %get3A_277 = arith.constant 1 : index
    %get3A_278 = arith.constant 0 : index
    %get3A_279 = arith.constant 100 : index
    %get3A_280 = vector.load %arg2[%get3A_277, %get3A_278, %get3A_279] : memref<2x1280x128xf32, #tpu.memory_space<vmem>>, vector<1x1280x12xf32>
    %get3A_281 = vector.shape_cast %get3A_280 : vector<1x1280x12xf32> to vector<1280x12xf32>
    %add3A_282 = arith.addf %mul3A_276, %get3A_281 : vector<1280x12xf32>
    %slice3A_283 = vector.extract_strided_slice %add3A {offsets = [0, 112], sizes = [1280, 12], strides = [1, 1]} : vector<1280x128xf32> to vector<1280x12xf32>
    %mul3A_284 = vector.broadcast %get3A_4 : vector<1280x1xf32> to vector<1280x12xf32>
    %mul3A_285 = arith.mulf %slice3A_283, %mul3A_284 : vector<1280x12xf32>
    %get3A_286 = arith.constant 1 : index
    %get3A_287 = arith.constant 0 : index
    %get3A_288 = arith.constant 112 : index
    %get3A_289 = vector.load %arg2[%get3A_286, %get3A_287, %get3A_288] : memref<2x1280x128xf32, #tpu.memory_space<vmem>>, vector<1x1280x12xf32>
    %get3A_290 = vector.shape_cast %get3A_289 : vector<1x1280x12xf32> to vector<1280x12xf32>
    %add3A_291 = arith.addf %mul3A_285, %get3A_290 : vector<1280x12xf32>
    %mul3A_292 = arith.mulf %mul3A_204, %mul3A_204 : vector<1280x12xf32>
    %mul3A_293 = arith.mulf %mul3A_213, %mul3A_213 : vector<1280x12xf32>
    %mul3A_294 = arith.mulf %mul3A_222, %mul3A_222 : vector<1280x12xf32>
    %add3A_295 = arith.addf %mul3A_293, %mul3A_294 : vector<1280x12xf32>
    %mul3A_296 = arith.mulf %mul3A_231, %mul3A_231 : vector<1280x12xf32>
    %add3A_297 = arith.addf %add3A_295, %mul3A_296 : vector<1280x12xf32>
    %mul3A_298 = arith.constant 1.000000e+00 : f32
    %mul3A_299 = vector.broadcast %mul3A_298 : f32 to vector<1280x12xf32>
    %mul3A_300 = arith.mulf %mul3A_299, %mul3A_240 : vector<1280x12xf32>
    %mul3A_301 = arith.mulf %mul3A_300, %mul3A_240 : vector<1280x12xf32>
    %add3A_302 = arith.constant 0.000000e+00 : f32
    %add3A_303 = vector.broadcast %add3A_302 : f32 to vector<1280x12xf32>
    %add3A_304 = arith.addf %add3A_303, %mul3A_301 : vector<1280x12xf32>
    %mul3A_305 = arith.constant 2.000000e+00 : f32
    %mul3A_306 = vector.broadcast %mul3A_305 : f32 to vector<1280x12xf32>
    %mul3A_307 = arith.mulf %mul3A_306, %mul3A_249 : vector<1280x12xf32>
    %mul3A_308 = arith.mulf %mul3A_307, %mul3A_249 : vector<1280x12xf32>
    %add3A_309 = arith.addf %add3A_304, %mul3A_308 : vector<1280x12xf32>
    %mul3A_310 = arith.constant 2.000000e+00 : f32
    %mul3A_311 = vector.broadcast %mul3A_310 : f32 to vector<1280x12xf32>
    %mul3A_312 = arith.mulf %mul3A_311, %mul3A_258 : vector<1280x12xf32>
    %mul3A_313 = arith.mulf %mul3A_312, %mul3A_258 : vector<1280x12xf32>
    %add3A_314 = arith.addf %add3A_309, %mul3A_313 : vector<1280x12xf32>
    %mul3A_315 = arith.constant 1.000000e+00 : f32
    %mul3A_316 = vector.broadcast %mul3A_315 : f32 to vector<1280x12xf32>
    %mul3A_317 = arith.mulf %mul3A_316, %mul3A_267 : vector<1280x12xf32>
    %mul3A_318 = arith.mulf %mul3A_317, %mul3A_267 : vector<1280x12xf32>
    %add3A_319 = arith.addf %add3A_314, %mul3A_318 : vector<1280x12xf32>
    %mul3A_320 = arith.constant 2.000000e+00 : f32
    %mul3A_321 = vector.broadcast %mul3A_320 : f32 to vector<1280x12xf32>
    %mul3A_322 = arith.mulf %mul3A_321, %mul3A_276 : vector<1280x12xf32>
    %mul3A_323 = arith.mulf %mul3A_322, %mul3A_276 : vector<1280x12xf32>
    %add3A_324 = arith.addf %add3A_319, %mul3A_323 : vector<1280x12xf32>
    %mul3A_325 = arith.constant 1.000000e+00 : f32
    %mul3A_326 = vector.broadcast %mul3A_325 : f32 to vector<1280x12xf32>
    %mul3A_327 = arith.mulf %mul3A_326, %mul3A_285 : vector<1280x12xf32>
    %mul3A_328 = arith.mulf %mul3A_327, %mul3A_285 : vector<1280x12xf32>
    %add3A_329 = arith.addf %add3A_324, %mul3A_328 : vector<1280x12xf32>
    %swap3A_330 = arith.constant 0 : index
    %swap3A_331 = arith.constant 96 : index
    %swap3A_332 = vector.load %arg4[%swap3A_330, %swap3A_331] : memref<1280x192xf32, #tpu.memory_space<vmem>>, vector<1280x12xf32>
    tpu.vector_store %arg4[%swap3A_330, %swap3A_331], %mul3A_204 {strides = array<i32>} : memref<1280x192xf32, #tpu.memory_space<vmem>>, vector<1280x12xf32>,
    %swap3A_333 = arith.constant 0 : index
    %swap3A_334 = arith.constant 120 : index
    %swap3A_335 = vector.load %arg4[%swap3A_333, %swap3A_334] : memref<1280x192xf32, #tpu.memory_space<vmem>>, vector<1280x12xf32>
    tpu.vector_store %arg4[%swap3A_333, %swap3A_334], %mul3A_292 {strides = array<i32>} : memref<1280x192xf32, #tpu.memory_space<vmem>>, vector<1280x12xf32>,
    %swap3A_336 = arith.constant 0 : index
    %swap3A_337 = arith.constant 144 : index
    %swap3A_338 = vector.load %arg4[%swap3A_336, %swap3A_337] : memref<1280x192xf32, #tpu.memory_space<vmem>>, vector<1280x12xf32>
    tpu.vector_store %arg4[%swap3A_336, %swap3A_337], %add3A_297 {strides = array<i32>} : memref<1280x192xf32, #tpu.memory_space<vmem>>, vector<1280x12xf32>,
    %swap3A_339 = arith.constant 0 : index
    %swap3A_340 = arith.constant 168 : index
    %swap3A_341 = vector.load %arg4[%swap3A_339, %swap3A_340] : memref<1280x192xf32, #tpu.memory_space<vmem>>, vector<1280x12xf32>
    tpu.vector_store %arg4[%swap3A_339, %swap3A_340], %add3A_329 {strides = array<i32>} : memref<1280x192xf32, #tpu.memory_space<vmem>>, vector<1280x12xf32>,
    %mul3A_342 = arith.mulf %add3A_210, %add3A_210 : vector<1280x12xf32>
    %mul3A_343 = arith.mulf %add3A_219, %add3A_219 : vector<1280x12xf32>
    %mul3A_344 = arith.mulf %add3A_228, %add3A_228 : vector<1280x12xf32>
    %add3A_345 = arith.addf %mul3A_343, %mul3A_344 : vector<1280x12xf32>
    %mul3A_346 = arith.mulf %add3A_237, %add3A_237 : vector<1280x12xf32>
    %add3A_347 = arith.addf %add3A_345, %mul3A_346 : vector<1280x12xf32>
    %mul3A_348 = arith.constant 1.000000e+00 : f32
    %mul3A_349 = vector.broadcast %mul3A_348 : f32 to vector<1280x12xf32>
    %mul3A_350 = arith.mulf %mul3A_349, %add3A_246 : vector<1280x12xf32>
    %mul3A_351 = arith.mulf %mul3A_350, %add3A_246 : vector<1280x12xf32>
    %add3A_352 = arith.constant 0.000000e+00 : f32
    %add3A_353 = vector.broadcast %add3A_352 : f32 to vector<1280x12xf32>
    %add3A_354 = arith.addf %add3A_353, %mul3A_351 : vector<1280x12xf32>
    %mul3A_355 = arith.constant 2.000000e+00 : f32
    %mul3A_356 = vector.broadcast %mul3A_355 : f32 to vector<1280x12xf32>
    %mul3A_357 = arith.mulf %mul3A_356, %add3A_255 : vector<1280x12xf32>
    %mul3A_358 = arith.mulf %mul3A_357, %add3A_255 : vector<1280x12xf32>
    %add3A_359 = arith.addf %add3A_354, %mul3A_358 : vector<1280x12xf32>
    %mul3A_360 = arith.constant 2.000000e+00 : f32
    %mul3A_361 = vector.broadcast %mul3A_360 : f32 to vector<1280x12xf32>
    %mul3A_362 = arith.mulf %mul3A_361, %add3A_264 : vector<1280x12xf32>
    %mul3A_363 = arith.mulf %mul3A_362, %add3A_264 : vector<1280x12xf32>
    %add3A_364 = arith.addf %add3A_359, %mul3A_363 : vector<1280x12xf32>
    %mul3A_365 = arith.constant 1.000000e+00 : f32
    %mul3A_366 = vector.broadcast %mul3A_365 : f32 to vector<1280x12xf32>
    %mul3A_367 = arith.mulf %mul3A_366, %add3A_273 : vector<1280x12xf32>
    %mul3A_368 = arith.mulf %mul3A_367, %add3A_273 : vector<1280x12xf32>
    %add3A_369 = arith.addf %add3A_364, %mul3A_368 : vector<1280x12xf32>
    %mul3A_370 = arith.constant 2.000000e+00 : f32
    %mul3A_371 = vector.broadcast %mul3A_370 : f32 to vector<1280x12xf32>
    %mul3A_372 = arith.mulf %mul3A_371, %add3A_282 : vector<1280x12xf32>
    %mul3A_373 = arith.mulf %mul3A_372, %add3A_282 : vector<1280x12xf32>
    %add3A_374 = arith.addf %add3A_369, %mul3A_373 : vector<1280x12xf32>
    %mul3A_375 = arith.constant 1.000000e+00 : f32
    %mul3A_376 = vector.broadcast %mul3A_375 : f32 to vector<1280x12xf32>
    %mul3A_377 = arith.mulf %mul3A_376, %add3A_291 : vector<1280x12xf32>
    %mul3A_378 = arith.mulf %mul3A_377, %add3A_291 : vector<1280x12xf32>
    %add3A_379 = arith.addf %add3A_374, %mul3A_378 : vector<1280x12xf32>
    %swap3A_380 = arith.constant 0 : index
    %swap3A_381 = arith.constant 108 : index
    %swap3A_382 = vector.load %arg4[%swap3A_380, %swap3A_381] : memref<1280x192xf32, #tpu.memory_space<vmem>>, vector<1280x12xf32>
    tpu.vector_store %arg4[%swap3A_380, %swap3A_381], %add3A_210 {strides = array<i32>} : memref<1280x192xf32, #tpu.memory_space<vmem>>, vector<1280x12xf32>,
    %swap3A_383 = arith.constant 0 : index
    %swap3A_384 = arith.constant 132 : index
    %swap3A_385 = vector.load %arg4[%swap3A_383, %swap3A_384] : memref<1280x192xf32, #tpu.memory_space<vmem>>, vector<1280x12xf32>
    tpu.vector_store %arg4[%swap3A_383, %swap3A_384], %mul3A_342 {strides = array<i32>} : memref<1280x192xf32, #tpu.memory_space<vmem>>, vector<1280x12xf32>,
    %swap3A_386 = arith.constant 0 : index
    %swap3A_387 = arith.constant 156 : index
    %swap3A_388 = vector.load %arg4[%swap3A_386, %swap3A_387] : memref<1280x192xf32, #tpu.memory_space<vmem>>, vector<1280x12xf32>
    tpu.vector_store %arg4[%swap3A_386, %swap3A_387], %add3A_347 {strides = array<i32>} : memref<1280x192xf32, #tpu.memory_space<vmem>>, vector<1280x12xf32>,
    %swap3A_389 = arith.constant 0 : index
    %swap3A_390 = arith.constant 180 : index
    %swap3A_391 = vector.load %arg4[%swap3A_389, %swap3A_390] : memref<1280x192xf32, #tpu.memory_space<vmem>>, vector<1280x12xf32>
    tpu.vector_store %arg4[%swap3A_389, %swap3A_390], %add3A_379 {strides = array<i32>} : memref<1280x192xf32, #tpu.memory_space<vmem>>, vector<1280x12xf32>,
    return
  }
  func.func @transform_0(%arg0: i32) -> (i32, i32, i32) {
    %c0_i32 = arith.constant 0 : i32
    %c0_i32_0 = arith.constant 0 : i32
    %c0_i32_1 = arith.constant 0 : i32
    return %c0_i32, %arg0, %c0_i32_0 : i32, i32, i32
  }
  func.func @transform_1(%arg0: i32) -> (i32, i32, i32) {
    %c0_i32 = arith.constant 0 : i32
    %c0_i32_0 = arith.constant 0 : i32
    %c0_i32_1 = arith.constant 0 : i32
    return %c0_i32, %arg0, %c0_i32_0 : i32, i32, i32
  }
  func.func @transform_2(%arg0: i32) -> (i32, i32) {
    %c0_i32 = arith.constant 0 : i32
    %c0_i32_0 = arith.constant 0 : i32
    return %arg0, %c0_i32 : i32, i32
  }
  func.func @transform_3(%arg0: i32) -> (i32, i32) {
    %c0_i32 = arith.constant 0 : i32
    %c0_i32_0 = arith.constant 0 : i32
    return %arg0, %c0_i32 : i32, i32
  }
}

</mosaic_0001>

<sc_bundles>
// kernel: kernel.12.cloned.1.call-start
scs
__scs_entry_jumppad:
0x0: {  	(pc) =	sbr.rel $0x88, $3  }
0x1: {  	(tag) =	ssettag $0x0;
	lr =	simm.s32 $0x1  }
0x2: {  	[smem:$0x3F9A] =	sst lr;
	_ =	strace $0xD0000000  }
0x3: {  	_ = 	snop  }
0x4: {  	_ = 	snop  }
0x5: {  	_ = 	snop  }
0x6: {  	_ = 	snop  }
0x7: {  	_ = 	snop  }
__scs_overlays_trampoline_lowered:
0x8: {  	[smem:$0x3FA9] =	sst s0  }
0x9: {  	[smem:$0x3FAA] =	sst s1  }
0xa: {  	[smem:$0x3FAB] =	sst s2  }
0xb: {  	[smem:$0x3FAC] =	sst s3  }
0xc: {  	[smem:$0x3FAD] =	sst s4  }
0xd: {  	[smem:$0x3FAE] =	sst s5  }
0xe: {  	[smem:$0x3FAF] =	sst s6  }
0xf: {  	[smem:$0x3FB0] =	sst s7  }
0x10: {  	[smem:$0x3FB1] =	sst s8  }
0x11: {  	[smem:$0x3FB2] =	sst s9;
	s0 =	simm.s32 @!p0 $0x0  }
0x12: {  	s1 =	sld [smem:$0x3F98];
	s0 =	simm.s32 @p0 $0x1  }
0x13: {  	[smem:$0x3FB3] =	sst s0;
	s0 =	simm.s32 @!p1 $0x0  }
0x14: {  	s2 =	sld [smem:$0x3F97];
	s0 =	simm.s32 @p1 $0x1  }
0x15: {  	[smem:$0x3FB4] =	sst s0;
	s0 =	simm.s32 @!p2 $0x0  }
0x16: {  	s3 =	sld [smem:$0x3FDB];
	s0 =	simm.s32 @p2 $0x1  }
0x17: {  	s4 =	simm.s32 $0x1BF5;
	[smem:$0x3FB6] =	sst s0  }
0x18: {  	s0 =	sld [smem:$0x3F99];
	_ =	swait.ge [sflag:s4], $0x0  }
0x19: {  	s7 =	sld [smem:$0x3F9A]  }
0x1a: {  	s8 =	sadd.s32 $0xFFFFE003, lr  }
0x1b: {  	s9 =	sadd.s32 $0xFFFFFEF7, lr;
	s5 =	simm.s32 $0xFFFFFFFF;
	p2 =	slt.u32 s8, $0xFFFFF086  }
0x1c: {  	p1 =	slt.u32 s9, $0xF7A;
	s5 =	simm.s32 @!p2 $0x0  }
0x1d: {  	s5 =	simm.s32 @p1 $0x1;
	p0 =	seq.s32 s7, s2  }
0x1e: {  	s7 =	smul.u32 @!p0 $0xF7A, s2;
	p2 =	seq.s32 @!p0 s5, $0x0  }
0x1f: {  	s9 =	smul.u32 $0xF7A, s1;
	s8 =	simm.s32 @!p0 $0x1BF5;
	p2 =	por !p2, p0  }
0x20: {  	[sflag:s8] =	ssyncset.s32 @!p0 $0xFFFFF086;
	s6 =	sadd.s32 @!p0 s3, s7;
	s7 =	simm.s32 @!p0 $0x108  }
0x21: {  	s3 =	sadd.s32 s3, s9;
	s6 =	sadd.s32 @!p0 $0x88, s6;
	s7 =	simm.s32 @p2 $0x1082  }
0x22: {  	[simem:s7], [sflag:s8] =	dma.local @!p0 [hbm:s6], $0xF7A  }
0x23: {  	s9 =	sor.u32 $0xD0000000, s2;
	s6 =	simm.s32 $0x108;
	_ =	swait.ge @!p0 [sflag:s8], $0x0  }
0x24: {  	s3 =	sadd.s32 $0x88, s3;
	s6 =	simm.s32 @!p1 $0x1082;
	[sflag:s4] =	ssyncset.s32 $0xFFFFF086  }
0x25: {  	[simem:s6], [sflag:s4] =	dma.local [hbm:s3], $0xF7A  }
0x26: {  	[smem:$0x3F9A] =	sst s1;
	(tag) =	ssettag s2;
	_ =	strace s9  }
0x27: {  	s1 =	sld [smem:$0x3FAA]  }
0x28: {  	s2 =	sld [smem:$0x3FAB]  }
0x29: {  	s4 =	sld [smem:$0x3FAD]  }
0x2a: {  	p0 =	seq.s32 s5, $0x0;
	s5 =	sld [smem:$0x3FAE]  }
0x2b: {  	s6 =	sld [smem:$0x3FAF]  }
0x2c: {  	s7 =	sld [smem:$0x3FB0]  }
0x2d: {  	s3 =	simm.s32 $0x108;
	s8 =	sld [smem:$0x3FB1]  }
0x2e: {  	s3 =	simm.s32 @!p0 $0x1082;
	s9 =	sld [smem:$0x3FB2]  }
0x2f: {  	lr =	sadd.s32 s0, s3;
	s0 =	sld [smem:$0x3FA9]  }
0x30: {  	s3 =	sld [smem:$0x3FAC]  }
0x31: {  	[smem:$0x3FB5] =	sst s10  }
0x32: {  	s10 =	sld [smem:$0x3FB3];
	_ =	sdelay $0x3  }
0x33: {  	p0 =	seq.s32 s10, $0x1;
	s10 =	sld [smem:$0x3FB5];
	_ =	sdelay $0x3  }
0x34: {  	[smem:$0x3FB5] =	sst s10  }
0x35: {  	s10 =	sld [smem:$0x3FB4];
	_ =	sdelay $0x3  }
0x36: {  	p1 =	seq.s32 s10, $0x1;
	s10 =	sld [smem:$0x3FB5];
	_ =	sdelay $0x3  }
0x37: {  	[smem:$0x3FB5] =	sst s10  }
0x38: {  	s10 =	sld [smem:$0x3FB6]  }
0x39: {  	_ = 	snop;
	(pc) =	sbr.ind lr, $3  }
0x3a: {  	_ = 	snop  }
0x3b: {  	_ = 	snop  }
0x3c: {  	p2 =	seq.s32 s10, $0x1;
	s10 =	sld [smem:$0x3FB5]  }
0x3d: {  	_ =	shalt  }
0x3e: {  	_ =	shalt  }
0x3f: {  	_ =	shalt  }
0x40: {  	_ =	shalt  }
0x41: {  	_ =	shalt  }
0x42: {  	_ =	shalt  }
0x43: {  	_ =	shalt  }
0x44: {  	_ =	shalt  }
0x45: {  	_ =	shalt  }
0x46: {  	_ =	shalt  }
0x47: {  	_ =	shalt  }
0x48: {  	_ =	shalt  }
0x49: {  	_ =	shalt  }
0x4a: {  	_ =	shalt  }
0x4b: {  	_ =	shalt  }
0x4c: {  	_ =	shalt  }
0x4d: {  	_ =	shalt  }
0x4e: {  	_ =	shalt  }
0x4f: {  	_ =	shalt  }
0x50: {  	_ =	shalt  }
0x51: {  	_ =	shalt  }
0x52: {  	_ =	shalt  }
0x53: {  	_ =	shalt  }
0x54: {  	_ =	shalt  }
0x55: {  	_ =	shalt  }
0x56: {  	_ =	shalt  }
0x57: {  	_ =	shalt  }
0x58: {  	_ =	shalt  }
0x59: {  	_ =	shalt  }
0x5a: {  	_ =	shalt  }
0x5b: {  	_ =	shalt  }
0x5c: {  	_ =	shalt  }
0x5d: {  	_ =	shalt  }
0x5e: {  	_ =	shalt  }
0x5f: {  	_ =	shalt  }
0x60: {  	_ =	shalt  }
0x61: {  	_ =	shalt  }
0x62: {  	_ =	shalt  }
0x63: {  	_ =	shalt  }
0x64: {  	_ =	shalt  }
0x65: {  	_ =	shalt  }
0x66: {  	_ =	shalt  }
0x67: {  	_ =	shalt  }
0x68: {  	_ =	shalt  }
0x69: {  	_ =	shalt  }
0x6a: {  	_ =	shalt  }
0x6b: {  	_ =	shalt  }
0x6c: {  	_ =	shalt  }
0x6d: {  	_ =	shalt  }
0x6e: {  	_ =	shalt  }
0x6f: {  	_ =	shalt  }
0x70: {  	_ =	shalt  }
0x71: {  	_ =	shalt  }
0x72: {  	_ =	shalt  }
0x73: {  	_ =	shalt  }
0x74: {  	_ =	shalt  }
0x75: {  	_ =	shalt  }
0x76: {  	_ =	shalt  }
0x77: {  	_ =	shalt  }
0x78: {  	_ =	shalt  }
0x79: {  	_ =	shalt  }
0x7a: {  	_ =	shalt  }
0x7b: {  	_ =	shalt  }
0x7c: {  	_ =	shalt  }
0x7d: {  	_ =	shalt  }
0x7e: {  	_ =	shalt  }
0x7f: {  	_ =	shalt  }
0x80: {  	_ =	shalt  }
0x81: {  	_ =	shalt  }
0x82: {  	_ =	shalt  }
0x83: {  	_ =	shalt  }
0x84: {  	_ =	shalt  }
0x85: {  	_ =	shalt  }
0x86: {  	_ =	shalt  }
0x87: {  	_ =	shalt  }
.Lfunc_end0:
.L_simem_size_0:
called_computation.4_lowered:
.L_overlay_start_0:
0x88: {  	s2 =	sld [smem:$0x3FD9]  }
0x89: {  	s3 =	sld [smem:$0x3FFE];
	_ =	sdelay $0x1  }
0x8a: {  	s1 =	srdreg.scid  }
0x8b: {  	s0 =	sand.u32 $0x1, s1  }
0x8c: {  	s16 =	sshll.u32 s0, $0xA;
	s2 =	sadd.s32 s3, s2  }
0x8d: {  	s2 =	sadd.s32 s2, s16  }
0x8e: {  	[smem:$0x3FC1] =	sst s2  }
0x8f: {  	_ = 	snop  }
0x90: {  	(tm) =	ssettm $0x1  }
0x91: {  	s17 =	sld [smem:$0x3FFB];
	_ =	sdelay $0x3  }
0x92: {  	_ =	strace s17  }
0x93: {  	s2 =	sld [smem:$0x3FFC];
	_ =	sdelay $0x3  }
0x94: {  	_ =	strace s2  }
0x95: {  	s2 =	sld [smem:$0x3FFD];
	_ =	sdelay $0x3  }
0x96: {  	_ =	strace s2  }
0x97: {  	_ =	strace $0x8FFFFFFF  }
0x98: {  	s18 =	sld [smem:$0x3FDB];
	_ =	sdelay $0x1  }
0x99: {  	s19 =	simm.s32 $_scs_section_size  }
0x9a: {  	s4 =	simm.s32 $_size__tile_overlayer_lowered;
	s5 =	simm.s32 $_tile_overlayer_lowered  }
0x9b: {  	s22 =	simm.s32 $0x1BFF;
	s21 =	sshll.u32 s5, $0x1;
	s2 =	sadd.s32 s19, s18  }
0x9c: {  	s6 =	simm.s32 $0x0;
	s20 =	sshll.u32 s4, $0x1;
	s4 =	sadd.s32 s21, s2  }
0x9d: {  	[timem:s6], [sflag:s22] =	dma.local [hbm:s4], s20  }
0x9e: {  	_ =	swait.ge [sflag:s22], s20  }
0x9f: {  	s3 =	ssub.s32 $0x0, s20;
	[sflag:s22] =	ssyncset.done $0x0  }
0xa0: {  	[sflag:s22] =	ssyncadd.s32 s3;
	_ =	sdelay $0x1  }
0xa1: {  	s23 =	simm.s32 $0x1B8B  }
0xa2: {  	_ =	swait.ge [sflag:s23], $0x1  }
0xa3: {  	[sflag:s23] =	ssyncset.done $0x0  }
0xa4: {  	s25 =	simm.s32 $0x1B8E;
	s24 =	sld [smem:$0x3FFE];
	[sflag:s23] =	ssyncadd.s32 $0xFFFFFFFF  }
0xa5: {  	s26 =	simm.s32 $execute0_lowered;
	[smem:$0x3FD2] =	sst s25  }
0xa6: {  	s4 =	sshll.u32 s26, $0x1;
	_ =	strace $0x80000052;
	[dreg:$0x1] =	wrdreg $0xFFFFFFFF  }
0xa7: {  	s28 =	simm.s32 $_size_execute0_lowered;
	s2 =	sadd.s32 s2, s4;
	[dreg:$0x0] =	wrdreg $0x0  }
0xa8: {  	s4 =	sshll.u32 s28, $0x1;
	[dreg:$0x2] =	wrdreg s2  }
0xa9: {  	[dreg:$0x3] =	wrdreg s4  }
0xaa: {  	[dreg:$0x4] =	wrdreg $0xC0  }
0xab: {  	_ =	task [dreg:s6], $0x5FFFF  }
0xac: {  	[dreg:$0x1] =	wrdreg $0xFFFFFFFF  }
0xad: {  	[dreg:$0x0] =	wrdreg $0x60  }
0xae: {  	[dreg:$0x2] =	wrdreg s24  }
0xaf: {  	[dreg:$0x3] =	wrdreg $0x40800  }
0xb0: {  	[dreg:$0x4] =	wrdreg $0x9  }
0xb1: {  	_ =	task.clear_ibuf [dreg:s6], $0x5FFFF;
	_ =	strace $0x90000052  }
0xb2: {  	s29 =	simm.s32 $0x9;
	_ =	strace $0x80000054  }
0xb3: {  	_ =	swait.ge [sflag:s29], $0x1  }
0xb4: {  	[sflag:s29] =	ssyncadd.s32 $0xFFFFFFFF  }
0xb5: {  	_ =	strace $0x90000054  }
0xb6: {  	_ =	sfence  }
0xb7: {  	s30 =	sld [smem:$0x0];
	_ =	sdelay $0x2  }
0xb8: {  	s31 =	sshll.u32 s1, $0xD;
	s1 =	sshrl.u32 s1, $0x2  }
0xb9: {  	s3 =	sand.u32 $0x4000, s31;
	s1 =	sadd.s32 s1, s30  }
0xba: {  	s0 =	sor.u32 s3, s0;
	s1 =	sshll.u32 s1, $0x11  }
0xbb: {  	s0 =	sor.u32 s1, s0  }
0xbc: {  	s0 =	sadd.s32 $0x8F2B, s0  }
0xbd: {  	[sflag:s0] =	ssyncadd.remote.s32 $0x1  }
0xbe: {  	_ =	sfence.sel $0xFFFF  }
0xbf: {  	[dreg:$0x0] =	wrdreg $0xFFFFFFFF;
	(pc) =	sbr.abs _section_cstart, $3  }
0xc0: {  	[dreg:$0x1] =	wrdreg $0xFFFFFFFF  }
0xc1: {  	_ =	task.clear_ibuf [dreg:s6], $0x2FFFF;
	_ =	strace $0x9FFFFFFF  }
0xc2: {  	(tm) =	ssettm $0x7FFFFFFF  }
0xc3: {  	_ =	shalt  }
tec
execute0_lowered:
.L_overlay_start_1:
0x0: {  	(tag) =	ssettag $0x1  }
0x1: {  	s0 =	srdreg.scid;
	s1 =	stileid.u32  }
0x2: {  	s4 =	rddreg [dreg:$0x0];
	s8 =	smul.u32 $0x1400, s1  }
0x3: {  	s2 =	rddreg [dreg:$0x1];
	s9 =	smul.u32 $0x2800, s1  }
0x4: {  	s3 =	simm.s32 $0x0;
	s14 =	simm.s32 $0x1;
	s28 =	smul.u32 $0x50000, s1  }
0x5: {  	s5 =	sand.u32 $0x1, s0;
	s0 =	rddreg [dreg:$0x2];
	s13 =	smul.u32 $0x14000, s1  }
0x6: {  	s17 =	simm.s32 $0x0;
	[smem:$0x7FF] =	sst s3;
	s6 =	smul.u32 $0x140000, s5  }
0x7: {  	s15 =	sshll.u32 s1, $0x6;
	s7 =	smul.u32 $0x14000, s5;
	_ =	strace $0x80000053  }
0x8: {  	s25 =	smul.u32 $0x28000, s5;
	s5 =	ssub.s32 $0x2, s5;
	s15 =	sor.u32 $0x1C01, s15  }
0x9: {  	s30 =	sshrl.u32 s5, $0x1;
	s31 =	sshrl.u32 s28, $0x2;
	s7 =	sadd.s32 s8, s7  }
0xa: {  	s10 =	sadd.s32 s6, s4;
	s29 =	sadd.s32 s9, s25;
	s11 =	ssub.s32 s5, s30  }
0xb: {  	s26 =	sshrl.u32 s7, $0x3;
	s9 =	sadd.s32 s29, s4;
	s13 =	sadd.s32 s13, s10  }
0xc: {  	s10 =	smax.u32 s11, $0x1;
	s12 =	sadd.s32 s26, s4;
	s4 =	sadd.s32 s31, s2  }
0xd: {  	s9 =	sadd.s32 $0xCC00, s9;
	s11 =	sadd.s32 $0x4F8C00, s13;
	s13 =	simm.s32 $0x80  }
0xe: {  	s5 =	sadd.s32 $0x4000, s4;
	s6 =	sadd.s32 $0x8000, s4;
	s7 =	sadd.s32 $0xC000, s4  }
0xf: {  	v0 =	vimm.f32 $0.0e+00;
	s8 =	sadd.s32 $0x10000, s4;
	s12 =	sadd.s32 $0x4F3C00, s12;
	s16 =	sshrl.u32 s4, $0x3  }
.LBB2_1:
0x10: {  	s18 =	simm.s32 $0x0;
	s19 =	simm.s32 $0x200  }
.LBB2_2:
0x11: {  	p0 =	sne.s32 s19, $0xFE00;
	[tilespmem:s18+$0xF0] =	vst v0  }
0x12: {  	[tilespmem:s18+$0x80] =	vst v0  }
0x13: {  	[tilespmem:s18+$0x90] =	vst v0  }
.Ltmp0:
0x14: {  	[tilespmem:s18+$0xA0] =	vst v0;
	(pc) =	sbr.rel @p0 .LBB2_2-.Ltmp0, $4  }
0x15: {  	[tilespmem:s18+$0xB0] =	vst v0  }
0x16: {  	[tilespmem:s18+$0xC0] =	vst v0  }
0x17: {  	[tilespmem:s18+$0xD0] =	vst v0  }
0x18: {  	[tilespmem:s18+$0xE0] =	vst v0;
	s18 =	sshra.s32 s19, $0x2;
	s19 =	sadd.s32 $0x200, s19  }
0x19: {  	[tilespmem:s18+$0xF0] =	vst v0  }
0x1a: {  	[tilespmem:s18+$0x80] =	vst v0  }
0x1b: {  	[tilespmem:s18+$0x90] =	vst v0  }
0x1c: {  	[tilespmem:s18+$0xA0] =	vst v0  }
0x1d: {  	[tilespmem:s18+$0xB0] =	vst v0  }
0x1e: {  	[tilespmem:s18+$0xC0] =	vst v0  }
0x1f: {  	[tilespmem:s18+$0xD0] =	vst v0  }
0x20: {  	[tilespmem:s18+$0xE0] =	vst v0  }
0x21: {  	[spmem:s4] =	stream.linear.scatter [tilespmem:s13], [sflag:$0x1], $0x4000, $0x38;
	[tilespmem:$0x18080] =	vst v63  }
0x22: {  	_ =	swait.ge [sflag:s14], $0x4000  }
0x23: {  	[sflag:s14] =	ssyncset.done $0x0  }
0x24: {  	[sflag:s14] =	ssyncadd.s32 $0xFFFFC000  }
0x25: {  	[spmem:s5] =	stream.linear.scatter [tilespmem:s13], [sflag:$0x1], $0x4000, $0x38;
	[tilespmem:$0x18080] =	vst v63  }
0x26: {  	_ =	swait.ge [sflag:s14], $0x4000  }
0x27: {  	[sflag:s14] =	ssyncset.done $0x0  }
0x28: {  	[sflag:s14] =	ssyncadd.s32 $0xFFFFC000  }
0x29: {  	[spmem:s6] =	stream.linear.scatter [tilespmem:s13], [sflag:$0x1], $0x4000, $0x38;
	[tilespmem:$0x18080] =	vst v63  }
0x2a: {  	_ =	swait.ge [sflag:s14], $0x4000  }
0x2b: {  	[sflag:s14] =	ssyncset.done $0x0  }
0x2c: {  	[sflag:s14] =	ssyncadd.s32 $0xFFFFC000  }
0x2d: {  	[spmem:s7] =	stream.linear.scatter [tilespmem:s13], [sflag:$0x1], $0x4000, $0x38;
	[tilespmem:$0x18080] =	vst v63  }
0x2e: {  	_ =	swait.ge [sflag:s14], $0x4000  }
0x2f: {  	[sflag:s14] =	ssyncset.done $0x0  }
0x30: {  	[sflag:s14] =	ssyncadd.s32 $0xFFFFC000  }
0x31: {  	[spmem:s8] =	stream.linear.scatter [tilespmem:s13], [sflag:$0x1], $0x4000, $0x38;
	[tilespmem:$0x18080] =	vst v63  }
0x32: {  	_ =	swait.ge [sflag:s14], $0x4000  }
0x33: {  	[sflag:s14] =	ssyncset.done $0x0  }
0x34: {  	[sflag:s14] =	ssyncadd.s32 $0xFFFFC000  }
0x35: {  	s31 =	sadd.s32 $0x0, s12;
	[bflag:$0x0] =	sbarrier.arrive $0xFFFF  }
0x36: {  	[tilespmem:s3], [sflag:$0x1] =	stream.linear.gather [hbm4b:s31+s3], $0x80, $0x38;
	[tilespmem:$0x18080] =	vst v63  }
0x37: {  	_ =	swait.ge [sflag:s14], $0x80  }
0x38: {  	[sflag:s14] =	ssyncset.done $0x0  }
0x39: {  	[sflag:s14] =	ssyncadd.s32 $0xFFFFFF80  }
0x3a: {  	[tilespmem:s13], [sflag:$0x1] =	stream.linear.gather [hbm4b:s11+s3], $0x4000, $0x38;
	[tilespmem:$0x18080] =	vst v63  }
0x3b: {  	_ =	swait.ge [sflag:s14], $0x4000  }
0x3c: {  	[sflag:s14] =	ssyncset.done $0x0  }
0x3d: {  	[sflag:s14] =	ssyncadd.s32 $0xFFFFC000  }
0x3e: {  	[spmem:s2] =	stream.indirect.scatter.add.f32 [tilespmem:s13], [sflag:$0x1], $0x80, s3, s13, $0xb8;
	[tilespmem:$0x18080] =	vst v63  }
0x3f: {  	s19 =	simm.s32 $0x10;
	_ =	swait.ge [sflag:s14], $0x4000  }
0x40: {  	s20 =	simm.s32 $0x20;
	s18 =	sadd.s32 $0x800, s11;
	[sflag:s14] =	ssyncset.done $0x0  }
.LBB2_4:
0x41: {  	s21 =	sadd.s32 s19, s12  }
0x42: {  	[sflag:s14] =	ssyncadd.s32 $0xFFFFC000;
	s19 =	smov.u32 s20;
	s22 =	sadd.s32 $0x10, s20  }
0x43: {  	[tilespmem:s3], [sflag:$0x1] =	stream.linear.gather [hbm4b:s21+s3], $0x80, $0x38;
	[tilespmem:$0x18080] =	vst v63  }
0x44: {  	p0 =	sne.s32 s20, $0x270;
	_ =	swait.ge [sflag:s14], $0x80  }
0x45: {  	[sflag:s14] =	ssyncset.done $0x0  }
0x46: {  	[sflag:s14] =	ssyncadd.s32 $0xFFFFFF80  }
0x47: {  	[tilespmem:s13], [sflag:$0x1] =	stream.linear.gather [hbm4b:s18+s3], $0x4000, $0x38;
	[tilespmem:$0x18080] =	vst v63  }
0x48: {  	_ =	swait.ge [sflag:s14], $0x4000  }
.Ltmp1:
0x49: {  	[sflag:s14] =	ssyncset.done $0x0;
	(pc) =	sbr.rel @p0 .LBB2_4-.Ltmp1, $4  }
0x4a: {  	[sflag:s14] =	ssyncadd.s32 $0xFFFFC000  }
0x4b: {  	[spmem:s2] =	stream.indirect.scatter.add.f32 [tilespmem:s13], [sflag:$0x1], $0x80, s3, s13, $0xb8;
	[tilespmem:$0x18080] =	vst v63  }
0x4c: {  	_ =	swait.ge [sflag:s14], $0x4000  }
0x4d: {  	s20 =	smov.u32 s22;
	s18 =	sadd.s32 $0x800, s18;
	[sflag:s14] =	ssyncset.done $0x0  }
0x4e: {  	s19 =	sadd.s32 s19, s12;
	[sflag:s14] =	ssyncadd.s32 $0xFFFFC000  }
0x4f: {  	[tilespmem:s3], [sflag:$0x1] =	stream.linear.gather [hbm4b:s19+s3], $0x80, $0x38;
	[tilespmem:$0x18080] =	vst v63  }
0x50: {  	_ =	swait.ge [sflag:s14], $0x80  }
0x51: {  	[sflag:s14] =	ssyncset.done $0x0  }
0x52: {  	[sflag:s14] =	ssyncadd.s32 $0xFFFFFF80  }
0x53: {  	[tilespmem:s13], [sflag:$0x1] =	stream.linear.gather [hbm4b:s18+s3], $0x4000, $0x38;
	[tilespmem:$0x18080] =	vst v63  }
0x54: {  	_ =	swait.ge [sflag:s14], $0x4000  }
0x55: {  	[sflag:s14] =	ssyncset.done $0x0  }
0x56: {  	[sflag:s14] =	ssyncadd.s32 $0xFFFFC000  }
0x57: {  	[spmem:s2] =	stream.indirect.scatter.add.f32 [tilespmem:s13], [sflag:$0x1], $0x80, s3, s13, $0xb8;
	[tilespmem:$0x18080] =	vst v63  }
0x58: {  	_ =	swait.ge [sflag:s14], $0x4000  }
0x59: {  	s17 =	sadd.s32 $0x1, s17;
	[sflag:s14] =	ssyncset.done $0x0  }
0x5a: {  	p0 =	sne.s32 s17, s10;
	[sflag:s14] =	ssyncadd.s32 $0xFFFFC000  }
.Ltmp2:
0x5b: {  	[bflag:$0x0] =	sbarrier.arrive $0xFFFF;
	(pc) =	sbr.rel @p0 .LBB2_1-.Ltmp2, $4  }
0x5c: {  	[hbm:s9], [sflag:s15] =	dma.local [spmem:s16], $0x2800  }
0x5d: {  	_ =	swait.ge [sflag:s14], $0x2800  }
0x5e: {  	[sflag:s14] =	ssyncset.done $0x0  }
0x5f: {  	[sflag:s14] =	ssyncadd.s32 $0xFFFFD800  }
0x60: {  	_ =	sfence.sel $0x180000  }
0x61: {  	[bflag:$0x0] =	sbarrier.arrive $0xFFFF  }
0x62: {  	p0 =	sne.s32 s1, $0x0;
	_ =	strace $0x90000053  }
0x63: {  	s0 =	sadd.s32 @!p0 $0x100000, s0;
	[bflag:$0x2] =	sbarrier.arrive $0xFFFF  }
0x64: {  	[sflag:s0] =	ssyncadd.tile.s32 @!p0 $0x1;
	_ =	shalt  }
.Lfunc_end2:
_tile_overlayer_lowered:
.L_overlay_start_2:
0x65: {  	(tag) =	ssettag $0x2  }
0x66: {  	s0 =	rddreg [dreg:$0x0];
	s2 =	stileid.u32  }
0x67: {  	s1 =	rddreg [dreg:$0x1];
	p0 =	sne.s32 s2, $0x0  }
0x68: {  	s3 =	rddreg [dreg:$0x2];
	[bflag:$0x3] =	sbarrier.arrive $0xFFFF;
	s2 =	simm.s32 @!p0 $0x1C01  }
0x69: {  	[timem:s3], [sflag:s2] =	dma.local @!p0 [hbm:s0], s1  }
0x6a: {  	s0 =	simm.s32 @!p0 $0x1  }
0x6b: {  	_ =	swait.ge @!p0 [sflag:s0], s1  }
0x6c: {  	s1 =	ssub.s32 @!p0 $0x0, s1;
	[sflag:s0] =	ssyncset.done @!p0 $0x0  }
0x6d: {  	[sflag:s0] =	ssyncadd.s32 @!p0 s1  }
0x6e: {  	[bflag:$0x3] =	sbarrier.arrive $0xFFFF  }
0x6f: {  	_ =	shalt  }

// kernel: kernel.15.cloned.1.call-start
scs
__scs_entry_jumppad:
0x0: {  	(pc) =	sbr.rel $0x88, $3  }
0x1: {  	(tag) =	ssettag $0x0;
	lr =	simm.s32 $0x1  }
0x2: {  	[smem:$0x3F9A] =	sst lr;
	_ =	strace $0xD0000000  }
0x3: {  	_ = 	snop  }
0x4: {  	_ = 	snop  }
0x5: {  	_ = 	snop  }
0x6: {  	_ = 	snop  }
0x7: {  	_ = 	snop  }
__scs_overlays_trampoline_lowered:
0x8: {  	[smem:$0x3FA9] =	sst s0  }
0x9: {  	[smem:$0x3FAA] =	sst s1  }
0xa: {  	[smem:$0x3FAB] =	sst s2  }
0xb: {  	[smem:$0x3FAC] =	sst s3  }
0xc: {  	[smem:$0x3FAD] =	sst s4  }
0xd: {  	[smem:$0x3FAE] =	sst s5  }
0xe: {  	[smem:$0x3FAF] =	sst s6  }
0xf: {  	[smem:$0x3FB0] =	sst s7  }
0x10: {  	[smem:$0x3FB1] =	sst s8  }
0x11: {  	[smem:$0x3FB2] =	sst s9;
	s0 =	simm.s32 @!p0 $0x0  }
0x12: {  	s1 =	sld [smem:$0x3F98];
	s0 =	simm.s32 @p0 $0x1  }
0x13: {  	[smem:$0x3FB3] =	sst s0;
	s0 =	simm.s32 @!p1 $0x0  }
0x14: {  	s2 =	sld [smem:$0x3F97];
	s0 =	simm.s32 @p1 $0x1  }
0x15: {  	[smem:$0x3FB4] =	sst s0;
	s0 =	simm.s32 @!p2 $0x0  }
0x16: {  	s3 =	sld [smem:$0x3FDB];
	s0 =	simm.s32 @p2 $0x1  }
0x17: {  	s4 =	simm.s32 $0x1BF5;
	[smem:$0x3FB6] =	sst s0  }
0x18: {  	s0 =	sld [smem:$0x3F99];
	_ =	swait.ge [sflag:s4], $0x0  }
0x19: {  	s7 =	sld [smem:$0x3F9A]  }
0x1a: {  	s8 =	sadd.s32 $0xFFFFE003, lr  }
0x1b: {  	s9 =	sadd.s32 $0xFFFFFEF7, lr;
	s5 =	simm.s32 $0xFFFFFFFF;
	p2 =	slt.u32 s8, $0xFFFFF086  }
0x1c: {  	p1 =	slt.u32 s9, $0xF7A;
	s5 =	simm.s32 @!p2 $0x0  }
0x1d: {  	s5 =	simm.s32 @p1 $0x1;
	p0 =	seq.s32 s7, s2  }
0x1e: {  	s7 =	smul.u32 @!p0 $0xF7A, s2;
	p2 =	seq.s32 @!p0 s5, $0x0  }
0x1f: {  	s9 =	smul.u32 $0xF7A, s1;
	s8 =	simm.s32 @!p0 $0x1BF5;
	p2 =	por !p2, p0  }
0x20: {  	[sflag:s8] =	ssyncset.s32 @!p0 $0xFFFFF086;
	s6 =	sadd.s32 @!p0 s3, s7;
	s7 =	simm.s32 @!p0 $0x108  }
0x21: {  	s3 =	sadd.s32 s3, s9;
	s6 =	sadd.s32 @!p0 $0x88, s6;
	s7 =	simm.s32 @p2 $0x1082  }
0x22: {  	[simem:s7], [sflag:s8] =	dma.local @!p0 [hbm:s6], $0xF7A  }
0x23: {  	s9 =	sor.u32 $0xD0000000, s2;
	s6 =	simm.s32 $0x108;
	_ =	swait.ge @!p0 [sflag:s8], $0x0  }
0x24: {  	s3 =	sadd.s32 $0x88, s3;
	s6 =	simm.s32 @!p1 $0x1082;
	[sflag:s4] =	ssyncset.s32 $0xFFFFF086  }
0x25: {  	[simem:s6], [sflag:s4] =	dma.local [hbm:s3], $0xF7A  }
0x26: {  	[smem:$0x3F9A] =	sst s1;
	(tag) =	ssettag s2;
	_ =	strace s9  }
0x27: {  	s1 =	sld [smem:$0x3FAA]  }
0x28: {  	s2 =	sld [smem:$0x3FAB]  }
0x29: {  	s4 =	sld [smem:$0x3FAD]  }
0x2a: {  	p0 =	seq.s32 s5, $0x0;
	s5 =	sld [smem:$0x3FAE]  }
0x2b: {  	s6 =	sld [smem:$0x3FAF]  }
0x2c: {  	s7 =	sld [smem:$0x3FB0]  }
0x2d: {  	s3 =	simm.s32 $0x108;
	s8 =	sld [smem:$0x3FB1]  }
0x2e: {  	s3 =	simm.s32 @!p0 $0x1082;
	s9 =	sld [smem:$0x3FB2]  }
0x2f: {  	lr =	sadd.s32 s0, s3;
	s0 =	sld [smem:$0x3FA9]  }
0x30: {  	s3 =	sld [smem:$0x3FAC]  }
0x31: {  	[smem:$0x3FB5] =	sst s10  }
0x32: {  	s10 =	sld [smem:$0x3FB3];
	_ =	sdelay $0x3  }
0x33: {  	p0 =	seq.s32 s10, $0x1;
	s10 =	sld [smem:$0x3FB5];
	_ =	sdelay $0x3  }
0x34: {  	[smem:$0x3FB5] =	sst s10  }
0x35: {  	s10 =	sld [smem:$0x3FB4];
	_ =	sdelay $0x3  }
0x36: {  	p1 =	seq.s32 s10, $0x1;
	s10 =	sld [smem:$0x3FB5];
	_ =	sdelay $0x3  }
0x37: {  	[smem:$0x3FB5] =	sst s10  }
0x38: {  	s10 =	sld [smem:$0x3FB6]  }
0x39: {  	_ = 	snop;
	(pc) =	sbr.ind lr, $3  }
0x3a: {  	_ = 	snop  }
0x3b: {  	_ = 	snop  }
0x3c: {  	p2 =	seq.s32 s10, $0x1;
	s10 =	sld [smem:$0x3FB5]  }
0x3d: {  	_ =	shalt  }
0x3e: {  	_ =	shalt  }
0x3f: {  	_ =	shalt  }
0x40: {  	_ =	shalt  }
0x41: {  	_ =	shalt  }
0x42: {  	_ =	shalt  }
0x43: {  	_ =	shalt  }
0x44: {  	_ =	shalt  }
0x45: {  	_ =	shalt  }
0x46: {  	_ =	shalt  }
0x47: {  	_ =	shalt  }
0x48: {  	_ =	shalt  }
0x49: {  	_ =	shalt  }
0x4a: {  	_ =	shalt  }
0x4b: {  	_ =	shalt  }
0x4c: {  	_ =	shalt  }
0x4d: {  	_ =	shalt  }
0x4e: {  	_ =	shalt  }
0x4f: {  	_ =	shalt  }
0x50: {  	_ =	shalt  }
0x51: {  	_ =	shalt  }
0x52: {  	_ =	shalt  }
0x53: {  	_ =	shalt  }
0x54: {  	_ =	shalt  }
0x55: {  	_ =	shalt  }
0x56: {  	_ =	shalt  }
0x57: {  	_ =	shalt  }
0x58: {  	_ =	shalt  }
0x59: {  	_ =	shalt  }
0x5a: {  	_ =	shalt  }
0x5b: {  	_ =	shalt  }
0x5c: {  	_ =	shalt  }
0x5d: {  	_ =	shalt  }
0x5e: {  	_ =	shalt  }
0x5f: {  	_ =	shalt  }
0x60: {  	_ =	shalt  }
0x61: {  	_ =	shalt  }
0x62: {  	_ =	shalt  }
0x63: {  	_ =	shalt  }
0x64: {  	_ =	shalt  }
0x65: {  	_ =	shalt  }
0x66: {  	_ =	shalt  }
0x67: {  	_ =	shalt  }
0x68: {  	_ =	shalt  }
0x69: {  	_ =	shalt  }
0x6a: {  	_ =	shalt  }
0x6b: {  	_ =	shalt  }
0x6c: {  	_ =	shalt  }
0x6d: {  	_ =	shalt  }
0x6e: {  	_ =	shalt  }
0x6f: {  	_ =	shalt  }
0x70: {  	_ =	shalt  }
0x71: {  	_ =	shalt  }
0x72: {  	_ =	shalt  }
0x73: {  	_ =	shalt  }
0x74: {  	_ =	shalt  }
0x75: {  	_ =	shalt  }
0x76: {  	_ =	shalt  }
0x77: {  	_ =	shalt  }
0x78: {  	_ =	shalt  }
0x79: {  	_ =	shalt  }
0x7a: {  	_ =	shalt  }
0x7b: {  	_ =	shalt  }
0x7c: {  	_ =	shalt  }
0x7d: {  	_ =	shalt  }
0x7e: {  	_ =	shalt  }
0x7f: {  	_ =	shalt  }
0x80: {  	_ =	shalt  }
0x81: {  	_ =	shalt  }
0x82: {  	_ =	shalt  }
0x83: {  	_ =	shalt  }
0x84: {  	_ =	shalt  }
0x85: {  	_ =	shalt  }
0x86: {  	_ =	shalt  }
0x87: {  	_ =	shalt  }
.Lfunc_end0:
.L_simem_size_0:
called_computation.5_lowered:
.L_overlay_start_0:
0x88: {  	s2 =	sld [smem:$0x3FD9]  }
0x89: {  	s3 =	sld [smem:$0x3FFE];
	_ =	sdelay $0x1  }
0x8a: {  	s1 =	srdreg.scid  }
0x8b: {  	s0 =	sand.u32 $0x1, s1  }
0x8c: {  	s16 =	sshll.u32 s0, $0xA;
	s2 =	sadd.s32 s3, s2  }
0x8d: {  	s2 =	sadd.s32 s2, s16  }
0x8e: {  	[smem:$0x3FC1] =	sst s2  }
0x8f: {  	_ = 	snop  }
0x90: {  	(tm) =	ssettm $0x1  }
0x91: {  	s17 =	sld [smem:$0x3FFB];
	_ =	sdelay $0x3  }
0x92: {  	_ =	strace s17  }
0x93: {  	s2 =	sld [smem:$0x3FFC];
	_ =	sdelay $0x3  }
0x94: {  	_ =	strace s2  }
0x95: {  	s2 =	sld [smem:$0x3FFD];
	_ =	sdelay $0x3  }
0x96: {  	_ =	strace s2  }
0x97: {  	_ =	strace $0x8FFFFFFF  }
0x98: {  	s18 =	sld [smem:$0x3FDB];
	_ =	sdelay $0x1  }
0x99: {  	s19 =	simm.s32 $_scs_section_size  }
0x9a: {  	s4 =	simm.s32 $_size__tile_overlayer_lowered;
	s5 =	simm.s32 $_tile_overlayer_lowered  }
0x9b: {  	s22 =	simm.s32 $0x1BFF;
	s21 =	sshll.u32 s5, $0x1;
	s2 =	sadd.s32 s19, s18  }
0x9c: {  	s6 =	simm.s32 $0x0;
	s20 =	sshll.u32 s4, $0x1;
	s4 =	sadd.s32 s21, s2  }
0x9d: {  	[timem:s6], [sflag:s22] =	dma.local [hbm:s4], s20  }
0x9e: {  	_ =	swait.ge [sflag:s22], s20  }
0x9f: {  	s3 =	ssub.s32 $0x0, s20;
	[sflag:s22] =	ssyncset.done $0x0  }
0xa0: {  	[sflag:s22] =	ssyncadd.s32 s3;
	_ =	sdelay $0x1  }
0xa1: {  	s23 =	simm.s32 $0x1B8B  }
0xa2: {  	_ =	swait.ge [sflag:s23], $0x1  }
0xa3: {  	[sflag:s23] =	ssyncset.done $0x0  }
0xa4: {  	s25 =	simm.s32 $0x1B8E;
	s24 =	sld [smem:$0x3FFE];
	[sflag:s23] =	ssyncadd.s32 $0xFFFFFFFF  }
0xa5: {  	s26 =	simm.s32 $execute0_lowered;
	[smem:$0x3FD2] =	sst s25  }
0xa6: {  	s4 =	sshll.u32 s26, $0x1;
	_ =	strace $0x80000055;
	[dreg:$0x1] =	wrdreg $0xFFFFFFFF  }
0xa7: {  	s28 =	simm.s32 $_size_execute0_lowered;
	s2 =	sadd.s32 s2, s4;
	[dreg:$0x0] =	wrdreg $0x0  }
0xa8: {  	s4 =	sshll.u32 s28, $0x1;
	[dreg:$0x2] =	wrdreg s2  }
0xa9: {  	[dreg:$0x3] =	wrdreg s4  }
0xaa: {  	[dreg:$0x4] =	wrdreg $0xC0  }
0xab: {  	_ =	task [dreg:s6], $0x5FFFF  }
0xac: {  	[dreg:$0x1] =	wrdreg $0xFFFFFFFF  }
0xad: {  	[dreg:$0x0] =	wrdreg $0x60  }
0xae: {  	[dreg:$0x2] =	wrdreg s24  }
0xaf: {  	[dreg:$0x3] =	wrdreg $0x81000  }
0xb0: {  	[dreg:$0x4] =	wrdreg $0x9  }
0xb1: {  	_ =	task.clear_ibuf [dreg:s6], $0x5FFFF;
	_ =	strace $0x90000055  }
0xb2: {  	s29 =	simm.s32 $0x9;
	_ =	strace $0x80000057  }
0xb3: {  	_ =	swait.ge [sflag:s29], $0x1  }
0xb4: {  	[sflag:s29] =	ssyncadd.s32 $0xFFFFFFFF  }
0xb5: {  	_ =	strace $0x90000057  }
0xb6: {  	_ =	sfence  }
0xb7: {  	s30 =	sld [smem:$0x0];
	_ =	sdelay $0x2  }
0xb8: {  	s31 =	sshll.u32 s1, $0xD;
	s1 =	sshrl.u32 s1, $0x2  }
0xb9: {  	s3 =	sand.u32 $0x4000, s31;
	s1 =	sadd.s32 s1, s30  }
0xba: {  	s0 =	sor.u32 s3, s0;
	s1 =	sshll.u32 s1, $0x11  }
0xbb: {  	s0 =	sor.u32 s1, s0  }
0xbc: {  	s0 =	sadd.s32 $0x8F2B, s0  }
0xbd: {  	[sflag:s0] =	ssyncadd.remote.s32 $0x1  }
0xbe: {  	_ =	sfence.sel $0xFFFF  }
0xbf: {  	[dreg:$0x0] =	wrdreg $0xFFFFFFFF;
	(pc) =	sbr.abs _section_cstart, $3  }
0xc0: {  	[dreg:$0x1] =	wrdreg $0xFFFFFFFF  }
0xc1: {  	_ =	task.clear_ibuf [dreg:s6], $0x2FFFF;
	_ =	strace $0x9FFFFFFF  }
0xc2: {  	(tm) =	ssettm $0x7FFFFFFF  }
0xc3: {  	_ =	shalt  }
tec
execute0_lowered:
.L_overlay_start_1:
0x0: {  	(tag) =	ssettag $0x1  }
0x1: {  	s8 =	rddreg [dreg:$0x0]  }
0x2: {  	s2 =	rddreg [dreg:$0x1]  }
0x3: {  	s0 =	rddreg [dreg:$0x2];
	s3 =	simm.s32 $0x0;
	s4 =	srdreg.scid  }
0x4: {  	s1 =	stileid.u32;
	s16 =	simm.s32 $0x4100;
	s17 =	simm.s32 $0x2  }
0x5: {  	s18 =	simm.s32 $0x80;
	s20 =	simm.s32 $0x1;
	s10 =	smul.u32 $0x280, s1  }
0x6: {  	[smem:$0x7FF] =	sst s3;
	s9 =	sand.u32 $0x1, s4;
	s11 =	smul.u32 $0x50000, s1  }
0x7: {  	s4 =	sadd.s32 $0x5CC00, s8;
	s5 =	sadd.s32 $0x2C00, s8;
	s13 =	smul.u32 $0x2800, s1  }
0x8: {  	s6 =	sadd.s32 $0x4F3C00, s8;
	s7 =	sadd.s32 $0xACC00, s8;
	s19 =	smul.u32 $0x2800, s9  }
0x9: {  	s21 =	sshll.u32 s1, $0x6;
	_ =	strace $0x80000056;
	s9 =	ssub.s32 $0x2, s9  }
0xa: {  	s21 =	sor.u32 $0x1C02, s21;
	s31 =	sshrl.u32 s9, $0x1;
	s10 =	sadd.s32 s10, s19  }
0xb: {  	s11 =	sshrl.u32 s11, $0x2;
	s15 =	ssub.s32 s9, s31;
	s10 =	sshll.u32 s10, $0x4  }
0xc: {  	v0 =	vmov s19;
	s19 =	simm.s32 $0x100;
	s14 =	sadd.s32 s10, s8;
	s8 =	sadd.s32 s11, s2  }
0xd: {  	s15 =	smax.u32 s15, $0x1;
	s9 =	sadd.s32 $0x4000, s8;
	s10 =	sadd.s32 $0x8000, s8  }
0xe: {  	v1 =	vimm.f32 $0.0e+00;
	s11 =	sadd.s32 $0xC000, s8;
	s12 =	sadd.s32 $0x10000, s8;
	s14 =	sadd.s32 $0x32CC00, s14  }
.LBB2_1:
0xf: {  	s22 =	simm.s32 $0x0;
	s23 =	simm.s32 $0x200  }
.LBB2_2:
0x10: {  	p0 =	sne.s32 s23, $0xFE00;
	[tilespmem:s22+$0x4170] =	vst v1  }
0x11: {  	[tilespmem:s22+$0x4100] =	vst v1  }
0x12: {  	[tilespmem:s22+$0x4110] =	vst v1  }
.Ltmp0:
0x13: {  	[tilespmem:s22+$0x4120] =	vst v1;
	(pc) =	sbr.rel @p0 .LBB2_2-.Ltmp0, $4  }
0x14: {  	[tilespmem:s22+$0x4130] =	vst v1  }
0x15: {  	[tilespmem:s22+$0x4140] =	vst v1  }
0x16: {  	[tilespmem:s22+$0x4150] =	vst v1  }
0x17: {  	[tilespmem:s22+$0x4160] =	vst v1;
	s22 =	sshra.s32 s23, $0x2;
	s23 =	sadd.s32 $0x200, s23  }
0x18: {  	[tilespmem:s22+$0x4170] =	vst v1  }
0x19: {  	[tilespmem:s22+$0x4100] =	vst v1  }
0x1a: {  	[tilespmem:s22+$0x4110] =	vst v1  }
0x1b: {  	[tilespmem:s22+$0x4120] =	vst v1  }
0x1c: {  	[tilespmem:s22+$0x4130] =	vst v1  }
0x1d: {  	[tilespmem:s22+$0x4140] =	vst v1  }
0x1e: {  	[tilespmem:s22+$0x4150] =	vst v1  }
0x1f: {  	[tilespmem:s22+$0x4160] =	vst v1  }
0x20: {  	[spmem:s8] =	stream.linear.scatter [tilespmem:s16], [sflag:$0x2], $0x4000, $0x38;
	[tilespmem:$0x1C100] =	vst v63  }
0x21: {  	_ =	swait.ge [sflag:s17], $0x4000  }
0x22: {  	[sflag:s17] =	ssyncset.done $0x0  }
0x23: {  	[sflag:s17] =	ssyncadd.s32 $0xFFFFC000  }
0x24: {  	[spmem:s9] =	stream.linear.scatter [tilespmem:s16], [sflag:$0x2], $0x4000, $0x38;
	[tilespmem:$0x1C100] =	vst v63  }
0x25: {  	_ =	swait.ge [sflag:s17], $0x4000  }
0x26: {  	[sflag:s17] =	ssyncset.done $0x0  }
0x27: {  	[sflag:s17] =	ssyncadd.s32 $0xFFFFC000  }
0x28: {  	[spmem:s10] =	stream.linear.scatter [tilespmem:s16], [sflag:$0x2], $0x4000, $0x38;
	[tilespmem:$0x1C100] =	vst v63  }
0x29: {  	_ =	swait.ge [sflag:s17], $0x4000  }
0x2a: {  	[sflag:s17] =	ssyncset.done $0x0  }
0x2b: {  	[sflag:s17] =	ssyncadd.s32 $0xFFFFC000  }
0x2c: {  	[spmem:s11] =	stream.linear.scatter [tilespmem:s16], [sflag:$0x2], $0x4000, $0x38;
	[tilespmem:$0x1C100] =	vst v63  }
0x2d: {  	_ =	swait.ge [sflag:s17], $0x4000  }
0x2e: {  	[sflag:s17] =	ssyncset.done $0x0  }
0x2f: {  	[sflag:s17] =	ssyncadd.s32 $0xFFFFC000  }
0x30: {  	[spmem:s12] =	stream.linear.scatter [tilespmem:s16], [sflag:$0x2], $0x4000, $0x38;
	[tilespmem:$0x1C100] =	vst v63  }
0x31: {  	_ =	swait.ge [sflag:s17], $0x4000  }
0x32: {  	[sflag:s17] =	ssyncset.done $0x0  }
0x33: {  	[sflag:s17] =	ssyncadd.s32 $0xFFFFC000  }
0x34: {  	s22 =	simm.s32 $0x0;
	s23 =	simm.s32 $0x0;
	[bflag:$0x0] =	sbarrier.arrive $0xFFFF  }
.LBB2_4:
0x35: {  	s24 =	sshll.u32 s23, $0x7  }
0x36: {  	s24 =	sadd.s32 s13, s24  }
0x37: {  	s25 =	sshrl.u32 s24, $0x3  }
0x38: {  	s26 =	sadd.s32 s5, s25  }
0x39: {  	[tilespmem:s22], [sflag:$0x2] =	stream.linear.gather [hbm4b:s26+s22], $0x80, $0x38;
	[tilespmem:$0x1C100] =	vst v63  }
0x3a: {  	_ =	swait.ge [sflag:s17], $0x80  }
0x3b: {  	[sflag:s17] =	ssyncset.done $0x0  }
0x3c: {  	s25 =	sadd.s32 s6, s25;
	[sflag:s17] =	ssyncadd.s32 $0xFFFFFF80  }
0x3d: {  	[tilespmem:s18], [sflag:$0x2] =	stream.linear.gather [hbm4b:s25+s22], $0x80, $0x38;
	[tilespmem:$0x1C100] =	vst v63  }
0x3e: {  	_ =	swait.ge [sflag:s17], $0x80  }
0x3f: {  	s24 =	sshll.u32 s24, $0x4;
	[sflag:s17] =	ssyncset.done $0x0  }
0x40: {  	s24 =	sadd.s32 s7, s24;
	[sflag:s17] =	ssyncadd.s32 $0xFFFFFF80  }
0x41: {  	[tilespmem:s19], [sflag:$0x2] =	stream.linear.gather [hbm4b:s24+s22], $0x4000, $0x38;
	[tilespmem:$0x1C100] =	vst v63  }
0x42: {  	_ =	swait.ge [sflag:s17], $0x4000  }
0x43: {  	[sflag:s17] =	ssyncset.done $0x0  }
0x44: {  	[sflag:s17] =	ssyncadd.s32 $0xFFFFC000  }
0x45: {  	v2 =	vld [tilespmem:$0x0]  }
0x46: {  	v3 =	vld [tilespmem:$0x10]  }
0x47: {  	v4 =	vld [tilespmem:$0x20]  }
0x48: {  	v5 =	vld [tilespmem:$0x30]  }
0x49: {  	v6 =	vld [tilespmem:$0x40]  }
0x4a: {  	v7 =	vld [tilespmem:$0x50];
	v2 =	vadd.s32 v0, v2  }
0x4b: {  	[tilespmem:$0x0] =	vst v2;
	v2 =	vadd.s32 v0, v3;
	v3 =	vld [tilespmem:$0x60]  }
0x4c: {  	[tilespmem:$0x10] =	vst v2;
	v2 =	vadd.s32 v0, v4;
	v4 =	vld [tilespmem:$0x70]  }
0x4d: {  	[tilespmem:$0x20] =	vst v2;
	v2 =	vadd.s32 v0, v5  }
0x4e: {  	[tilespmem:$0x30] =	vst v2;
	v2 =	vadd.s32 v0, v6  }
0x4f: {  	[tilespmem:$0x40] =	vst v2;
	v2 =	vadd.s32 v0, v7  }
0x50: {  	[tilespmem:$0x50] =	vst v2;
	v2 =	vadd.s32 v0, v3  }
0x51: {  	[tilespmem:$0x60] =	vst v2;
	v2 =	vadd.s32 v0, v4  }
0x52: {  	[tilespmem:$0x70] =	vst v2  }
0x53: {  	[tilespmem:s16], [sflag:$0x1] =	stream.indirect.gather [hbm4b:s4+s18], $0x80, s22, s18, $0xb8;
	[tilespmem:$0x1C100] =	vst v63  }
0x54: {  	_ =	swait.ge [sflag:s20], $0x4000  }
0x55: {  	[sflag:s20] =	ssyncset.done $0x0  }
0x56: {  	s24 =	simm.s32 $0x0;
	[sflag:s20] =	ssyncadd.s32 $0xFFFFC000  }
0x57: {  	v2 =	vld [tilespmem:s24+$0x100]  }
0x58: {  	v6 =	vld [tilespmem:s24+$0x4100]  }
0x59: {  	v8 =	vld [tilespmem:s24+$0x4110]  }
0x5a: {  	v7 =	vld [tilespmem:s24+$0x4120]  }
0x5b: {  	v5 =	vld [tilespmem:s24+$0x4130]  }
0x5c: {  	v3 =	vld [tilespmem:s24+$0x4140]  }
0x5d: {  	v4 =	vld [tilespmem:s24+$0x4150];
	v9 =	vmul.f32 v6, v2  }
0x5e: {  	s25 =	simm.s32 $0x200;
	v8 =	vmul.f32 v8, v2;
	v6 =	vld [tilespmem:s24+$0x4160]  }
.LBB2_5:
0x5f: {  	s26 =	sshra.s32 s25, $0x2;
	p0 =	sne.s32 s25, $0xFE00;
	[tilespmem:s24+$0x4100] =	vst v9;
	v7 =	vmul.f32 v7, v2;
	v9 =	vld [tilespmem:s24+$0x4170]  }
0x60: {  	v10 =	vld [tilespmem:s26+$0x100];
	[tilespmem:s24+$0x4110] =	vst v8;
	v5 =	vmul.f32 v5, v2  }
0x61: {  	v8 =	vld [tilespmem:s26+$0x4100];
	[tilespmem:s24+$0x4120] =	vst v7;
	v3 =	vmul.f32 v3, v2  }
0x62: {  	v11 =	vld [tilespmem:s26+$0x4110];
	[tilespmem:s24+$0x4130] =	vst v5;
	v4 =	vmul.f32 v4, v2  }
.Ltmp1:
0x63: {  	v7 =	vld [tilespmem:s26+$0x4120];
	[tilespmem:s24+$0x4140] =	vst v3;
	v6 =	vmul.f32 v6, v2;
	(pc) =	sbr.rel @p0 .LBB2_5-.Ltmp1, $4  }
0x64: {  	v5 =	vld [tilespmem:s26+$0x4130];
	[tilespmem:s24+$0x4150] =	vst v4;
	v12 =	vmul.f32 v9, v2  }
0x65: {  	v3 =	vld [tilespmem:s26+$0x4140];
	[tilespmem:s24+$0x4160] =	vst v6;
	v2 =	vmov v10  }
0x66: {  	v9 =	vmul.f32 v8, v2;
	v4 =	vld [tilespmem:s26+$0x4150];
	[tilespmem:s24+$0x4170] =	vst v12;
	s24 =	smov.u32 s26  }
0x67: {  	s25 =	sadd.s32 $0x200, s25;
	v8 =	vmul.f32 v11, v2;
	v6 =	vld [tilespmem:s24+$0x4160]  }
0x68: {  	[tilespmem:s24+$0x4100] =	vst v9;
	v7 =	vmul.f32 v7, v2;
	v63 =	vld [tilespmem:s24+$0x4170]  }
0x69: {  	[tilespmem:s24+$0x4110] =	vst v8;
	v5 =	vmul.f32 v5, v2  }
0x6a: {  	[tilespmem:s24+$0x4120] =	vst v7;
	v3 =	vmul.f32 v3, v2  }
0x6b: {  	[tilespmem:s24+$0x4130] =	vst v5;
	v4 =	vmul.f32 v4, v2  }
0x6c: {  	[tilespmem:s24+$0x4140] =	vst v3;
	v3 =	vmul.f32 v6, v2  }
0x6d: {  	s23 =	sadd.s32 $0x1, s23;
	[tilespmem:s24+$0x4150] =	vst v4;
	v2 =	vmul.f32 v63, v2  }
0x6e: {  	p0 =	sne.s32 s23, $0x50;
	[tilespmem:s24+$0x4160] =	vst v3  }
.Ltmp2:
0x6f: {  	[tilespmem:s24+$0x4170] =	vst v2;
	(pc) =	sbr.rel @p0 .LBB2_4-.Ltmp2, $4  }
0x70: {  	[spmem:s2] =	stream.indirect.scatter.add.f32 [tilespmem:s16], [sflag:$0x2], $0x80, s18, s18, $0xb8;
	[tilespmem:$0x1C100] =	vst v63  }
0x71: {  	_ =	swait.ge [sflag:s17], $0x4000  }
0x72: {  	[sflag:s17] =	ssyncset.done $0x0  }
0x73: {  	[sflag:s17] =	ssyncadd.s32 $0xFFFFC000  }
0x74: {  	s3 =	sadd.s32 $0x1, s3  }
0x75: {  	p0 =	sne.s32 s3, s15  }
.Ltmp3:
0x76: {  	[bflag:$0x0] =	sbarrier.arrive $0xFFFF;
	s22 =	sshrl.u32 s8, $0x3;
	(pc) =	sbr.rel @p0 .LBB2_1-.Ltmp3, $4  }
0x77: {  	[hbm:s14], [sflag:s21] =	dma.local [spmem:s22], $0x2800  }
0x78: {  	_ =	swait.ge [sflag:s17], $0x2800  }
0x79: {  	[sflag:s17] =	ssyncset.done $0x0  }
0x7a: {  	[sflag:s17] =	ssyncadd.s32 $0xFFFFD800  }
0x7b: {  	_ =	sfence.sel $0x180000  }
0x7c: {  	[bflag:$0x0] =	sbarrier.arrive $0xFFFF  }
0x7d: {  	p0 =	sne.s32 s1, $0x0;
	_ =	strace $0x90000056  }
0x7e: {  	s0 =	sadd.s32 @!p0 $0x100000, s0;
	[bflag:$0x2] =	sbarrier.arrive $0xFFFF  }
0x7f: {  	[sflag:s0] =	ssyncadd.tile.s32 @!p0 $0x1;
	_ =	shalt  }
.Lfunc_end2:
_tile_overlayer_lowered:
.L_overlay_start_2:
0x80: {  	(tag) =	ssettag $0x2  }
0x81: {  	s0 =	rddreg [dreg:$0x0];
	s2 =	stileid.u32  }
0x82: {  	s1 =	rddreg [dreg:$0x1];
	p0 =	sne.s32 s2, $0x0  }
0x83: {  	s3 =	rddreg [dreg:$0x2];
	[bflag:$0x3] =	sbarrier.arrive $0xFFFF;
	s2 =	simm.s32 @!p0 $0x1C02  }
0x84: {  	[timem:s3], [sflag:s2] =	dma.local @!p0 [hbm:s0], s1  }
0x85: {  	s0 =	simm.s32 @!p0 $0x2  }
0x86: {  	_ =	swait.ge @!p0 [sflag:s0], s1  }
0x87: {  	s1 =	ssub.s32 @!p0 $0x0, s1;
	[sflag:s0] =	ssyncset.done @!p0 $0x0  }
0x88: {  	[sflag:s0] =	ssyncadd.s32 @!p0 s1  }
0x89: {  	[bflag:$0x3] =	sbarrier.arrive $0xFFFF  }
0x8a: {  	_ =	shalt  }

// kernel: kernel.9.cloned.1.call-start
scs
__scs_entry_jumppad:
0x0: {  	(pc) =	sbr.rel $0x88, $3  }
0x1: {  	(tag) =	ssettag $0x0;
	lr =	simm.s32 $0x1  }
0x2: {  	[smem:$0x3F9A] =	sst lr;
	_ =	strace $0xD0000000  }
0x3: {  	_ = 	snop  }
0x4: {  	_ = 	snop  }
0x5: {  	_ = 	snop  }
0x6: {  	_ = 	snop  }
0x7: {  	_ = 	snop  }
__scs_overlays_trampoline_lowered:
0x8: {  	[smem:$0x3FA9] =	sst s0  }
0x9: {  	[smem:$0x3FAA] =	sst s1  }
0xa: {  	[smem:$0x3FAB] =	sst s2  }
0xb: {  	[smem:$0x3FAC] =	sst s3  }
0xc: {  	[smem:$0x3FAD] =	sst s4  }
0xd: {  	[smem:$0x3FAE] =	sst s5  }
0xe: {  	[smem:$0x3FAF] =	sst s6  }
0xf: {  	[smem:$0x3FB0] =	sst s7  }
0x10: {  	[smem:$0x3FB1] =	sst s8  }
0x11: {  	[smem:$0x3FB2] =	sst s9;
	s0 =	simm.s32 @!p0 $0x0  }
0x12: {  	s1 =	sld [smem:$0x3F98];
	s0 =	simm.s32 @p0 $0x1  }
0x13: {  	[smem:$0x3FB3] =	sst s0;
	s0 =	simm.s32 @!p1 $0x0  }
0x14: {  	s2 =	sld [smem:$0x3F97];
	s0 =	simm.s32 @p1 $0x1  }
0x15: {  	[smem:$0x3FB4] =	sst s0;
	s0 =	simm.s32 @!p2 $0x0  }
0x16: {  	s3 =	sld [smem:$0x3FDB];
	s0 =	simm.s32 @p2 $0x1  }
0x17: {  	s4 =	simm.s32 $0x1BF5;
	[smem:$0x3FB6] =	sst s0  }
0x18: {  	s0 =	sld [smem:$0x3F99];
	_ =	swait.ge [sflag:s4], $0x0  }
0x19: {  	s7 =	sld [smem:$0x3F9A]  }
0x1a: {  	s8 =	sadd.s32 $0xFFFFE003, lr  }
0x1b: {  	s9 =	sadd.s32 $0xFFFFFEF7, lr;
	s5 =	simm.s32 $0xFFFFFFFF;
	p2 =	slt.u32 s8, $0xFFFFF086  }
0x1c: {  	p1 =	slt.u32 s9, $0xF7A;
	s5 =	simm.s32 @!p2 $0x0  }
0x1d: {  	s5 =	simm.s32 @p1 $0x1;
	p0 =	seq.s32 s7, s2  }
0x1e: {  	s7 =	smul.u32 @!p0 $0xF7A, s2;
	p2 =	seq.s32 @!p0 s5, $0x0  }
0x1f: {  	s9 =	smul.u32 $0xF7A, s1;
	s8 =	simm.s32 @!p0 $0x1BF5;
	p2 =	por !p2, p0  }
0x20: {  	[sflag:s8] =	ssyncset.s32 @!p0 $0xFFFFF086;
	s6 =	sadd.s32 @!p0 s3, s7;
	s7 =	simm.s32 @!p0 $0x108  }
0x21: {  	s3 =	sadd.s32 s3, s9;
	s6 =	sadd.s32 @!p0 $0x88, s6;
	s7 =	simm.s32 @p2 $0x1082  }
0x22: {  	[simem:s7], [sflag:s8] =	dma.local @!p0 [hbm:s6], $0xF7A  }
0x23: {  	s9 =	sor.u32 $0xD0000000, s2;
	s6 =	simm.s32 $0x108;
	_ =	swait.ge @!p0 [sflag:s8], $0x0  }
0x24: {  	s3 =	sadd.s32 $0x88, s3;
	s6 =	simm.s32 @!p1 $0x1082;
	[sflag:s4] =	ssyncset.s32 $0xFFFFF086  }
0x25: {  	[simem:s6], [sflag:s4] =	dma.local [hbm:s3], $0xF7A  }
0x26: {  	[smem:$0x3F9A] =	sst s1;
	(tag) =	ssettag s2;
	_ =	strace s9  }
0x27: {  	s1 =	sld [smem:$0x3FAA]  }
0x28: {  	s2 =	sld [smem:$0x3FAB]  }
0x29: {  	s4 =	sld [smem:$0x3FAD]  }
0x2a: {  	p0 =	seq.s32 s5, $0x0;
	s5 =	sld [smem:$0x3FAE]  }
0x2b: {  	s6 =	sld [smem:$0x3FAF]  }
0x2c: {  	s7 =	sld [smem:$0x3FB0]  }
0x2d: {  	s3 =	simm.s32 $0x108;
	s8 =	sld [smem:$0x3FB1]  }
0x2e: {  	s3 =	simm.s32 @!p0 $0x1082;
	s9 =	sld [smem:$0x3FB2]  }
0x2f: {  	lr =	sadd.s32 s0, s3;
	s0 =	sld [smem:$0x3FA9]  }
0x30: {  	s3 =	sld [smem:$0x3FAC]  }
0x31: {  	[smem:$0x3FB5] =	sst s10  }
0x32: {  	s10 =	sld [smem:$0x3FB3];
	_ =	sdelay $0x3  }
0x33: {  	p0 =	seq.s32 s10, $0x1;
	s10 =	sld [smem:$0x3FB5];
	_ =	sdelay $0x3  }
0x34: {  	[smem:$0x3FB5] =	sst s10  }
0x35: {  	s10 =	sld [smem:$0x3FB4];
	_ =	sdelay $0x3  }
0x36: {  	p1 =	seq.s32 s10, $0x1;
	s10 =	sld [smem:$0x3FB5];
	_ =	sdelay $0x3  }
0x37: {  	[smem:$0x3FB5] =	sst s10  }
0x38: {  	s10 =	sld [smem:$0x3FB6]  }
0x39: {  	_ = 	snop;
	(pc) =	sbr.ind lr, $3  }
0x3a: {  	_ = 	snop  }
0x3b: {  	_ = 	snop  }
0x3c: {  	p2 =	seq.s32 s10, $0x1;
	s10 =	sld [smem:$0x3FB5]  }
0x3d: {  	_ =	shalt  }
0x3e: {  	_ =	shalt  }
0x3f: {  	_ =	shalt  }
0x40: {  	_ =	shalt  }
0x41: {  	_ =	shalt  }
0x42: {  	_ =	shalt  }
0x43: {  	_ =	shalt  }
0x44: {  	_ =	shalt  }
0x45: {  	_ =	shalt  }
0x46: {  	_ =	shalt  }
0x47: {  	_ =	shalt  }
0x48: {  	_ =	shalt  }
0x49: {  	_ =	shalt  }
0x4a: {  	_ =	shalt  }
0x4b: {  	_ =	shalt  }
0x4c: {  	_ =	shalt  }
0x4d: {  	_ =	shalt  }
0x4e: {  	_ =	shalt  }
0x4f: {  	_ =	shalt  }
0x50: {  	_ =	shalt  }
0x51: {  	_ =	shalt  }
0x52: {  	_ =	shalt  }
0x53: {  	_ =	shalt  }
0x54: {  	_ =	shalt  }
0x55: {  	_ =	shalt  }
0x56: {  	_ =	shalt  }
0x57: {  	_ =	shalt  }
0x58: {  	_ =	shalt  }
0x59: {  	_ =	shalt  }
0x5a: {  	_ =	shalt  }
0x5b: {  	_ =	shalt  }
0x5c: {  	_ =	shalt  }
0x5d: {  	_ =	shalt  }
0x5e: {  	_ =	shalt  }
0x5f: {  	_ =	shalt  }
0x60: {  	_ =	shalt  }
0x61: {  	_ =	shalt  }
0x62: {  	_ =	shalt  }
0x63: {  	_ =	shalt  }
0x64: {  	_ =	shalt  }
0x65: {  	_ =	shalt  }
0x66: {  	_ =	shalt  }
0x67: {  	_ =	shalt  }
0x68: {  	_ =	shalt  }
0x69: {  	_ =	shalt  }
0x6a: {  	_ =	shalt  }
0x6b: {  	_ =	shalt  }
0x6c: {  	_ =	shalt  }
0x6d: {  	_ =	shalt  }
0x6e: {  	_ =	shalt  }
0x6f: {  	_ =	shalt  }
0x70: {  	_ =	shalt  }
0x71: {  	_ =	shalt  }
0x72: {  	_ =	shalt  }
0x73: {  	_ =	shalt  }
0x74: {  	_ =	shalt  }
0x75: {  	_ =	shalt  }
0x76: {  	_ =	shalt  }
0x77: {  	_ =	shalt  }
0x78: {  	_ =	shalt  }
0x79: {  	_ =	shalt  }
0x7a: {  	_ =	shalt  }
0x7b: {  	_ =	shalt  }
0x7c: {  	_ =	shalt  }
0x7d: {  	_ =	shalt  }
0x7e: {  	_ =	shalt  }
0x7f: {  	_ =	shalt  }
0x80: {  	_ =	shalt  }
0x81: {  	_ =	shalt  }
0x82: {  	_ =	shalt  }
0x83: {  	_ =	shalt  }
0x84: {  	_ =	shalt  }
0x85: {  	_ =	shalt  }
0x86: {  	_ =	shalt  }
0x87: {  	_ =	shalt  }
.Lfunc_end0:
.L_simem_size_0:
called_computation.3_lowered:
.L_overlay_start_0:
0x88: {  	s2 =	sld [smem:$0x3FD9]  }
0x89: {  	s3 =	sld [smem:$0x3FFE];
	_ =	sdelay $0x1  }
0x8a: {  	s1 =	srdreg.scid  }
0x8b: {  	s0 =	sand.u32 $0x1, s1  }
0x8c: {  	s17 =	sshll.u32 s0, $0xA;
	s2 =	sadd.s32 s3, s2  }
0x8d: {  	s2 =	sadd.s32 s2, s17  }
0x8e: {  	[smem:$0x3FC1] =	sst s2  }
0x8f: {  	_ = 	snop  }
0x90: {  	s2 =	sld [smem:$0x3FD0];
	(tm) =	ssettm $0x1  }
0x91: {  	s18 =	sld [smem:$0x3FFB];
	_ =	sdelay $0x3  }
0x92: {  	_ =	strace s18  }
0x93: {  	s3 =	sld [smem:$0x3FFC];
	_ =	sdelay $0x3  }
0x94: {  	_ =	strace s3  }
0x95: {  	s3 =	sld [smem:$0x3FFD];
	_ =	sdelay $0x3  }
0x96: {  	_ =	strace s3  }
0x97: {  	_ =	strace $0x8FFFFFFF  }
0x98: {  	s19 =	sld [smem:$0x3FDB];
	_ =	sdelay $0x1  }
0x99: {  	s4 =	simm.s32 $_scs_section_size  }
0x9a: {  	s5 =	simm.s32 $_size__tile_overlayer_lowered;
	s6 =	simm.s32 $_tile_overlayer_lowered  }
0x9b: {  	s22 =	simm.s32 $0x1BFF;
	s21 =	sshll.u32 s6, $0x1;
	s3 =	sadd.s32 s4, s19  }
0x9c: {  	s7 =	simm.s32 $0x0;
	s20 =	sshll.u32 s5, $0x1;
	s5 =	sadd.s32 s21, s3  }
0x9d: {  	[timem:s7], [sflag:s22] =	dma.local [hbm:s5], s20  }
0x9e: {  	_ =	swait.ge [sflag:s22], s20  }
0x9f: {  	s4 =	ssub.s32 $0x0, s20;
	[sflag:s22] =	ssyncset.done $0x0  }
0xa0: {  	[sflag:s22] =	ssyncadd.s32 s4;
	_ =	sdelay $0x1  }
0xa1: {  	s23 =	simm.s32 $0x1B8B  }
0xa2: {  	_ =	swait.ge [sflag:s23], $0x1  }
0xa3: {  	[sflag:s23] =	ssyncset.done $0x0  }
0xa4: {  	s25 =	simm.s32 $0x1B8E;
	s24 =	sld [smem:$0x3FFE];
	[sflag:s23] =	ssyncadd.s32 $0xFFFFFFFF  }
0xa5: {  	s26 =	simm.s32 $execute0_lowered;
	[smem:$0x3FD2] =	sst s25  }
0xa6: {  	s5 =	sshll.u32 s26, $0x1;
	_ =	strace $0x80000046;
	[dreg:$0x1] =	wrdreg $0xFFFFFFFF  }
0xa7: {  	s28 =	simm.s32 $_size_execute0_lowered;
	s3 =	sadd.s32 s3, s5;
	[dreg:$0x0] =	wrdreg $0x0  }
0xa8: {  	s5 =	sshll.u32 s28, $0x1;
	[dreg:$0x2] =	wrdreg s3  }
0xa9: {  	[dreg:$0x3] =	wrdreg s5  }
0xaa: {  	[dreg:$0x4] =	wrdreg $0xC0  }
0xab: {  	_ =	task [dreg:s7], $0x5FFFF  }
0xac: {  	[dreg:$0x1] =	wrdreg $0xFFFFFFFF  }
0xad: {  	[dreg:$0x0] =	wrdreg $0x60  }
0xae: {  	[dreg:$0x2] =	wrdreg s2  }
0xaf: {  	[dreg:$0x3] =	wrdreg s24  }
0xb0: {  	[dreg:$0x4] =	wrdreg $0x9  }
0xb1: {  	_ =	task.clear_ibuf [dreg:s7], $0x5FFFF;
	_ =	strace $0x90000046  }
0xb2: {  	s29 =	simm.s32 $0x9;
	_ =	strace $0x80000048  }
0xb3: {  	_ =	swait.ge [sflag:s29], $0x1  }
0xb4: {  	[sflag:s29] =	ssyncadd.s32 $0xFFFFFFFF  }
0xb5: {  	_ =	strace $0x90000048  }
0xb6: {  	_ =	sfence  }
0xb7: {  	s30 =	sld [smem:$0x0];
	_ =	sdelay $0x2  }
0xb8: {  	s31 =	sshll.u32 s1, $0xD;
	s1 =	sshrl.u32 s1, $0x2  }
0xb9: {  	s3 =	sand.u32 $0x4000, s31;
	s1 =	sadd.s32 s1, s30  }
0xba: {  	s0 =	sor.u32 s3, s0;
	s1 =	sshll.u32 s1, $0x11  }
0xbb: {  	s0 =	sor.u32 s1, s0  }
0xbc: {  	s0 =	sadd.s32 $0x8F2B, s0  }
0xbd: {  	[sflag:s0] =	ssyncadd.remote.s32 $0x1  }
0xbe: {  	_ =	sfence.sel $0xFFFF  }
0xbf: {  	[dreg:$0x0] =	wrdreg $0xFFFFFFFF;
	(pc) =	sbr.abs _section_cstart, $3  }
0xc0: {  	[dreg:$0x1] =	wrdreg $0xFFFFFFFF  }
0xc1: {  	_ =	task.clear_ibuf [dreg:s7], $0x2FFFF;
	_ =	strace $0x9FFFFFFF  }
0xc2: {  	(tm) =	ssettm $0x7FFFFFFF  }
0xc3: {  	_ =	shalt  }
tec
execute0_lowered:
.L_overlay_start_1:
0x0: {  	(tag) =	ssettag $0x1  }
0x1: {  	s2 =	rddreg [dreg:$0x0]  }
0x2: {  	s4 =	rddreg [dreg:$0x1]  }
0x3: {  	s0 =	rddreg [dreg:$0x2];
	s5 =	srdreg.scid  }
0x4: {  	s1 =	stileid.u32;
	s3 =	simm.s32 $0x0;
	s18 =	simm.s32 $0x4100  }
0x5: {  	s19 =	simm.s32 $0x0;
	s8 =	sand.u32 $0x1, s5;
	s28 =	sshll.u32 s1, $0x1  }
0x6: {  	[smem:$0x7FF] =	sst s3;
	s10 =	sadd.s32 $0x7C00, s4;
	s14 =	smul.u32 $0x2710, s1  }
0x7: {  	s12 =	sadd.s32 $0x2C00, s4;
	s9 =	sadd.s32 $0xCC00, s4;
	s16 =	smul.u32 $0x27100, s1  }
0x8: {  	s5 =	sor.u32 s8, s28;
	s6 =	ssub.s32 $0x2, s8;
	s15 =	smul.u32 $0x1388, s8  }
0x9: {  	s11 =	sadd.s32 $0x27DC00, s4;
	s5 =	smul.u32 $0x1388, s5;
	s29 =	sshrl.u32 s6, $0x1  }
0xa: {  	_ =	strace $0x80000047;
	s17 =	smul.u32 $0x13880, s8;
	s13 =	ssub.s32 s6, s29  }
0xb: {  	s14 =	sadd.s32 s15, s14;
	s15 =	simm.s32 $0x1;
	s5 =	sadd.s32 $0x1380, s5  }
0xc: {  	s8 =	smax.u32 s13, $0x1;
	s31 =	sshrl.u32 s14, $0x3;
	s13 =	simm.s32 $0x2  }
0xd: {  	s14 =	simm.s32 $0x80;
	s30 =	sshrl.u32 s5, $0x3;
	s7 =	sshll.u32 s5, $0x4  }
0xe: {  	s4 =	sadd.s32 s10, s30;
	s5 =	sadd.s32 s9, s7;
	s6 =	sadd.s32 s12, s30  }
0xf: {  	s7 =	sadd.s32 s11, s7;
	s9 =	sadd.s32 s16, s9;
	s10 =	sadd.s32 s31, s10  }
0x10: {  	s11 =	sadd.s32 s16, s11;
	s12 =	sadd.s32 s31, s12;
	s16 =	simm.s32 $0x4080  }
0x11: {  	s9 =	sadd.s32 s17, s9;
	s11 =	sadd.s32 s17, s11;
	s17 =	simm.s32 $0x8  }
.LBB2_1:
0x12: {  	s20 =	sadd.s32 $0x0, s10  }
0x13: {  	[tilespmem:s3], [sflag:$0x2] =	stream.linear.gather [hbm4b:s20+s3], $0x80, $0x38;
	[tilespmem:$0x4500] =	vst v63  }
0x14: {  	_ =	swait.ge [sflag:s13], $0x80  }
0x15: {  	[sflag:s13] =	ssyncset.done $0x0  }
0x16: {  	[sflag:s13] =	ssyncadd.s32 $0xFFFFFF80  }
0x17: {  	[tilespmem:s14], [sflag:$0x1] =	stream.indirect.gather [hbm4b:s2+s14], $0x80, s3, s14, $0xb8;
	[tilespmem:$0x4500] =	vst v63  }
0x18: {  	_ =	swait.ge [sflag:s15], $0x4000  }
0x19: {  	[sflag:s15] =	ssyncset.done $0x0  }
0x1a: {  	[sflag:s15] =	ssyncadd.s32 $0xFFFFC000  }
0x1b: {  	[hbm4b:s9+s3] =	stream.linear.scatter [tilespmem:s14], [sflag:$0x2], $0x4000, $0x38;
	[tilespmem:$0x4500] =	vst v63  }
0x1c: {  	s21 =	simm.s32 $0x10;
	_ =	swait.ge [sflag:s13], $0x4000  }
0x1d: {  	s22 =	simm.s32 $0x20;
	s20 =	sadd.s32 $0x800, s9;
	[sflag:s13] =	ssyncset.done $0x0  }
.LBB2_2:
0x1e: {  	s23 =	sadd.s32 s21, s10  }
0x1f: {  	[sflag:s13] =	ssyncadd.s32 $0xFFFFC000;
	s21 =	smov.u32 s22;
	s24 =	sadd.s32 $0x10, s22  }
0x20: {  	[tilespmem:s3], [sflag:$0x2] =	stream.linear.gather [hbm4b:s23+s3], $0x80, $0x38;
	[tilespmem:$0x4500] =	vst v63  }
0x21: {  	p0 =	sne.s32 s22, $0x260;
	_ =	swait.ge [sflag:s13], $0x80  }
0x22: {  	[sflag:s13] =	ssyncset.done $0x0  }
0x23: {  	[sflag:s13] =	ssyncadd.s32 $0xFFFFFF80  }
0x24: {  	[tilespmem:s14], [sflag:$0x1] =	stream.indirect.gather [hbm4b:s2+s14], $0x80, s3, s14, $0xb8;
	[tilespmem:$0x4500] =	vst v63  }
0x25: {  	_ =	swait.ge [sflag:s15], $0x4000  }
.Ltmp0:
0x26: {  	[sflag:s15] =	ssyncset.done $0x0;
	(pc) =	sbr.rel @p0 .LBB2_2-.Ltmp0, $4  }
0x27: {  	[sflag:s15] =	ssyncadd.s32 $0xFFFFC000  }
0x28: {  	[hbm4b:s20+s3] =	stream.linear.scatter [tilespmem:s14], [sflag:$0x2], $0x4000, $0x38;
	[tilespmem:$0x4500] =	vst v63  }
0x29: {  	_ =	swait.ge [sflag:s13], $0x4000  }
0x2a: {  	s22 =	smov.u32 s24;
	s20 =	sadd.s32 $0x800, s20;
	[sflag:s13] =	ssyncset.done $0x0  }
0x2b: {  	s21 =	sadd.s32 s21, s10;
	[sflag:s13] =	ssyncadd.s32 $0xFFFFC000  }
0x2c: {  	[tilespmem:s3], [sflag:$0x2] =	stream.linear.gather [hbm4b:s21+s3], $0x80, $0x38;
	[tilespmem:$0x4500] =	vst v63  }
0x2d: {  	_ =	swait.ge [sflag:s13], $0x80  }
0x2e: {  	[sflag:s13] =	ssyncset.done $0x0  }
0x2f: {  	[sflag:s13] =	ssyncadd.s32 $0xFFFFFF80  }
0x30: {  	[tilespmem:s14], [sflag:$0x1] =	stream.indirect.gather [hbm4b:s2+s14], $0x80, s3, s14, $0xb8;
	[tilespmem:$0x4500] =	vst v63  }
0x31: {  	_ =	swait.ge [sflag:s15], $0x4000  }
0x32: {  	[sflag:s15] =	ssyncset.done $0x0  }
0x33: {  	[sflag:s15] =	ssyncadd.s32 $0xFFFFC000  }
0x34: {  	[hbm4b:s20+s3] =	stream.linear.scatter [tilespmem:s14], [sflag:$0x2], $0x4000, $0x38;
	[tilespmem:$0x4500] =	vst v63  }
0x35: {  	_ =	swait.ge [sflag:s13], $0x4000  }
0x36: {  	[sflag:s13] =	ssyncset.done $0x0  }
0x37: {  	s30 =	simm.s32 $0x0;
	[sflag:s13] =	ssyncadd.s32 $0xFFFFC000  }
0x38: {  	[tilespmem:s16], [sflag:$0x2] =	stream.linear.gather [hbm4b:s4+s30], $0x8, $0x38;
	[tilespmem:$0x4500] =	vst v63  }
0x39: {  	_ =	swait.ge [sflag:s13], $0x8  }
0x3a: {  	[sflag:s13] =	ssyncset.done $0x0  }
0x3b: {  	[sflag:s13] =	ssyncadd.s32 $0xFFFFFFF8  }
0x3c: {  	[tilespmem:s18], [sflag:$0x1] =	stream.indirect.gather [hbm4b:s2+s17], $0x80, s16, s17, $0xb8;
	[tilespmem:$0x4500] =	vst v63  }
0x3d: {  	_ =	swait.ge [sflag:s15], $0x400  }
0x3e: {  	[sflag:s15] =	ssyncset.done $0x0  }
0x3f: {  	[sflag:s15] =	ssyncadd.s32 $0xFFFFFC00  }
0x40: {  	[hbm4b:s5+s30] =	stream.linear.scatter [tilespmem:s18], [sflag:$0x2], $0x400, $0x38;
	[tilespmem:$0x4500] =	vst v63  }
0x41: {  	_ =	swait.ge [sflag:s13], $0x400  }
0x42: {  	[sflag:s13] =	ssyncset.done $0x0  }
0x43: {  	s31 =	sadd.s32 $0x0, s12;
	[sflag:s13] =	ssyncadd.s32 $0xFFFFFC00  }
0x44: {  	[tilespmem:s3], [sflag:$0x2] =	stream.linear.gather [hbm4b:s31+s3], $0x80, $0x38;
	[tilespmem:$0x4500] =	vst v63  }
0x45: {  	_ =	swait.ge [sflag:s13], $0x80  }
0x46: {  	[sflag:s13] =	ssyncset.done $0x0  }
0x47: {  	[sflag:s13] =	ssyncadd.s32 $0xFFFFFF80  }
0x48: {  	[tilespmem:s14], [sflag:$0x1] =	stream.indirect.gather [hbm4b:s2+s14], $0x80, s3, s14, $0xb8;
	[tilespmem:$0x4500] =	vst v63  }
0x49: {  	_ =	swait.ge [sflag:s15], $0x4000  }
0x4a: {  	[sflag:s15] =	ssyncset.done $0x0  }
0x4b: {  	[sflag:s15] =	ssyncadd.s32 $0xFFFFC000  }
0x4c: {  	[hbm4b:s11+s3] =	stream.linear.scatter [tilespmem:s14], [sflag:$0x2], $0x4000, $0x38;
	[tilespmem:$0x4500] =	vst v63  }
0x4d: {  	s22 =	simm.s32 $0x20;
	_ =	swait.ge [sflag:s13], $0x4000  }
0x4e: {  	s21 =	simm.s32 $0x10;
	s20 =	sadd.s32 $0x800, s11;
	[sflag:s13] =	ssyncset.done $0x0  }
.LBB2_4:
0x4f: {  	s23 =	sadd.s32 s21, s12  }
0x50: {  	[sflag:s13] =	ssyncadd.s32 $0xFFFFC000;
	s21 =	smov.u32 s22;
	s24 =	sadd.s32 $0x10, s22  }
0x51: {  	[tilespmem:s3], [sflag:$0x2] =	stream.linear.gather [hbm4b:s23+s3], $0x80, $0x38;
	[tilespmem:$0x4500] =	vst v63  }
0x52: {  	p0 =	sne.s32 s22, $0x260;
	_ =	swait.ge [sflag:s13], $0x80  }
0x53: {  	[sflag:s13] =	ssyncset.done $0x0  }
0x54: {  	[sflag:s13] =	ssyncadd.s32 $0xFFFFFF80  }
0x55: {  	[tilespmem:s14], [sflag:$0x1] =	stream.indirect.gather [hbm4b:s2+s14], $0x80, s3, s14, $0xb8;
	[tilespmem:$0x4500] =	vst v63  }
0x56: {  	_ =	swait.ge [sflag:s15], $0x4000  }
.Ltmp1:
0x57: {  	[sflag:s15] =	ssyncset.done $0x0;
	(pc) =	sbr.rel @p0 .LBB2_4-.Ltmp1, $4  }
0x58: {  	[sflag:s15] =	ssyncadd.s32 $0xFFFFC000  }
0x59: {  	[hbm4b:s20+s3] =	stream.linear.scatter [tilespmem:s14], [sflag:$0x2], $0x4000, $0x38;
	[tilespmem:$0x4500] =	vst v63  }
0x5a: {  	_ =	swait.ge [sflag:s13], $0x4000  }
0x5b: {  	s22 =	smov.u32 s24;
	s20 =	sadd.s32 $0x800, s20;
	[sflag:s13] =	ssyncset.done $0x0  }
0x5c: {  	s21 =	sadd.s32 s21, s12;
	[sflag:s13] =	ssyncadd.s32 $0xFFFFC000  }
0x5d: {  	[tilespmem:s3], [sflag:$0x2] =	stream.linear.gather [hbm4b:s21+s3], $0x80, $0x38;
	[tilespmem:$0x4500] =	vst v63  }
0x5e: {  	_ =	swait.ge [sflag:s13], $0x80  }
0x5f: {  	[sflag:s13] =	ssyncset.done $0x0  }
0x60: {  	[sflag:s13] =	ssyncadd.s32 $0xFFFFFF80  }
0x61: {  	[tilespmem:s14], [sflag:$0x1] =	stream.indirect.gather [hbm4b:s2+s14], $0x80, s3, s14, $0xb8;
	[tilespmem:$0x4500] =	vst v63  }
0x62: {  	_ =	swait.ge [sflag:s15], $0x4000  }
0x63: {  	[sflag:s15] =	ssyncset.done $0x0  }
0x64: {  	[sflag:s15] =	ssyncadd.s32 $0xFFFFC000  }
0x65: {  	[hbm4b:s20+s3] =	stream.linear.scatter [tilespmem:s14], [sflag:$0x2], $0x4000, $0x38;
	[tilespmem:$0x4500] =	vst v63  }
0x66: {  	_ =	swait.ge [sflag:s13], $0x4000  }
0x67: {  	[sflag:s13] =	ssyncset.done $0x0  }
0x68: {  	[sflag:s13] =	ssyncadd.s32 $0xFFFFC000  }
0x69: {  	[tilespmem:s16], [sflag:$0x2] =	stream.linear.gather [hbm4b:s6+s3], $0x8, $0x38;
	[tilespmem:$0x4500] =	vst v63  }
0x6a: {  	_ =	swait.ge [sflag:s13], $0x8  }
0x6b: {  	[sflag:s13] =	ssyncset.done $0x0  }
0x6c: {  	[sflag:s13] =	ssyncadd.s32 $0xFFFFFFF8  }
0x6d: {  	[tilespmem:s18], [sflag:$0x1] =	stream.indirect.gather [hbm4b:s2+s17], $0x80, s16, s17, $0xb8;
	[tilespmem:$0x4500] =	vst v63  }
0x6e: {  	s19 =	sadd.s32 $0x1, s19;
	_ =	swait.ge [sflag:s15], $0x400  }
0x6f: {  	p0 =	sne.s32 s19, s8;
	[sflag:s15] =	ssyncset.done $0x0  }
.Ltmp2:
0x70: {  	[sflag:s15] =	ssyncadd.s32 $0xFFFFFC00;
	(pc) =	sbr.rel @p0 .LBB2_1-.Ltmp2, $4  }
0x71: {  	[hbm4b:s7+s3] =	stream.linear.scatter [tilespmem:s18], [sflag:$0x2], $0x400, $0x38;
	[tilespmem:$0x4500] =	vst v63  }
0x72: {  	_ =	swait.ge [sflag:s13], $0x400  }
0x73: {  	[sflag:s13] =	ssyncset.done $0x0  }
0x74: {  	[sflag:s13] =	ssyncadd.s32 $0xFFFFFC00  }
0x75: {  	_ =	sfence.sel $0x180000  }
0x76: {  	[bflag:$0x0] =	sbarrier.arrive $0xFFFF  }
0x77: {  	p0 =	sne.s32 s1, $0x0;
	_ =	strace $0x90000047  }
0x78: {  	s0 =	sadd.s32 @!p0 $0x100000, s0;
	[bflag:$0x2] =	sbarrier.arrive $0xFFFF  }
0x79: {  	[sflag:s0] =	ssyncadd.tile.s32 @!p0 $0x1;
	_ =	shalt  }
.Lfunc_end2:
_tile_overlayer_lowered:
.L_overlay_start_2:
0x7a: {  	(tag) =	ssettag $0x2  }
0x7b: {  	s0 =	rddreg [dreg:$0x0];
	s2 =	stileid.u32  }
0x7c: {  	s1 =	rddreg [dreg:$0x1];
	p0 =	sne.s32 s2, $0x0  }
0x7d: {  	s3 =	rddreg [dreg:$0x2];
	[bflag:$0x3] =	sbarrier.arrive $0xFFFF;
	s2 =	simm.s32 @!p0 $0x1C02  }
0x7e: {  	[timem:s3], [sflag:s2] =	dma.local @!p0 [hbm:s0], s1  }
0x7f: {  	s0 =	simm.s32 @!p0 $0x2  }
0x80: {  	_ =	swait.ge @!p0 [sflag:s0], s1  }
0x81: {  	s1 =	ssub.s32 @!p0 $0x0, s1;
	[sflag:s0] =	ssyncset.done @!p0 $0x0  }
0x82: {  	[sflag:s0] =	ssyncadd.s32 @!p0 s1  }
0x83: {  	[bflag:$0x3] =	sbarrier.arrive $0xFFFF  }
0x84: {  	_ =	shalt  }

// kernel: sparse-core-data-format-call.1.cloned.1.call-start
scs
called_computation.1_lowered:
.L_overlay_start_0:
0x0: {  	s2 =	sld [smem:$0x3FD9]  }
0x1: {  	s3 =	sld [smem:$0x3FFE];
	_ =	sdelay $0x1  }
0x2: {  	s1 =	srdreg.scid  }
0x3: {  	s0 =	sand.u32 $0x1, s1  }
0x4: {  	s18 =	sshll.u32 s0, $0xA;
	s2 =	sadd.s32 s3, s2  }
0x5: {  	s2 =	sadd.s32 s2, s18  }
0x6: {  	[smem:$0x3FC1] =	sst s2  }
0x7: {  	_ = 	snop  }
0x8: {  	(tm) =	ssettm $0x1  }
0x9: {  	s19 =	sld [smem:$0x3FFB];
	_ =	sdelay $0x3  }
0xa: {  	_ =	strace s19  }
0xb: {  	s2 =	sld [smem:$0x3FFC];
	_ =	sdelay $0x3  }
0xc: {  	_ =	strace s2  }
0xd: {  	s2 =	sld [smem:$0x3FFD];
	_ =	sdelay $0x3  }
0xe: {  	_ =	strace s2  }
0xf: {  	_ =	strace $0x8FFFFFFF  }
0x10: {  	s20 =	sld [smem:$0x3FDB];
	_ =	sdelay $0x1  }
0x11: {  	s21 =	simm.s32 $_scs_section_size  }
0x12: {  	s4 =	simm.s32 $_size__tile_overlayer_lowered;
	s5 =	simm.s32 $_tile_overlayer_lowered  }
0x13: {  	s6 =	simm.s32 $0x1BFF;
	s22 =	sshll.u32 s5, $0x1;
	s3 =	sadd.s32 s21, s20  }
0x14: {  	s23 =	simm.s32 $0x0;
	s4 =	sshll.u32 s4, $0x1;
	s5 =	sadd.s32 s22, s3  }
0x15: {  	[timem:s23], [sflag:s6] =	dma.local [hbm:s5], s4  }
0x16: {  	_ =	swait.ge [sflag:s6], s4  }
0x17: {  	s4 =	ssub.s32 $0x0, s4;
	[sflag:s6] =	ssyncset.done $0x0  }
0x18: {  	[sflag:s6] =	ssyncadd.s32 s4;
	_ =	sdelay $0x1  }
0x19: {  	s24 =	simm.s32 $0x1B8B  }
0x1a: {  	_ =	swait.ge [sflag:s24], $0x1  }
0x1b: {  	[sflag:s24] =	ssyncset.done $0x0  }
0x1c: {  	[sflag:s24] =	ssyncadd.s32 $0xFFFFFFFF  }
0x1d: {  	s4 =	sld [smem:$0x0]  }
0x1e: {  	s5 =	sand.u32 $0xFFFFFFFE, s1  }
0x1f: {  	p0 =	sne.s32 s1, s5  }
0x20: {  	s5 =	sshll.u32 @p0 s5, $0xE  }
0x21: {  	s5 =	sadd.s32 @p0 $0x11B8D, s5;
	s6 =	sshll.u32 @p0 s4, $0x11  }
0x22: {  	s5 =	sor.u32 @p0 s6, s5  }
0x23: {  	[sflag:s5] =	ssyncadd.remote.s32 @p0 $0x1;
	_ =	sdelay $0x1  }
0x24: {  	s5 =	simm.s32 @p0 $0x1B8D  }
0x25: {  	_ =	swait.eq @p0 [sflag:s5], $0x1  }
0x26: {  	[sflag:s5] =	ssyncadd.s32 @p0 $0xFFFFFFFF  }
0x27: {  	s6 =	sshll.u32 @!p0 s1, $0xE  }
0x28: {  	s6 =	sor.u32 @!p0 $0x4000, s6;
	s5 =	simm.s32 @!p0 $0x1B8D  }
0x29: {  	s4 =	sshll.u32 @!p0 s4, $0x11;
	s6 =	sadd.s32 @!p0 $0x11B8D, s6;
	_ =	swait.eq @!p0 [sflag:s5], $0x1  }
0x2a: {  	s4 =	sor.u32 @!p0 s4, s6;
	[sflag:s5] =	ssyncadd.s32 @!p0 $0xFFFFFFFF  }
0x2b: {  	s26 =	simm.s32 $0x1B8E;
	s25 =	sld [smem:$0x3FFE];
	[sflag:s4] =	ssyncadd.remote.s32 @!p0 $0x1  }
0x2c: {  	s27 =	simm.s32 $execute0_lowered;
	[smem:$0x3FD2] =	sst s26  }
0x2d: {  	s5 =	sshll.u32 s27, $0x1;
	_ =	strace $0x8000004C;
	[dreg:$0x1] =	wrdreg $0xFFFFFFFF  }
0x2e: {  	s28 =	simm.s32 $_size_execute0_lowered;
	s3 =	sadd.s32 s3, s5;
	[dreg:$0x0] =	wrdreg $0x0  }
0x2f: {  	s5 =	sshll.u32 s28, $0x1;
	[dreg:$0x2] =	wrdreg s3  }
0x30: {  	[dreg:$0x3] =	wrdreg s5  }
0x31: {  	[dreg:$0x4] =	wrdreg $0xC0  }
0x32: {  	_ =	task [dreg:s23], $0x5FFFF  }
0x33: {  	[dreg:$0x1] =	wrdreg $0xFFFFFFFF  }
0x34: {  	[dreg:$0x0] =	wrdreg $0x60  }
0x35: {  	[dreg:$0x2] =	wrdreg s25  }
0x36: {  	[dreg:$0x3] =	wrdreg $0x9  }
0x37: {  	_ =	task.clear_ibuf [dreg:s23], $0x4FFFF;
	_ =	strace $0x9000004C  }
0x38: {  	s29 =	simm.s32 $0x9;
	_ =	strace $0x8000004E  }
0x39: {  	_ =	swait.ge [sflag:s29], $0x1  }
0x3a: {  	[sflag:s29] =	ssyncadd.s32 $0xFFFFFFFF  }
0x3b: {  	_ =	strace $0x9000004E  }
0x3c: {  	_ =	sfence  }
0x3d: {  	s30 =	sld [smem:$0x0];
	_ =	sdelay $0x2  }
0x3e: {  	s31 =	sshll.u32 s1, $0xD;
	s1 =	sshrl.u32 s1, $0x2  }
0x3f: {  	s4 =	sand.u32 $0x4000, s31;
	s1 =	sadd.s32 s1, s30  }
0x40: {  	s0 =	sor.u32 s4, s0;
	s1 =	sshll.u32 s1, $0x11  }
0x41: {  	s0 =	sor.u32 s1, s0  }
0x42: {  	s0 =	sadd.s32 $0x8F2B, s0  }
0x43: {  	[sflag:s0] =	ssyncadd.remote.s32 $0x1  }
0x44: {  	_ =	sfence.sel $0xFFFF  }
0x45: {  	[dreg:$0x0] =	wrdreg $0xFFFFFFFF;
	(pc) =	sbr.abs _section_cstart, $3  }
0x46: {  	[dreg:$0x1] =	wrdreg $0xFFFFFFFF  }
0x47: {  	_ =	task.clear_ibuf [dreg:s23], $0x2FFFF;
	_ =	strace $0x9FFFFFFF  }
0x48: {  	(tm) =	ssettm $0x7FFFFFFF  }
0x49: {  	_ =	shalt  }
tec
execute0_lowered:
.L_overlay_start_1:
0x0: {  	(tag) =	ssettag $0x1  }
0x1: {  	s0 =	srdreg.scid;
	s4 =	rddreg [dreg:$0x0]  }
0x2: {  	s1 =	stileid.u32;
	s5 =	simm.s32 $0x1;
	s7 =	simm.s32 $0x2  }
0x3: {  	s8 =	simm.s32 $0x0;
	p0 =	por $0x0, $0x0;
	s2 =	sshll.u32 s0, $0x4  }
.Ltmp0:
0x4: {  	s11 =	simm.s32 $0x0;
	s3 =	sand.u32 $0x10, s2;
	(pc) =	sbr.rel .LBB1_1-.Ltmp0, $4  }
0x5: {  	s0 =	rddreg [dreg:$0x1];
	_ =	strace $0x8000004D;
	s3 =	sor.u32 s1, s3  }
0x6: {  	s10 =	simm.s32 $0x0;
	s2 =	sadd.s32 $0x27DC00, s4;
	s6 =	ssub.s32 $0x501, s3  }
0x7: {  	s4 =	sadd.s32 $0x75FC00, s4;
	[sflag:s5] =	ssyncpa.u1 $0x0;
	s6 =	sshrl.u32 s6, $0x5  }
0x8: {  	[sflag:s7] =	ssyncpa.u1 $0x0;
	s9 =	smov.u32 s3;
	s7 =	sadd.s32 $0x1, s6  }
.LBB1_4:
0x9: {  	v5 =	vld [tilespmem:s15+$0xFFFFFFD0];
	[tilespmem:s14+$0x2040 ss:$0x81] =	vst.msk $0xffff, v1  }
0xa: {  	v58 =	vld [tilespmem:s15+$0xFFFFFFE0];
	[tilespmem:s14+$0x2850 ss:$0x81] =	vst.msk $0xffff, v2  }
0xb: {  	s16 =	sshra.s32 s16, $0x2;
	v59 =	vld [tilespmem:s15+$0xFFFFFFF0];
	[tilespmem:s14+$0x3060 ss:$0x81] =	vst.msk $0xffff, v3  }
0xc: {  	v60 =	vld [tilespmem:s15+$0x0];
	[tilespmem:s14+$0x0 ss:$0x81] =	vst.msk $0xffff, v0;
	s13 =	sadd.s32 s16, s13  }
0xd: {  	v61 =	vld [tilespmem:s15+$0x10];
	[tilespmem:s13+$0x3870 ss:$0x81] =	vst.msk $0xffff, v4  }
0xe: {  	v62 =	vld [tilespmem:s15+$0x20];
	[tilespmem:s13+$0x810 ss:$0x81] =	vst.msk $0xffff, v5  }
0xf: {  	v63 =	vld [tilespmem:s15+$0xFFFFFFC0];
	[tilespmem:s13+$0x1020 ss:$0x81] =	vst.msk $0xffff, v58  }
0x10: {  	[tilespmem:s13+$0x1830 ss:$0x81] =	vst.msk $0xffff, v59  }
0x11: {  	[tilespmem:s13+$0x2040 ss:$0x81] =	vst.msk $0xffff, v60  }
0x12: {  	[tilespmem:s13+$0x2850 ss:$0x81] =	vst.msk $0xffff, v61  }
0x13: {  	s11 =	sshll.u32 s11, $0xB;
	[tilespmem:s13+$0x3060 ss:$0x81] =	vst.msk $0xffff, v62  }
0x14: {  	s11 =	sadd.s32 s4, s11;
	[tilespmem:s13+$0x0 ss:$0x81] =	vst.msk $0xffff, v63  }
0x15: {  	[hbm4b:s11+s8] =	stream.linear.scatter [tilespmem:s12], [sflag:$0x2], $0x4000, $0x20;
	[tilespmem:$0x10100] =	vst v63  }
.LBB1_5:
0x16: {  	s13 =	sadd.s32 $0x20, s9  }
0x17: {  	p2 =	sgt.s32 s13, $0x4E1  }
0x18: {  	s13 =	smov.u32 @p2 s3;
	p2 =	sne.s32 s10, s7  }
.Ltmp1:
0x19: {  	p1 =	slt.u32 s10, $0x2;
	(pc) =	sbr.rel @!p2 .LBB1_6-.Ltmp1, $4  }
0x1a: {  	s12 =	simm.s32 @!p1 $0x2  }
0x1b: {  	s14 =	sadd.s32 $0x1, s10;
	_ =	swait.ge @!p1 [sflag:s12], $0x4000  }
0x1c: {  	s11 =	smov.u32 s9;
	p0 =	por !p0, !p0;
	[sflag:s12] =	ssyncset.done @!p1 $0x0  }
0x1d: {  	s10 =	smov.u32 s14;
	s9 =	smov.u32 s13;
	[sflag:s12] =	ssyncadd.s32 @!p1 $0xFFFFC000  }
.LBB1_1:
0x1e: {  	p1 =	sge.u32 s10, s6  }
0x1f: {  	s12 =	sxor.u32 @!p1 $0xFFFFFFFF, s10  }
0x20: {  	s31 =	sadd.s32 $0xFFFFFFFF, s10;
	s13 =	sshll.u32 @!p1 s9, $0xB;
	s12 =	sshll.u32 @!p1 s12, $0xE  }
0x21: {  	s14 =	simm.s32 @!p1 $0x0;
	s13 =	sadd.s32 @!p1 s2, s13;
	s12 =	sand.u32 @!p1 $0x4000, s12  }
0x22: {  	[tilespmem:s12], [sflag:$0x1] =	stream.linear.gather @!p1 [hbm4b:s13+s14], $0x4000, $0x38;
	[tilespmem:$0x10100] =	vst v63  }
0x23: {  	p1 =	sge.u32 s31, s6  }
.Ltmp2:
0x24: {  	_ = 	snop;
	(pc) =	sbr.rel @p1 .LBB1_5-.Ltmp2, $1  }
0x25: {  	_ =	sdelay $0x3  }
0x26: {  	s12 =	simm.s32 $0x1  }
0x27: {  	_ =	swait.ge [sflag:s5], $0x4000;
	s12 =	simm.s32 @!p0 $0x0  }
0x28: {  	[sflag:s5] =	ssyncset.done $0x0;
	s13 =	sshll.u32 s12, $0xE  }
0x29: {  	[sflag:s5] =	ssyncadd.s32 $0xFFFFC000;
	s15 =	sor.u32 $0x40, s13  }
0x2a: {  	s12 =	smul.u32 $0x10200, s12;
	v0 =	vld [tilespmem:s15+$0x30]  }
0x2b: {  	v3 =	vld [tilespmem:s15+$0xFFFFFFD0]  }
0x2c: {  	s12 =	sshrl.u32 s12, $0x2;
	v4 =	vld [tilespmem:s15+$0xFFFFFFE0]  }
0x2d: {  	v5 =	vld [tilespmem:s15+$0xFFFFFFF0];
	s13 =	sor.u32 $0x8000, s12  }
0x2e: {  	s31 =	sand.u32 $0x1, s10;
	v1 =	vld [tilespmem:s15+$0x0];
	s14 =	sadd.s32 $0x0, s13  }
0x2f: {  	v2 =	vld [tilespmem:s15+$0x10];
	s12 =	smul.u32 $0x10200, s31;
	[tilespmem:s14+$0x3870 ss:$0x81] =	vst.msk $0xffff, v0  }
0x30: {  	[tilespmem:s14+$0x810 ss:$0x81] =	vst.msk $0xffff, v3;
	v3 =	vld [tilespmem:s15+$0x20]  }
0x31: {  	s12 =	sshrl.u32 s12, $0x2;
	v0 =	vld [tilespmem:s15+$0xFFFFFFC0];
	[tilespmem:s14+$0x1020 ss:$0x81] =	vst.msk $0xffff, v4;
	s15 =	sadd.s32 $0x80, s15  }
0x32: {  	s16 =	simm.s32 $0x4;
	s17 =	simm.s32 $0x8;
	s12 =	sor.u32 $0x8000, s12;
	[tilespmem:s14+$0x1830 ss:$0x81] =	vst.msk $0xffff, v5;
	v4 =	vld [tilespmem:s15+$0x30]  }
.LBB1_3:
0x33: {  	p1 =	sne.s32 s17, $0x1FC;
	v5 =	vld [tilespmem:s15+$0xFFFFFFD0];
	[tilespmem:s14+$0x2040 ss:$0x81] =	vst.msk $0xffff, v1  }
0x34: {  	v6 =	vld [tilespmem:s15+$0xFFFFFFE0];
	[tilespmem:s14+$0x2850 ss:$0x81] =	vst.msk $0xffff, v2  }
0x35: {  	s18 =	sshra.s32 s16, $0x2;
	s16 =	smov.u32 s17;
	v7 =	vld [tilespmem:s15+$0xFFFFFFF0];
	[tilespmem:s14+$0x3060 ss:$0x81] =	vst.msk $0xffff, v3  }
.Ltmp3:
0x36: {  	v1 =	vld [tilespmem:s15+$0x0];
	[tilespmem:s14+$0x0 ss:$0x81] =	vst.msk $0xffff, v0;
	s14 =	sadd.s32 s18, s13;
	(pc) =	sbr.rel @p1 .LBB1_3-.Ltmp3, $4  }
0x37: {  	v2 =	vld [tilespmem:s15+$0x10];
	[tilespmem:s14+$0x3870 ss:$0x81] =	vst.msk $0xffff, v4  }
0x38: {  	[tilespmem:s14+$0x810 ss:$0x81] =	vst.msk $0xffff, v5;
	v3 =	vld [tilespmem:s15+$0x20]  }
0x39: {  	v0 =	vld [tilespmem:s15+$0xFFFFFFC0];
	[tilespmem:s14+$0x1020 ss:$0x81] =	vst.msk $0xffff, v6;
	s15 =	sadd.s32 $0x80, s15  }
0x3a: {  	s17 =	sadd.s32 $0x4, s17;
	v4 =	vld [tilespmem:s15+$0x30];
	[tilespmem:s14+$0x1830 ss:$0x81] =	vst.msk $0xffff, v7  }
.Ltmp4:
0x3b: {  	_ = 	snop;
	(pc) =	sbr.rel .LBB1_4-.Ltmp4, $1  }
0x3c: {  	_ =	sdelay $0x3  }
.LBB1_6:
0x3d: {  	_ =	sfence.sel $0x180000  }
0x3e: {  	s2 =	simm.s32 $0x1;
	[bflag:$0x0] =	sbarrier.arrive $0xFFFF  }
0x3f: {  	s31 =	simm.s32 $0x2;
	[sflag:s2] =	ssyncpa.u1 $0x1  }
0x40: {  	[sflag:s31] =	ssyncpa.u1 $0x1  }
0x41: {  	p0 =	sne.s32 s1, $0x0;
	_ =	strace $0x9000004D  }
0x42: {  	s0 =	sadd.s32 @!p0 $0x100000, s0;
	[bflag:$0x2] =	sbarrier.arrive $0xFFFF  }
0x43: {  	[sflag:s0] =	ssyncadd.tile.s32 @!p0 $0x1;
	_ =	shalt  }
.Lfunc_end1:
_tile_overlayer_lowered:
.L_overlay_start_2:
0x44: {  	(tag) =	ssettag $0x2  }
0x45: {  	s0 =	rddreg [dreg:$0x0];
	s2 =	stileid.u32  }
0x46: {  	s1 =	rddreg [dreg:$0x1];
	p0 =	sne.s32 s2, $0x0  }
0x47: {  	s3 =	rddreg [dreg:$0x2];
	[bflag:$0x3] =	sbarrier.arrive $0xFFFF;
	s2 =	simm.s32 @!p0 $0x1C01  }
0x48: {  	[timem:s3], [sflag:s2] =	dma.local @!p0 [hbm:s0], s1  }
0x49: {  	s0 =	simm.s32 @!p0 $0x1  }
0x4a: {  	_ =	swait.ge @!p0 [sflag:s0], s1  }
0x4b: {  	s1 =	ssub.s32 @!p0 $0x0, s1;
	[sflag:s0] =	ssyncset.done @!p0 $0x0  }
0x4c: {  	[sflag:s0] =	ssyncadd.s32 @!p0 s1  }
0x4d: {  	[bflag:$0x3] =	sbarrier.arrive $0xFFFF  }
0x4e: {  	_ =	shalt  }

// kernel: sparse-core-data-format-call.2.cloned.1.call-start
scs
called_computation.2_lowered:
.L_overlay_start_0:
0x0: {  	s1 =	sld [smem:$0x3FD9]  }
0x1: {  	s2 =	sld [smem:$0x3FFE];
	_ =	sdelay $0x1  }
0x2: {  	s3 =	srdreg.scid  }
0x3: {  	s0 =	sand.u32 $0x1, s3  }
0x4: {  	s17 =	sshll.u32 s0, $0xA;
	s1 =	sadd.s32 s2, s1  }
0x5: {  	s1 =	sadd.s32 s1, s17  }
0x6: {  	[smem:$0x3FC1] =	sst s1  }
0x7: {  	_ = 	snop  }
0x8: {  	(tm) =	ssettm $0x1  }
0x9: {  	s18 =	sld [smem:$0x3FFB];
	_ =	sdelay $0x3  }
0xa: {  	_ =	strace s18  }
0xb: {  	s1 =	sld [smem:$0x3FFC];
	_ =	sdelay $0x3  }
0xc: {  	_ =	strace s1  }
0xd: {  	s1 =	sld [smem:$0x3FFD];
	_ =	sdelay $0x3  }
0xe: {  	_ =	strace s1  }
0xf: {  	_ =	strace $0x8FFFFFFF  }
0x10: {  	s19 =	sld [smem:$0x3FDB];
	_ =	sdelay $0x1  }
0x11: {  	s20 =	simm.s32 $_scs_section_size  }
0x12: {  	s4 =	simm.s32 $_size__tile_overlayer_lowered;
	s5 =	simm.s32 $_tile_overlayer_lowered  }
0x13: {  	s23 =	simm.s32 $0x1BFF;
	s22 =	sshll.u32 s5, $0x1;
	s1 =	sadd.s32 s20, s19  }
0x14: {  	s6 =	simm.s32 $0x0;
	s21 =	sshll.u32 s4, $0x1;
	s4 =	sadd.s32 s22, s1  }
0x15: {  	[timem:s6], [sflag:s23] =	dma.local [hbm:s4], s21  }
0x16: {  	_ =	swait.ge [sflag:s23], s21  }
0x17: {  	s2 =	ssub.s32 $0x0, s21;
	[sflag:s23] =	ssyncset.done $0x0  }
0x18: {  	[sflag:s23] =	ssyncadd.s32 s2;
	_ =	sdelay $0x1  }
0x19: {  	s24 =	simm.s32 $0x1B8B  }
0x1a: {  	_ =	swait.ge [sflag:s24], $0x1  }
0x1b: {  	[sflag:s24] =	ssyncset.done $0x0  }
0x1c: {  	s26 =	simm.s32 $0x1B8E;
	s25 =	sld [smem:$0x3FFE];
	[sflag:s24] =	ssyncadd.s32 $0xFFFFFFFF  }
0x1d: {  	s27 =	simm.s32 $execute0_lowered;
	[smem:$0x3FD2] =	sst s26  }
0x1e: {  	s4 =	sshll.u32 s27, $0x1;
	_ =	strace $0x80000049;
	[dreg:$0x1] =	wrdreg $0xFFFFFFFF  }
0x1f: {  	s28 =	simm.s32 $_size_execute0_lowered;
	s1 =	sadd.s32 s1, s4;
	[dreg:$0x0] =	wrdreg $0x0  }
0x20: {  	s4 =	sshll.u32 s28, $0x1;
	[dreg:$0x2] =	wrdreg s1  }
0x21: {  	[dreg:$0x3] =	wrdreg s4  }
0x22: {  	[dreg:$0x4] =	wrdreg $0xC0  }
0x23: {  	_ =	task [dreg:s6], $0x5FFFF  }
0x24: {  	[dreg:$0x1] =	wrdreg $0xFFFFFFFF  }
0x25: {  	[dreg:$0x0] =	wrdreg $0x60  }
0x26: {  	[dreg:$0x2] =	wrdreg s25  }
0x27: {  	[dreg:$0x3] =	wrdreg $0xA  }
0x28: {  	_ =	task.clear_ibuf [dreg:s6], $0x4FFFF;
	_ =	strace $0x90000049  }
0x29: {  	s29 =	simm.s32 $0xA;
	_ =	strace $0x8000004B  }
0x2a: {  	_ =	swait.ge [sflag:s29], $0x1  }
0x2b: {  	[sflag:s29] =	ssyncadd.s32 $0xFFFFFFFF  }
0x2c: {  	_ =	strace $0x9000004B  }
0x2d: {  	_ =	sfence  }
0x2e: {  	s30 =	sld [smem:$0x0];
	_ =	sdelay $0x2  }
0x2f: {  	s31 =	sshll.u32 s3, $0xD;
	s3 =	sshrl.u32 s3, $0x2  }
0x30: {  	s2 =	sand.u32 $0x4000, s31;
	s1 =	sadd.s32 s3, s30  }
0x31: {  	s0 =	sor.u32 s2, s0;
	s1 =	sshll.u32 s1, $0x11  }
0x32: {  	s0 =	sor.u32 s1, s0  }
0x33: {  	s0 =	sadd.s32 $0x8F2B, s0  }
0x34: {  	[sflag:s0] =	ssyncadd.remote.s32 $0x1  }
0x35: {  	_ =	sfence.sel $0xFFFF  }
0x36: {  	[dreg:$0x0] =	wrdreg $0xFFFFFFFF;
	(pc) =	sbr.abs _section_cstart, $3  }
0x37: {  	[dreg:$0x1] =	wrdreg $0xFFFFFFFF  }
0x38: {  	_ =	task.clear_ibuf [dreg:s6], $0x2FFFF;
	_ =	strace $0x9FFFFFFF  }
0x39: {  	(tm) =	ssettm $0x7FFFFFFF  }
tec
execute0_lowered:
.L_overlay_start_1:
0x0: {  	(tag) =	ssettag $0x1  }
0x1: {  	s0 =	srdreg.scid;
	s4 =	rddreg [dreg:$0x0]  }
0x2: {  	s1 =	stileid.u32;
	s5 =	simm.s32 $0x1;
	s7 =	simm.s32 $0x2  }
0x3: {  	s8 =	simm.s32 $0x0;
	p0 =	por $0x0, $0x0;
	s2 =	sshll.u32 s0, $0x4  }
.Ltmp0:
0x4: {  	s11 =	simm.s32 $0x0;
	s3 =	sand.u32 $0x10, s2;
	(pc) =	sbr.rel .LBB1_1-.Ltmp0, $4  }
0x5: {  	s10 =	simm.s32 $0x0;
	s0 =	rddreg [dreg:$0x1];
	s3 =	sor.u32 s1, s3  }
0x6: {  	_ =	strace $0x8000004A;
	s2 =	sadd.s32 $0xCC00, s4;
	s6 =	ssub.s32 $0x501, s3  }
0x7: {  	s4 =	sadd.s32 $0x4EEC00, s4;
	[sflag:s5] =	ssyncpa.u1 $0x0;
	s6 =	sshrl.u32 s6, $0x5  }
0x8: {  	[sflag:s7] =	ssyncpa.u1 $0x0;
	s9 =	smov.u32 s3;
	s7 =	sadd.s32 $0x1, s6  }
.LBB1_4:
0x9: {  	v5 =	vld [tilespmem:s15+$0xFFFFFFD0];
	[tilespmem:s14+$0x2040 ss:$0x81] =	vst.msk $0xffff, v1  }
0xa: {  	v58 =	vld [tilespmem:s15+$0xFFFFFFE0];
	[tilespmem:s14+$0x2850 ss:$0x81] =	vst.msk $0xffff, v2  }
0xb: {  	s16 =	sshra.s32 s16, $0x2;
	v59 =	vld [tilespmem:s15+$0xFFFFFFF0];
	[tilespmem:s14+$0x3060 ss:$0x81] =	vst.msk $0xffff, v3  }
0xc: {  	v60 =	vld [tilespmem:s15+$0x0];
	[tilespmem:s14+$0x0 ss:$0x81] =	vst.msk $0xffff, v0;
	s13 =	sadd.s32 s16, s13  }
0xd: {  	v61 =	vld [tilespmem:s15+$0x10];
	[tilespmem:s13+$0x3870 ss:$0x81] =	vst.msk $0xffff, v4  }
0xe: {  	v62 =	vld [tilespmem:s15+$0x20];
	[tilespmem:s13+$0x810 ss:$0x81] =	vst.msk $0xffff, v5  }
0xf: {  	v63 =	vld [tilespmem:s15+$0xFFFFFFC0];
	[tilespmem:s13+$0x1020 ss:$0x81] =	vst.msk $0xffff, v58  }
0x10: {  	[tilespmem:s13+$0x1830 ss:$0x81] =	vst.msk $0xffff, v59  }
0x11: {  	[tilespmem:s13+$0x2040 ss:$0x81] =	vst.msk $0xffff, v60  }
0x12: {  	[tilespmem:s13+$0x2850 ss:$0x81] =	vst.msk $0xffff, v61  }
0x13: {  	s11 =	sshll.u32 s11, $0xB;
	[tilespmem:s13+$0x3060 ss:$0x81] =	vst.msk $0xffff, v62  }
0x14: {  	s11 =	sadd.s32 s4, s11;
	[tilespmem:s13+$0x0 ss:$0x81] =	vst.msk $0xffff, v63  }
0x15: {  	[hbm4b:s11+s8] =	stream.linear.scatter [tilespmem:s12], [sflag:$0x2], $0x4000, $0x20;
	[tilespmem:$0x10100] =	vst v63  }
.LBB1_5:
0x16: {  	s13 =	sadd.s32 $0x20, s9  }
0x17: {  	p2 =	sgt.s32 s13, $0x4E1  }
0x18: {  	s13 =	smov.u32 @p2 s3;
	p2 =	sne.s32 s10, s7  }
.Ltmp1:
0x19: {  	p1 =	slt.u32 s10, $0x2;
	(pc) =	sbr.rel @!p2 .LBB1_6-.Ltmp1, $4  }
0x1a: {  	s12 =	simm.s32 @!p1 $0x2  }
0x1b: {  	s14 =	sadd.s32 $0x1, s10;
	_ =	swait.ge @!p1 [sflag:s12], $0x4000  }
0x1c: {  	s11 =	smov.u32 s9;
	p0 =	por !p0, !p0;
	[sflag:s12] =	ssyncset.done @!p1 $0x0  }
0x1d: {  	s10 =	smov.u32 s14;
	s9 =	smov.u32 s13;
	[sflag:s12] =	ssyncadd.s32 @!p1 $0xFFFFC000  }
.LBB1_1:
0x1e: {  	p1 =	sge.u32 s10, s6  }
0x1f: {  	s12 =	sxor.u32 @!p1 $0xFFFFFFFF, s10  }
0x20: {  	s31 =	sadd.s32 $0xFFFFFFFF, s10;
	s13 =	sshll.u32 @!p1 s9, $0xB;
	s12 =	sshll.u32 @!p1 s12, $0xE  }
0x21: {  	s14 =	simm.s32 @!p1 $0x0;
	s13 =	sadd.s32 @!p1 s2, s13;
	s12 =	sand.u32 @!p1 $0x4000, s12  }
0x22: {  	[tilespmem:s12], [sflag:$0x1] =	stream.linear.gather @!p1 [hbm4b:s13+s14], $0x4000, $0x38;
	[tilespmem:$0x10100] =	vst v63  }
0x23: {  	p1 =	sge.u32 s31, s6  }
.Ltmp2:
0x24: {  	_ = 	snop;
	(pc) =	sbr.rel @p1 .LBB1_5-.Ltmp2, $1  }
0x25: {  	_ =	sdelay $0x3  }
0x26: {  	s12 =	simm.s32 $0x1  }
0x27: {  	_ =	swait.ge [sflag:s5], $0x4000;
	s12 =	simm.s32 @!p0 $0x0  }
0x28: {  	[sflag:s5] =	ssyncset.done $0x0;
	s13 =	sshll.u32 s12, $0xE  }
0x29: {  	[sflag:s5] =	ssyncadd.s32 $0xFFFFC000;
	s15 =	sor.u32 $0x40, s13  }
0x2a: {  	s12 =	smul.u32 $0x10200, s12;
	v0 =	vld [tilespmem:s15+$0x30]  }
0x2b: {  	v3 =	vld [tilespmem:s15+$0xFFFFFFD0]  }
0x2c: {  	s12 =	sshrl.u32 s12, $0x2;
	v4 =	vld [tilespmem:s15+$0xFFFFFFE0]  }
0x2d: {  	v5 =	vld [tilespmem:s15+$0xFFFFFFF0];
	s13 =	sor.u32 $0x8000, s12  }
0x2e: {  	s31 =	sand.u32 $0x1, s10;
	v1 =	vld [tilespmem:s15+$0x0];
	s14 =	sadd.s32 $0x0, s13  }
0x2f: {  	v2 =	vld [tilespmem:s15+$0x10];
	s12 =	smul.u32 $0x10200, s31;
	[tilespmem:s14+$0x3870 ss:$0x81] =	vst.msk $0xffff, v0  }
0x30: {  	[tilespmem:s14+$0x810 ss:$0x81] =	vst.msk $0xffff, v3;
	v3 =	vld [tilespmem:s15+$0x20]  }
0x31: {  	s12 =	sshrl.u32 s12, $0x2;
	v0 =	vld [tilespmem:s15+$0xFFFFFFC0];
	[tilespmem:s14+$0x1020 ss:$0x81] =	vst.msk $0xffff, v4;
	s15 =	sadd.s32 $0x80, s15  }
0x32: {  	s16 =	simm.s32 $0x4;
	s17 =	simm.s32 $0x8;
	s12 =	sor.u32 $0x8000, s12;
	[tilespmem:s14+$0x1830 ss:$0x81] =	vst.msk $0xffff, v5;
	v4 =	vld [tilespmem:s15+$0x30]  }
.LBB1_3:
0x33: {  	p1 =	sne.s32 s17, $0x1FC;
	v5 =	vld [tilespmem:s15+$0xFFFFFFD0];
	[tilespmem:s14+$0x2040 ss:$0x81] =	vst.msk $0xffff, v1  }
0x34: {  	v6 =	vld [tilespmem:s15+$0xFFFFFFE0];
	[tilespmem:s14+$0x2850 ss:$0x81] =	vst.msk $0xffff, v2  }
0x35: {  	s18 =	sshra.s32 s16, $0x2;
	s16 =	smov.u32 s17;
	v7 =	vld [tilespmem:s15+$0xFFFFFFF0];
	[tilespmem:s14+$0x3060 ss:$0x81] =	vst.msk $0xffff, v3  }
.Ltmp3:
0x36: {  	v1 =	vld [tilespmem:s15+$0x0];
	[tilespmem:s14+$0x0 ss:$0x81] =	vst.msk $0xffff, v0;
	s14 =	sadd.s32 s18, s13;
	(pc) =	sbr.rel @p1 .LBB1_3-.Ltmp3, $4  }
0x37: {  	v2 =	vld [tilespmem:s15+$0x10];
	[tilespmem:s14+$0x3870 ss:$0x81] =	vst.msk $0xffff, v4  }
0x38: {  	[tilespmem:s14+$0x810 ss:$0x81] =	vst.msk $0xffff, v5;
	v3 =	vld [tilespmem:s15+$0x20]  }
0x39: {  	v0 =	vld [tilespmem:s15+$0xFFFFFFC0];
	[tilespmem:s14+$0x1020 ss:$0x81] =	vst.msk $0xffff, v6;
	s15 =	sadd.s32 $0x80, s15  }
0x3a: {  	s17 =	sadd.s32 $0x4, s17;
	v4 =	vld [tilespmem:s15+$0x30];
	[tilespmem:s14+$0x1830 ss:$0x81] =	vst.msk $0xffff, v7  }
.Ltmp4:
0x3b: {  	_ = 	snop;
	(pc) =	sbr.rel .LBB1_4-.Ltmp4, $1  }
0x3c: {  	_ =	sdelay $0x3  }
.LBB1_6:
0x3d: {  	_ =	sfence.sel $0x180000  }
0x3e: {  	s2 =	simm.s32 $0x1;
	[bflag:$0x0] =	sbarrier.arrive $0xFFFF  }
0x3f: {  	s31 =	simm.s32 $0x2;
	[sflag:s2] =	ssyncpa.u1 $0x1  }
0x40: {  	[sflag:s31] =	ssyncpa.u1 $0x1  }
0x41: {  	p0 =	sne.s32 s1, $0x0;
	_ =	strace $0x9000004A  }
0x42: {  	s0 =	sadd.s32 @!p0 $0x100000, s0;
	[bflag:$0x2] =	sbarrier.arrive $0xFFFF  }
0x43: {  	[sflag:s0] =	ssyncadd.tile.s32 @!p0 $0x1;
	_ =	shalt  }
.Lfunc_end1:
_tile_overlayer_lowered:
.L_overlay_start_2:
0x44: {  	(tag) =	ssettag $0x2  }
0x45: {  	s0 =	rddreg [dreg:$0x0];
	s2 =	stileid.u32  }
0x46: {  	s1 =	rddreg [dreg:$0x1];
	p0 =	sne.s32 s2, $0x0  }
0x47: {  	s3 =	rddreg [dreg:$0x2];
	[bflag:$0x3] =	sbarrier.arrive $0xFFFF;
	s2 =	simm.s32 @!p0 $0x1C01  }
0x48: {  	[timem:s3], [sflag:s2] =	dma.local @!p0 [hbm:s0], s1  }
0x49: {  	s0 =	simm.s32 @!p0 $0x1  }
0x4a: {  	_ =	swait.ge @!p0 [sflag:s0], s1  }
0x4b: {  	s1 =	ssub.s32 @!p0 $0x0, s1;
	[sflag:s0] =	ssyncset.done @!p0 $0x0  }
0x4c: {  	[sflag:s0] =	ssyncadd.s32 @!p0 s1  }
0x4d: {  	[bflag:$0x3] =	sbarrier.arrive $0xFFFF  }
0x4e: {  	_ =	shalt  }

// kernel: sparse-core-data-format-call.cloned.1.call-start
scs
called_computation_lowered:
.L_overlay_start_0:
0x0: {  	s1 =	sld [smem:$0x3FD9]  }
0x1: {  	s2 =	sld [smem:$0x3FFE];
	_ =	sdelay $0x1  }
0x2: {  	s3 =	srdreg.scid  }
0x3: {  	s0 =	sand.u32 $0x1, s3  }
0x4: {  	s17 =	sshll.u32 s0, $0xA;
	s1 =	sadd.s32 s2, s1  }
0x5: {  	s1 =	sadd.s32 s1, s17  }
0x6: {  	[smem:$0x3FC1] =	sst s1  }
0x7: {  	_ = 	snop  }
0x8: {  	(tm) =	ssettm $0x1  }
0x9: {  	s18 =	sld [smem:$0x3FFB];
	_ =	sdelay $0x3  }
0xa: {  	_ =	strace s18  }
0xb: {  	s1 =	sld [smem:$0x3FFC];
	_ =	sdelay $0x3  }
0xc: {  	_ =	strace s1  }
0xd: {  	s1 =	sld [smem:$0x3FFD];
	_ =	sdelay $0x3  }
0xe: {  	_ =	strace s1  }
0xf: {  	_ =	strace $0x8FFFFFFF  }
0x10: {  	s19 =	sld [smem:$0x3FDB];
	_ =	sdelay $0x1  }
0x11: {  	s20 =	simm.s32 $_scs_section_size  }
0x12: {  	s4 =	simm.s32 $_size__tile_overlayer_lowered;
	s5 =	simm.s32 $_tile_overlayer_lowered  }
0x13: {  	s23 =	simm.s32 $0x1BFF;
	s22 =	sshll.u32 s5, $0x1;
	s1 =	sadd.s32 s20, s19  }
0x14: {  	s6 =	simm.s32 $0x0;
	s21 =	sshll.u32 s4, $0x1;
	s4 =	sadd.s32 s22, s1  }
0x15: {  	[timem:s6], [sflag:s23] =	dma.local [hbm:s4], s21  }
0x16: {  	_ =	swait.ge [sflag:s23], s21  }
0x17: {  	s2 =	ssub.s32 $0x0, s21;
	[sflag:s23] =	ssyncset.done $0x0  }
0x18: {  	[sflag:s23] =	ssyncadd.s32 s2;
	_ =	sdelay $0x1  }
0x19: {  	s24 =	simm.s32 $0x1B8B  }
0x1a: {  	_ =	swait.ge [sflag:s24], $0x1  }
0x1b: {  	[sflag:s24] =	ssyncset.done $0x0  }
0x1c: {  	s26 =	simm.s32 $0x1B8E;
	s25 =	sld [smem:$0x3FFE];
	[sflag:s24] =	ssyncadd.s32 $0xFFFFFFFF  }
0x1d: {  	s27 =	simm.s32 $execute0_lowered;
	[smem:$0x3FD2] =	sst s26  }
0x1e: {  	s4 =	sshll.u32 s27, $0x1;
	_ =	strace $0x8000004F;
	[dreg:$0x1] =	wrdreg $0xFFFFFFFF  }
0x1f: {  	s28 =	simm.s32 $_size_execute0_lowered;
	s1 =	sadd.s32 s1, s4;
	[dreg:$0x0] =	wrdreg $0x0  }
0x20: {  	s4 =	sshll.u32 s28, $0x1;
	[dreg:$0x2] =	wrdreg s1  }
0x21: {  	[dreg:$0x3] =	wrdreg s4  }
0x22: {  	[dreg:$0x4] =	wrdreg $0xC0  }
0x23: {  	_ =	task [dreg:s6], $0x5FFFF  }
0x24: {  	[dreg:$0x1] =	wrdreg $0xFFFFFFFF  }
0x25: {  	[dreg:$0x0] =	wrdreg $0x60  }
0x26: {  	[dreg:$0x2] =	wrdreg s25  }
0x27: {  	[dreg:$0x3] =	wrdreg $0x9  }
0x28: {  	_ =	task.clear_ibuf [dreg:s6], $0x4FFFF;
	_ =	strace $0x9000004F  }
0x29: {  	s29 =	simm.s32 $0x9;
	_ =	strace $0x80000051  }
0x2a: {  	_ =	swait.ge [sflag:s29], $0x1  }
0x2b: {  	[sflag:s29] =	ssyncadd.s32 $0xFFFFFFFF  }
0x2c: {  	_ =	strace $0x90000051  }
0x2d: {  	_ =	sfence  }
0x2e: {  	s30 =	sld [smem:$0x0];
	_ =	sdelay $0x2  }
0x2f: {  	s31 =	sshll.u32 s3, $0xD;
	s3 =	sshrl.u32 s3, $0x2  }
0x30: {  	s2 =	sand.u32 $0x4000, s31;
	s1 =	sadd.s32 s3, s30  }
0x31: {  	s0 =	sor.u32 s2, s0;
	s1 =	sshll.u32 s1, $0x11  }
0x32: {  	s0 =	sor.u32 s1, s0  }
0x33: {  	s0 =	sadd.s32 $0x8F2B, s0  }
0x34: {  	[sflag:s0] =	ssyncadd.remote.s32 $0x1  }
0x35: {  	_ =	sfence.sel $0xFFFF  }
0x36: {  	[dreg:$0x0] =	wrdreg $0xFFFFFFFF;
	(pc) =	sbr.abs _section_cstart, $3  }
0x37: {  	[dreg:$0x1] =	wrdreg $0xFFFFFFFF  }
0x38: {  	_ =	task.clear_ibuf [dreg:s6], $0x2FFFF;
	_ =	strace $0x9FFFFFFF  }
0x39: {  	(tm) =	ssettm $0x7FFFFFFF  }
tec
execute0_lowered:
.L_overlay_start_1:
0x0: {  	(tag) =	ssettag $0x1  }
0x1: {  	s0 =	srdreg.scid;
	s4 =	rddreg [dreg:$0x0]  }
0x2: {  	s1 =	stileid.u32;
	s5 =	simm.s32 $0x1;
	s7 =	simm.s32 $0x2  }
0x3: {  	s8 =	simm.s32 $0x0;
	p0 =	por $0x0, $0x0;
	s2 =	sshll.u32 s0, $0x4  }
.Ltmp0:
0x4: {  	s11 =	simm.s32 $0x0;
	s3 =	sand.u32 $0x10, s2;
	(pc) =	sbr.rel .LBB1_1-.Ltmp0, $4  }
0x5: {  	s10 =	simm.s32 $0x0;
	s0 =	rddreg [dreg:$0x1];
	s3 =	sor.u32 s1, s3  }
0x6: {  	_ =	strace $0x80000050;
	s2 =	sadd.s32 $0xCC00, s4;
	s6 =	ssub.s32 $0x501, s3  }
0x7: {  	s4 =	sadd.s32 $0x282C00, s4;
	[sflag:s5] =	ssyncpa.u1 $0x0;
	s6 =	sshrl.u32 s6, $0x5  }
0x8: {  	[sflag:s7] =	ssyncpa.u1 $0x0;
	s9 =	smov.u32 s3;
	s7 =	sadd.s32 $0x1, s6  }
.LBB1_4:
0x9: {  	v5 =	vld [tilespmem:s15+$0xFFFFFFD0];
	[tilespmem:s14+$0x2040 ss:$0x81] =	vst.msk $0xffff, v1  }
0xa: {  	v58 =	vld [tilespmem:s15+$0xFFFFFFE0];
	[tilespmem:s14+$0x2850 ss:$0x81] =	vst.msk $0xffff, v2  }
0xb: {  	s16 =	sshra.s32 s16, $0x2;
	v59 =	vld [tilespmem:s15+$0xFFFFFFF0];
	[tilespmem:s14+$0x3060 ss:$0x81] =	vst.msk $0xffff, v3  }
0xc: {  	v60 =	vld [tilespmem:s15+$0x0];
	[tilespmem:s14+$0x0 ss:$0x81] =	vst.msk $0xffff, v0;
	s13 =	sadd.s32 s16, s13  }
0xd: {  	v61 =	vld [tilespmem:s15+$0x10];
	[tilespmem:s13+$0x3870 ss:$0x81] =	vst.msk $0xffff, v4  }
0xe: {  	v62 =	vld [tilespmem:s15+$0x20];
	[tilespmem:s13+$0x810 ss:$0x81] =	vst.msk $0xffff, v5  }
0xf: {  	v63 =	vld [tilespmem:s15+$0xFFFFFFC0];
	[tilespmem:s13+$0x1020 ss:$0x81] =	vst.msk $0xffff, v58  }
0x10: {  	[tilespmem:s13+$0x1830 ss:$0x81] =	vst.msk $0xffff, v59  }
0x11: {  	[tilespmem:s13+$0x2040 ss:$0x81] =	vst.msk $0xffff, v60  }
0x12: {  	[tilespmem:s13+$0x2850 ss:$0x81] =	vst.msk $0xffff, v61  }
0x13: {  	s11 =	sshll.u32 s11, $0xB;
	[tilespmem:s13+$0x3060 ss:$0x81] =	vst.msk $0xffff, v62  }
0x14: {  	s11 =	sadd.s32 s4, s11;
	[tilespmem:s13+$0x0 ss:$0x81] =	vst.msk $0xffff, v63  }
0x15: {  	[hbm4b:s11+s8] =	stream.linear.scatter [tilespmem:s12], [sflag:$0x2], $0x4000, $0x20;
	[tilespmem:$0x10100] =	vst v63  }
.LBB1_5:
0x16: {  	s13 =	sadd.s32 $0x20, s9  }
0x17: {  	p2 =	sgt.s32 s13, $0x4E1  }
0x18: {  	s13 =	smov.u32 @p2 s3;
	p2 =	sne.s32 s10, s7  }
.Ltmp1:
0x19: {  	p1 =	slt.u32 s10, $0x2;
	(pc) =	sbr.rel @!p2 .LBB1_6-.Ltmp1, $4  }
0x1a: {  	s12 =	simm.s32 @!p1 $0x2  }
0x1b: {  	s14 =	sadd.s32 $0x1, s10;
	_ =	swait.ge @!p1 [sflag:s12], $0x4000  }
0x1c: {  	s11 =	smov.u32 s9;
	p0 =	por !p0, !p0;
	[sflag:s12] =	ssyncset.done @!p1 $0x0  }
0x1d: {  	s10 =	smov.u32 s14;
	s9 =	smov.u32 s13;
	[sflag:s12] =	ssyncadd.s32 @!p1 $0xFFFFC000  }
.LBB1_1:
0x1e: {  	p1 =	sge.u32 s10, s6  }
0x1f: {  	s12 =	sxor.u32 @!p1 $0xFFFFFFFF, s10  }
0x20: {  	s31 =	sadd.s32 $0xFFFFFFFF, s10;
	s13 =	sshll.u32 @!p1 s9, $0xB;
	s12 =	sshll.u32 @!p1 s12, $0xE  }
0x21: {  	s14 =	simm.s32 @!p1 $0x0;
	s13 =	sadd.s32 @!p1 s2, s13;
	s12 =	sand.u32 @!p1 $0x4000, s12  }
0x22: {  	[tilespmem:s12], [sflag:$0x1] =	stream.linear.gather @!p1 [hbm4b:s13+s14], $0x4000, $0x38;
	[tilespmem:$0x10100] =	vst v63  }
0x23: {  	p1 =	sge.u32 s31, s6  }
.Ltmp2:
0x24: {  	_ = 	snop;
	(pc) =	sbr.rel @p1 .LBB1_5-.Ltmp2, $1  }
0x25: {  	_ =	sdelay $0x3  }
0x26: {  	s12 =	simm.s32 $0x1  }
0x27: {  	_ =	swait.ge [sflag:s5], $0x4000;
	s12 =	simm.s32 @!p0 $0x0  }
0x28: {  	[sflag:s5] =	ssyncset.done $0x0;
	s13 =	sshll.u32 s12, $0xE  }
0x29: {  	[sflag:s5] =	ssyncadd.s32 $0xFFFFC000;
	s15 =	sor.u32 $0x40, s13  }
0x2a: {  	s12 =	smul.u32 $0x10200, s12;
	v0 =	vld [tilespmem:s15+$0x30]  }
0x2b: {  	v3 =	vld [tilespmem:s15+$0xFFFFFFD0]  }
0x2c: {  	s12 =	sshrl.u32 s12, $0x2;
	v4 =	vld [tilespmem:s15+$0xFFFFFFE0]  }
0x2d: {  	v5 =	vld [tilespmem:s15+$0xFFFFFFF0];
	s13 =	sor.u32 $0x8000, s12  }
0x2e: {  	s31 =	sand.u32 $0x1, s10;
	v1 =	vld [tilespmem:s15+$0x0];
	s14 =	sadd.s32 $0x0, s13  }
0x2f: {  	v2 =	vld [tilespmem:s15+$0x10];
	s12 =	smul.u32 $0x10200, s31;
	[tilespmem:s14+$0x3870 ss:$0x81] =	vst.msk $0xffff, v0  }
0x30: {  	[tilespmem:s14+$0x810 ss:$0x81] =	vst.msk $0xffff, v3;
	v3 =	vld [tilespmem:s15+$0x20]  }
0x31: {  	s12 =	sshrl.u32 s12, $0x2;
	v0 =	vld [tilespmem:s15+$0xFFFFFFC0];
	[tilespmem:s14+$0x1020 ss:$0x81] =	vst.msk $0xffff, v4;
	s15 =	sadd.s32 $0x80, s15  }
0x32: {  	s16 =	simm.s32 $0x4;
	s17 =	simm.s32 $0x8;
	s12 =	sor.u32 $0x8000, s12;
	[tilespmem:s14+$0x1830 ss:$0x81] =	vst.msk $0xffff, v5;
	v4 =	vld [tilespmem:s15+$0x30]  }
.LBB1_3:
0x33: {  	p1 =	sne.s32 s17, $0x1FC;
	v5 =	vld [tilespmem:s15+$0xFFFFFFD0];
	[tilespmem:s14+$0x2040 ss:$0x81] =	vst.msk $0xffff, v1  }
0x34: {  	v6 =	vld [tilespmem:s15+$0xFFFFFFE0];
	[tilespmem:s14+$0x2850 ss:$0x81] =	vst.msk $0xffff, v2  }
0x35: {  	s18 =	sshra.s32 s16, $0x2;
	s16 =	smov.u32 s17;
	v7 =	vld [tilespmem:s15+$0xFFFFFFF0];
	[tilespmem:s14+$0x3060 ss:$0x81] =	vst.msk $0xffff, v3  }
.Ltmp3:
0x36: {  	v1 =	vld [tilespmem:s15+$0x0];
	[tilespmem:s14+$0x0 ss:$0x81] =	vst.msk $0xffff, v0;
	s14 =	sadd.s32 s18, s13;
	(pc) =	sbr.rel @p1 .LBB1_3-.Ltmp3, $4  }
0x37: {  	v2 =	vld [tilespmem:s15+$0x10];
	[tilespmem:s14+$0x3870 ss:$0x81] =	vst.msk $0xffff, v4  }
0x38: {  	[tilespmem:s14+$0x810 ss:$0x81] =	vst.msk $0xffff, v5;
	v3 =	vld [tilespmem:s15+$0x20]  }
0x39: {  	v0 =	vld [tilespmem:s15+$0xFFFFFFC0];
	[tilespmem:s14+$0x1020 ss:$0x81] =	vst.msk $0xffff, v6;
	s15 =	sadd.s32 $0x80, s15  }
0x3a: {  	s17 =	sadd.s32 $0x4, s17;
	v4 =	vld [tilespmem:s15+$0x30];
	[tilespmem:s14+$0x1830 ss:$0x81] =	vst.msk $0xffff, v7  }
.Ltmp4:
0x3b: {  	_ = 	snop;
	(pc) =	sbr.rel .LBB1_4-.Ltmp4, $1  }
0x3c: {  	_ =	sdelay $0x3  }
.LBB1_6:
0x3d: {  	_ =	sfence.sel $0x180000  }
0x3e: {  	s2 =	simm.s32 $0x1;
	[bflag:$0x0] =	sbarrier.arrive $0xFFFF  }
0x3f: {  	s31 =	simm.s32 $0x2;
	[sflag:s2] =	ssyncpa.u1 $0x1  }
0x40: {  	[sflag:s31] =	ssyncpa.u1 $0x1  }
0x41: {  	p0 =	sne.s32 s1, $0x0;
	_ =	strace $0x90000050  }
0x42: {  	s0 =	sadd.s32 @!p0 $0x100000, s0;
	[bflag:$0x2] =	sbarrier.arrive $0xFFFF  }
0x43: {  	[sflag:s0] =	ssyncadd.tile.s32 @!p0 $0x1;
	_ =	shalt  }
.Lfunc_end1:
_tile_overlayer_lowered:
.L_overlay_start_2:
0x44: {  	(tag) =	ssettag $0x2  }
0x45: {  	s0 =	rddreg [dreg:$0x0];
	s2 =	stileid.u32  }
0x46: {  	s1 =	rddreg [dreg:$0x1];
	p0 =	sne.s32 s2, $0x0  }
0x47: {  	s3 =	rddreg [dreg:$0x2];
	[bflag:$0x3] =	sbarrier.arrive $0xFFFF;
	s2 =	simm.s32 @!p0 $0x1C01  }
0x48: {  	[timem:s3], [sflag:s2] =	dma.local @!p0 [hbm:s0], s1  }
0x49: {  	s0 =	simm.s32 @!p0 $0x1  }
0x4a: {  	_ =	swait.ge @!p0 [sflag:s0], s1  }
0x4b: {  	s1 =	ssub.s32 @!p0 $0x0, s1;
	[sflag:s0] =	ssyncset.done @!p0 $0x0  }
0x4c: {  	[sflag:s0] =	ssyncadd.s32 @!p0 s1  }
0x4d: {  	[bflag:$0x3] =	sbarrier.arrive $0xFFFF  }
0x4e: {  	_ =	shalt  }

</sc_bundles>
